<compile_context>
chip_gen: v7x
topology: tpu7x:2x2x1
jax: 0.10.2.dev20260603
libtpu: 0.0.44.dev20260713+nightly
codegen_flags: <defaults>
</compile_context>

<pallas_src>
import functools

import jax
import jax.numpy as jnp
from jax import lax
from jax.experimental import pallas as pl
from jax.experimental.pallas import tpu as pltpu
from jax.experimental.pallas import tpu_sc as plsc

V = 16384
D = 1024
H = 16
DH = 64
HALF = 32
E = 8
F = 512
FS = 1024
S = 2048
EPS = 1e-6
TOPK = 2
A = S * TOPK

BT = 256
NT = S // BT
BV = 2048
NV = V // BV
BM = 128
P = 5120
NB = P // BM

_F32 = jnp.float32
_BF16 = jnp.bfloat16


def _rtn(x):
    u = lax.bitcast_convert_type(x, jnp.uint32)
    r = jnp.right_shift(u, jnp.uint32(16)) & jnp.uint32(1)
    u = u + jnp.uint32(0x7FFF) + r
    u = u & jnp.uint32(0xFFFF0000)
    return lax.bitcast_convert_type(u, _F32).astype(_BF16)


def _recip(d):
    r = 1.0 / d
    return r + r * (1.0 - d * r)


def _sigmoid(x):
    return _recip(1.0 + jnp.exp(-x))


def _rmsnorm(x, w):
    var = jnp.mean(x * x, axis=-1, keepdims=True)
    v = var + EPS
    r = lax.rsqrt(v)
    r = r * (1.5 - 0.5 * v * r * r)
    r = r * (1.5 - 0.5 * v * r * r)
    return x * r * w


def _split(a):
    hi = a.astype(_BF16)
    lo = (a - hi.astype(_F32)).astype(_BF16)
    return hi, lo


def _sc_gather(table, idx):
    rows = idx.shape[0]
    d = table.shape[1]
    info = plsc.get_sparse_core_info()
    nw = info.num_cores * info.num_subcores
    b_per_w = rows // nw
    ch = b_per_w
    while ch > 64:
        ch //= 2
    nch = b_per_w // ch
    mesh = plsc.VectorSubcoreMesh(core_axis_name="c", subcore_axis_name="s")

    @functools.partial(
        pl.kernel,
        mesh=mesh,
        out_type=jax.ShapeDtypeStruct((rows, d), table.dtype),
        scratch_types=[
            pltpu.VMEM((ch,), jnp.int32),
            pltpu.VMEM((ch, d), table.dtype),
            pltpu.SemaphoreType.DMA,
        ],
    )
    def gather_kernel(table_hbm, idx_hbm, out_hbm, idx_v, rows_v, sem):
        wid = lax.axis_index("s") * info.num_cores + lax.axis_index("c")
        for c in range(nch):
            base = wid * b_per_w + c * ch
            pltpu.sync_copy(idx_hbm.at[pl.ds(base, ch)], idx_v)
            pltpu.async_copy(table_hbm.at[idx_v], rows_v, sem).wait()
            pltpu.sync_copy(rows_v, out_hbm.at[pl.ds(base, ch)])

    return gather_kernel(table, idx)


def _rope_concat(x, cos, sin):
    parts = []
    for h in range(H):
        x1 = x[:, h * DH:h * DH + HALF]
        x2 = x[:, h * DH + HALF:(h + 1) * DH]
        parts.append(x1 * cos - x2 * sin)
        parts.append(x1 * sin + x2 * cos)
    return jnp.concatenate(parts, axis=1)


def _qkv_body(hb_ref, cos_ref, sin_ref, wq_ref, wk_ref, wv_ref,
              q_ref, k_ref, v_ref):
    hb = hb_ref[...]
    cos = cos_ref[...]
    sin = sin_ref[...]
    q = jnp.dot(hb, wq_ref[...], preferred_element_type=_F32)
    k = jnp.dot(hb, wk_ref[...], preferred_element_type=_F32)
    v = jnp.dot(hb, wv_ref[...], preferred_element_type=_F32)
    q_ref[...] = _rtn(_rope_concat(q, cos, sin))
    k_ref[...] = _rtn(_rope_concat(k, cos, sin))
    v_ref[...] = _rtn(v)


def _qkv(hb, cos, sin, wq_b, wk_b, wv_b):
    row = pl.BlockSpec((BT, D), lambda i: (i, 0))
    full = pl.BlockSpec((D, D), lambda i: (0, 0))
    trig = pl.BlockSpec((BT, HALF), lambda i: (i, 0))
    out_bd = jax.ShapeDtypeStruct((S, D), _BF16)
    return pl.pallas_call(
        _qkv_body,
        grid=(NT,),
        in_specs=[row, trig, trig, full, full, full],
        out_specs=[row, row, row],
        out_shape=[out_bd, out_bd, out_bd],
    )(hb, cos, sin, wq_b, wk_b, wv_b)


def _attn_body(q_ref, k_ref, v_ref, o_ref):
    i = pl.program_id(0)
    row_ids = i * BT + lax.broadcasted_iota(jnp.int32, (BT, BT), 0)
    nt_dims = (((1,), (1,)), ((), ()))
    outs = []
    for h in range(H):
        qh = q_ref[:, h * DH:(h + 1) * DH]

        def score_chunk(kc):
            kh = k_ref[pl.ds(kc * BT, BT), h * DH:(h + 1) * DH]
            s = lax.dot_general(qh, kh, nt_dims,
                                preferred_element_type=_F32) * 0.125
            col_ids = kc * BT + lax.broadcasted_iota(jnp.int32, (BT, BT), 1)
            return jnp.where(row_ids >= col_ids, s, -1e9)

        def pass1(kc, carry):
            m, l = carry
            s = score_chunk(kc)
            m_new = jnp.maximum(m, jnp.max(s, axis=-1, keepdims=True))
            l_new = l * jnp.exp(m - m_new) + jnp.sum(jnp.exp(s - m_new),
                                                     axis=-1, keepdims=True)
            return m_new, l_new

        m0 = jnp.full((BT, 1), -1e30, _F32)
        l0 = jnp.zeros((BT, 1), _F32)
        m, l = lax.fori_loop(0, i + 1, pass1, (m0, l0))
        inv_l = _recip(l)

        def pass2(kc, acc):
            s = score_chunk(kc)
            p = _rtn(jnp.exp(s - m) * inv_l)
            vh = v_ref[pl.ds(kc * BT, BT), h * DH:(h + 1) * DH]
            return acc + jnp.dot(p, vh, preferred_element_type=_F32)

        a0 = jnp.zeros((BT, DH), _F32)
        acc = lax.fori_loop(0, i + 1, pass2, a0)
        outs.append(_rtn(acc))
    o_ref[...] = jnp.concatenate(outs, axis=1)


def _attention(q, k, v):
    row = pl.BlockSpec((BT, D), lambda i: (i, 0))
    fullf = pl.BlockSpec((S, D), lambda i: (0, 0))
    return pl.pallas_call(
        _attn_body,
        grid=(NT,),
        in_specs=[row, fullf, fullf],
        out_specs=row,
        out_shape=jax.ShapeDtypeStruct((S, D), _BF16),
    )(q, k, v)


def _oproj_body(x_ref, o_ref, wo_ref, xnew_ref):
    xnew_ref[...] = x_ref[...] + jnp.dot(o_ref[...], wo_ref[...],
                                         preferred_element_type=_F32)


def _oproj(x, o, wo_b):
    row = pl.BlockSpec((BT, D), lambda i: (i, 0))
    full = pl.BlockSpec((D, D), lambda i: (0, 0))
    return pl.pallas_call(
        _oproj_body,
        grid=(NT,),
        in_specs=[row, row, full],
        out_specs=row,
        out_shape=jax.ShapeDtypeStruct((S, D), _F32),
    )(x, o, wo_b)


def _route_plan(ti, gates):
    eid = ti.reshape(A)
    order = jnp.argsort(eid, stable=True)
    counts = jnp.bincount(eid, length=E)
    padded = ((counts + BM - 1) // BM) * BM
    astart = jnp.cumsum(padded) - padded
    start = jnp.cumsum(counts) - counts
    eid_s = eid[order]
    dpos_s = (astart[eid_s] + jnp.arange(A, dtype=jnp.int32)
              - start[eid_s]).astype(jnp.int32)
    tok_pad = jnp.zeros((P,), jnp.int32).at[dpos_s].set(
        (order // TOPK).astype(jnp.int32))
    gate_pad = jnp.zeros((P,), _F32).at[dpos_s].set(gates.reshape(A)[order])
    dest = jnp.zeros((A,), jnp.int32).at[order].set(dpos_s)
    block_e = jnp.searchsorted(
        jnp.cumsum(padded), jnp.arange(NB, dtype=jnp.int32) * BM,
        side="right").astype(jnp.int32)
    block_e = jnp.minimum(block_e, E - 1)
    return tok_pad, gate_pad, dest[0::2], dest[1::2], block_e


def _expert_up_body(be_ref, xs_ref, wi0_ref, wi1_ref, u0_ref, u1_ref):
    del be_ref
    xb = _rtn(xs_ref[...])
    u0_ref[...] = jnp.dot(xb, wi0_ref[0], preferred_element_type=_F32)
    u1_ref[...] = jnp.dot(xb, wi1_ref[0], preferred_element_type=_F32)


def _expert_up(xs, block_e, wi0_b, wi1_b):
    grid_spec = pltpu.PrefetchScalarGridSpec(
        num_scalar_prefetch=1,
        grid=(NB,),
        in_specs=[
            pl.BlockSpec((BM, D), lambda i, be: (i, 0)),
            pl.BlockSpec((1, D, F), lambda i, be: (be[i], 0, 0)),
            pl.BlockSpec((1, D, F), lambda i, be: (be[i], 0, 0)),
        ],
        out_specs=[pl.BlockSpec((BM, F), lambda i, be: (i, 0)),
                   pl.BlockSpec((BM, F), lambda i, be: (i, 0))],
    )
    return pl.pallas_call(
        _expert_up_body,
        grid_spec=grid_spec,
        out_shape=[jax.ShapeDtypeStruct((P, F), _F32),
                   jax.ShapeDtypeStruct((P, F), _F32)],
    )(block_e, xs, wi0_b, wi1_b)


def _expert_down_body(be_ref, a_ref, woe_ref, gate_ref, ys_ref):
    del be_ref
    eo = jnp.dot(a_ref[...], woe_ref[0], preferred_element_type=_F32)
    ys_ref[...] = eo * gate_ref[...]


def _expert_down(ab, gate_pad, block_e, woe_b):
    grid_spec = pltpu.PrefetchScalarGridSpec(
        num_scalar_prefetch=1,
        grid=(NB,),
        in_specs=[
            pl.BlockSpec((BM, F), lambda i, be: (i, 0)),
            pl.BlockSpec((1, F, D), lambda i, be: (be[i], 0, 0)),
            pl.BlockSpec((BM, 1), lambda i, be: (i, 0)),
        ],
        out_specs=pl.BlockSpec((BM, D), lambda i, be: (i, 0)),
    )
    return pl.pallas_call(
        _expert_down_body,
        grid_spec=grid_spec,
        out_shape=jax.ShapeDtypeStruct((P, D), _F32),
    )(block_e, ab, woe_b, gate_pad.reshape(P, 1))


def _shared_up_router_body(h_ref, sw0_ref, sw1_ref, rw_ref, rb_ref,
                           u0_ref, u1_ref, ti_ref, gate_ref):
    hb = h_ref[...]
    u0_ref[...] = jnp.dot(hb, sw0_ref[...], preferred_element_type=_F32)
    u1_ref[...] = jnp.dot(hb, sw1_ref[...], preferred_element_type=_F32)
    logits = jnp.dot(hb, rw_ref[...], preferred_element_type=_F32)
    scores = jax.nn.sigmoid(logits)
    sel = scores + rb_ref[...]
    cols = lax.broadcasted_iota(jnp.int32, (BT, E), 1)
    m1 = jnp.max(sel, axis=-1, keepdims=True)
    i1 = jnp.min(jnp.where(sel == m1, cols, E), axis=-1, keepdims=True)
    oh1 = cols == i1
    sel2 = jnp.where(oh1, -jnp.inf, sel)
    m2 = jnp.max(sel2, axis=-1, keepdims=True)
    i2 = jnp.min(jnp.where(sel2 == m2, cols, E), axis=-1, keepdims=True)
    oh2 = cols == i2
    g1 = jnp.sum(jnp.where(oh1, scores, 0.0), axis=-1, keepdims=True)
    g2 = jnp.sum(jnp.where(oh2, scores, 0.0), axis=-1, keepdims=True)
    denom = g1 + g2 + 1e-9
    ti_ref[...] = jnp.concatenate([i1, i2], axis=1)
    gate_ref[...] = jnp.concatenate([g1 / denom, g2 / denom], axis=1)


def _shared_up_router(h2b, sw0_b, sw1_b, rw_b, rb):
    row = pl.BlockSpec((BT, D), lambda i: (i, 0))
    w_in = pl.BlockSpec((D, FS), lambda i: (0, 0))
    rws = pl.BlockSpec((D, E), lambda i: (0, 0))
    rbs = pl.BlockSpec((1, E), lambda i: (0, 0))
    two = pl.BlockSpec((BT, TOPK), lambda i: (i, 0))
    rowf = pl.BlockSpec((BT, FS), lambda i: (i, 0))
    return pl.pallas_call(
        _shared_up_router_body,
        grid=(NT,),
        in_specs=[row, w_in, w_in, rws, rbs],
        out_specs=[rowf, rowf, two, two],
        out_shape=[jax.ShapeDtypeStruct((S, FS), _F32),
                   jax.ShapeDtypeStruct((S, FS), _F32),
                   jax.ShapeDtypeStruct((S, TOPK), jnp.int32),
                   jax.ShapeDtypeStruct((S, TOPK), _F32)],
    )(h2b, sw0_b, sw1_b, rw_b, rb.reshape(1, E))


def _shared_down_body(a_ref, swo_ref, out_ref):
    out_ref[...] = jnp.dot(a_ref[...], swo_ref[...],
                           preferred_element_type=_F32)


def _shared_down(ab, swo_b):
    rowf = pl.BlockSpec((BT, FS), lambda i: (i, 0))
    row = pl.BlockSpec((BT, D), lambda i: (i, 0))
    w_out = pl.BlockSpec((FS, D), lambda i: (0, 0))
    return pl.pallas_call(
        _shared_down_body,
        grid=(NT,),
        in_specs=[rowf, w_out],
        out_specs=row,
        out_shape=jax.ShapeDtypeStruct((S, D), _F32),
    )(ab, swo_b)


def _lm_body(x_ref, w_ref, out_ref):
    out_ref[...] = jnp.dot(x_ref[...], w_ref[...], preferred_element_type=_F32)


def _lm_head(xnb, lm_b):
    return pl.pallas_call(
        _lm_body,
        grid=(NV, NT),
        in_specs=[pl.BlockSpec((BT, D), lambda v, t: (t, 0)),
                  pl.BlockSpec((D, BV), lambda v, t: (0, v))],
        out_specs=pl.BlockSpec((BT, BV), lambda v, t: (t, v)),
        out_shape=jax.ShapeDtypeStruct((S, V), _F32),
    )(xnb, lm_b)


def kernel(input_ids, decoder_segment_ids, decoder_positions, embed, ln1, ln2,
           final_ln, wq, wk, wv, wo, router_w, router_b, wi0, wi1, woe,
           sw0, sw1, swo, lm_head):
    del decoder_segment_ids
    ids = input_ids.reshape(S)
    pos = decoder_positions.reshape(S).astype(_F32)
    freqs = 1.0 / (10000.0 ** (jnp.arange(HALF, dtype=_F32) / HALF))
    ang = pos[:, None] * freqs
    cos = jnp.cos(ang)
    sin = jnp.sin(ang)

    wq_b = wq.astype(_BF16)
    wk_b = wk.astype(_BF16)
    wv_b = wv.astype(_BF16)
    wo_b = wo.astype(_BF16)
    rw_b = router_w.astype(_BF16)
    wi0_b = wi0.astype(_BF16)
    wi1_b = wi1.astype(_BF16)
    woe_b = woe.astype(_BF16)
    sw0_b = sw0.astype(_BF16)
    sw1_b = sw1.astype(_BF16)
    swo_b = swo.astype(_BF16)
    lm_b = lm_head.astype(_BF16)

    def rms(x, w):
        var = jnp.mean(x * x, axis=-1, keepdims=True)
        return x * lax.rsqrt(var + EPS) * w

    causal = pos[:, None] >= pos[None, :]
    x = _sc_gather(embed, ids)
    for l in range(2):
        hb = rms(x, ln1[l]).astype(_BF16)
        q, k, v = _qkv(hb, cos, sin, wq_b[l], wk_b[l], wv_b[l])
        qh = q.reshape(S, H, DH)
        kh = k.reshape(S, H, DH)
        sc = jnp.einsum('qhd,khd->hqk', qh, kh,
                        preferred_element_type=_F32) / 8.0
        sc = jnp.where(causal[None], sc, -1e9)
        pp = jax.nn.softmax(sc, axis=-1)
        o = jnp.einsum('hqk,khd->qhd', pp.astype(_BF16),
                       v.reshape(S, H, DH),
                       preferred_element_type=_F32).reshape(S, D).astype(_BF16)
        x = _oproj(x, o, wo_b[l])
        h2 = rms(x, ln2[l])
        h2b = h2.astype(_BF16)
        u0, u1, ti, gates = _shared_up_router(h2b, sw0_b[l], sw1_b[l],
                                              rw_b[l], router_b[l])
        sa = (jax.nn.silu(u0) * u1).astype(_BF16)
        shared = _shared_down(sa, swo_b[l])
        tok_pad, gate_pad, idx0, idx1, block_e = _route_plan(ti, gates)
        xs = _sc_gather(h2, tok_pad)
        e0, e1 = _expert_up(xs, block_e, wi0_b[l], wi1_b[l])
        ea = (jax.nn.silu(e0) * e1).astype(_BF16)
        ys = _expert_down(ea, gate_pad, block_e, woe_b[l])
        comb0 = _sc_gather(ys, idx0)
        comb1 = _sc_gather(ys, idx1)
        x = x + shared + comb0 + comb1

    xnb = rms(x, final_ln).astype(_BF16)
    logits = _lm_head(xnb, lm_b)
    return logits.reshape(1, S, V)

# --- scband reference (transcript-rebuilt; emitter-appended) ---
"""Pipeline reference for scband-max-text-deepseek-v32-for-causal-lm-23347442221521 (READ-ONLY COPY).

The authoritative reference and input builder live on the scoring server;
editing this copy changes nothing except your own understanding.
"""

import jax, jax.numpy as jnp
import numpy as np

V = 16384; D = 1024; H = 16; L = 2; E = 8; TOPK = 2; F = 512; FS = 1024; B = 1; S = 2048; EPS = 1e-6

def rmsnorm(x, w):
    var = jnp.mean(jnp.square(x), axis=-1, keepdims=True)
    return x * jax.lax.rsqrt(var + EPS) * w

def rope(x, pos):
    half = x.shape[-1] // 2
    freqs = 1.0 / (10000.0 ** (jnp.arange(half, dtype=jnp.float32) / half))
    ang = pos.astype(jnp.float32)[:, :, None] * freqs
    cos = jnp.cos(ang)[:, :, None, :]
    sin = jnp.sin(ang)[:, :, None, :]
    x1, x2 = x[..., :half], x[..., half:]
    return jnp.concatenate([x1 * cos - x2 * sin, x1 * sin + x2 * cos], axis=-1)

def attention(h, wq, wk, wv, wo, pos, seg):
    b, s, d = h.shape
    dh = d // H
    q = rope((h @ wq).reshape(b, s, H, dh), pos)
    k = rope((h @ wk).reshape(b, s, H, dh), pos)
    v = (h @ wv).reshape(b, s, H, dh)
    scores = jnp.einsum('bqhd,bkhd->bhqk', q, k) / np.sqrt(dh).astype(np.float32)
    causal = pos[:, :, None] >= pos[:, None, :]
    segm = seg[:, :, None] == seg[:, None, :]
    mask = (causal & segm)[:, None, :, :]
    scores = jnp.where(mask, scores, -1e9)
    p = jax.nn.softmax(scores, axis=-1)
    o = jnp.einsum('bhqk,bkhd->bqhd', p, v).reshape(b, s, d)
    return o @ wo

def moe_block(h, rw, rb, wi0, wi1, woe, sw0, sw1, swo):
    b, s, d = h.shape
    x = h.reshape(b * s, d)
    scores = jax.nn.sigmoid(x @ rw)
    sel = scores + rb
    _, topi = jax.lax.top_k(sel, TOPK)
    gate = jnp.take_along_axis(scores, topi, axis=1)
    gate = gate / (jnp.sum(gate, axis=-1, keepdims=True) + 1e-9)
    cw = jnp.zeros((b * s, E), scores.dtype).at[jnp.arange(b * s)[:, None], topi].set(gate)
    up0 = jnp.einsum('td,edf->tef', x, wi0)
    up1 = jnp.einsum('td,edf->tef', x, wi1)
    eo = jnp.einsum('tef,efd->ted', jax.nn.silu(up0) * up1, woe)
    routed = jnp.einsum('te,ted->td', cw, eo)
    shared = (jax.nn.silu(x @ sw0) * (x @ sw1)) @ swo
    return (routed + shared).reshape(b, s, d)

def setup_inputs(seed: int = 0):
    key = jax.random.key(seed)
    ks = jax.random.split(key, 20)
    def p(i, shape, scale=0.02):
        return jax.random.normal(ks[i], shape, dtype=jnp.float32) * scale
    inp = {}
    inp['input_ids'] = jax.random.randint(ks[0], (B, S), 0, V, dtype=jnp.int32)
    inp['decoder_segment_ids'] = jnp.ones((B, S), dtype=jnp.int32)
    inp['decoder_positions'] = jnp.broadcast_to(jnp.arange(S, dtype=jnp.int32)[None, :], (B, S))
    inp['embed'] = p(1, (V, D))
    inp['ln1'] = jnp.ones((L, D), jnp.float32)
    inp['ln2'] = jnp.ones((L, D), jnp.float32)
    inp['final_ln'] = jnp.ones((D,), jnp.float32)
    inp['wq'] = p(2, (L, D, D))
    inp['wk'] = p(3, (L, D, D))
    inp['wv'] = p(4, (L, D, D))
    inp['wo'] = p(5, (L, D, D))
    inp['router_w'] = p(6, (L, D, E), 0.05)
    inp['router_b'] = jnp.zeros((L, E), jnp.float32)
    inp['wi0'] = p(7, (L, E, D, F))
    inp['wi1'] = p(8, (L, E, D, F))
    inp['woe'] = p(9, (L, E, F, D))
    inp['sw0'] = p(10, (L, D, FS))
    inp['sw1'] = p(11, (L, D, FS))
    inp['swo'] = p(12, (L, FS, D))
    inp['lm_head'] = p(13, (D, V))
    return inp

def reference(input_ids, decoder_segment_ids, decoder_positions, embed, ln1, ln2, final_ln, wq, wk, wv, wo, router_w, router_b, wi0, wi1, woe, sw0, sw1, swo, lm_head):
    x = jnp.take(embed, input_ids, axis=0)
    for l in range(L):
        h = rmsnorm(x, ln1[l])
        x = x + attention(h, wq[l], wk[l], wv[l], wo[l], decoder_positions, decoder_segment_ids)
        h = rmsnorm(x, ln2[l])
        x = x + moe_block(h, router_w[l], router_b[l], wi0[l], wi1[l], woe[l], sw0[l], sw1[l], swo[l])
    x = rmsnorm(x, final_ln)
    return x @ lm_head

if __name__ == "__main__":
    import jax
    _d = setup_inputs()
    print(jax.jit(kernel)(*tuple(_d.values())))

</pallas_src>

<mosaic_0001>
#map = affine_map<(d0, d1) -> (0, 0)>
#map1 = affine_map<(d0, d1) -> (0)>
module attributes {stable_mosaic.version = 14 : i64} {
  func.func @gather_kernel(%arg0: i32, %arg1: i32, %arg2: memref<16384x1024xf32, #tpu.memory_space<hbm>>, %arg3: memref<2048xi32, #tpu.memory_space<hbm>>, %arg4: memref<2048x1024xf32, #tpu.memory_space<hbm>>, %arg5: memref<64xi32, #tpu.memory_space<vmem>>, %arg6: memref<64x1024xf32, #tpu.memory_space<vmem>>, %arg7: memref<!tpu.dma_semaphore, #tpu.memory_space<semaphore_mem>>) attributes {dimension_semantics = [#tpu.dimension_semantics<core_parallel>, #tpu.dimension_semantics<subcore_parallel>], iteration_bounds = array<i64: 2, 16>, scalar_prefetch = 0 : i64, scratch_operands = 3 : i64, tpu.core_type = #tpu.core_type<sc_vector_subcore>, window_params = [{transform_indices = #map}, {transform_indices = #map1}, {transform_indices = #map}]} {
    %mul3A = arith.constant 2 : i32
    %mul3A_0 = arith.muli %arg1, %mul3A : i32
    %add3A = arith.addi %mul3A_0, %arg0 : i32
    %mul3A_1 = arith.constant 64 : i32
    %mul3A_2 = arith.muli %add3A, %mul3A_1 : i32
    %add3A_3 = arith.constant 0 : i32
    %add3A_4 = arith.addi %mul3A_2, %add3A_3 : i32
    "tpu.region"() ({
      %run_scoped3A = tpu.sem_alloc : memref<!tpu.dma_semaphore, #tpu.memory_space<semaphore_mem>>
      %dma_start3A_9 = tpu.memref_slice %arg3[%add3A_4] : memref<2048xi32, #tpu.memory_space<hbm>> -> memref<64xi32, #tpu.memory_space<hbm>>
      %dma_start3A_10 = tpu.memref_slice %arg3[%add3A_4] : memref<2048xi32, #tpu.memory_space<hbm>> -> memref<64xi32, #tpu.memory_space<hbm>>
      tpu.enqueue_dma source(%dma_start3A_10 : memref<64xi32, #tpu.memory_space<hbm>>) target(%arg5 : memref<64xi32, #tpu.memory_space<vmem>>) target_semaphore(%run_scoped3A : memref<!tpu.dma_semaphore, #tpu.memory_space<semaphore_mem>>)
      %dma_wait3A_11 = tpu.memref_slice %arg3[%add3A_4] : memref<2048xi32, #tpu.memory_space<hbm>> -> memref<64xi32, #tpu.memory_space<hbm>>
      %dma_wait3A_12 = tpu.memref_slice %arg3[%add3A_4] : memref<2048xi32, #tpu.memory_space<hbm>> -> memref<64xi32, #tpu.memory_space<hbm>>
      tpu.wait_dma2 semaphore(%run_scoped3A : memref<!tpu.dma_semaphore, #tpu.memory_space<semaphore_mem>>) src(%dma_wait3A_12 : memref<64xi32, #tpu.memory_space<hbm>>) dst(%arg5 : memref<64xi32, #tpu.memory_space<vmem>>)
      tpu.yield
    }) : () -> ()
    %dma_start3A = arith.constant 0 : i32
    %dma_start3A_5 = arith.constant 0 : i32
    %dma_start3A_6 = tpu.memref_slice %arg2[%dma_start3A, %dma_start3A_5] : memref<16384x1024xf32, #tpu.memory_space<hbm>> -> memref<16384x1024xf32, #tpu.memory_space<hbm>>
    tpu.enqueue_indirect_dma source(%dma_start3A_6 : memref<16384x1024xf32, #tpu.memory_space<hbm>>) target(%arg6 : memref<64x1024xf32, #tpu.memory_space<vmem>>) offsets(%arg5 : memref<64xi32, #tpu.memory_space<vmem>>) semaphore(%arg7 : memref<!tpu.dma_semaphore, #tpu.memory_space<semaphore_mem>>)
    %dma_wait3A = arith.constant 0 : i32
    %dma_wait3A_7 = arith.constant 0 : i32
    %dma_wait3A_8 = tpu.memref_slice %arg2[%dma_wait3A, %dma_wait3A_7] : memref<16384x1024xf32, #tpu.memory_space<hbm>> -> memref<16384x1024xf32, #tpu.memory_space<hbm>>
    tpu.wait_indirect_dma semaphore(%arg7 : memref<!tpu.dma_semaphore, #tpu.memory_space<semaphore_mem>>) src(%dma_wait3A_8 : memref<16384x1024xf32, #tpu.memory_space<hbm>>) dst(%arg6 : memref<64x1024xf32, #tpu.memory_space<vmem>>)
    "tpu.region"() ({
      %run_scoped3A = tpu.sem_alloc : memref<!tpu.dma_semaphore, #tpu.memory_space<semaphore_mem>>
      %dma_start3A_9 = arith.constant 0 : i32
      %dma_start3A_10 = tpu.memref_slice %arg4[%add3A_4, %dma_start3A_9] : memref<2048x1024xf32, #tpu.memory_space<hbm>> -> memref<64x1024xf32, #tpu.memory_space<hbm>>
      %dma_start3A_11 = arith.constant 0 : i32
      %dma_start3A_12 = tpu.memref_slice %arg4[%add3A_4, %dma_start3A_11] : memref<2048x1024xf32, #tpu.memory_space<hbm>> -> memref<64x1024xf32, #tpu.memory_space<hbm>>
      tpu.enqueue_dma source(%arg6 : memref<64x1024xf32, #tpu.memory_space<vmem>>) target(%dma_start3A_12 : memref<64x1024xf32, #tpu.memory_space<hbm>>) target_semaphore(%run_scoped3A : memref<!tpu.dma_semaphore, #tpu.memory_space<semaphore_mem>>)
      %dma_wait3A_13 = arith.constant 0 : i32
      %dma_wait3A_14 = tpu.memref_slice %arg4[%add3A_4, %dma_wait3A_13] : memref<2048x1024xf32, #tpu.memory_space<hbm>> -> memref<64x1024xf32, #tpu.memory_space<hbm>>
      %dma_wait3A_15 = arith.constant 0 : i32
      %dma_wait3A_16 = tpu.memref_slice %arg4[%add3A_4, %dma_wait3A_15] : memref<2048x1024xf32, #tpu.memory_space<hbm>> -> memref<64x1024xf32, #tpu.memory_space<hbm>>
      tpu.wait_dma2 semaphore(%run_scoped3A : memref<!tpu.dma_semaphore, #tpu.memory_space<semaphore_mem>>) src(%arg6 : memref<64x1024xf32, #tpu.memory_space<vmem>>) dst(%dma_wait3A_16 : memref<64x1024xf32, #tpu.memory_space<hbm>>)
      tpu.yield
    }) : () -> ()
    return
  }
}

#map = affine_map<(d0, d1) -> (0, 0)>
#map1 = affine_map<(d0, d1) -> (0)>
module attributes {stable_mosaic.version = 14 : i64} {
  func.func @gather_kernel(%arg0: i32, %arg1: i32, %arg2: memref<2048x1024xf32, #tpu.memory_space<hbm>>, %arg3: memref<5120xi32, #tpu.memory_space<hbm>>, %arg4: memref<5120x1024xf32, #tpu.memory_space<hbm>>, %arg5: memref<40xi32, #tpu.memory_space<vmem>>, %arg6: memref<40x1024xf32, #tpu.memory_space<vmem>>, %arg7: memref<!tpu.dma_semaphore, #tpu.memory_space<semaphore_mem>>) attributes {dimension_semantics = [#tpu.dimension_semantics<core_parallel>, #tpu.dimension_semantics<subcore_parallel>], iteration_bounds = array<i64: 2, 16>, scalar_prefetch = 0 : i64, scratch_operands = 3 : i64, tpu.core_type = #tpu.core_type<sc_vector_subcore>, window_params = [{transform_indices = #map}, {transform_indices = #map1}, {transform_indices = #map}]} {
    %mul3A = arith.constant 2 : i32
    %mul3A_0 = arith.muli %arg1, %mul3A : i32
    %add3A = arith.addi %mul3A_0, %arg0 : i32
    %mul3A_1 = arith.constant 160 : i32
    %mul3A_2 = arith.muli %add3A, %mul3A_1 : i32
    %add3A_3 = arith.constant 0 : i32
    %add3A_4 = arith.addi %mul3A_2, %add3A_3 : i32
    "tpu.region"() ({
      %run_scoped3A = tpu.sem_alloc : memref<!tpu.dma_semaphore, #tpu.memory_space<semaphore_mem>>
      %dma_start3A_39 = tpu.memref_slice %arg3[%add3A_4] : memref<5120xi32, #tpu.memory_space<hbm>> -> memref<40xi32, #tpu.memory_space<hbm>>
      %dma_start3A_40 = tpu.memref_slice %arg3[%add3A_4] : memref<5120xi32, #tpu.memory_space<hbm>> -> memref<40xi32, #tpu.memory_space<hbm>>
      tpu.enqueue_dma source(%dma_start3A_40 : memref<40xi32, #tpu.memory_space<hbm>>) target(%arg5 : memref<40xi32, #tpu.memory_space<vmem>>) target_semaphore(%run_scoped3A : memref<!tpu.dma_semaphore, #tpu.memory_space<semaphore_mem>>)
      %dma_wait3A_41 = tpu.memref_slice %arg3[%add3A_4] : memref<5120xi32, #tpu.memory_space<hbm>> -> memref<40xi32, #tpu.memory_space<hbm>>
      %dma_wait3A_42 = tpu.memref_slice %arg3[%add3A_4] : memref<5120xi32, #tpu.memory_space<hbm>> -> memref<40xi32, #tpu.memory_space<hbm>>
      tpu.wait_dma2 semaphore(%run_scoped3A : memref<!tpu.dma_semaphore, #tpu.memory_space<semaphore_mem>>) src(%dma_wait3A_42 : memref<40xi32, #tpu.memory_space<hbm>>) dst(%arg5 : memref<40xi32, #tpu.memory_space<vmem>>)
      tpu.yield
    }) : () -> ()
    %dma_start3A = arith.constant 0 : i32
    %dma_start3A_5 = arith.constant 0 : i32
    %dma_start3A_6 = tpu.memref_slice %arg2[%dma_start3A, %dma_start3A_5] : memref<2048x1024xf32, #tpu.memory_space<hbm>> -> memref<2048x1024xf32, #tpu.memory_space<hbm>>
    tpu.enqueue_indirect_dma source(%dma_start3A_6 : memref<2048x1024xf32, #tpu.memory_space<hbm>>) target(%arg6 : memref<40x1024xf32, #tpu.memory_space<vmem>>) offsets(%arg5 : memref<40xi32, #tpu.memory_space<vmem>>) semaphore(%arg7 : memref<!tpu.dma_semaphore, #tpu.memory_space<semaphore_mem>>)
    %dma_wait3A = arith.constant 0 : i32
    %dma_wait3A_7 = arith.constant 0 : i32
    %dma_wait3A_8 = tpu.memref_slice %arg2[%dma_wait3A, %dma_wait3A_7] : memref<2048x1024xf32, #tpu.memory_space<hbm>> -> memref<2048x1024xf32, #tpu.memory_space<hbm>>
    tpu.wait_indirect_dma semaphore(%arg7 : memref<!tpu.dma_semaphore, #tpu.memory_space<semaphore_mem>>) src(%dma_wait3A_8 : memref<2048x1024xf32, #tpu.memory_space<hbm>>) dst(%arg6 : memref<40x1024xf32, #tpu.memory_space<vmem>>)
    "tpu.region"() ({
      %run_scoped3A = tpu.sem_alloc : memref<!tpu.dma_semaphore, #tpu.memory_space<semaphore_mem>>
      %dma_start3A_39 = arith.constant 0 : i32
      %dma_start3A_40 = tpu.memref_slice %arg4[%add3A_4, %dma_start3A_39] : memref<5120x1024xf32, #tpu.memory_space<hbm>> -> memref<40x1024xf32, #tpu.memory_space<hbm>>
      %dma_start3A_41 = arith.constant 0 : i32
      %dma_start3A_42 = tpu.memref_slice %arg4[%add3A_4, %dma_start3A_41] : memref<5120x1024xf32, #tpu.memory_space<hbm>> -> memref<40x1024xf32, #tpu.memory_space<hbm>>
      tpu.enqueue_dma source(%arg6 : memref<40x1024xf32, #tpu.memory_space<vmem>>) target(%dma_start3A_42 : memref<40x1024xf32, #tpu.memory_space<hbm>>) target_semaphore(%run_scoped3A : memref<!tpu.dma_semaphore, #tpu.memory_space<semaphore_mem>>)
      %dma_wait3A_43 = arith.constant 0 : i32
      %dma_wait3A_44 = tpu.memref_slice %arg4[%add3A_4, %dma_wait3A_43] : memref<5120x1024xf32, #tpu.memory_space<hbm>> -> memref<40x1024xf32, #tpu.memory_space<hbm>>
      %dma_wait3A_45 = arith.constant 0 : i32
      %dma_wait3A_46 = tpu.memref_slice %arg4[%add3A_4, %dma_wait3A_45] : memref<5120x1024xf32, #tpu.memory_space<hbm>> -> memref<40x1024xf32, #tpu.memory_space<hbm>>
      tpu.wait_dma2 semaphore(%run_scoped3A : memref<!tpu.dma_semaphore, #tpu.memory_space<semaphore_mem>>) src(%arg6 : memref<40x1024xf32, #tpu.memory_space<vmem>>) dst(%dma_wait3A_46 : memref<40x1024xf32, #tpu.memory_space<hbm>>)
      tpu.yield
    }) : () -> ()
    %mul3A_9 = arith.constant 160 : i32
    %mul3A_10 = arith.muli %add3A, %mul3A_9 : i32
    %add3A_11 = arith.constant 40 : i32
    %add3A_12 = arith.addi %mul3A_10, %add3A_11 : i32
    "tpu.region"() ({
      %run_scoped3A = tpu.sem_alloc : memref<!tpu.dma_semaphore, #tpu.memory_space<semaphore_mem>>
      %dma_start3A_39 = tpu.memref_slice %arg3[%add3A_12] : memref<5120xi32, #tpu.memory_space<hbm>> -> memref<40xi32, #tpu.memory_space<hbm>>
      %dma_start3A_40 = tpu.memref_slice %arg3[%add3A_12] : memref<5120xi32, #tpu.memory_space<hbm>> -> memref<40xi32, #tpu.memory_space<hbm>>
      tpu.enqueue_dma source(%dma_start3A_40 : memref<40xi32, #tpu.memory_space<hbm>>) target(%arg5 : memref<40xi32, #tpu.memory_space<vmem>>) target_semaphore(%run_scoped3A : memref<!tpu.dma_semaphore, #tpu.memory_space<semaphore_mem>>)
      %dma_wait3A_41 = tpu.memref_slice %arg3[%add3A_12] : memref<5120xi32, #tpu.memory_space<hbm>> -> memref<40xi32, #tpu.memory_space<hbm>>
      %dma_wait3A_42 = tpu.memref_slice %arg3[%add3A_12] : memref<5120xi32, #tpu.memory_space<hbm>> -> memref<40xi32, #tpu.memory_space<hbm>>
      tpu.wait_dma2 semaphore(%run_scoped3A : memref<!tpu.dma_semaphore, #tpu.memory_space<semaphore_mem>>) src(%dma_wait3A_42 : memref<40xi32, #tpu.memory_space<hbm>>) dst(%arg5 : memref<40xi32, #tpu.memory_space<vmem>>)
      tpu.yield
    }) : () -> ()
    %dma_start3A_13 = arith.constant 0 : i32
    %dma_start3A_14 = arith.constant 0 : i32
    %dma_start3A_15 = tpu.memref_slice %arg2[%dma_start3A_13, %dma_start3A_14] : memref<2048x1024xf32, #tpu.memory_space<hbm>> -> memref<2048x1024xf32, #tpu.memory_space<hbm>>
    tpu.enqueue_indirect_dma source(%dma_start3A_15 : memref<2048x1024xf32, #tpu.memory_space<hbm>>) target(%arg6 : memref<40x1024xf32, #tpu.memory_space<vmem>>) offsets(%arg5 : memref<40xi32, #tpu.memory_space<vmem>>) semaphore(%arg7 : memref<!tpu.dma_semaphore, #tpu.memory_space<semaphore_mem>>)
    %dma_wait3A_16 = arith.constant 0 : i32
    %dma_wait3A_17 = arith.constant 0 : i32
    %dma_wait3A_18 = tpu.memref_slice %arg2[%dma_wait3A_16, %dma_wait3A_17] : memref<2048x1024xf32, #tpu.memory_space<hbm>> -> memref<2048x1024xf32, #tpu.memory_space<hbm>>
    tpu.wait_indirect_dma semaphore(%arg7 : memref<!tpu.dma_semaphore, #tpu.memory_space<semaphore_mem>>) src(%dma_wait3A_18 : memref<2048x1024xf32, #tpu.memory_space<hbm>>) dst(%arg6 : memref<40x1024xf32, #tpu.memory_space<vmem>>)
    "tpu.region"() ({
      %run_scoped3A = tpu.sem_alloc : memref<!tpu.dma_semaphore, #tpu.memory_space<semaphore_mem>>
      %dma_start3A_39 = arith.constant 0 : i32
      %dma_start3A_40 = tpu.memref_slice %arg4[%add3A_12, %dma_start3A_39] : memref<5120x1024xf32, #tpu.memory_space<hbm>> -> memref<40x1024xf32, #tpu.memory_space<hbm>>
      %dma_start3A_41 = arith.constant 0 : i32
      %dma_start3A_42 = tpu.memref_slice %arg4[%add3A_12, %dma_start3A_41] : memref<5120x1024xf32, #tpu.memory_space<hbm>> -> memref<40x1024xf32, #tpu.memory_space<hbm>>
      tpu.enqueue_dma source(%arg6 : memref<40x1024xf32, #tpu.memory_space<vmem>>) target(%dma_start3A_42 : memref<40x1024xf32, #tpu.memory_space<hbm>>) target_semaphore(%run_scoped3A : memref<!tpu.dma_semaphore, #tpu.memory_space<semaphore_mem>>)
      %dma_wait3A_43 = arith.constant 0 : i32
      %dma_wait3A_44 = tpu.memref_slice %arg4[%add3A_12, %dma_wait3A_43] : memref<5120x1024xf32, #tpu.memory_space<hbm>> -> memref<40x1024xf32, #tpu.memory_space<hbm>>
      %dma_wait3A_45 = arith.constant 0 : i32
      %dma_wait3A_46 = tpu.memref_slice %arg4[%add3A_12, %dma_wait3A_45] : memref<5120x1024xf32, #tpu.memory_space<hbm>> -> memref<40x1024xf32, #tpu.memory_space<hbm>>
      tpu.wait_dma2 semaphore(%run_scoped3A : memref<!tpu.dma_semaphore, #tpu.memory_space<semaphore_mem>>) src(%arg6 : memref<40x1024xf32, #tpu.memory_space<vmem>>) dst(%dma_wait3A_46 : memref<40x1024xf32, #tpu.memory_space<hbm>>)
      tpu.yield
    }) : () -> ()
    %mul3A_19 = arith.constant 160 : i32
    %mul3A_20 = arith.muli %add3A, %mul3A_19 : i32
    %add3A_21 = arith.constant 80 : i32
    %add3A_22 = arith.addi %mul3A_20, %add3A_21 : i32
    "tpu.region"() ({
      %run_scoped3A = tpu.sem_alloc : memref<!tpu.dma_semaphore, #tpu.memory_space<semaphore_mem>>
      %dma_start3A_39 = tpu.memref_slice %arg3[%add3A_22] : memref<5120xi32, #tpu.memory_space<hbm>> -> memref<40xi32, #tpu.memory_space<hbm>>
      %dma_start3A_40 = tpu.memref_slice %arg3[%add3A_22] : memref<5120xi32, #tpu.memory_space<hbm>> -> memref<40xi32, #tpu.memory_space<hbm>>
      tpu.enqueue_dma source(%dma_start3A_40 : memref<40xi32, #tpu.memory_space<hbm>>) target(%arg5 : memref<40xi32, #tpu.memory_space<vmem>>) target_semaphore(%run_scoped3A : memref<!tpu.dma_semaphore, #tpu.memory_space<semaphore_mem>>)
      %dma_wait3A_41 = tpu.memref_slice %arg3[%add3A_22] : memref<5120xi32, #tpu.memory_space<hbm>> -> memref<40xi32, #tpu.memory_space<hbm>>
      %dma_wait3A_42 = tpu.memref_slice %arg3[%add3A_22] : memref<5120xi32, #tpu.memory_space<hbm>> -> memref<40xi32, #tpu.memory_space<hbm>>
      tpu.wait_dma2 semaphore(%run_scoped3A : memref<!tpu.dma_semaphore, #tpu.memory_space<semaphore_mem>>) src(%dma_wait3A_42 : memref<40xi32, #tpu.memory_space<hbm>>) dst(%arg5 : memref<40xi32, #tpu.memory_space<vmem>>)
      tpu.yield
    }) : () -> ()
    %dma_start3A_23 = arith.constant 0 : i32
    %dma_start3A_24 = arith.constant 0 : i32
    %dma_start3A_25 = tpu.memref_slice %arg2[%dma_start3A_23, %dma_start3A_24] : memref<2048x1024xf32, #tpu.memory_space<hbm>> -> memref<2048x1024xf32, #tpu.memory_space<hbm>>
    tpu.enqueue_indirect_dma source(%dma_start3A_25 : memref<2048x1024xf32, #tpu.memory_space<hbm>>) target(%arg6 : memref<40x1024xf32, #tpu.memory_space<vmem>>) offsets(%arg5 : memref<40xi32, #tpu.memory_space<vmem>>) semaphore(%arg7 : memref<!tpu.dma_semaphore, #tpu.memory_space<semaphore_mem>>)
    %dma_wait3A_26 = arith.constant 0 : i32
    %dma_wait3A_27 = arith.constant 0 : i32
    %dma_wait3A_28 = tpu.memref_slice %arg2[%dma_wait3A_26, %dma_wait3A_27] : memref<2048x1024xf32, #tpu.memory_space<hbm>> -> memref<2048x1024xf32, #tpu.memory_space<hbm>>
    tpu.wait_indirect_dma semaphore(%arg7 : memref<!tpu.dma_semaphore, #tpu.memory_space<semaphore_mem>>) src(%dma_wait3A_28 : memref<2048x1024xf32, #tpu.memory_space<hbm>>) dst(%arg6 : memref<40x1024xf32, #tpu.memory_space<vmem>>)
    "tpu.region"() ({
      %run_scoped3A = tpu.sem_alloc : memref<!tpu.dma_semaphore, #tpu.memory_space<semaphore_mem>>
      %dma_start3A_39 = arith.constant 0 : i32
      %dma_start3A_40 = tpu.memref_slice %arg4[%add3A_22, %dma_start3A_39] : memref<5120x1024xf32, #tpu.memory_space<hbm>> -> memref<40x1024xf32, #tpu.memory_space<hbm>>
      %dma_start3A_41 = arith.constant 0 : i32
      %dma_start3A_42 = tpu.memref_slice %arg4[%add3A_22, %dma_start3A_41] : memref<5120x1024xf32, #tpu.memory_space<hbm>> -> memref<40x1024xf32, #tpu.memory_space<hbm>>
      tpu.enqueue_dma source(%arg6 : memref<40x1024xf32, #tpu.memory_space<vmem>>) target(%dma_start3A_42 : memref<40x1024xf32, #tpu.memory_space<hbm>>) target_semaphore(%run_scoped3A : memref<!tpu.dma_semaphore, #tpu.memory_space<semaphore_mem>>)
      %dma_wait3A_43 = arith.constant 0 : i32
      %dma_wait3A_44 = tpu.memref_slice %arg4[%add3A_22, %dma_wait3A_43] : memref<5120x1024xf32, #tpu.memory_space<hbm>> -> memref<40x1024xf32, #tpu.memory_space<hbm>>
      %dma_wait3A_45 = arith.constant 0 : i32
      %dma_wait3A_46 = tpu.memref_slice %arg4[%add3A_22, %dma_wait3A_45] : memref<5120x1024xf32, #tpu.memory_space<hbm>> -> memref<40x1024xf32, #tpu.memory_space<hbm>>
      tpu.wait_dma2 semaphore(%run_scoped3A : memref<!tpu.dma_semaphore, #tpu.memory_space<semaphore_mem>>) src(%arg6 : memref<40x1024xf32, #tpu.memory_space<vmem>>) dst(%dma_wait3A_46 : memref<40x1024xf32, #tpu.memory_space<hbm>>)
      tpu.yield
    }) : () -> ()
    %mul3A_29 = arith.constant 160 : i32
    %mul3A_30 = arith.muli %add3A, %mul3A_29 : i32
    %add3A_31 = arith.constant 120 : i32
    %add3A_32 = arith.addi %mul3A_30, %add3A_31 : i32
    "tpu.region"() ({
      %run_scoped3A = tpu.sem_alloc : memref<!tpu.dma_semaphore, #tpu.memory_space<semaphore_mem>>
      %dma_start3A_39 = tpu.memref_slice %arg3[%add3A_32] : memref<5120xi32, #tpu.memory_space<hbm>> -> memref<40xi32, #tpu.memory_space<hbm>>
      %dma_start3A_40 = tpu.memref_slice %arg3[%add3A_32] : memref<5120xi32, #tpu.memory_space<hbm>> -> memref<40xi32, #tpu.memory_space<hbm>>
      tpu.enqueue_dma source(%dma_start3A_40 : memref<40xi32, #tpu.memory_space<hbm>>) target(%arg5 : memref<40xi32, #tpu.memory_space<vmem>>) target_semaphore(%run_scoped3A : memref<!tpu.dma_semaphore, #tpu.memory_space<semaphore_mem>>)
      %dma_wait3A_41 = tpu.memref_slice %arg3[%add3A_32] : memref<5120xi32, #tpu.memory_space<hbm>> -> memref<40xi32, #tpu.memory_space<hbm>>
      %dma_wait3A_42 = tpu.memref_slice %arg3[%add3A_32] : memref<5120xi32, #tpu.memory_space<hbm>> -> memref<40xi32, #tpu.memory_space<hbm>>
      tpu.wait_dma2 semaphore(%run_scoped3A : memref<!tpu.dma_semaphore, #tpu.memory_space<semaphore_mem>>) src(%dma_wait3A_42 : memref<40xi32, #tpu.memory_space<hbm>>) dst(%arg5 : memref<40xi32, #tpu.memory_space<vmem>>)
      tpu.yield
    }) : () -> ()
    %dma_start3A_33 = arith.constant 0 : i32
    %dma_start3A_34 = arith.constant 0 : i32
    %dma_start3A_35 = tpu.memref_slice %arg2[%dma_start3A_33, %dma_start3A_34] : memref<2048x1024xf32, #tpu.memory_space<hbm>> -> memref<2048x1024xf32, #tpu.memory_space<hbm>>
    tpu.enqueue_indirect_dma source(%dma_start3A_35 : memref<2048x1024xf32, #tpu.memory_space<hbm>>) target(%arg6 : memref<40x1024xf32, #tpu.memory_space<vmem>>) offsets(%arg5 : memref<40xi32, #tpu.memory_space<vmem>>) semaphore(%arg7 : memref<!tpu.dma_semaphore, #tpu.memory_space<semaphore_mem>>)
    %dma_wait3A_36 = arith.constant 0 : i32
    %dma_wait3A_37 = arith.constant 0 : i32
    %dma_wait3A_38 = tpu.memref_slice %arg2[%dma_wait3A_36, %dma_wait3A_37] : memref<2048x1024xf32, #tpu.memory_space<hbm>> -> memref<2048x1024xf32, #tpu.memory_space<hbm>>
    tpu.wait_indirect_dma semaphore(%arg7 : memref<!tpu.dma_semaphore, #tpu.memory_space<semaphore_mem>>) src(%dma_wait3A_38 : memref<2048x1024xf32, #tpu.memory_space<hbm>>) dst(%arg6 : memref<40x1024xf32, #tpu.memory_space<vmem>>)
    "tpu.region"() ({
      %run_scoped3A = tpu.sem_alloc : memref<!tpu.dma_semaphore, #tpu.memory_space<semaphore_mem>>
      %dma_start3A_39 = arith.constant 0 : i32
      %dma_start3A_40 = tpu.memref_slice %arg4[%add3A_32, %dma_start3A_39] : memref<5120x1024xf32, #tpu.memory_space<hbm>> -> memref<40x1024xf32, #tpu.memory_space<hbm>>
      %dma_start3A_41 = arith.constant 0 : i32
      %dma_start3A_42 = tpu.memref_slice %arg4[%add3A_32, %dma_start3A_41] : memref<5120x1024xf32, #tpu.memory_space<hbm>> -> memref<40x1024xf32, #tpu.memory_space<hbm>>
      tpu.enqueue_dma source(%arg6 : memref<40x1024xf32, #tpu.memory_space<vmem>>) target(%dma_start3A_42 : memref<40x1024xf32, #tpu.memory_space<hbm>>) target_semaphore(%run_scoped3A : memref<!tpu.dma_semaphore, #tpu.memory_space<semaphore_mem>>)
      %dma_wait3A_43 = arith.constant 0 : i32
      %dma_wait3A_44 = tpu.memref_slice %arg4[%add3A_32, %dma_wait3A_43] : memref<5120x1024xf32, #tpu.memory_space<hbm>> -> memref<40x1024xf32, #tpu.memory_space<hbm>>
      %dma_wait3A_45 = arith.constant 0 : i32
      %dma_wait3A_46 = tpu.memref_slice %arg4[%add3A_32, %dma_wait3A_45] : memref<5120x1024xf32, #tpu.memory_space<hbm>> -> memref<40x1024xf32, #tpu.memory_space<hbm>>
      tpu.wait_dma2 semaphore(%run_scoped3A : memref<!tpu.dma_semaphore, #tpu.memory_space<semaphore_mem>>) src(%arg6 : memref<40x1024xf32, #tpu.memory_space<vmem>>) dst(%dma_wait3A_46 : memref<40x1024xf32, #tpu.memory_space<hbm>>)
      tpu.yield
    }) : () -> ()
    return
  }
}

#map = affine_map<(d0, d1) -> (0, 0)>
#map1 = affine_map<(d0, d1) -> (0)>
module attributes {stable_mosaic.version = 14 : i64} {
  func.func @gather_kernel(%arg0: i32, %arg1: i32, %arg2: memref<5120x1024xf32, #tpu.memory_space<hbm>>, %arg3: memref<2048xi32, #tpu.memory_space<hbm>>, %arg4: memref<2048x1024xf32, #tpu.memory_space<hbm>>, %arg5: memref<64xi32, #tpu.memory_space<vmem>>, %arg6: memref<64x1024xf32, #tpu.memory_space<vmem>>, %arg7: memref<!tpu.dma_semaphore, #tpu.memory_space<semaphore_mem>>) attributes {dimension_semantics = [#tpu.dimension_semantics<core_parallel>, #tpu.dimension_semantics<subcore_parallel>], iteration_bounds = array<i64: 2, 16>, scalar_prefetch = 0 : i64, scratch_operands = 3 : i64, tpu.core_type = #tpu.core_type<sc_vector_subcore>, window_params = [{transform_indices = #map}, {transform_indices = #map1}, {transform_indices = #map}]} {
    %mul3A = arith.constant 2 : i32
    %mul3A_0 = arith.muli %arg1, %mul3A : i32
    %add3A = arith.addi %mul3A_0, %arg0 : i32
    %mul3A_1 = arith.constant 64 : i32
    %mul3A_2 = arith.muli %add3A, %mul3A_1 : i32
    %add3A_3 = arith.constant 0 : i32
    %add3A_4 = arith.addi %mul3A_2, %add3A_3 : i32
    "tpu.region"() ({
      %run_scoped3A = tpu.sem_alloc : memref<!tpu.dma_semaphore, #tpu.memory_space<semaphore_mem>>
      %dma_start3A_9 = tpu.memref_slice %arg3[%add3A_4] : memref<2048xi32, #tpu.memory_space<hbm>> -> memref<64xi32, #tpu.memory_space<hbm>>
      %dma_start3A_10 = tpu.memref_slice %arg3[%add3A_4] : memref<2048xi32, #tpu.memory_space<hbm>> -> memref<64xi32, #tpu.memory_space<hbm>>
      tpu.enqueue_dma source(%dma_start3A_10 : memref<64xi32, #tpu.memory_space<hbm>>) target(%arg5 : memref<64xi32, #tpu.memory_space<vmem>>) target_semaphore(%run_scoped3A : memref<!tpu.dma_semaphore, #tpu.memory_space<semaphore_mem>>)
      %dma_wait3A_11 = tpu.memref_slice %arg3[%add3A_4] : memref<2048xi32, #tpu.memory_space<hbm>> -> memref<64xi32, #tpu.memory_space<hbm>>
      %dma_wait3A_12 = tpu.memref_slice %arg3[%add3A_4] : memref<2048xi32, #tpu.memory_space<hbm>> -> memref<64xi32, #tpu.memory_space<hbm>>
      tpu.wait_dma2 semaphore(%run_scoped3A : memref<!tpu.dma_semaphore, #tpu.memory_space<semaphore_mem>>) src(%dma_wait3A_12 : memref<64xi32, #tpu.memory_space<hbm>>) dst(%arg5 : memref<64xi32, #tpu.memory_space<vmem>>)
      tpu.yield
    }) : () -> ()
    %dma_start3A = arith.constant 0 : i32
    %dma_start3A_5 = arith.constant 0 : i32
    %dma_start3A_6 = tpu.memref_slice %arg2[%dma_start3A, %dma_start3A_5] : memref<5120x1024xf32, #tpu.memory_space<hbm>> -> memref<5120x1024xf32, #tpu.memory_space<hbm>>
    tpu.enqueue_indirect_dma source(%dma_start3A_6 : memref<5120x1024xf32, #tpu.memory_space<hbm>>) target(%arg6 : memref<64x1024xf32, #tpu.memory_space<vmem>>) offsets(%arg5 : memref<64xi32, #tpu.memory_space<vmem>>) semaphore(%arg7 : memref<!tpu.dma_semaphore, #tpu.memory_space<semaphore_mem>>)
    %dma_wait3A = arith.constant 0 : i32
    %dma_wait3A_7 = arith.constant 0 : i32
    %dma_wait3A_8 = tpu.memref_slice %arg2[%dma_wait3A, %dma_wait3A_7] : memref<5120x1024xf32, #tpu.memory_space<hbm>> -> memref<5120x1024xf32, #tpu.memory_space<hbm>>
    tpu.wait_indirect_dma semaphore(%arg7 : memref<!tpu.dma_semaphore, #tpu.memory_space<semaphore_mem>>) src(%dma_wait3A_8 : memref<5120x1024xf32, #tpu.memory_space<hbm>>) dst(%arg6 : memref<64x1024xf32, #tpu.memory_space<vmem>>)
    "tpu.region"() ({
      %run_scoped3A = tpu.sem_alloc : memref<!tpu.dma_semaphore, #tpu.memory_space<semaphore_mem>>
      %dma_start3A_9 = arith.constant 0 : i32
      %dma_start3A_10 = tpu.memref_slice %arg4[%add3A_4, %dma_start3A_9] : memref<2048x1024xf32, #tpu.memory_space<hbm>> -> memref<64x1024xf32, #tpu.memory_space<hbm>>
      %dma_start3A_11 = arith.constant 0 : i32
      %dma_start3A_12 = tpu.memref_slice %arg4[%add3A_4, %dma_start3A_11] : memref<2048x1024xf32, #tpu.memory_space<hbm>> -> memref<64x1024xf32, #tpu.memory_space<hbm>>
      tpu.enqueue_dma source(%arg6 : memref<64x1024xf32, #tpu.memory_space<vmem>>) target(%dma_start3A_12 : memref<64x1024xf32, #tpu.memory_space<hbm>>) target_semaphore(%run_scoped3A : memref<!tpu.dma_semaphore, #tpu.memory_space<semaphore_mem>>)
      %dma_wait3A_13 = arith.constant 0 : i32
      %dma_wait3A_14 = tpu.memref_slice %arg4[%add3A_4, %dma_wait3A_13] : memref<2048x1024xf32, #tpu.memory_space<hbm>> -> memref<64x1024xf32, #tpu.memory_space<hbm>>
      %dma_wait3A_15 = arith.constant 0 : i32
      %dma_wait3A_16 = tpu.memref_slice %arg4[%add3A_4, %dma_wait3A_15] : memref<2048x1024xf32, #tpu.memory_space<hbm>> -> memref<64x1024xf32, #tpu.memory_space<hbm>>
      tpu.wait_dma2 semaphore(%run_scoped3A : memref<!tpu.dma_semaphore, #tpu.memory_space<semaphore_mem>>) src(%arg6 : memref<64x1024xf32, #tpu.memory_space<vmem>>) dst(%dma_wait3A_16 : memref<64x1024xf32, #tpu.memory_space<hbm>>)
      tpu.yield
    }) : () -> ()
    return
  }
}

#map = affine_map<(d0, d1) -> (0, 0)>
#map1 = affine_map<(d0, d1) -> (0)>
module attributes {stable_mosaic.version = 14 : i64} {
  func.func @gather_kernel(%arg0: i32, %arg1: i32, %arg2: memref<5120x1024xf32, #tpu.memory_space<hbm>>, %arg3: memref<2048xi32, #tpu.memory_space<hbm>>, %arg4: memref<2048x1024xf32, #tpu.memory_space<hbm>>, %arg5: memref<64xi32, #tpu.memory_space<vmem>>, %arg6: memref<64x1024xf32, #tpu.memory_space<vmem>>, %arg7: memref<!tpu.dma_semaphore, #tpu.memory_space<semaphore_mem>>) attributes {dimension_semantics = [#tpu.dimension_semantics<core_parallel>, #tpu.dimension_semantics<subcore_parallel>], iteration_bounds = array<i64: 2, 16>, scalar_prefetch = 0 : i64, scratch_operands = 3 : i64, tpu.core_type = #tpu.core_type<sc_vector_subcore>, window_params = [{transform_indices = #map}, {transform_indices = #map1}, {transform_indices = #map}]} {
    %mul3A = arith.constant 2 : i32
    %mul3A_0 = arith.muli %arg1, %mul3A : i32
    %add3A = arith.addi %mul3A_0, %arg0 : i32
    %mul3A_1 = arith.constant 64 : i32
    %mul3A_2 = arith.muli %add3A, %mul3A_1 : i32
    %add3A_3 = arith.constant 0 : i32
    %add3A_4 = arith.addi %mul3A_2, %add3A_3 : i32
    "tpu.region"() ({
      %run_scoped3A = tpu.sem_alloc : memref<!tpu.dma_semaphore, #tpu.memory_space<semaphore_mem>>
      %dma_start3A_9 = tpu.memref_slice %arg3[%add3A_4] : memref<2048xi32, #tpu.memory_space<hbm>> -> memref<64xi32, #tpu.memory_space<hbm>>
      %dma_start3A_10 = tpu.memref_slice %arg3[%add3A_4] : memref<2048xi32, #tpu.memory_space<hbm>> -> memref<64xi32, #tpu.memory_space<hbm>>
      tpu.enqueue_dma source(%dma_start3A_10 : memref<64xi32, #tpu.memory_space<hbm>>) target(%arg5 : memref<64xi32, #tpu.memory_space<vmem>>) target_semaphore(%run_scoped3A : memref<!tpu.dma_semaphore, #tpu.memory_space<semaphore_mem>>)
      %dma_wait3A_11 = tpu.memref_slice %arg3[%add3A_4] : memref<2048xi32, #tpu.memory_space<hbm>> -> memref<64xi32, #tpu.memory_space<hbm>>
      %dma_wait3A_12 = tpu.memref_slice %arg3[%add3A_4] : memref<2048xi32, #tpu.memory_space<hbm>> -> memref<64xi32, #tpu.memory_space<hbm>>
      tpu.wait_dma2 semaphore(%run_scoped3A : memref<!tpu.dma_semaphore, #tpu.memory_space<semaphore_mem>>) src(%dma_wait3A_12 : memref<64xi32, #tpu.memory_space<hbm>>) dst(%arg5 : memref<64xi32, #tpu.memory_space<vmem>>)
      tpu.yield
    }) : () -> ()
    %dma_start3A = arith.constant 0 : i32
    %dma_start3A_5 = arith.constant 0 : i32
    %dma_start3A_6 = tpu.memref_slice %arg2[%dma_start3A, %dma_start3A_5] : memref<5120x1024xf32, #tpu.memory_space<hbm>> -> memref<5120x1024xf32, #tpu.memory_space<hbm>>
    tpu.enqueue_indirect_dma source(%dma_start3A_6 : memref<5120x1024xf32, #tpu.memory_space<hbm>>) target(%arg6 : memref<64x1024xf32, #tpu.memory_space<vmem>>) offsets(%arg5 : memref<64xi32, #tpu.memory_space<vmem>>) semaphore(%arg7 : memref<!tpu.dma_semaphore, #tpu.memory_space<semaphore_mem>>)
    %dma_wait3A = arith.constant 0 : i32
    %dma_wait3A_7 = arith.constant 0 : i32
    %dma_wait3A_8 = tpu.memref_slice %arg2[%dma_wait3A, %dma_wait3A_7] : memref<5120x1024xf32, #tpu.memory_space<hbm>> -> memref<5120x1024xf32, #tpu.memory_space<hbm>>
    tpu.wait_indirect_dma semaphore(%arg7 : memref<!tpu.dma_semaphore, #tpu.memory_space<semaphore_mem>>) src(%dma_wait3A_8 : memref<5120x1024xf32, #tpu.memory_space<hbm>>) dst(%arg6 : memref<64x1024xf32, #tpu.memory_space<vmem>>)
    "tpu.region"() ({
      %run_scoped3A = tpu.sem_alloc : memref<!tpu.dma_semaphore, #tpu.memory_space<semaphore_mem>>
      %dma_start3A_9 = arith.constant 0 : i32
      %dma_start3A_10 = tpu.memref_slice %arg4[%add3A_4, %dma_start3A_9] : memref<2048x1024xf32, #tpu.memory_space<hbm>> -> memref<64x1024xf32, #tpu.memory_space<hbm>>
      %dma_start3A_11 = arith.constant 0 : i32
      %dma_start3A_12 = tpu.memref_slice %arg4[%add3A_4, %dma_start3A_11] : memref<2048x1024xf32, #tpu.memory_space<hbm>> -> memref<64x1024xf32, #tpu.memory_space<hbm>>
      tpu.enqueue_dma source(%arg6 : memref<64x1024xf32, #tpu.memory_space<vmem>>) target(%dma_start3A_12 : memref<64x1024xf32, #tpu.memory_space<hbm>>) target_semaphore(%run_scoped3A : memref<!tpu.dma_semaphore, #tpu.memory_space<semaphore_mem>>)
      %dma_wait3A_13 = arith.constant 0 : i32
      %dma_wait3A_14 = tpu.memref_slice %arg4[%add3A_4, %dma_wait3A_13] : memref<2048x1024xf32, #tpu.memory_space<hbm>> -> memref<64x1024xf32, #tpu.memory_space<hbm>>
      %dma_wait3A_15 = arith.constant 0 : i32
      %dma_wait3A_16 = tpu.memref_slice %arg4[%add3A_4, %dma_wait3A_15] : memref<2048x1024xf32, #tpu.memory_space<hbm>> -> memref<64x1024xf32, #tpu.memory_space<hbm>>
      tpu.wait_dma2 semaphore(%run_scoped3A : memref<!tpu.dma_semaphore, #tpu.memory_space<semaphore_mem>>) src(%arg6 : memref<64x1024xf32, #tpu.memory_space<vmem>>) dst(%dma_wait3A_16 : memref<64x1024xf32, #tpu.memory_space<hbm>>)
      tpu.yield
    }) : () -> ()
    return
  }
}

#map = affine_map<(d0, d1) -> (0, 0)>
#map1 = affine_map<(d0, d1) -> (0)>
module attributes {stable_mosaic.version = 14 : i64} {
  func.func @gather_kernel(%arg0: i32, %arg1: i32, %arg2: memref<2048x1024xf32, #tpu.memory_space<hbm>>, %arg3: memref<5120xi32, #tpu.memory_space<hbm>>, %arg4: memref<5120x1024xf32, #tpu.memory_space<hbm>>, %arg5: memref<40xi32, #tpu.memory_space<vmem>>, %arg6: memref<40x1024xf32, #tpu.memory_space<vmem>>, %arg7: memref<!tpu.dma_semaphore, #tpu.memory_space<semaphore_mem>>) attributes {dimension_semantics = [#tpu.dimension_semantics<core_parallel>, #tpu.dimension_semantics<subcore_parallel>], iteration_bounds = array<i64: 2, 16>, scalar_prefetch = 0 : i64, scratch_operands = 3 : i64, tpu.core_type = #tpu.core_type<sc_vector_subcore>, window_params = [{transform_indices = #map}, {transform_indices = #map1}, {transform_indices = #map}]} {
    %mul3A = arith.constant 2 : i32
    %mul3A_0 = arith.muli %arg1, %mul3A : i32
    %add3A = arith.addi %mul3A_0, %arg0 : i32
    %mul3A_1 = arith.constant 160 : i32
    %mul3A_2 = arith.muli %add3A, %mul3A_1 : i32
    %add3A_3 = arith.constant 0 : i32
    %add3A_4 = arith.addi %mul3A_2, %add3A_3 : i32
    "tpu.region"() ({
      %run_scoped3A = tpu.sem_alloc : memref<!tpu.dma_semaphore, #tpu.memory_space<semaphore_mem>>
      %dma_start3A_39 = tpu.memref_slice %arg3[%add3A_4] : memref<5120xi32, #tpu.memory_space<hbm>> -> memref<40xi32, #tpu.memory_space<hbm>>
      %dma_start3A_40 = tpu.memref_slice %arg3[%add3A_4] : memref<5120xi32, #tpu.memory_space<hbm>> -> memref<40xi32, #tpu.memory_space<hbm>>
      tpu.enqueue_dma source(%dma_start3A_40 : memref<40xi32, #tpu.memory_space<hbm>>) target(%arg5 : memref<40xi32, #tpu.memory_space<vmem>>) target_semaphore(%run_scoped3A : memref<!tpu.dma_semaphore, #tpu.memory_space<semaphore_mem>>)
      %dma_wait3A_41 = tpu.memref_slice %arg3[%add3A_4] : memref<5120xi32, #tpu.memory_space<hbm>> -> memref<40xi32, #tpu.memory_space<hbm>>
      %dma_wait3A_42 = tpu.memref_slice %arg3[%add3A_4] : memref<5120xi32, #tpu.memory_space<hbm>> -> memref<40xi32, #tpu.memory_space<hbm>>
      tpu.wait_dma2 semaphore(%run_scoped3A : memref<!tpu.dma_semaphore, #tpu.memory_space<semaphore_mem>>) src(%dma_wait3A_42 : memref<40xi32, #tpu.memory_space<hbm>>) dst(%arg5 : memref<40xi32, #tpu.memory_space<vmem>>)
      tpu.yield
    }) : () -> ()
    %dma_start3A = arith.constant 0 : i32
    %dma_start3A_5 = arith.constant 0 : i32
    %dma_start3A_6 = tpu.memref_slice %arg2[%dma_start3A, %dma_start3A_5] : memref<2048x1024xf32, #tpu.memory_space<hbm>> -> memref<2048x1024xf32, #tpu.memory_space<hbm>>
    tpu.enqueue_indirect_dma source(%dma_start3A_6 : memref<2048x1024xf32, #tpu.memory_space<hbm>>) target(%arg6 : memref<40x1024xf32, #tpu.memory_space<vmem>>) offsets(%arg5 : memref<40xi32, #tpu.memory_space<vmem>>) semaphore(%arg7 : memref<!tpu.dma_semaphore, #tpu.memory_space<semaphore_mem>>)
    %dma_wait3A = arith.constant 0 : i32
    %dma_wait3A_7 = arith.constant 0 : i32
    %dma_wait3A_8 = tpu.memref_slice %arg2[%dma_wait3A, %dma_wait3A_7] : memref<2048x1024xf32, #tpu.memory_space<hbm>> -> memref<2048x1024xf32, #tpu.memory_space<hbm>>
    tpu.wait_indirect_dma semaphore(%arg7 : memref<!tpu.dma_semaphore, #tpu.memory_space<semaphore_mem>>) src(%dma_wait3A_8 : memref<2048x1024xf32, #tpu.memory_space<hbm>>) dst(%arg6 : memref<40x1024xf32, #tpu.memory_space<vmem>>)
    "tpu.region"() ({
      %run_scoped3A = tpu.sem_alloc : memref<!tpu.dma_semaphore, #tpu.memory_space<semaphore_mem>>
      %dma_start3A_39 = arith.constant 0 : i32
      %dma_start3A_40 = tpu.memref_slice %arg4[%add3A_4, %dma_start3A_39] : memref<5120x1024xf32, #tpu.memory_space<hbm>> -> memref<40x1024xf32, #tpu.memory_space<hbm>>
      %dma_start3A_41 = arith.constant 0 : i32
      %dma_start3A_42 = tpu.memref_slice %arg4[%add3A_4, %dma_start3A_41] : memref<5120x1024xf32, #tpu.memory_space<hbm>> -> memref<40x1024xf32, #tpu.memory_space<hbm>>
      tpu.enqueue_dma source(%arg6 : memref<40x1024xf32, #tpu.memory_space<vmem>>) target(%dma_start3A_42 : memref<40x1024xf32, #tpu.memory_space<hbm>>) target_semaphore(%run_scoped3A : memref<!tpu.dma_semaphore, #tpu.memory_space<semaphore_mem>>)
      %dma_wait3A_43 = arith.constant 0 : i32
      %dma_wait3A_44 = tpu.memref_slice %arg4[%add3A_4, %dma_wait3A_43] : memref<5120x1024xf32, #tpu.memory_space<hbm>> -> memref<40x1024xf32, #tpu.memory_space<hbm>>
      %dma_wait3A_45 = arith.constant 0 : i32
      %dma_wait3A_46 = tpu.memref_slice %arg4[%add3A_4, %dma_wait3A_45] : memref<5120x1024xf32, #tpu.memory_space<hbm>> -> memref<40x1024xf32, #tpu.memory_space<hbm>>
      tpu.wait_dma2 semaphore(%run_scoped3A : memref<!tpu.dma_semaphore, #tpu.memory_space<semaphore_mem>>) src(%arg6 : memref<40x1024xf32, #tpu.memory_space<vmem>>) dst(%dma_wait3A_46 : memref<40x1024xf32, #tpu.memory_space<hbm>>)
      tpu.yield
    }) : () -> ()
    %mul3A_9 = arith.constant 160 : i32
    %mul3A_10 = arith.muli %add3A, %mul3A_9 : i32
    %add3A_11 = arith.constant 40 : i32
    %add3A_12 = arith.addi %mul3A_10, %add3A_11 : i32
    "tpu.region"() ({
      %run_scoped3A = tpu.sem_alloc : memref<!tpu.dma_semaphore, #tpu.memory_space<semaphore_mem>>
      %dma_start3A_39 = tpu.memref_slice %arg3[%add3A_12] : memref<5120xi32, #tpu.memory_space<hbm>> -> memref<40xi32, #tpu.memory_space<hbm>>
      %dma_start3A_40 = tpu.memref_slice %arg3[%add3A_12] : memref<5120xi32, #tpu.memory_space<hbm>> -> memref<40xi32, #tpu.memory_space<hbm>>
      tpu.enqueue_dma source(%dma_start3A_40 : memref<40xi32, #tpu.memory_space<hbm>>) target(%arg5 : memref<40xi32, #tpu.memory_space<vmem>>) target_semaphore(%run_scoped3A : memref<!tpu.dma_semaphore, #tpu.memory_space<semaphore_mem>>)
      %dma_wait3A_41 = tpu.memref_slice %arg3[%add3A_12] : memref<5120xi32, #tpu.memory_space<hbm>> -> memref<40xi32, #tpu.memory_space<hbm>>
      %dma_wait3A_42 = tpu.memref_slice %arg3[%add3A_12] : memref<5120xi32, #tpu.memory_space<hbm>> -> memref<40xi32, #tpu.memory_space<hbm>>
      tpu.wait_dma2 semaphore(%run_scoped3A : memref<!tpu.dma_semaphore, #tpu.memory_space<semaphore_mem>>) src(%dma_wait3A_42 : memref<40xi32, #tpu.memory_space<hbm>>) dst(%arg5 : memref<40xi32, #tpu.memory_space<vmem>>)
      tpu.yield
    }) : () -> ()
    %dma_start3A_13 = arith.constant 0 : i32
    %dma_start3A_14 = arith.constant 0 : i32
    %dma_start3A_15 = tpu.memref_slice %arg2[%dma_start3A_13, %dma_start3A_14] : memref<2048x1024xf32, #tpu.memory_space<hbm>> -> memref<2048x1024xf32, #tpu.memory_space<hbm>>
    tpu.enqueue_indirect_dma source(%dma_start3A_15 : memref<2048x1024xf32, #tpu.memory_space<hbm>>) target(%arg6 : memref<40x1024xf32, #tpu.memory_space<vmem>>) offsets(%arg5 : memref<40xi32, #tpu.memory_space<vmem>>) semaphore(%arg7 : memref<!tpu.dma_semaphore, #tpu.memory_space<semaphore_mem>>)
    %dma_wait3A_16 = arith.constant 0 : i32
    %dma_wait3A_17 = arith.constant 0 : i32
    %dma_wait3A_18 = tpu.memref_slice %arg2[%dma_wait3A_16, %dma_wait3A_17] : memref<2048x1024xf32, #tpu.memory_space<hbm>> -> memref<2048x1024xf32, #tpu.memory_space<hbm>>
    tpu.wait_indirect_dma semaphore(%arg7 : memref<!tpu.dma_semaphore, #tpu.memory_space<semaphore_mem>>) src(%dma_wait3A_18 : memref<2048x1024xf32, #tpu.memory_space<hbm>>) dst(%arg6 : memref<40x1024xf32, #tpu.memory_space<vmem>>)
    "tpu.region"() ({
      %run_scoped3A = tpu.sem_alloc : memref<!tpu.dma_semaphore, #tpu.memory_space<semaphore_mem>>
      %dma_start3A_39 = arith.constant 0 : i32
      %dma_start3A_40 = tpu.memref_slice %arg4[%add3A_12, %dma_start3A_39] : memref<5120x1024xf32, #tpu.memory_space<hbm>> -> memref<40x1024xf32, #tpu.memory_space<hbm>>
      %dma_start3A_41 = arith.constant 0 : i32
      %dma_start3A_42 = tpu.memref_slice %arg4[%add3A_12, %dma_start3A_41] : memref<5120x1024xf32, #tpu.memory_space<hbm>> -> memref<40x1024xf32, #tpu.memory_space<hbm>>
      tpu.enqueue_dma source(%arg6 : memref<40x1024xf32, #tpu.memory_space<vmem>>) target(%dma_start3A_42 : memref<40x1024xf32, #tpu.memory_space<hbm>>) target_semaphore(%run_scoped3A : memref<!tpu.dma_semaphore, #tpu.memory_space<semaphore_mem>>)
      %dma_wait3A_43 = arith.constant 0 : i32
      %dma_wait3A_44 = tpu.memref_slice %arg4[%add3A_12, %dma_wait3A_43] : memref<5120x1024xf32, #tpu.memory_space<hbm>> -> memref<40x1024xf32, #tpu.memory_space<hbm>>
      %dma_wait3A_45 = arith.constant 0 : i32
      %dma_wait3A_46 = tpu.memref_slice %arg4[%add3A_12, %dma_wait3A_45] : memref<5120x1024xf32, #tpu.memory_space<hbm>> -> memref<40x1024xf32, #tpu.memory_space<hbm>>
      tpu.wait_dma2 semaphore(%run_scoped3A : memref<!tpu.dma_semaphore, #tpu.memory_space<semaphore_mem>>) src(%arg6 : memref<40x1024xf32, #tpu.memory_space<vmem>>) dst(%dma_wait3A_46 : memref<40x1024xf32, #tpu.memory_space<hbm>>)
      tpu.yield
    }) : () -> ()
    %mul3A_19 = arith.constant 160 : i32
    %mul3A_20 = arith.muli %add3A, %mul3A_19 : i32
    %add3A_21 = arith.constant 80 : i32
    %add3A_22 = arith.addi %mul3A_20, %add3A_21 : i32
    "tpu.region"() ({
      %run_scoped3A = tpu.sem_alloc : memref<!tpu.dma_semaphore, #tpu.memory_space<semaphore_mem>>
      %dma_start3A_39 = tpu.memref_slice %arg3[%add3A_22] : memref<5120xi32, #tpu.memory_space<hbm>> -> memref<40xi32, #tpu.memory_space<hbm>>
      %dma_start3A_40 = tpu.memref_slice %arg3[%add3A_22] : memref<5120xi32, #tpu.memory_space<hbm>> -> memref<40xi32, #tpu.memory_space<hbm>>
      tpu.enqueue_dma source(%dma_start3A_40 : memref<40xi32, #tpu.memory_space<hbm>>) target(%arg5 : memref<40xi32, #tpu.memory_space<vmem>>) target_semaphore(%run_scoped3A : memref<!tpu.dma_semaphore, #tpu.memory_space<semaphore_mem>>)
      %dma_wait3A_41 = tpu.memref_slice %arg3[%add3A_22] : memref<5120xi32, #tpu.memory_space<hbm>> -> memref<40xi32, #tpu.memory_space<hbm>>
      %dma_wait3A_42 = tpu.memref_slice %arg3[%add3A_22] : memref<5120xi32, #tpu.memory_space<hbm>> -> memref<40xi32, #tpu.memory_space<hbm>>
      tpu.wait_dma2 semaphore(%run_scoped3A : memref<!tpu.dma_semaphore, #tpu.memory_space<semaphore_mem>>) src(%dma_wait3A_42 : memref<40xi32, #tpu.memory_space<hbm>>) dst(%arg5 : memref<40xi32, #tpu.memory_space<vmem>>)
      tpu.yield
    }) : () -> ()
    %dma_start3A_23 = arith.constant 0 : i32
    %dma_start3A_24 = arith.constant 0 : i32
    %dma_start3A_25 = tpu.memref_slice %arg2[%dma_start3A_23, %dma_start3A_24] : memref<2048x1024xf32, #tpu.memory_space<hbm>> -> memref<2048x1024xf32, #tpu.memory_space<hbm>>
    tpu.enqueue_indirect_dma source(%dma_start3A_25 : memref<2048x1024xf32, #tpu.memory_space<hbm>>) target(%arg6 : memref<40x1024xf32, #tpu.memory_space<vmem>>) offsets(%arg5 : memref<40xi32, #tpu.memory_space<vmem>>) semaphore(%arg7 : memref<!tpu.dma_semaphore, #tpu.memory_space<semaphore_mem>>)
    %dma_wait3A_26 = arith.constant 0 : i32
    %dma_wait3A_27 = arith.constant 0 : i32
    %dma_wait3A_28 = tpu.memref_slice %arg2[%dma_wait3A_26, %dma_wait3A_27] : memref<2048x1024xf32, #tpu.memory_space<hbm>> -> memref<2048x1024xf32, #tpu.memory_space<hbm>>
    tpu.wait_indirect_dma semaphore(%arg7 : memref<!tpu.dma_semaphore, #tpu.memory_space<semaphore_mem>>) src(%dma_wait3A_28 : memref<2048x1024xf32, #tpu.memory_space<hbm>>) dst(%arg6 : memref<40x1024xf32, #tpu.memory_space<vmem>>)
    "tpu.region"() ({
      %run_scoped3A = tpu.sem_alloc : memref<!tpu.dma_semaphore, #tpu.memory_space<semaphore_mem>>
      %dma_start3A_39 = arith.constant 0 : i32
      %dma_start3A_40 = tpu.memref_slice %arg4[%add3A_22, %dma_start3A_39] : memref<5120x1024xf32, #tpu.memory_space<hbm>> -> memref<40x1024xf32, #tpu.memory_space<hbm>>
      %dma_start3A_41 = arith.constant 0 : i32
      %dma_start3A_42 = tpu.memref_slice %arg4[%add3A_22, %dma_start3A_41] : memref<5120x1024xf32, #tpu.memory_space<hbm>> -> memref<40x1024xf32, #tpu.memory_space<hbm>>
      tpu.enqueue_dma source(%arg6 : memref<40x1024xf32, #tpu.memory_space<vmem>>) target(%dma_start3A_42 : memref<40x1024xf32, #tpu.memory_space<hbm>>) target_semaphore(%run_scoped3A : memref<!tpu.dma_semaphore, #tpu.memory_space<semaphore_mem>>)
      %dma_wait3A_43 = arith.constant 0 : i32
      %dma_wait3A_44 = tpu.memref_slice %arg4[%add3A_22, %dma_wait3A_43] : memref<5120x1024xf32, #tpu.memory_space<hbm>> -> memref<40x1024xf32, #tpu.memory_space<hbm>>
      %dma_wait3A_45 = arith.constant 0 : i32
      %dma_wait3A_46 = tpu.memref_slice %arg4[%add3A_22, %dma_wait3A_45] : memref<5120x1024xf32, #tpu.memory_space<hbm>> -> memref<40x1024xf32, #tpu.memory_space<hbm>>
      tpu.wait_dma2 semaphore(%run_scoped3A : memref<!tpu.dma_semaphore, #tpu.memory_space<semaphore_mem>>) src(%arg6 : memref<40x1024xf32, #tpu.memory_space<vmem>>) dst(%dma_wait3A_46 : memref<40x1024xf32, #tpu.memory_space<hbm>>)
      tpu.yield
    }) : () -> ()
    %mul3A_29 = arith.constant 160 : i32
    %mul3A_30 = arith.muli %add3A, %mul3A_29 : i32
    %add3A_31 = arith.constant 120 : i32
    %add3A_32 = arith.addi %mul3A_30, %add3A_31 : i32
    "tpu.region"() ({
      %run_scoped3A = tpu.sem_alloc : memref<!tpu.dma_semaphore, #tpu.memory_space<semaphore_mem>>
      %dma_start3A_39 = tpu.memref_slice %arg3[%add3A_32] : memref<5120xi32, #tpu.memory_space<hbm>> -> memref<40xi32, #tpu.memory_space<hbm>>
      %dma_start3A_40 = tpu.memref_slice %arg3[%add3A_32] : memref<5120xi32, #tpu.memory_space<hbm>> -> memref<40xi32, #tpu.memory_space<hbm>>
      tpu.enqueue_dma source(%dma_start3A_40 : memref<40xi32, #tpu.memory_space<hbm>>) target(%arg5 : memref<40xi32, #tpu.memory_space<vmem>>) target_semaphore(%run_scoped3A : memref<!tpu.dma_semaphore, #tpu.memory_space<semaphore_mem>>)
      %dma_wait3A_41 = tpu.memref_slice %arg3[%add3A_32] : memref<5120xi32, #tpu.memory_space<hbm>> -> memref<40xi32, #tpu.memory_space<hbm>>
      %dma_wait3A_42 = tpu.memref_slice %arg3[%add3A_32] : memref<5120xi32, #tpu.memory_space<hbm>> -> memref<40xi32, #tpu.memory_space<hbm>>
      tpu.wait_dma2 semaphore(%run_scoped3A : memref<!tpu.dma_semaphore, #tpu.memory_space<semaphore_mem>>) src(%dma_wait3A_42 : memref<40xi32, #tpu.memory_space<hbm>>) dst(%arg5 : memref<40xi32, #tpu.memory_space<vmem>>)
      tpu.yield
    }) : () -> ()
    %dma_start3A_33 = arith.constant 0 : i32
    %dma_start3A_34 = arith.constant 0 : i32
    %dma_start3A_35 = tpu.memref_slice %arg2[%dma_start3A_33, %dma_start3A_34] : memref<2048x1024xf32, #tpu.memory_space<hbm>> -> memref<2048x1024xf32, #tpu.memory_space<hbm>>
    tpu.enqueue_indirect_dma source(%dma_start3A_35 : memref<2048x1024xf32, #tpu.memory_space<hbm>>) target(%arg6 : memref<40x1024xf32, #tpu.memory_space<vmem>>) offsets(%arg5 : memref<40xi32, #tpu.memory_space<vmem>>) semaphore(%arg7 : memref<!tpu.dma_semaphore, #tpu.memory_space<semaphore_mem>>)
    %dma_wait3A_36 = arith.constant 0 : i32
    %dma_wait3A_37 = arith.constant 0 : i32
    %dma_wait3A_38 = tpu.memref_slice %arg2[%dma_wait3A_36, %dma_wait3A_37] : memref<2048x1024xf32, #tpu.memory_space<hbm>> -> memref<2048x1024xf32, #tpu.memory_space<hbm>>
    tpu.wait_indirect_dma semaphore(%arg7 : memref<!tpu.dma_semaphore, #tpu.memory_space<semaphore_mem>>) src(%dma_wait3A_38 : memref<2048x1024xf32, #tpu.memory_space<hbm>>) dst(%arg6 : memref<40x1024xf32, #tpu.memory_space<vmem>>)
    "tpu.region"() ({
      %run_scoped3A = tpu.sem_alloc : memref<!tpu.dma_semaphore, #tpu.memory_space<semaphore_mem>>
      %dma_start3A_39 = arith.constant 0 : i32
      %dma_start3A_40 = tpu.memref_slice %arg4[%add3A_32, %dma_start3A_39] : memref<5120x1024xf32, #tpu.memory_space<hbm>> -> memref<40x1024xf32, #tpu.memory_space<hbm>>
      %dma_start3A_41 = arith.constant 0 : i32
      %dma_start3A_42 = tpu.memref_slice %arg4[%add3A_32, %dma_start3A_41] : memref<5120x1024xf32, #tpu.memory_space<hbm>> -> memref<40x1024xf32, #tpu.memory_space<hbm>>
      tpu.enqueue_dma source(%arg6 : memref<40x1024xf32, #tpu.memory_space<vmem>>) target(%dma_start3A_42 : memref<40x1024xf32, #tpu.memory_space<hbm>>) target_semaphore(%run_scoped3A : memref<!tpu.dma_semaphore, #tpu.memory_space<semaphore_mem>>)
      %dma_wait3A_43 = arith.constant 0 : i32
      %dma_wait3A_44 = tpu.memref_slice %arg4[%add3A_32, %dma_wait3A_43] : memref<5120x1024xf32, #tpu.memory_space<hbm>> -> memref<40x1024xf32, #tpu.memory_space<hbm>>
      %dma_wait3A_45 = arith.constant 0 : i32
      %dma_wait3A_46 = tpu.memref_slice %arg4[%add3A_32, %dma_wait3A_45] : memref<5120x1024xf32, #tpu.memory_space<hbm>> -> memref<40x1024xf32, #tpu.memory_space<hbm>>
      tpu.wait_dma2 semaphore(%run_scoped3A : memref<!tpu.dma_semaphore, #tpu.memory_space<semaphore_mem>>) src(%arg6 : memref<40x1024xf32, #tpu.memory_space<vmem>>) dst(%dma_wait3A_46 : memref<40x1024xf32, #tpu.memory_space<hbm>>)
      tpu.yield
    }) : () -> ()
    return
  }
}

#map = affine_map<(d0, d1) -> (0, 0)>
#map1 = affine_map<(d0, d1) -> (0)>
module attributes {stable_mosaic.version = 14 : i64} {
  func.func @gather_kernel(%arg0: i32, %arg1: i32, %arg2: memref<5120x1024xf32, #tpu.memory_space<hbm>>, %arg3: memref<2048xi32, #tpu.memory_space<hbm>>, %arg4: memref<2048x1024xf32, #tpu.memory_space<hbm>>, %arg5: memref<64xi32, #tpu.memory_space<vmem>>, %arg6: memref<64x1024xf32, #tpu.memory_space<vmem>>, %arg7: memref<!tpu.dma_semaphore, #tpu.memory_space<semaphore_mem>>) attributes {dimension_semantics = [#tpu.dimension_semantics<core_parallel>, #tpu.dimension_semantics<subcore_parallel>], iteration_bounds = array<i64: 2, 16>, scalar_prefetch = 0 : i64, scratch_operands = 3 : i64, tpu.core_type = #tpu.core_type<sc_vector_subcore>, window_params = [{transform_indices = #map}, {transform_indices = #map1}, {transform_indices = #map}]} {
    %mul3A = arith.constant 2 : i32
    %mul3A_0 = arith.muli %arg1, %mul3A : i32
    %add3A = arith.addi %mul3A_0, %arg0 : i32
    %mul3A_1 = arith.constant 64 : i32
    %mul3A_2 = arith.muli %add3A, %mul3A_1 : i32
    %add3A_3 = arith.constant 0 : i32
    %add3A_4 = arith.addi %mul3A_2, %add3A_3 : i32
    "tpu.region"() ({
      %run_scoped3A = tpu.sem_alloc : memref<!tpu.dma_semaphore, #tpu.memory_space<semaphore_mem>>
      %dma_start3A_9 = tpu.memref_slice %arg3[%add3A_4] : memref<2048xi32, #tpu.memory_space<hbm>> -> memref<64xi32, #tpu.memory_space<hbm>>
      %dma_start3A_10 = tpu.memref_slice %arg3[%add3A_4] : memref<2048xi32, #tpu.memory_space<hbm>> -> memref<64xi32, #tpu.memory_space<hbm>>
      tpu.enqueue_dma source(%dma_start3A_10 : memref<64xi32, #tpu.memory_space<hbm>>) target(%arg5 : memref<64xi32, #tpu.memory_space<vmem>>) target_semaphore(%run_scoped3A : memref<!tpu.dma_semaphore, #tpu.memory_space<semaphore_mem>>)
      %dma_wait3A_11 = tpu.memref_slice %arg3[%add3A_4] : memref<2048xi32, #tpu.memory_space<hbm>> -> memref<64xi32, #tpu.memory_space<hbm>>
      %dma_wait3A_12 = tpu.memref_slice %arg3[%add3A_4] : memref<2048xi32, #tpu.memory_space<hbm>> -> memref<64xi32, #tpu.memory_space<hbm>>
      tpu.wait_dma2 semaphore(%run_scoped3A : memref<!tpu.dma_semaphore, #tpu.memory_space<semaphore_mem>>) src(%dma_wait3A_12 : memref<64xi32, #tpu.memory_space<hbm>>) dst(%arg5 : memref<64xi32, #tpu.memory_space<vmem>>)
      tpu.yield
    }) : () -> ()
    %dma_start3A = arith.constant 0 : i32
    %dma_start3A_5 = arith.constant 0 : i32
    %dma_start3A_6 = tpu.memref_slice %arg2[%dma_start3A, %dma_start3A_5] : memref<5120x1024xf32, #tpu.memory_space<hbm>> -> memref<5120x1024xf32, #tpu.memory_space<hbm>>
    tpu.enqueue_indirect_dma source(%dma_start3A_6 : memref<5120x1024xf32, #tpu.memory_space<hbm>>) target(%arg6 : memref<64x1024xf32, #tpu.memory_space<vmem>>) offsets(%arg5 : memref<64xi32, #tpu.memory_space<vmem>>) semaphore(%arg7 : memref<!tpu.dma_semaphore, #tpu.memory_space<semaphore_mem>>)
    %dma_wait3A = arith.constant 0 : i32
    %dma_wait3A_7 = arith.constant 0 : i32
    %dma_wait3A_8 = tpu.memref_slice %arg2[%dma_wait3A, %dma_wait3A_7] : memref<5120x1024xf32, #tpu.memory_space<hbm>> -> memref<5120x1024xf32, #tpu.memory_space<hbm>>
    tpu.wait_indirect_dma semaphore(%arg7 : memref<!tpu.dma_semaphore, #tpu.memory_space<semaphore_mem>>) src(%dma_wait3A_8 : memref<5120x1024xf32, #tpu.memory_space<hbm>>) dst(%arg6 : memref<64x1024xf32, #tpu.memory_space<vmem>>)
    "tpu.region"() ({
      %run_scoped3A = tpu.sem_alloc : memref<!tpu.dma_semaphore, #tpu.memory_space<semaphore_mem>>
      %dma_start3A_9 = arith.constant 0 : i32
      %dma_start3A_10 = tpu.memref_slice %arg4[%add3A_4, %dma_start3A_9] : memref<2048x1024xf32, #tpu.memory_space<hbm>> -> memref<64x1024xf32, #tpu.memory_space<hbm>>
      %dma_start3A_11 = arith.constant 0 : i32
      %dma_start3A_12 = tpu.memref_slice %arg4[%add3A_4, %dma_start3A_11] : memref<2048x1024xf32, #tpu.memory_space<hbm>> -> memref<64x1024xf32, #tpu.memory_space<hbm>>
      tpu.enqueue_dma source(%arg6 : memref<64x1024xf32, #tpu.memory_space<vmem>>) target(%dma_start3A_12 : memref<64x1024xf32, #tpu.memory_space<hbm>>) target_semaphore(%run_scoped3A : memref<!tpu.dma_semaphore, #tpu.memory_space<semaphore_mem>>)
      %dma_wait3A_13 = arith.constant 0 : i32
      %dma_wait3A_14 = tpu.memref_slice %arg4[%add3A_4, %dma_wait3A_13] : memref<2048x1024xf32, #tpu.memory_space<hbm>> -> memref<64x1024xf32, #tpu.memory_space<hbm>>
      %dma_wait3A_15 = arith.constant 0 : i32
      %dma_wait3A_16 = tpu.memref_slice %arg4[%add3A_4, %dma_wait3A_15] : memref<2048x1024xf32, #tpu.memory_space<hbm>> -> memref<64x1024xf32, #tpu.memory_space<hbm>>
      tpu.wait_dma2 semaphore(%run_scoped3A : memref<!tpu.dma_semaphore, #tpu.memory_space<semaphore_mem>>) src(%arg6 : memref<64x1024xf32, #tpu.memory_space<vmem>>) dst(%dma_wait3A_16 : memref<64x1024xf32, #tpu.memory_space<hbm>>)
      tpu.yield
    }) : () -> ()
    return
  }
}

#map = affine_map<(d0, d1) -> (0, 0)>
#map1 = affine_map<(d0, d1) -> (0)>
module attributes {stable_mosaic.version = 14 : i64} {
  func.func @gather_kernel(%arg0: i32, %arg1: i32, %arg2: memref<5120x1024xf32, #tpu.memory_space<hbm>>, %arg3: memref<2048xi32, #tpu.memory_space<hbm>>, %arg4: memref<2048x1024xf32, #tpu.memory_space<hbm>>, %arg5: memref<64xi32, #tpu.memory_space<vmem>>, %arg6: memref<64x1024xf32, #tpu.memory_space<vmem>>, %arg7: memref<!tpu.dma_semaphore, #tpu.memory_space<semaphore_mem>>) attributes {dimension_semantics = [#tpu.dimension_semantics<core_parallel>, #tpu.dimension_semantics<subcore_parallel>], iteration_bounds = array<i64: 2, 16>, scalar_prefetch = 0 : i64, scratch_operands = 3 : i64, tpu.core_type = #tpu.core_type<sc_vector_subcore>, window_params = [{transform_indices = #map}, {transform_indices = #map1}, {transform_indices = #map}]} {
    %mul3A = arith.constant 2 : i32
    %mul3A_0 = arith.muli %arg1, %mul3A : i32
    %add3A = arith.addi %mul3A_0, %arg0 : i32
    %mul3A_1 = arith.constant 64 : i32
    %mul3A_2 = arith.muli %add3A, %mul3A_1 : i32
    %add3A_3 = arith.constant 0 : i32
    %add3A_4 = arith.addi %mul3A_2, %add3A_3 : i32
    "tpu.region"() ({
      %run_scoped3A = tpu.sem_alloc : memref<!tpu.dma_semaphore, #tpu.memory_space<semaphore_mem>>
      %dma_start3A_9 = tpu.memref_slice %arg3[%add3A_4] : memref<2048xi32, #tpu.memory_space<hbm>> -> memref<64xi32, #tpu.memory_space<hbm>>
      %dma_start3A_10 = tpu.memref_slice %arg3[%add3A_4] : memref<2048xi32, #tpu.memory_space<hbm>> -> memref<64xi32, #tpu.memory_space<hbm>>
      tpu.enqueue_dma source(%dma_start3A_10 : memref<64xi32, #tpu.memory_space<hbm>>) target(%arg5 : memref<64xi32, #tpu.memory_space<vmem>>) target_semaphore(%run_scoped3A : memref<!tpu.dma_semaphore, #tpu.memory_space<semaphore_mem>>)
      %dma_wait3A_11 = tpu.memref_slice %arg3[%add3A_4] : memref<2048xi32, #tpu.memory_space<hbm>> -> memref<64xi32, #tpu.memory_space<hbm>>
      %dma_wait3A_12 = tpu.memref_slice %arg3[%add3A_4] : memref<2048xi32, #tpu.memory_space<hbm>> -> memref<64xi32, #tpu.memory_space<hbm>>
      tpu.wait_dma2 semaphore(%run_scoped3A : memref<!tpu.dma_semaphore, #tpu.memory_space<semaphore_mem>>) src(%dma_wait3A_12 : memref<64xi32, #tpu.memory_space<hbm>>) dst(%arg5 : memref<64xi32, #tpu.memory_space<vmem>>)
      tpu.yield
    }) : () -> ()
    %dma_start3A = arith.constant 0 : i32
    %dma_start3A_5 = arith.constant 0 : i32
    %dma_start3A_6 = tpu.memref_slice %arg2[%dma_start3A, %dma_start3A_5] : memref<5120x1024xf32, #tpu.memory_space<hbm>> -> memref<5120x1024xf32, #tpu.memory_space<hbm>>
    tpu.enqueue_indirect_dma source(%dma_start3A_6 : memref<5120x1024xf32, #tpu.memory_space<hbm>>) target(%arg6 : memref<64x1024xf32, #tpu.memory_space<vmem>>) offsets(%arg5 : memref<64xi32, #tpu.memory_space<vmem>>) semaphore(%arg7 : memref<!tpu.dma_semaphore, #tpu.memory_space<semaphore_mem>>)
    %dma_wait3A = arith.constant 0 : i32
    %dma_wait3A_7 = arith.constant 0 : i32
    %dma_wait3A_8 = tpu.memref_slice %arg2[%dma_wait3A, %dma_wait3A_7] : memref<5120x1024xf32, #tpu.memory_space<hbm>> -> memref<5120x1024xf32, #tpu.memory_space<hbm>>
    tpu.wait_indirect_dma semaphore(%arg7 : memref<!tpu.dma_semaphore, #tpu.memory_space<semaphore_mem>>) src(%dma_wait3A_8 : memref<5120x1024xf32, #tpu.memory_space<hbm>>) dst(%arg6 : memref<64x1024xf32, #tpu.memory_space<vmem>>)
    "tpu.region"() ({
      %run_scoped3A = tpu.sem_alloc : memref<!tpu.dma_semaphore, #tpu.memory_space<semaphore_mem>>
      %dma_start3A_9 = arith.constant 0 : i32
      %dma_start3A_10 = tpu.memref_slice %arg4[%add3A_4, %dma_start3A_9] : memref<2048x1024xf32, #tpu.memory_space<hbm>> -> memref<64x1024xf32, #tpu.memory_space<hbm>>
      %dma_start3A_11 = arith.constant 0 : i32
      %dma_start3A_12 = tpu.memref_slice %arg4[%add3A_4, %dma_start3A_11] : memref<2048x1024xf32, #tpu.memory_space<hbm>> -> memref<64x1024xf32, #tpu.memory_space<hbm>>
      tpu.enqueue_dma source(%arg6 : memref<64x1024xf32, #tpu.memory_space<vmem>>) target(%dma_start3A_12 : memref<64x1024xf32, #tpu.memory_space<hbm>>) target_semaphore(%run_scoped3A : memref<!tpu.dma_semaphore, #tpu.memory_space<semaphore_mem>>)
      %dma_wait3A_13 = arith.constant 0 : i32
      %dma_wait3A_14 = tpu.memref_slice %arg4[%add3A_4, %dma_wait3A_13] : memref<2048x1024xf32, #tpu.memory_space<hbm>> -> memref<64x1024xf32, #tpu.memory_space<hbm>>
      %dma_wait3A_15 = arith.constant 0 : i32
      %dma_wait3A_16 = tpu.memref_slice %arg4[%add3A_4, %dma_wait3A_15] : memref<2048x1024xf32, #tpu.memory_space<hbm>> -> memref<64x1024xf32, #tpu.memory_space<hbm>>
      tpu.wait_dma2 semaphore(%run_scoped3A : memref<!tpu.dma_semaphore, #tpu.memory_space<semaphore_mem>>) src(%arg6 : memref<64x1024xf32, #tpu.memory_space<vmem>>) dst(%dma_wait3A_16 : memref<64x1024xf32, #tpu.memory_space<hbm>>)
      tpu.yield
    }) : () -> ()
    return
  }
}

module attributes {stable_mosaic.version = 14 : i64} {
  func.func @_qkv_body(%arg0: i32, %arg1: memref<256x1024xbf16, #tpu.memory_space<vmem>>, %arg2: memref<256x32xf32, #tpu.memory_space<vmem>>, %arg3: memref<256x32xf32, #tpu.memory_space<vmem>>, %arg4: memref<1024x1024xbf16, #tpu.memory_space<vmem>>, %arg5: memref<1024x1024xbf16, #tpu.memory_space<vmem>>, %arg6: memref<1024x1024xbf16, #tpu.memory_space<vmem>>, %arg7: memref<256x1024xbf16, #tpu.memory_space<vmem>>, %arg8: memref<256x1024xbf16, #tpu.memory_space<vmem>>, %arg9: memref<256x1024xbf16, #tpu.memory_space<vmem>>) attributes {dimension_semantics = [#tpu.dimension_semantics<arbitrary>], iteration_bounds = array<i64: 8>, scalar_prefetch = 0 : i64, scratch_operands = 0 : i64, tpu.core_type = #tpu.core_type<tc>, window_params = [{transform_indices = @transform_0, window_bounds = array<i64: 256, 1024>}, {transform_indices = @transform_1, window_bounds = array<i64: 256, 32>}, {transform_indices = @transform_2, window_bounds = array<i64: 256, 32>}, {pipeline_mode = #tpu.pipeline_mode<synchronous>, transform_indices = @transform_3, window_bounds = array<i64: 1024, 1024>}, {pipeline_mode = #tpu.pipeline_mode<synchronous>, transform_indices = @transform_4, window_bounds = array<i64: 1024, 1024>}, {pipeline_mode = #tpu.pipeline_mode<synchronous>, transform_indices = @transform_5, window_bounds = array<i64: 1024, 1024>}, {transform_indices = @transform_6, window_bounds = array<i64: 256, 1024>}, {transform_indices = @transform_7, window_bounds = array<i64: 256, 1024>}, {transform_indices = @transform_8, window_bounds = array<i64: 256, 1024>}]} {
    %get3A = arith.constant 0 : index
    %get3A_0 = arith.constant 0 : index
    %get3A_1 = vector.load %arg1[%get3A, %get3A_0] : memref<256x1024xbf16, #tpu.memory_space<vmem>>, vector<256x1024xbf16>
    %get3A_2 = arith.constant 0 : index
    %get3A_3 = arith.constant 0 : index
    %get3A_4 = vector.load %arg2[%get3A_2, %get3A_3] : memref<256x32xf32, #tpu.memory_space<vmem>>, vector<256x32xf32>
    %get3A_5 = arith.constant 0 : index
    %get3A_6 = arith.constant 0 : index
    %get3A_7 = vector.load %arg3[%get3A_5, %get3A_6] : memref<256x32xf32, #tpu.memory_space<vmem>>, vector<256x32xf32>
    %get3A_8 = arith.constant 0 : index
    %get3A_9 = arith.constant 0 : index
    %get3A_10 = vector.load %arg4[%get3A_8, %get3A_9] : memref<1024x1024xbf16, #tpu.memory_space<vmem>>, vector<1024x1024xbf16>
    %dot_general3A = arith.constant dense<0.000000e+00> : vector<256x1024xf32>
    %dot_general3A_11 = tpu.matmul %get3A_1, %get3A_10, %dot_general3A {dimension_numbers = #tpu.dot_dimension_numbers<[1], [0], [0], [1], [0, 0, 1, 1], [], []>, transpose_lhs_hint = false} : vector<256x1024xbf16>, vector<1024x1024xbf16>, vector<256x1024xf32> -> vector<256x1024xf32>
    %get3A_12 = arith.constant 0 : index
    %get3A_13 = arith.constant 0 : index
    %get3A_14 = vector.load %arg5[%get3A_12, %get3A_13] : memref<1024x1024xbf16, #tpu.memory_space<vmem>>, vector<1024x1024xbf16>
    %dot_general3A_15 = arith.constant dense<0.000000e+00> : vector<256x1024xf32>
    %dot_general3A_16 = tpu.matmul %get3A_1, %get3A_14, %dot_general3A_15 {dimension_numbers = #tpu.dot_dimension_numbers<[1], [0], [0], [1], [0, 0, 1, 1], [], []>, transpose_lhs_hint = false} : vector<256x1024xbf16>, vector<1024x1024xbf16>, vector<256x1024xf32> -> vector<256x1024xf32>
    %get3A_17 = arith.constant 0 : index
    %get3A_18 = arith.constant 0 : index
    %get3A_19 = vector.load %arg6[%get3A_17, %get3A_18] : memref<1024x1024xbf16, #tpu.memory_space<vmem>>, vector<1024x1024xbf16>
    %dot_general3A_20 = arith.constant dense<0.000000e+00> : vector<256x1024xf32>
    %dot_general3A_21 = tpu.matmul %get3A_1, %get3A_19, %dot_general3A_20 {dimension_numbers = #tpu.dot_dimension_numbers<[1], [0], [0], [1], [0, 0, 1, 1], [], []>, transpose_lhs_hint = false} : vector<256x1024xbf16>, vector<1024x1024xbf16>, vector<256x1024xf32> -> vector<256x1024xf32>
    %slice3A = vector.extract_strided_slice %dot_general3A_11 {offsets = [0, 0], sizes = [256, 32], strides = [1, 1]} : vector<256x1024xf32> to vector<256x32xf32>
    %slice3A_22 = vector.extract_strided_slice %dot_general3A_11 {offsets = [0, 32], sizes = [256, 32], strides = [1, 1]} : vector<256x1024xf32> to vector<256x32xf32>
    %mul3A = arith.mulf %slice3A, %get3A_4 : vector<256x32xf32>
    %mul3A_23 = arith.mulf %slice3A_22, %get3A_7 : vector<256x32xf32>
    %sub3A = arith.subf %mul3A, %mul3A_23 : vector<256x32xf32>
    %mul3A_24 = arith.mulf %slice3A, %get3A_7 : vector<256x32xf32>
    %mul3A_25 = arith.mulf %slice3A_22, %get3A_4 : vector<256x32xf32>
    %add3A = arith.addf %mul3A_24, %mul3A_25 : vector<256x32xf32>
    %slice3A_26 = vector.extract_strided_slice %dot_general3A_11 {offsets = [0, 64], sizes = [256, 32], strides = [1, 1]} : vector<256x1024xf32> to vector<256x32xf32>
    %slice3A_27 = vector.extract_strided_slice %dot_general3A_11 {offsets = [0, 96], sizes = [256, 32], strides = [1, 1]} : vector<256x1024xf32> to vector<256x32xf32>
    %mul3A_28 = arith.mulf %slice3A_26, %get3A_4 : vector<256x32xf32>
    %mul3A_29 = arith.mulf %slice3A_27, %get3A_7 : vector<256x32xf32>
    %sub3A_30 = arith.subf %mul3A_28, %mul3A_29 : vector<256x32xf32>
    %mul3A_31 = arith.mulf %slice3A_26, %get3A_7 : vector<256x32xf32>
    %mul3A_32 = arith.mulf %slice3A_27, %get3A_4 : vector<256x32xf32>
    %add3A_33 = arith.addf %mul3A_31, %mul3A_32 : vector<256x32xf32>
    %slice3A_34 = vector.extract_strided_slice %dot_general3A_11 {offsets = [0, 128], sizes = [256, 32], strides = [1, 1]} : vector<256x1024xf32> to vector<256x32xf32>
    %slice3A_35 = vector.extract_strided_slice %dot_general3A_11 {offsets = [0, 160], sizes = [256, 32], strides = [1, 1]} : vector<256x1024xf32> to vector<256x32xf32>
    %mul3A_36 = arith.mulf %slice3A_34, %get3A_4 : vector<256x32xf32>
    %mul3A_37 = arith.mulf %slice3A_35, %get3A_7 : vector<256x32xf32>
    %sub3A_38 = arith.subf %mul3A_36, %mul3A_37 : vector<256x32xf32>
    %mul3A_39 = arith.mulf %slice3A_34, %get3A_7 : vector<256x32xf32>
    %mul3A_40 = arith.mulf %slice3A_35, %get3A_4 : vector<256x32xf32>
    %add3A_41 = arith.addf %mul3A_39, %mul3A_40 : vector<256x32xf32>
    %slice3A_42 = vector.extract_strided_slice %dot_general3A_11 {offsets = [0, 192], sizes = [256, 32], strides = [1, 1]} : vector<256x1024xf32> to vector<256x32xf32>
    %slice3A_43 = vector.extract_strided_slice %dot_general3A_11 {offsets = [0, 224], sizes = [256, 32], strides = [1, 1]} : vector<256x1024xf32> to vector<256x32xf32>
    %mul3A_44 = arith.mulf %slice3A_42, %get3A_4 : vector<256x32xf32>
    %mul3A_45 = arith.mulf %slice3A_43, %get3A_7 : vector<256x32xf32>
    %sub3A_46 = arith.subf %mul3A_44, %mul3A_45 : vector<256x32xf32>
    %mul3A_47 = arith.mulf %slice3A_42, %get3A_7 : vector<256x32xf32>
    %mul3A_48 = arith.mulf %slice3A_43, %get3A_4 : vector<256x32xf32>
    %add3A_49 = arith.addf %mul3A_47, %mul3A_48 : vector<256x32xf32>
    %slice3A_50 = vector.extract_strided_slice %dot_general3A_11 {offsets = [0, 256], sizes = [256, 32], strides = [1, 1]} : vector<256x1024xf32> to vector<256x32xf32>
    %slice3A_51 = vector.extract_strided_slice %dot_general3A_11 {offsets = [0, 288], sizes = [256, 32], strides = [1, 1]} : vector<256x1024xf32> to vector<256x32xf32>
    %mul3A_52 = arith.mulf %slice3A_50, %get3A_4 : vector<256x32xf32>
    %mul3A_53 = arith.mulf %slice3A_51, %get3A_7 : vector<256x32xf32>
    %sub3A_54 = arith.subf %mul3A_52, %mul3A_53 : vector<256x32xf32>
    %mul3A_55 = arith.mulf %slice3A_50, %get3A_7 : vector<256x32xf32>
    %mul3A_56 = arith.mulf %slice3A_51, %get3A_4 : vector<256x32xf32>
    %add3A_57 = arith.addf %mul3A_55, %mul3A_56 : vector<256x32xf32>
    %slice3A_58 = vector.extract_strided_slice %dot_general3A_11 {offsets = [0, 320], sizes = [256, 32], strides = [1, 1]} : vector<256x1024xf32> to vector<256x32xf32>
    %slice3A_59 = vector.extract_strided_slice %dot_general3A_11 {offsets = [0, 352], sizes = [256, 32], strides = [1, 1]} : vector<256x1024xf32> to vector<256x32xf32>
    %mul3A_60 = arith.mulf %slice3A_58, %get3A_4 : vector<256x32xf32>
    %mul3A_61 = arith.mulf %slice3A_59, %get3A_7 : vector<256x32xf32>
    %sub3A_62 = arith.subf %mul3A_60, %mul3A_61 : vector<256x32xf32>
    %mul3A_63 = arith.mulf %slice3A_58, %get3A_7 : vector<256x32xf32>
    %mul3A_64 = arith.mulf %slice3A_59, %get3A_4 : vector<256x32xf32>
    %add3A_65 = arith.addf %mul3A_63, %mul3A_64 : vector<256x32xf32>
    %slice3A_66 = vector.extract_strided_slice %dot_general3A_11 {offsets = [0, 384], sizes = [256, 32], strides = [1, 1]} : vector<256x1024xf32> to vector<256x32xf32>
    %slice3A_67 = vector.extract_strided_slice %dot_general3A_11 {offsets = [0, 416], sizes = [256, 32], strides = [1, 1]} : vector<256x1024xf32> to vector<256x32xf32>
    %mul3A_68 = arith.mulf %slice3A_66, %get3A_4 : vector<256x32xf32>
    %mul3A_69 = arith.mulf %slice3A_67, %get3A_7 : vector<256x32xf32>
    %sub3A_70 = arith.subf %mul3A_68, %mul3A_69 : vector<256x32xf32>
    %mul3A_71 = arith.mulf %slice3A_66, %get3A_7 : vector<256x32xf32>
    %mul3A_72 = arith.mulf %slice3A_67, %get3A_4 : vector<256x32xf32>
    %add3A_73 = arith.addf %mul3A_71, %mul3A_72 : vector<256x32xf32>
    %slice3A_74 = vector.extract_strided_slice %dot_general3A_11 {offsets = [0, 448], sizes = [256, 32], strides = [1, 1]} : vector<256x1024xf32> to vector<256x32xf32>
    %slice3A_75 = vector.extract_strided_slice %dot_general3A_11 {offsets = [0, 480], sizes = [256, 32], strides = [1, 1]} : vector<256x1024xf32> to vector<256x32xf32>
    %mul3A_76 = arith.mulf %slice3A_74, %get3A_4 : vector<256x32xf32>
    %mul3A_77 = arith.mulf %slice3A_75, %get3A_7 : vector<256x32xf32>
    %sub3A_78 = arith.subf %mul3A_76, %mul3A_77 : vector<256x32xf32>
    %mul3A_79 = arith.mulf %slice3A_74, %get3A_7 : vector<256x32xf32>
    %mul3A_80 = arith.mulf %slice3A_75, %get3A_4 : vector<256x32xf32>
    %add3A_81 = arith.addf %mul3A_79, %mul3A_80 : vector<256x32xf32>
    %slice3A_82 = vector.extract_strided_slice %dot_general3A_11 {offsets = [0, 512], sizes = [256, 32], strides = [1, 1]} : vector<256x1024xf32> to vector<256x32xf32>
    %slice3A_83 = vector.extract_strided_slice %dot_general3A_11 {offsets = [0, 544], sizes = [256, 32], strides = [1, 1]} : vector<256x1024xf32> to vector<256x32xf32>
    %mul3A_84 = arith.mulf %slice3A_82, %get3A_4 : vector<256x32xf32>
    %mul3A_85 = arith.mulf %slice3A_83, %get3A_7 : vector<256x32xf32>
    %sub3A_86 = arith.subf %mul3A_84, %mul3A_85 : vector<256x32xf32>
    %mul3A_87 = arith.mulf %slice3A_82, %get3A_7 : vector<256x32xf32>
    %mul3A_88 = arith.mulf %slice3A_83, %get3A_4 : vector<256x32xf32>
    %add3A_89 = arith.addf %mul3A_87, %mul3A_88 : vector<256x32xf32>
    %slice3A_90 = vector.extract_strided_slice %dot_general3A_11 {offsets = [0, 576], sizes = [256, 32], strides = [1, 1]} : vector<256x1024xf32> to vector<256x32xf32>
    %slice3A_91 = vector.extract_strided_slice %dot_general3A_11 {offsets = [0, 608], sizes = [256, 32], strides = [1, 1]} : vector<256x1024xf32> to vector<256x32xf32>
    %mul3A_92 = arith.mulf %slice3A_90, %get3A_4 : vector<256x32xf32>
    %mul3A_93 = arith.mulf %slice3A_91, %get3A_7 : vector<256x32xf32>
    %sub3A_94 = arith.subf %mul3A_92, %mul3A_93 : vector<256x32xf32>
    %mul3A_95 = arith.mulf %slice3A_90, %get3A_7 : vector<256x32xf32>
    %mul3A_96 = arith.mulf %slice3A_91, %get3A_4 : vector<256x32xf32>
    %add3A_97 = arith.addf %mul3A_95, %mul3A_96 : vector<256x32xf32>
    %slice3A_98 = vector.extract_strided_slice %dot_general3A_11 {offsets = [0, 640], sizes = [256, 32], strides = [1, 1]} : vector<256x1024xf32> to vector<256x32xf32>
    %slice3A_99 = vector.extract_strided_slice %dot_general3A_11 {offsets = [0, 672], sizes = [256, 32], strides = [1, 1]} : vector<256x1024xf32> to vector<256x32xf32>
    %mul3A_100 = arith.mulf %slice3A_98, %get3A_4 : vector<256x32xf32>
    %mul3A_101 = arith.mulf %slice3A_99, %get3A_7 : vector<256x32xf32>
    %sub3A_102 = arith.subf %mul3A_100, %mul3A_101 : vector<256x32xf32>
    %mul3A_103 = arith.mulf %slice3A_98, %get3A_7 : vector<256x32xf32>
    %mul3A_104 = arith.mulf %slice3A_99, %get3A_4 : vector<256x32xf32>
    %add3A_105 = arith.addf %mul3A_103, %mul3A_104 : vector<256x32xf32>
    %slice3A_106 = vector.extract_strided_slice %dot_general3A_11 {offsets = [0, 704], sizes = [256, 32], strides = [1, 1]} : vector<256x1024xf32> to vector<256x32xf32>
    %slice3A_107 = vector.extract_strided_slice %dot_general3A_11 {offsets = [0, 736], sizes = [256, 32], strides = [1, 1]} : vector<256x1024xf32> to vector<256x32xf32>
    %mul3A_108 = arith.mulf %slice3A_106, %get3A_4 : vector<256x32xf32>
    %mul3A_109 = arith.mulf %slice3A_107, %get3A_7 : vector<256x32xf32>
    %sub3A_110 = arith.subf %mul3A_108, %mul3A_109 : vector<256x32xf32>
    %mul3A_111 = arith.mulf %slice3A_106, %get3A_7 : vector<256x32xf32>
    %mul3A_112 = arith.mulf %slice3A_107, %get3A_4 : vector<256x32xf32>
    %add3A_113 = arith.addf %mul3A_111, %mul3A_112 : vector<256x32xf32>
    %slice3A_114 = vector.extract_strided_slice %dot_general3A_11 {offsets = [0, 768], sizes = [256, 32], strides = [1, 1]} : vector<256x1024xf32> to vector<256x32xf32>
    %slice3A_115 = vector.extract_strided_slice %dot_general3A_11 {offsets = [0, 800], sizes = [256, 32], strides = [1, 1]} : vector<256x1024xf32> to vector<256x32xf32>
    %mul3A_116 = arith.mulf %slice3A_114, %get3A_4 : vector<256x32xf32>
    %mul3A_117 = arith.mulf %slice3A_115, %get3A_7 : vector<256x32xf32>
    %sub3A_118 = arith.subf %mul3A_116, %mul3A_117 : vector<256x32xf32>
    %mul3A_119 = arith.mulf %slice3A_114, %get3A_7 : vector<256x32xf32>
    %mul3A_120 = arith.mulf %slice3A_115, %get3A_4 : vector<256x32xf32>
    %add3A_121 = arith.addf %mul3A_119, %mul3A_120 : vector<256x32xf32>
    %slice3A_122 = vector.extract_strided_slice %dot_general3A_11 {offsets = [0, 832], sizes = [256, 32], strides = [1, 1]} : vector<256x1024xf32> to vector<256x32xf32>
    %slice3A_123 = vector.extract_strided_slice %dot_general3A_11 {offsets = [0, 864], sizes = [256, 32], strides = [1, 1]} : vector<256x1024xf32> to vector<256x32xf32>
    %mul3A_124 = arith.mulf %slice3A_122, %get3A_4 : vector<256x32xf32>
    %mul3A_125 = arith.mulf %slice3A_123, %get3A_7 : vector<256x32xf32>
    %sub3A_126 = arith.subf %mul3A_124, %mul3A_125 : vector<256x32xf32>
    %mul3A_127 = arith.mulf %slice3A_122, %get3A_7 : vector<256x32xf32>
    %mul3A_128 = arith.mulf %slice3A_123, %get3A_4 : vector<256x32xf32>
    %add3A_129 = arith.addf %mul3A_127, %mul3A_128 : vector<256x32xf32>
    %slice3A_130 = vector.extract_strided_slice %dot_general3A_11 {offsets = [0, 896], sizes = [256, 32], strides = [1, 1]} : vector<256x1024xf32> to vector<256x32xf32>
    %slice3A_131 = vector.extract_strided_slice %dot_general3A_11 {offsets = [0, 928], sizes = [256, 32], strides = [1, 1]} : vector<256x1024xf32> to vector<256x32xf32>
    %mul3A_132 = arith.mulf %slice3A_130, %get3A_4 : vector<256x32xf32>
    %mul3A_133 = arith.mulf %slice3A_131, %get3A_7 : vector<256x32xf32>
    %sub3A_134 = arith.subf %mul3A_132, %mul3A_133 : vector<256x32xf32>
    %mul3A_135 = arith.mulf %slice3A_130, %get3A_7 : vector<256x32xf32>
    %mul3A_136 = arith.mulf %slice3A_131, %get3A_4 : vector<256x32xf32>
    %add3A_137 = arith.addf %mul3A_135, %mul3A_136 : vector<256x32xf32>
    %slice3A_138 = vector.extract_strided_slice %dot_general3A_11 {offsets = [0, 960], sizes = [256, 32], strides = [1, 1]} : vector<256x1024xf32> to vector<256x32xf32>
    %slice3A_139 = vector.extract_strided_slice %dot_general3A_11 {offsets = [0, 992], sizes = [256, 32], strides = [1, 1]} : vector<256x1024xf32> to vector<256x32xf32>
    %mul3A_140 = arith.mulf %slice3A_138, %get3A_4 : vector<256x32xf32>
    %mul3A_141 = arith.mulf %slice3A_139, %get3A_7 : vector<256x32xf32>
    %sub3A_142 = arith.subf %mul3A_140, %mul3A_141 : vector<256x32xf32>
    %mul3A_143 = arith.mulf %slice3A_138, %get3A_7 : vector<256x32xf32>
    %mul3A_144 = arith.mulf %slice3A_139, %get3A_4 : vector<256x32xf32>
    %add3A_145 = arith.addf %mul3A_143, %mul3A_144 : vector<256x32xf32>
    %concatenate3A = tpu.concatenate %sub3A, %add3A, %sub3A_30, %add3A_33, %sub3A_38, %add3A_41, %sub3A_46, %add3A_49, %sub3A_54, %add3A_57, %sub3A_62, %add3A_65, %sub3A_70, %add3A_73, %sub3A_78, %add3A_81, %sub3A_86, %add3A_89, %sub3A_94, %add3A_97, %sub3A_102, %add3A_105, %sub3A_110, %add3A_113, %sub3A_118, %add3A_121, %sub3A_126, %add3A_129, %sub3A_134, %add3A_137, %sub3A_142, %add3A_145 in 1 : vector<256x32xf32>, vector<256x32xf32>, vector<256x32xf32>, vector<256x32xf32>, vector<256x32xf32>, vector<256x32xf32>, vector<256x32xf32>, vector<256x32xf32>, vector<256x32xf32>, vector<256x32xf32>, vector<256x32xf32>, vector<256x32xf32>, vector<256x32xf32>, vector<256x32xf32>, vector<256x32xf32>, vector<256x32xf32>, vector<256x32xf32>, vector<256x32xf32>, vector<256x32xf32>, vector<256x32xf32>, vector<256x32xf32>, vector<256x32xf32>, vector<256x32xf32>, vector<256x32xf32>, vector<256x32xf32>, vector<256x32xf32>, vector<256x32xf32>, vector<256x32xf32>, vector<256x32xf32>, vector<256x32xf32>, vector<256x32xf32>, vector<256x32xf32> -> vector<256x1024xf32>
    %bitcast_convert_type3A = tpu.bitcast %concatenate3A : vector<256x1024xf32> -> vector<256x1024xi32>
    %shift_right_logical3A = arith.constant 16 : i32
    %shift_right_logical3A_146 = vector.broadcast %shift_right_logical3A : i32 to vector<256x1024xi32>
    %shift_right_logical3A_147 = arith.shrui %bitcast_convert_type3A, %shift_right_logical3A_146 : vector<256x1024xi32>
    %and3A = arith.constant 1 : i32
    %and3A_148 = vector.broadcast %and3A : i32 to vector<256x1024xi32>
    %and3A_149 = arith.andi %shift_right_logical3A_147, %and3A_148 : vector<256x1024xi32>
    %add3A_150 = arith.constant 32767 : i32
    %add3A_151 = vector.broadcast %add3A_150 : i32 to vector<256x1024xi32>
    %add3A_152 = arith.addi %bitcast_convert_type3A, %add3A_151 : vector<256x1024xi32>
    %add3A_153 = arith.addi %add3A_152, %and3A_149 : vector<256x1024xi32>
    %and3A_154 = arith.constant -65536 : i32
    %and3A_155 = vector.broadcast %and3A_154 : i32 to vector<256x1024xi32>
    %and3A_156 = arith.andi %add3A_153, %and3A_155 : vector<256x1024xi32>
    %bitcast_convert_type3A_157 = tpu.bitcast %and3A_156 : vector<256x1024xi32> -> vector<256x1024xf32>
    %convert_element_type3A = arith.truncf %bitcast_convert_type3A_157 : vector<256x1024xf32> to vector<256x1024xbf16>
    %swap3A = arith.constant 0 : index
    %swap3A_158 = arith.constant 0 : index
    %swap3A_159 = vector.load %arg7[%swap3A, %swap3A_158] : memref<256x1024xbf16, #tpu.memory_space<vmem>>, vector<256x1024xbf16>
    tpu.vector_store %arg7[%swap3A, %swap3A_158], %convert_element_type3A {strides = array<i32>} : memref<256x1024xbf16, #tpu.memory_space<vmem>>, vector<256x1024xbf16>,
    %slice3A_160 = vector.extract_strided_slice %dot_general3A_16 {offsets = [0, 0], sizes = [256, 32], strides = [1, 1]} : vector<256x1024xf32> to vector<256x32xf32>
    %slice3A_161 = vector.extract_strided_slice %dot_general3A_16 {offsets = [0, 32], sizes = [256, 32], strides = [1, 1]} : vector<256x1024xf32> to vector<256x32xf32>
    %mul3A_162 = arith.mulf %slice3A_160, %get3A_4 : vector<256x32xf32>
    %mul3A_163 = arith.mulf %slice3A_161, %get3A_7 : vector<256x32xf32>
    %sub3A_164 = arith.subf %mul3A_162, %mul3A_163 : vector<256x32xf32>
    %mul3A_165 = arith.mulf %slice3A_160, %get3A_7 : vector<256x32xf32>
    %mul3A_166 = arith.mulf %slice3A_161, %get3A_4 : vector<256x32xf32>
    %add3A_167 = arith.addf %mul3A_165, %mul3A_166 : vector<256x32xf32>
    %slice3A_168 = vector.extract_strided_slice %dot_general3A_16 {offsets = [0, 64], sizes = [256, 32], strides = [1, 1]} : vector<256x1024xf32> to vector<256x32xf32>
    %slice3A_169 = vector.extract_strided_slice %dot_general3A_16 {offsets = [0, 96], sizes = [256, 32], strides = [1, 1]} : vector<256x1024xf32> to vector<256x32xf32>
    %mul3A_170 = arith.mulf %slice3A_168, %get3A_4 : vector<256x32xf32>
    %mul3A_171 = arith.mulf %slice3A_169, %get3A_7 : vector<256x32xf32>
    %sub3A_172 = arith.subf %mul3A_170, %mul3A_171 : vector<256x32xf32>
    %mul3A_173 = arith.mulf %slice3A_168, %get3A_7 : vector<256x32xf32>
    %mul3A_174 = arith.mulf %slice3A_169, %get3A_4 : vector<256x32xf32>
    %add3A_175 = arith.addf %mul3A_173, %mul3A_174 : vector<256x32xf32>
    %slice3A_176 = vector.extract_strided_slice %dot_general3A_16 {offsets = [0, 128], sizes = [256, 32], strides = [1, 1]} : vector<256x1024xf32> to vector<256x32xf32>
    %slice3A_177 = vector.extract_strided_slice %dot_general3A_16 {offsets = [0, 160], sizes = [256, 32], strides = [1, 1]} : vector<256x1024xf32> to vector<256x32xf32>
    %mul3A_178 = arith.mulf %slice3A_176, %get3A_4 : vector<256x32xf32>
    %mul3A_179 = arith.mulf %slice3A_177, %get3A_7 : vector<256x32xf32>
    %sub3A_180 = arith.subf %mul3A_178, %mul3A_179 : vector<256x32xf32>
    %mul3A_181 = arith.mulf %slice3A_176, %get3A_7 : vector<256x32xf32>
    %mul3A_182 = arith.mulf %slice3A_177, %get3A_4 : vector<256x32xf32>
    %add3A_183 = arith.addf %mul3A_181, %mul3A_182 : vector<256x32xf32>
    %slice3A_184 = vector.extract_strided_slice %dot_general3A_16 {offsets = [0, 192], sizes = [256, 32], strides = [1, 1]} : vector<256x1024xf32> to vector<256x32xf32>
    %slice3A_185 = vector.extract_strided_slice %dot_general3A_16 {offsets = [0, 224], sizes = [256, 32], strides = [1, 1]} : vector<256x1024xf32> to vector<256x32xf32>
    %mul3A_186 = arith.mulf %slice3A_184, %get3A_4 : vector<256x32xf32>
    %mul3A_187 = arith.mulf %slice3A_185, %get3A_7 : vector<256x32xf32>
    %sub3A_188 = arith.subf %mul3A_186, %mul3A_187 : vector<256x32xf32>
    %mul3A_189 = arith.mulf %slice3A_184, %get3A_7 : vector<256x32xf32>
    %mul3A_190 = arith.mulf %slice3A_185, %get3A_4 : vector<256x32xf32>
    %add3A_191 = arith.addf %mul3A_189, %mul3A_190 : vector<256x32xf32>
    %slice3A_192 = vector.extract_strided_slice %dot_general3A_16 {offsets = [0, 256], sizes = [256, 32], strides = [1, 1]} : vector<256x1024xf32> to vector<256x32xf32>
    %slice3A_193 = vector.extract_strided_slice %dot_general3A_16 {offsets = [0, 288], sizes = [256, 32], strides = [1, 1]} : vector<256x1024xf32> to vector<256x32xf32>
    %mul3A_194 = arith.mulf %slice3A_192, %get3A_4 : vector<256x32xf32>
    %mul3A_195 = arith.mulf %slice3A_193, %get3A_7 : vector<256x32xf32>
    %sub3A_196 = arith.subf %mul3A_194, %mul3A_195 : vector<256x32xf32>
    %mul3A_197 = arith.mulf %slice3A_192, %get3A_7 : vector<256x32xf32>
    %mul3A_198 = arith.mulf %slice3A_193, %get3A_4 : vector<256x32xf32>
    %add3A_199 = arith.addf %mul3A_197, %mul3A_198 : vector<256x32xf32>
    %slice3A_200 = vector.extract_strided_slice %dot_general3A_16 {offsets = [0, 320], sizes = [256, 32], strides = [1, 1]} : vector<256x1024xf32> to vector<256x32xf32>
    %slice3A_201 = vector.extract_strided_slice %dot_general3A_16 {offsets = [0, 352], sizes = [256, 32], strides = [1, 1]} : vector<256x1024xf32> to vector<256x32xf32>
    %mul3A_202 = arith.mulf %slice3A_200, %get3A_4 : vector<256x32xf32>
    %mul3A_203 = arith.mulf %slice3A_201, %get3A_7 : vector<256x32xf32>
    %sub3A_204 = arith.subf %mul3A_202, %mul3A_203 : vector<256x32xf32>
    %mul3A_205 = arith.mulf %slice3A_200, %get3A_7 : vector<256x32xf32>
    %mul3A_206 = arith.mulf %slice3A_201, %get3A_4 : vector<256x32xf32>
    %add3A_207 = arith.addf %mul3A_205, %mul3A_206 : vector<256x32xf32>
    %slice3A_208 = vector.extract_strided_slice %dot_general3A_16 {offsets = [0, 384], sizes = [256, 32], strides = [1, 1]} : vector<256x1024xf32> to vector<256x32xf32>
    %slice3A_209 = vector.extract_strided_slice %dot_general3A_16 {offsets = [0, 416], sizes = [256, 32], strides = [1, 1]} : vector<256x1024xf32> to vector<256x32xf32>
    %mul3A_210 = arith.mulf %slice3A_208, %get3A_4 : vector<256x32xf32>
    %mul3A_211 = arith.mulf %slice3A_209, %get3A_7 : vector<256x32xf32>
    %sub3A_212 = arith.subf %mul3A_210, %mul3A_211 : vector<256x32xf32>
    %mul3A_213 = arith.mulf %slice3A_208, %get3A_7 : vector<256x32xf32>
    %mul3A_214 = arith.mulf %slice3A_209, %get3A_4 : vector<256x32xf32>
    %add3A_215 = arith.addf %mul3A_213, %mul3A_214 : vector<256x32xf32>
    %slice3A_216 = vector.extract_strided_slice %dot_general3A_16 {offsets = [0, 448], sizes = [256, 32], strides = [1, 1]} : vector<256x1024xf32> to vector<256x32xf32>
    %slice3A_217 = vector.extract_strided_slice %dot_general3A_16 {offsets = [0, 480], sizes = [256, 32], strides = [1, 1]} : vector<256x1024xf32> to vector<256x32xf32>
    %mul3A_218 = arith.mulf %slice3A_216, %get3A_4 : vector<256x32xf32>
    %mul3A_219 = arith.mulf %slice3A_217, %get3A_7 : vector<256x32xf32>
    %sub3A_220 = arith.subf %mul3A_218, %mul3A_219 : vector<256x32xf32>
    %mul3A_221 = arith.mulf %slice3A_216, %get3A_7 : vector<256x32xf32>
    %mul3A_222 = arith.mulf %slice3A_217, %get3A_4 : vector<256x32xf32>
    %add3A_223 = arith.addf %mul3A_221, %mul3A_222 : vector<256x32xf32>
    %slice3A_224 = vector.extract_strided_slice %dot_general3A_16 {offsets = [0, 512], sizes = [256, 32], strides = [1, 1]} : vector<256x1024xf32> to vector<256x32xf32>
    %slice3A_225 = vector.extract_strided_slice %dot_general3A_16 {offsets = [0, 544], sizes = [256, 32], strides = [1, 1]} : vector<256x1024xf32> to vector<256x32xf32>
    %mul3A_226 = arith.mulf %slice3A_224, %get3A_4 : vector<256x32xf32>
    %mul3A_227 = arith.mulf %slice3A_225, %get3A_7 : vector<256x32xf32>
    %sub3A_228 = arith.subf %mul3A_226, %mul3A_227 : vector<256x32xf32>
    %mul3A_229 = arith.mulf %slice3A_224, %get3A_7 : vector<256x32xf32>
    %mul3A_230 = arith.mulf %slice3A_225, %get3A_4 : vector<256x32xf32>
    %add3A_231 = arith.addf %mul3A_229, %mul3A_230 : vector<256x32xf32>
    %slice3A_232 = vector.extract_strided_slice %dot_general3A_16 {offsets = [0, 576], sizes = [256, 32], strides = [1, 1]} : vector<256x1024xf32> to vector<256x32xf32>
    %slice3A_233 = vector.extract_strided_slice %dot_general3A_16 {offsets = [0, 608], sizes = [256, 32], strides = [1, 1]} : vector<256x1024xf32> to vector<256x32xf32>
    %mul3A_234 = arith.mulf %slice3A_232, %get3A_4 : vector<256x32xf32>
    %mul3A_235 = arith.mulf %slice3A_233, %get3A_7 : vector<256x32xf32>
    %sub3A_236 = arith.subf %mul3A_234, %mul3A_235 : vector<256x32xf32>
    %mul3A_237 = arith.mulf %slice3A_232, %get3A_7 : vector<256x32xf32>
    %mul3A_238 = arith.mulf %slice3A_233, %get3A_4 : vector<256x32xf32>
    %add3A_239 = arith.addf %mul3A_237, %mul3A_238 : vector<256x32xf32>
    %slice3A_240 = vector.extract_strided_slice %dot_general3A_16 {offsets = [0, 640], sizes = [256, 32], strides = [1, 1]} : vector<256x1024xf32> to vector<256x32xf32>
    %slice3A_241 = vector.extract_strided_slice %dot_general3A_16 {offsets = [0, 672], sizes = [256, 32], strides = [1, 1]} : vector<256x1024xf32> to vector<256x32xf32>
    %mul3A_242 = arith.mulf %slice3A_240, %get3A_4 : vector<256x32xf32>
    %mul3A_243 = arith.mulf %slice3A_241, %get3A_7 : vector<256x32xf32>
    %sub3A_244 = arith.subf %mul3A_242, %mul3A_243 : vector<256x32xf32>
    %mul3A_245 = arith.mulf %slice3A_240, %get3A_7 : vector<256x32xf32>
    %mul3A_246 = arith.mulf %slice3A_241, %get3A_4 : vector<256x32xf32>
    %add3A_247 = arith.addf %mul3A_245, %mul3A_246 : vector<256x32xf32>
    %slice3A_248 = vector.extract_strided_slice %dot_general3A_16 {offsets = [0, 704], sizes = [256, 32], strides = [1, 1]} : vector<256x1024xf32> to vector<256x32xf32>
    %slice3A_249 = vector.extract_strided_slice %dot_general3A_16 {offsets = [0, 736], sizes = [256, 32], strides = [1, 1]} : vector<256x1024xf32> to vector<256x32xf32>
    %mul3A_250 = arith.mulf %slice3A_248, %get3A_4 : vector<256x32xf32>
    %mul3A_251 = arith.mulf %slice3A_249, %get3A_7 : vector<256x32xf32>
    %sub3A_252 = arith.subf %mul3A_250, %mul3A_251 : vector<256x32xf32>
    %mul3A_253 = arith.mulf %slice3A_248, %get3A_7 : vector<256x32xf32>
    %mul3A_254 = arith.mulf %slice3A_249, %get3A_4 : vector<256x32xf32>
    %add3A_255 = arith.addf %mul3A_253, %mul3A_254 : vector<256x32xf32>
    %slice3A_256 = vector.extract_strided_slice %dot_general3A_16 {offsets = [0, 768], sizes = [256, 32], strides = [1, 1]} : vector<256x1024xf32> to vector<256x32xf32>
    %slice3A_257 = vector.extract_strided_slice %dot_general3A_16 {offsets = [0, 800], sizes = [256, 32], strides = [1, 1]} : vector<256x1024xf32> to vector<256x32xf32>
    %mul3A_258 = arith.mulf %slice3A_256, %get3A_4 : vector<256x32xf32>
    %mul3A_259 = arith.mulf %slice3A_257, %get3A_7 : vector<256x32xf32>
    %sub3A_260 = arith.subf %mul3A_258, %mul3A_259 : vector<256x32xf32>
    %mul3A_261 = arith.mulf %slice3A_256, %get3A_7 : vector<256x32xf32>
    %mul3A_262 = arith.mulf %slice3A_257, %get3A_4 : vector<256x32xf32>
    %add3A_263 = arith.addf %mul3A_261, %mul3A_262 : vector<256x32xf32>
    %slice3A_264 = vector.extract_strided_slice %dot_general3A_16 {offsets = [0, 832], sizes = [256, 32], strides = [1, 1]} : vector<256x1024xf32> to vector<256x32xf32>
    %slice3A_265 = vector.extract_strided_slice %dot_general3A_16 {offsets = [0, 864], sizes = [256, 32], strides = [1, 1]} : vector<256x1024xf32> to vector<256x32xf32>
    %mul3A_266 = arith.mulf %slice3A_264, %get3A_4 : vector<256x32xf32>
    %mul3A_267 = arith.mulf %slice3A_265, %get3A_7 : vector<256x32xf32>
    %sub3A_268 = arith.subf %mul3A_266, %mul3A_267 : vector<256x32xf32>
    %mul3A_269 = arith.mulf %slice3A_264, %get3A_7 : vector<256x32xf32>
    %mul3A_270 = arith.mulf %slice3A_265, %get3A_4 : vector<256x32xf32>
    %add3A_271 = arith.addf %mul3A_269, %mul3A_270 : vector<256x32xf32>
    %slice3A_272 = vector.extract_strided_slice %dot_general3A_16 {offsets = [0, 896], sizes = [256, 32], strides = [1, 1]} : vector<256x1024xf32> to vector<256x32xf32>
    %slice3A_273 = vector.extract_strided_slice %dot_general3A_16 {offsets = [0, 928], sizes = [256, 32], strides = [1, 1]} : vector<256x1024xf32> to vector<256x32xf32>
    %mul3A_274 = arith.mulf %slice3A_272, %get3A_4 : vector<256x32xf32>
    %mul3A_275 = arith.mulf %slice3A_273, %get3A_7 : vector<256x32xf32>
    %sub3A_276 = arith.subf %mul3A_274, %mul3A_275 : vector<256x32xf32>
    %mul3A_277 = arith.mulf %slice3A_272, %get3A_7 : vector<256x32xf32>
    %mul3A_278 = arith.mulf %slice3A_273, %get3A_4 : vector<256x32xf32>
    %add3A_279 = arith.addf %mul3A_277, %mul3A_278 : vector<256x32xf32>
    %slice3A_280 = vector.extract_strided_slice %dot_general3A_16 {offsets = [0, 960], sizes = [256, 32], strides = [1, 1]} : vector<256x1024xf32> to vector<256x32xf32>
    %slice3A_281 = vector.extract_strided_slice %dot_general3A_16 {offsets = [0, 992], sizes = [256, 32], strides = [1, 1]} : vector<256x1024xf32> to vector<256x32xf32>
    %mul3A_282 = arith.mulf %slice3A_280, %get3A_4 : vector<256x32xf32>
    %mul3A_283 = arith.mulf %slice3A_281, %get3A_7 : vector<256x32xf32>
    %sub3A_284 = arith.subf %mul3A_282, %mul3A_283 : vector<256x32xf32>
    %mul3A_285 = arith.mulf %slice3A_280, %get3A_7 : vector<256x32xf32>
    %mul3A_286 = arith.mulf %slice3A_281, %get3A_4 : vector<256x32xf32>
    %add3A_287 = arith.addf %mul3A_285, %mul3A_286 : vector<256x32xf32>
    %concatenate3A_288 = tpu.concatenate %sub3A_164, %add3A_167, %sub3A_172, %add3A_175, %sub3A_180, %add3A_183, %sub3A_188, %add3A_191, %sub3A_196, %add3A_199, %sub3A_204, %add3A_207, %sub3A_212, %add3A_215, %sub3A_220, %add3A_223, %sub3A_228, %add3A_231, %sub3A_236, %add3A_239, %sub3A_244, %add3A_247, %sub3A_252, %add3A_255, %sub3A_260, %add3A_263, %sub3A_268, %add3A_271, %sub3A_276, %add3A_279, %sub3A_284, %add3A_287 in 1 : vector<256x32xf32>, vector<256x32xf32>, vector<256x32xf32>, vector<256x32xf32>, vector<256x32xf32>, vector<256x32xf32>, vector<256x32xf32>, vector<256x32xf32>, vector<256x32xf32>, vector<256x32xf32>, vector<256x32xf32>, vector<256x32xf32>, vector<256x32xf32>, vector<256x32xf32>, vector<256x32xf32>, vector<256x32xf32>, vector<256x32xf32>, vector<256x32xf32>, vector<256x32xf32>, vector<256x32xf32>, vector<256x32xf32>, vector<256x32xf32>, vector<256x32xf32>, vector<256x32xf32>, vector<256x32xf32>, vector<256x32xf32>, vector<256x32xf32>, vector<256x32xf32>, vector<256x32xf32>, vector<256x32xf32>, vector<256x32xf32>, vector<256x32xf32> -> vector<256x1024xf32>
    %bitcast_convert_type3A_289 = tpu.bitcast %concatenate3A_288 : vector<256x1024xf32> -> vector<256x1024xi32>
    %shift_right_logical3A_290 = arith.constant 16 : i32
    %shift_right_logical3A_291 = vector.broadcast %shift_right_logical3A_290 : i32 to vector<256x1024xi32>
    %shift_right_logical3A_292 = arith.shrui %bitcast_convert_type3A_289, %shift_right_logical3A_291 : vector<256x1024xi32>
    %and3A_293 = arith.constant 1 : i32
    %and3A_294 = vector.broadcast %and3A_293 : i32 to vector<256x1024xi32>
    %and3A_295 = arith.andi %shift_right_logical3A_292, %and3A_294 : vector<256x1024xi32>
    %add3A_296 = arith.constant 32767 : i32
    %add3A_297 = vector.broadcast %add3A_296 : i32 to vector<256x1024xi32>
    %add3A_298 = arith.addi %bitcast_convert_type3A_289, %add3A_297 : vector<256x1024xi32>
    %add3A_299 = arith.addi %add3A_298, %and3A_295 : vector<256x1024xi32>
    %and3A_300 = arith.constant -65536 : i32
    %and3A_301 = vector.broadcast %and3A_300 : i32 to vector<256x1024xi32>
    %and3A_302 = arith.andi %add3A_299, %and3A_301 : vector<256x1024xi32>
    %bitcast_convert_type3A_303 = tpu.bitcast %and3A_302 : vector<256x1024xi32> -> vector<256x1024xf32>
    %convert_element_type3A_304 = arith.truncf %bitcast_convert_type3A_303 : vector<256x1024xf32> to vector<256x1024xbf16>
    %swap3A_305 = arith.constant 0 : index
    %swap3A_306 = arith.constant 0 : index
    %swap3A_307 = vector.load %arg8[%swap3A_305, %swap3A_306] : memref<256x1024xbf16, #tpu.memory_space<vmem>>, vector<256x1024xbf16>
    tpu.vector_store %arg8[%swap3A_305, %swap3A_306], %convert_element_type3A_304 {strides = array<i32>} : memref<256x1024xbf16, #tpu.memory_space<vmem>>, vector<256x1024xbf16>,
    %bitcast_convert_type3A_308 = tpu.bitcast %dot_general3A_21 : vector<256x1024xf32> -> vector<256x1024xi32>
    %shift_right_logical3A_309 = arith.constant 16 : i32
    %shift_right_logical3A_310 = vector.broadcast %shift_right_logical3A_309 : i32 to vector<256x1024xi32>
    %shift_right_logical3A_311 = arith.shrui %bitcast_convert_type3A_308, %shift_right_logical3A_310 : vector<256x1024xi32>
    %and3A_312 = arith.constant 1 : i32
    %and3A_313 = vector.broadcast %and3A_312 : i32 to vector<256x1024xi32>
    %and3A_314 = arith.andi %shift_right_logical3A_311, %and3A_313 : vector<256x1024xi32>
    %add3A_315 = arith.constant 32767 : i32
    %add3A_316 = vector.broadcast %add3A_315 : i32 to vector<256x1024xi32>
    %add3A_317 = arith.addi %bitcast_convert_type3A_308, %add3A_316 : vector<256x1024xi32>
    %add3A_318 = arith.addi %add3A_317, %and3A_314 : vector<256x1024xi32>
    %and3A_319 = arith.constant -65536 : i32
    %and3A_320 = vector.broadcast %and3A_319 : i32 to vector<256x1024xi32>
    %and3A_321 = arith.andi %add3A_318, %and3A_320 : vector<256x1024xi32>
    %bitcast_convert_type3A_322 = tpu.bitcast %and3A_321 : vector<256x1024xi32> -> vector<256x1024xf32>
    %convert_element_type3A_323 = arith.truncf %bitcast_convert_type3A_322 : vector<256x1024xf32> to vector<256x1024xbf16>
    %swap3A_324 = arith.constant 0 : index
    %swap3A_325 = arith.constant 0 : index
    %swap3A_326 = vector.load %arg9[%swap3A_324, %swap3A_325] : memref<256x1024xbf16, #tpu.memory_space<vmem>>, vector<256x1024xbf16>
    tpu.vector_store %arg9[%swap3A_324, %swap3A_325], %convert_element_type3A_323 {strides = array<i32>} : memref<256x1024xbf16, #tpu.memory_space<vmem>>, vector<256x1024xbf16>,
    return
  }
  func.func @transform_0(%arg0: i32) -> (i32, i32) {
    %c0_i32 = arith.constant 0 : i32
    %c0_i32_0 = arith.constant 0 : i32
    return %arg0, %c0_i32 : i32, i32
  }
  func.func @transform_1(%arg0: i32) -> (i32, i32) {
    %c0_i32 = arith.constant 0 : i32
    %c0_i32_0 = arith.constant 0 : i32
    return %arg0, %c0_i32 : i32, i32
  }
  func.func @transform_2(%arg0: i32) -> (i32, i32) {
    %c0_i32 = arith.constant 0 : i32
    %c0_i32_0 = arith.constant 0 : i32
    return %arg0, %c0_i32 : i32, i32
  }
  func.func @transform_3(%arg0: i32) -> (i32, i32) {
    %c0_i32 = arith.constant 0 : i32
    %c0_i32_0 = arith.constant 0 : i32
    %c0_i32_1 = arith.constant 0 : i32
    return %c0_i32, %c0_i32_0 : i32, i32
  }
  func.func @transform_4(%arg0: i32) -> (i32, i32) {
    %c0_i32 = arith.constant 0 : i32
    %c0_i32_0 = arith.constant 0 : i32
    %c0_i32_1 = arith.constant 0 : i32
    return %c0_i32, %c0_i32_0 : i32, i32
  }
  func.func @transform_5(%arg0: i32) -> (i32, i32) {
    %c0_i32 = arith.constant 0 : i32
    %c0_i32_0 = arith.constant 0 : i32
    %c0_i32_1 = arith.constant 0 : i32
    return %c0_i32, %c0_i32_0 : i32, i32
  }
  func.func @transform_6(%arg0: i32) -> (i32, i32) {
    %c0_i32 = arith.constant 0 : i32
    %c0_i32_0 = arith.constant 0 : i32
    return %arg0, %c0_i32 : i32, i32
  }
  func.func @transform_7(%arg0: i32) -> (i32, i32) {
    %c0_i32 = arith.constant 0 : i32
    %c0_i32_0 = arith.constant 0 : i32
    return %arg0, %c0_i32 : i32, i32
  }
  func.func @transform_8(%arg0: i32) -> (i32, i32) {
    %c0_i32 = arith.constant 0 : i32
    %c0_i32_0 = arith.constant 0 : i32
    return %arg0, %c0_i32 : i32, i32
  }
}

module attributes {stable_mosaic.version = 14 : i64} {
  func.func @_oproj_body(%arg0: i32, %arg1: memref<256x1024xf32, #tpu.memory_space<vmem>>, %arg2: memref<256x1024xbf16, #tpu.memory_space<vmem>>, %arg3: memref<1024x1024xbf16, #tpu.memory_space<vmem>>, %arg4: memref<256x1024xf32, #tpu.memory_space<vmem>>) attributes {dimension_semantics = [#tpu.dimension_semantics<arbitrary>], iteration_bounds = array<i64: 8>, scalar_prefetch = 0 : i64, scratch_operands = 0 : i64, tpu.core_type = #tpu.core_type<tc>, window_params = [{transform_indices = @transform_0, window_bounds = array<i64: 256, 1024>}, {transform_indices = @transform_1, window_bounds = array<i64: 256, 1024>}, {pipeline_mode = #tpu.pipeline_mode<synchronous>, transform_indices = @transform_2, window_bounds = array<i64: 1024, 1024>}, {transform_indices = @transform_3, window_bounds = array<i64: 256, 1024>}]} {
    %get3A = arith.constant 0 : index
    %get3A_0 = arith.constant 0 : index
    %get3A_1 = vector.load %arg1[%get3A, %get3A_0] : memref<256x1024xf32, #tpu.memory_space<vmem>>, vector<256x1024xf32>
    %get3A_2 = arith.constant 0 : index
    %get3A_3 = arith.constant 0 : index
    %get3A_4 = vector.load %arg2[%get3A_2, %get3A_3] : memref<256x1024xbf16, #tpu.memory_space<vmem>>, vector<256x1024xbf16>
    %get3A_5 = arith.constant 0 : index
    %get3A_6 = arith.constant 0 : index
    %get3A_7 = vector.load %arg3[%get3A_5, %get3A_6] : memref<1024x1024xbf16, #tpu.memory_space<vmem>>, vector<1024x1024xbf16>
    %dot_general3A = arith.constant dense<0.000000e+00> : vector<256x1024xf32>
    %dot_general3A_8 = tpu.matmul %get3A_4, %get3A_7, %dot_general3A {dimension_numbers = #tpu.dot_dimension_numbers<[1], [0], [0], [1], [0, 0, 1, 1], [], []>, transpose_lhs_hint = false} : vector<256x1024xbf16>, vector<1024x1024xbf16>, vector<256x1024xf32> -> vector<256x1024xf32>
    %add3A = arith.addf %get3A_1, %dot_general3A_8 : vector<256x1024xf32>
    %swap3A = arith.constant 0 : index
    %swap3A_9 = arith.constant 0 : index
    %swap3A_10 = vector.load %arg4[%swap3A, %swap3A_9] : memref<256x1024xf32, #tpu.memory_space<vmem>>, vector<256x1024xf32>
    tpu.vector_store %arg4[%swap3A, %swap3A_9], %add3A {strides = array<i32>} : memref<256x1024xf32, #tpu.memory_space<vmem>>, vector<256x1024xf32>,
    return
  }
  func.func @transform_0(%arg0: i32) -> (i32, i32) {
    %c0_i32 = arith.constant 0 : i32
    %c0_i32_0 = arith.constant 0 : i32
    return %arg0, %c0_i32 : i32, i32
  }
  func.func @transform_1(%arg0: i32) -> (i32, i32) {
    %c0_i32 = arith.constant 0 : i32
    %c0_i32_0 = arith.constant 0 : i32
    return %arg0, %c0_i32 : i32, i32
  }
  func.func @transform_2(%arg0: i32) -> (i32, i32) {
    %c0_i32 = arith.constant 0 : i32
    %c0_i32_0 = arith.constant 0 : i32
    %c0_i32_1 = arith.constant 0 : i32
    return %c0_i32, %c0_i32_0 : i32, i32
  }
  func.func @transform_3(%arg0: i32) -> (i32, i32) {
    %c0_i32 = arith.constant 0 : i32
    %c0_i32_0 = arith.constant 0 : i32
    return %arg0, %c0_i32 : i32, i32
  }
}

module attributes {stable_mosaic.version = 14 : i64} {
  func.func @_shared_up_router_body(%arg0: i32, %arg1: memref<256x1024xbf16, #tpu.memory_space<vmem>>, %arg2: memref<1024x1024xbf16, #tpu.memory_space<vmem>>, %arg3: memref<1024x1024xbf16, #tpu.memory_space<vmem>>, %arg4: memref<1024x8xbf16, #tpu.memory_space<vmem>>, %arg5: memref<1x8xf32, #tpu.memory_space<vmem>>, %arg6: memref<256x1024xf32, #tpu.memory_space<vmem>>, %arg7: memref<256x1024xf32, #tpu.memory_space<vmem>>, %arg8: memref<256x2xi32, #tpu.memory_space<vmem>>, %arg9: memref<256x2xf32, #tpu.memory_space<vmem>>) attributes {dimension_semantics = [#tpu.dimension_semantics<arbitrary>], iteration_bounds = array<i64: 8>, scalar_prefetch = 0 : i64, scratch_operands = 0 : i64, tpu.core_type = #tpu.core_type<tc>, window_params = [{transform_indices = @transform_0, window_bounds = array<i64: 256, 1024>}, {pipeline_mode = #tpu.pipeline_mode<synchronous>, transform_indices = @transform_1, window_bounds = array<i64: 1024, 1024>}, {pipeline_mode = #tpu.pipeline_mode<synchronous>, transform_indices = @transform_2, window_bounds = array<i64: 1024, 1024>}, {pipeline_mode = #tpu.pipeline_mode<synchronous>, transform_indices = @transform_3, window_bounds = array<i64: 1024, 8>}, {pipeline_mode = #tpu.pipeline_mode<synchronous>, transform_indices = @transform_4, window_bounds = array<i64: 1, 8>}, {transform_indices = @transform_5, window_bounds = array<i64: 256, 1024>}, {transform_indices = @transform_6, window_bounds = array<i64: 256, 1024>}, {transform_indices = @transform_7, window_bounds = array<i64: 256, 2>}, {transform_indices = @transform_8, window_bounds = array<i64: 256, 2>}]} {
    %get3A = arith.constant 0 : index
    %get3A_0 = arith.constant 0 : index
    %get3A_1 = vector.load %arg1[%get3A, %get3A_0] : memref<256x1024xbf16, #tpu.memory_space<vmem>>, vector<256x1024xbf16>
    %get3A_2 = arith.constant 0 : index
    %get3A_3 = arith.constant 0 : index
    %get3A_4 = vector.load %arg2[%get3A_2, %get3A_3] : memref<1024x1024xbf16, #tpu.memory_space<vmem>>, vector<1024x1024xbf16>
    %dot_general3A = arith.constant dense<0.000000e+00> : vector<256x1024xf32>
    %dot_general3A_5 = tpu.matmul %get3A_1, %get3A_4, %dot_general3A {dimension_numbers = #tpu.dot_dimension_numbers<[1], [0], [0], [1], [0, 0, 1, 1], [], []>, transpose_lhs_hint = false} : vector<256x1024xbf16>, vector<1024x1024xbf16>, vector<256x1024xf32> -> vector<256x1024xf32>
    %swap3A = arith.constant 0 : index
    %swap3A_6 = arith.constant 0 : index
    %swap3A_7 = vector.load %arg6[%swap3A, %swap3A_6] : memref<256x1024xf32, #tpu.memory_space<vmem>>, vector<256x1024xf32>
    tpu.vector_store %arg6[%swap3A, %swap3A_6], %dot_general3A_5 {strides = array<i32>} : memref<256x1024xf32, #tpu.memory_space<vmem>>, vector<256x1024xf32>,
    %get3A_8 = arith.constant 0 : index
    %get3A_9 = arith.constant 0 : index
    %get3A_10 = vector.load %arg3[%get3A_8, %get3A_9] : memref<1024x1024xbf16, #tpu.memory_space<vmem>>, vector<1024x1024xbf16>
    %dot_general3A_11 = arith.constant dense<0.000000e+00> : vector<256x1024xf32>
    %dot_general3A_12 = tpu.matmul %get3A_1, %get3A_10, %dot_general3A_11 {dimension_numbers = #tpu.dot_dimension_numbers<[1], [0], [0], [1], [0, 0, 1, 1], [], []>, transpose_lhs_hint = false} : vector<256x1024xbf16>, vector<1024x1024xbf16>, vector<256x1024xf32> -> vector<256x1024xf32>
    %swap3A_13 = arith.constant 0 : index
    %swap3A_14 = arith.constant 0 : index
    %swap3A_15 = vector.load %arg7[%swap3A_13, %swap3A_14] : memref<256x1024xf32, #tpu.memory_space<vmem>>, vector<256x1024xf32>
    tpu.vector_store %arg7[%swap3A_13, %swap3A_14], %dot_general3A_12 {strides = array<i32>} : memref<256x1024xf32, #tpu.memory_space<vmem>>, vector<256x1024xf32>,
    %get3A_16 = arith.constant 0 : index
    %get3A_17 = arith.constant 0 : index
    %get3A_18 = vector.load %arg4[%get3A_16, %get3A_17] : memref<1024x8xbf16, #tpu.memory_space<vmem>>, vector<1024x8xbf16>
    %dot_general3A_19 = arith.constant dense<0.000000e+00> : vector<256x8xf32>
    %dot_general3A_20 = tpu.matmul %get3A_1, %get3A_18, %dot_general3A_19 {dimension_numbers = #tpu.dot_dimension_numbers<[1], [0], [0], [1], [0, 0, 1, 1], [], []>, transpose_lhs_hint = false} : vector<256x1024xbf16>, vector<1024x8xbf16>, vector<256x8xf32> -> vector<256x8xf32>
    %logistic3A = arith.negf %dot_general3A_20 : vector<256x8xf32>
    %logistic3A_21 = math.exp %logistic3A : vector<256x8xf32>
    %logistic3A_22 = arith.constant 1.000000e+00 : f32
    %logistic3A_23 = vector.broadcast %logistic3A_22 : f32 to vector<256x8xf32>
    %logistic3A_24 = arith.addf %logistic3A_23, %logistic3A_21 : vector<256x8xf32>
    %logistic3A_25 = arith.divf %logistic3A_23, %logistic3A_24 : vector<256x8xf32>
    %get3A_26 = arith.constant 0 : index
    %get3A_27 = arith.constant 0 : index
    %get3A_28 = vector.load %arg5[%get3A_26, %get3A_27] : memref<1x8xf32, #tpu.memory_space<vmem>>, vector<1x8xf32>
    %add3A = vector.broadcast %get3A_28 : vector<1x8xf32> to vector<256x8xf32>
    %add3A_29 = arith.addf %logistic3A_25, %add3A : vector<256x8xf32>
    %iota3A = tpu.iota {dimensions = array<i32: 1>} : vector<256x8xi32>
    %reduce_max3A = arith.constant dense<0xFF800000> : vector<256xf32>
    %reduce_max3A_30 = vector.multi_reduction <maximumf>, %add3A_29, %reduce_max3A [1] : vector<256x8xf32> to vector<256xf32>
    %broadcast_in_dim3A = vector.shape_cast %reduce_max3A_30 : vector<256xf32> to vector<256x1xf32>
    %eq3A = vector.broadcast %broadcast_in_dim3A : vector<256x1xf32> to vector<256x8xf32>
    %eq3A_31 = arith.cmpf oeq, %add3A_29, %eq3A : vector<256x8xf32>
    %jit3A = arith.constant 8 : i32
    %broadcast_in_dim3A_32 = vector.broadcast %jit3A : i32 to vector<256x8xi32>
    %select_n3A = arith.select %eq3A_31, %iota3A, %broadcast_in_dim3A_32 : vector<256x8xi1>, vector<256x8xi32>
    %reduce_min3A = arith.constant dense<2147483647> : vector<256xi32>
    %reduce_min3A_33 = vector.multi_reduction <minsi>, %select_n3A, %reduce_min3A [1] : vector<256x8xi32> to vector<256xi32>
    %broadcast_in_dim3A_34 = vector.shape_cast %reduce_min3A_33 : vector<256xi32> to vector<256x1xi32>
    %eq3A_35 = vector.broadcast %broadcast_in_dim3A_34 : vector<256x1xi32> to vector<256x8xi32>
    %eq3A_36 = arith.cmpi eq, %iota3A, %eq3A_35 : vector<256x8xi32>
    %jit3A_37 = arith.constant 0xFF800000 : f32
    %broadcast_in_dim3A_38 = vector.broadcast %jit3A_37 : f32 to vector<256x8xf32>
    %select_n3A_39 = arith.select %eq3A_36, %broadcast_in_dim3A_38, %add3A_29 : vector<256x8xi1>, vector<256x8xf32>
    %reduce_max3A_40 = arith.constant dense<0xFF800000> : vector<256xf32>
    %reduce_max3A_41 = vector.multi_reduction <maximumf>, %select_n3A_39, %reduce_max3A_40 [1] : vector<256x8xf32> to vector<256xf32>
    %broadcast_in_dim3A_42 = vector.shape_cast %reduce_max3A_41 : vector<256xf32> to vector<256x1xf32>
    %eq3A_43 = vector.broadcast %broadcast_in_dim3A_42 : vector<256x1xf32> to vector<256x8xf32>
    %eq3A_44 = arith.cmpf oeq, %select_n3A_39, %eq3A_43 : vector<256x8xf32>
    %jit3A_45 = arith.constant 8 : i32
    %broadcast_in_dim3A_46 = vector.broadcast %jit3A_45 : i32 to vector<256x8xi32>
    %select_n3A_47 = arith.select %eq3A_44, %iota3A, %broadcast_in_dim3A_46 : vector<256x8xi1>, vector<256x8xi32>
    %reduce_min3A_48 = arith.constant dense<2147483647> : vector<256xi32>
    %reduce_min3A_49 = vector.multi_reduction <minsi>, %select_n3A_47, %reduce_min3A_48 [1] : vector<256x8xi32> to vector<256xi32>
    %broadcast_in_dim3A_50 = vector.shape_cast %reduce_min3A_49 : vector<256xi32> to vector<256x1xi32>
    %eq3A_51 = vector.broadcast %broadcast_in_dim3A_50 : vector<256x1xi32> to vector<256x8xi32>
    %eq3A_52 = arith.cmpi eq, %iota3A, %eq3A_51 : vector<256x8xi32>
    %jit3A_53 = arith.constant 0.000000e+00 : f32
    %broadcast_in_dim3A_54 = vector.broadcast %jit3A_53 : f32 to vector<256x8xf32>
    %select_n3A_55 = arith.select %eq3A_36, %logistic3A_25, %broadcast_in_dim3A_54 : vector<256x8xi1>, vector<256x8xf32>
    %reduce_sum3A = arith.constant dense<0.000000e+00> : vector<256xf32>
    %reduce_sum3A_56 = vector.multi_reduction <add>, %select_n3A_55, %reduce_sum3A [1] : vector<256x8xf32> to vector<256xf32>
    %broadcast_in_dim3A_57 = vector.shape_cast %reduce_sum3A_56 : vector<256xf32> to vector<256x1xf32>
    %jit3A_58 = arith.constant 0.000000e+00 : f32
    %broadcast_in_dim3A_59 = vector.broadcast %jit3A_58 : f32 to vector<256x8xf32>
    %select_n3A_60 = arith.select %eq3A_52, %logistic3A_25, %broadcast_in_dim3A_59 : vector<256x8xi1>, vector<256x8xf32>
    %reduce_sum3A_61 = arith.constant dense<0.000000e+00> : vector<256xf32>
    %reduce_sum3A_62 = vector.multi_reduction <add>, %select_n3A_60, %reduce_sum3A_61 [1] : vector<256x8xf32> to vector<256xf32>
    %broadcast_in_dim3A_63 = vector.shape_cast %reduce_sum3A_62 : vector<256xf32> to vector<256x1xf32>
    %add3A_64 = arith.addf %broadcast_in_dim3A_57, %broadcast_in_dim3A_63 : vector<256x1xf32>
    %add3A_65 = arith.constant 9.99999971E-10 : f32
    %add3A_66 = vector.broadcast %add3A_65 : f32 to vector<256x1xf32>
    %add3A_67 = arith.addf %add3A_64, %add3A_66 : vector<256x1xf32>
    %concatenate3A = tpu.concatenate %broadcast_in_dim3A_34, %broadcast_in_dim3A_50 in 1 : vector<256x1xi32>, vector<256x1xi32> -> vector<256x2xi32>
    %swap3A_68 = arith.constant 0 : index
    %swap3A_69 = arith.constant 0 : index
    %swap3A_70 = vector.load %arg8[%swap3A_68, %swap3A_69] : memref<256x2xi32, #tpu.memory_space<vmem>>, vector<256x2xi32>
    tpu.vector_store %arg8[%swap3A_68, %swap3A_69], %concatenate3A {strides = array<i32>} : memref<256x2xi32, #tpu.memory_space<vmem>>, vector<256x2xi32>,
    %div3A = arith.divf %broadcast_in_dim3A_57, %add3A_67 : vector<256x1xf32>
    %div3A_71 = arith.divf %broadcast_in_dim3A_63, %add3A_67 : vector<256x1xf32>
    %concatenate3A_72 = tpu.concatenate %div3A, %div3A_71 in 1 : vector<256x1xf32>, vector<256x1xf32> -> vector<256x2xf32>
    %swap3A_73 = arith.constant 0 : index
    %swap3A_74 = arith.constant 0 : index
    %swap3A_75 = vector.load %arg9[%swap3A_73, %swap3A_74] : memref<256x2xf32, #tpu.memory_space<vmem>>, vector<256x2xf32>
    tpu.vector_store %arg9[%swap3A_73, %swap3A_74], %concatenate3A_72 {strides = array<i32>} : memref<256x2xf32, #tpu.memory_space<vmem>>, vector<256x2xf32>,
    return
  }
  func.func @transform_0(%arg0: i32) -> (i32, i32) {
    %c0_i32 = arith.constant 0 : i32
    %c0_i32_0 = arith.constant 0 : i32
    return %arg0, %c0_i32 : i32, i32
  }
  func.func @transform_1(%arg0: i32) -> (i32, i32) {
    %c0_i32 = arith.constant 0 : i32
    %c0_i32_0 = arith.constant 0 : i32
    %c0_i32_1 = arith.constant 0 : i32
    return %c0_i32, %c0_i32_0 : i32, i32
  }
  func.func @transform_2(%arg0: i32) -> (i32, i32) {
    %c0_i32 = arith.constant 0 : i32
    %c0_i32_0 = arith.constant 0 : i32
    %c0_i32_1 = arith.constant 0 : i32
    return %c0_i32, %c0_i32_0 : i32, i32
  }
  func.func @transform_3(%arg0: i32) -> (i32, i32) {
    %c0_i32 = arith.constant 0 : i32
    %c0_i32_0 = arith.constant 0 : i32
    %c0_i32_1 = arith.constant 0 : i32
    return %c0_i32, %c0_i32_0 : i32, i32
  }
  func.func @transform_4(%arg0: i32) -> (i32, i32) {
    %c0_i32 = arith.constant 0 : i32
    %c0_i32_0 = arith.constant 0 : i32
    %c0_i32_1 = arith.constant 0 : i32
    return %c0_i32, %c0_i32_0 : i32, i32
  }
  func.func @transform_5(%arg0: i32) -> (i32, i32) {
    %c0_i32 = arith.constant 0 : i32
    %c0_i32_0 = arith.constant 0 : i32
    return %arg0, %c0_i32 : i32, i32
  }
  func.func @transform_6(%arg0: i32) -> (i32, i32) {
    %c0_i32 = arith.constant 0 : i32
    %c0_i32_0 = arith.constant 0 : i32
    return %arg0, %c0_i32 : i32, i32
  }
  func.func @transform_7(%arg0: i32) -> (i32, i32) {
    %c0_i32 = arith.constant 0 : i32
    %c0_i32_0 = arith.constant 0 : i32
    return %arg0, %c0_i32 : i32, i32
  }
  func.func @transform_8(%arg0: i32) -> (i32, i32) {
    %c0_i32 = arith.constant 0 : i32
    %c0_i32_0 = arith.constant 0 : i32
    return %arg0, %c0_i32 : i32, i32
  }
}

module attributes {stable_mosaic.version = 14 : i64} {
  func.func @_expert_up_body(%arg0: i32, %arg1: memref<40xi32, #tpu.memory_space<smem>>, %arg2: memref<128x1024xf32, #tpu.memory_space<vmem>>, %arg3: memref<1x1024x512xbf16, #tpu.memory_space<vmem>>, %arg4: memref<1x1024x512xbf16, #tpu.memory_space<vmem>>, %arg5: memref<128x512xf32, #tpu.memory_space<vmem>>, %arg6: memref<128x512xf32, #tpu.memory_space<vmem>>) attributes {dimension_semantics = [#tpu.dimension_semantics<arbitrary>], iteration_bounds = array<i64: 40>, scalar_prefetch = 1 : i64, scratch_operands = 0 : i64, tpu.core_type = #tpu.core_type<tc>, window_params = [{transform_indices = @transform_0, window_bounds = array<i64: 128, 1024>}, {transform_indices = @transform_1, window_bounds = array<i64: 1, 1024, 512>}, {transform_indices = @transform_2, window_bounds = array<i64: 1, 1024, 512>}, {transform_indices = @transform_3, window_bounds = array<i64: 128, 512>}, {transform_indices = @transform_4, window_bounds = array<i64: 128, 512>}]} {
    %get3A = arith.constant 0 : index
    %get3A_0 = arith.constant 0 : index
    %get3A_1 = vector.load %arg2[%get3A, %get3A_0] : memref<128x1024xf32, #tpu.memory_space<vmem>>, vector<128x1024xf32>
    %bitcast_convert_type3A = tpu.bitcast %get3A_1 : vector<128x1024xf32> -> vector<128x1024xi32>
    %shift_right_logical3A = arith.constant 16 : i32
    %shift_right_logical3A_2 = vector.broadcast %shift_right_logical3A : i32 to vector<128x1024xi32>
    %shift_right_logical3A_3 = arith.shrui %bitcast_convert_type3A, %shift_right_logical3A_2 : vector<128x1024xi32>
    %and3A = arith.constant 1 : i32
    %and3A_4 = vector.broadcast %and3A : i32 to vector<128x1024xi32>
    %and3A_5 = arith.andi %shift_right_logical3A_3, %and3A_4 : vector<128x1024xi32>
    %add3A = arith.constant 32767 : i32
    %add3A_6 = vector.broadcast %add3A : i32 to vector<128x1024xi32>
    %add3A_7 = arith.addi %bitcast_convert_type3A, %add3A_6 : vector<128x1024xi32>
    %add3A_8 = arith.addi %add3A_7, %and3A_5 : vector<128x1024xi32>
    %and3A_9 = arith.constant -65536 : i32
    %and3A_10 = vector.broadcast %and3A_9 : i32 to vector<128x1024xi32>
    %and3A_11 = arith.andi %add3A_8, %and3A_10 : vector<128x1024xi32>
    %bitcast_convert_type3A_12 = tpu.bitcast %and3A_11 : vector<128x1024xi32> -> vector<128x1024xf32>
    %convert_element_type3A = arith.truncf %bitcast_convert_type3A_12 : vector<128x1024xf32> to vector<128x1024xbf16>
    %get3A_13 = arith.constant 0 : index
    %get3A_14 = arith.constant 0 : index
    %get3A_15 = arith.constant 0 : index
    %get3A_16 = vector.load %arg3[%get3A_13, %get3A_14, %get3A_15] : memref<1x1024x512xbf16, #tpu.memory_space<vmem>>, vector<1x1024x512xbf16>
    %get3A_17 = vector.shape_cast %get3A_16 : vector<1x1024x512xbf16> to vector<1024x512xbf16>
    %dot_general3A = arith.constant dense<0.000000e+00> : vector<128x512xf32>
    %dot_general3A_18 = tpu.matmul %convert_element_type3A, %get3A_17, %dot_general3A {dimension_numbers = #tpu.dot_dimension_numbers<[1], [0], [0], [1], [0, 0, 1, 1], [], []>, transpose_lhs_hint = false} : vector<128x1024xbf16>, vector<1024x512xbf16>, vector<128x512xf32> -> vector<128x512xf32>
    %swap3A = arith.constant 0 : index
    %swap3A_19 = arith.constant 0 : index
    %swap3A_20 = vector.load %arg5[%swap3A, %swap3A_19] : memref<128x512xf32, #tpu.memory_space<vmem>>, vector<128x512xf32>
    tpu.vector_store %arg5[%swap3A, %swap3A_19], %dot_general3A_18 {strides = array<i32>} : memref<128x512xf32, #tpu.memory_space<vmem>>, vector<128x512xf32>,
    %get3A_21 = arith.constant 0 : index
    %get3A_22 = arith.constant 0 : index
    %get3A_23 = arith.constant 0 : index
    %get3A_24 = vector.load %arg4[%get3A_21, %get3A_22, %get3A_23] : memref<1x1024x512xbf16, #tpu.memory_space<vmem>>, vector<1x1024x512xbf16>
    %get3A_25 = vector.shape_cast %get3A_24 : vector<1x1024x512xbf16> to vector<1024x512xbf16>
    %dot_general3A_26 = arith.constant dense<0.000000e+00> : vector<128x512xf32>
    %dot_general3A_27 = tpu.matmul %convert_element_type3A, %get3A_25, %dot_general3A_26 {dimension_numbers = #tpu.dot_dimension_numbers<[1], [0], [0], [1], [0, 0, 1, 1], [], []>, transpose_lhs_hint = false} : vector<128x1024xbf16>, vector<1024x512xbf16>, vector<128x512xf32> -> vector<128x512xf32>
    %swap3A_28 = arith.constant 0 : index
    %swap3A_29 = arith.constant 0 : index
    %swap3A_30 = vector.load %arg6[%swap3A_28, %swap3A_29] : memref<128x512xf32, #tpu.memory_space<vmem>>, vector<128x512xf32>
    tpu.vector_store %arg6[%swap3A_28, %swap3A_29], %dot_general3A_27 {strides = array<i32>} : memref<128x512xf32, #tpu.memory_space<vmem>>, vector<128x512xf32>,
    return
  }
  func.func @transform_0(%arg0: i32, %arg1: memref<40xi32, #tpu.memory_space<smem>>) -> (i32, i32) {
    %c0_i32 = arith.constant 0 : i32
    %c0_i32_0 = arith.constant 0 : i32
    return %arg0, %c0_i32 : i32, i32
  }
  func.func @transform_1(%arg0: i32, %arg1: memref<40xi32, #tpu.memory_space<smem>>) -> (i32, i32, i32) {
    %get3A = arith.index_cast %arg0 : i32 to index
    %get3A_0 = memref.load %arg1[%get3A] : memref<40xi32, #tpu.memory_space<smem>>
    %c0_i32 = arith.constant 0 : i32
    %c0_i32_1 = arith.constant 0 : i32
    %c0_i32_2 = arith.constant 0 : i32
    return %get3A_0, %c0_i32, %c0_i32_1 : i32, i32, i32
  }
  func.func @transform_2(%arg0: i32, %arg1: memref<40xi32, #tpu.memory_space<smem>>) -> (i32, i32, i32) {
    %get3A = arith.index_cast %arg0 : i32 to index
    %get3A_0 = memref.load %arg1[%get3A] : memref<40xi32, #tpu.memory_space<smem>>
    %c0_i32 = arith.constant 0 : i32
    %c0_i32_1 = arith.constant 0 : i32
    %c0_i32_2 = arith.constant 0 : i32
    return %get3A_0, %c0_i32, %c0_i32_1 : i32, i32, i32
  }
  func.func @transform_3(%arg0: i32, %arg1: memref<40xi32, #tpu.memory_space<smem>>) -> (i32, i32) {
    %c0_i32 = arith.constant 0 : i32
    %c0_i32_0 = arith.constant 0 : i32
    return %arg0, %c0_i32 : i32, i32
  }
  func.func @transform_4(%arg0: i32, %arg1: memref<40xi32, #tpu.memory_space<smem>>) -> (i32, i32) {
    %c0_i32 = arith.constant 0 : i32
    %c0_i32_0 = arith.constant 0 : i32
    return %arg0, %c0_i32 : i32, i32
  }
}

module attributes {stable_mosaic.version = 14 : i64} {
  func.func @_expert_down_body(%arg0: i32, %arg1: memref<40xi32, #tpu.memory_space<smem>>, %arg2: memref<128x512xbf16, #tpu.memory_space<vmem>>, %arg3: memref<1x512x1024xbf16, #tpu.memory_space<vmem>>, %arg4: memref<128x1xf32, #tpu.memory_space<vmem>>, %arg5: memref<128x1024xf32, #tpu.memory_space<vmem>>) attributes {dimension_semantics = [#tpu.dimension_semantics<arbitrary>], iteration_bounds = array<i64: 40>, scalar_prefetch = 1 : i64, scratch_operands = 0 : i64, tpu.core_type = #tpu.core_type<tc>, window_params = [{transform_indices = @transform_0, window_bounds = array<i64: 128, 512>}, {transform_indices = @transform_1, window_bounds = array<i64: 1, 512, 1024>}, {transform_indices = @transform_2, window_bounds = array<i64: 128, 1>}, {transform_indices = @transform_3, window_bounds = array<i64: 128, 1024>}]} {
    %get3A = arith.constant 0 : index
    %get3A_0 = arith.constant 0 : index
    %get3A_1 = vector.load %arg2[%get3A, %get3A_0] : memref<128x512xbf16, #tpu.memory_space<vmem>>, vector<128x512xbf16>
    %get3A_2 = arith.constant 0 : index
    %get3A_3 = arith.constant 0 : index
    %get3A_4 = arith.constant 0 : index
    %get3A_5 = vector.load %arg3[%get3A_2, %get3A_3, %get3A_4] : memref<1x512x1024xbf16, #tpu.memory_space<vmem>>, vector<1x512x1024xbf16>
    %get3A_6 = vector.shape_cast %get3A_5 : vector<1x512x1024xbf16> to vector<512x1024xbf16>
    %dot_general3A = arith.constant dense<0.000000e+00> : vector<128x1024xf32>
    %dot_general3A_7 = tpu.matmul %get3A_1, %get3A_6, %dot_general3A {dimension_numbers = #tpu.dot_dimension_numbers<[1], [0], [0], [1], [0, 0, 1, 1], [], []>, transpose_lhs_hint = false} : vector<128x512xbf16>, vector<512x1024xbf16>, vector<128x1024xf32> -> vector<128x1024xf32>
    %get3A_8 = arith.constant 0 : index
    %get3A_9 = arith.constant 0 : index
    %get3A_10 = vector.load %arg4[%get3A_8, %get3A_9] : memref<128x1xf32, #tpu.memory_space<vmem>>, vector<128x1xf32>
    %mul3A = vector.broadcast %get3A_10 : vector<128x1xf32> to vector<128x1024xf32>
    %mul3A_11 = arith.mulf %dot_general3A_7, %mul3A : vector<128x1024xf32>
    %swap3A = arith.constant 0 : index
    %swap3A_12 = arith.constant 0 : index
    %swap3A_13 = vector.load %arg5[%swap3A, %swap3A_12] : memref<128x1024xf32, #tpu.memory_space<vmem>>, vector<128x1024xf32>
    tpu.vector_store %arg5[%swap3A, %swap3A_12], %mul3A_11 {strides = array<i32>} : memref<128x1024xf32, #tpu.memory_space<vmem>>, vector<128x1024xf32>,
    return
  }
  func.func @transform_0(%arg0: i32, %arg1: memref<40xi32, #tpu.memory_space<smem>>) -> (i32, i32) {
    %c0_i32 = arith.constant 0 : i32
    %c0_i32_0 = arith.constant 0 : i32
    return %arg0, %c0_i32 : i32, i32
  }
  func.func @transform_1(%arg0: i32, %arg1: memref<40xi32, #tpu.memory_space<smem>>) -> (i32, i32, i32) {
    %get3A = arith.index_cast %arg0 : i32 to index
    %get3A_0 = memref.load %arg1[%get3A] : memref<40xi32, #tpu.memory_space<smem>>
    %c0_i32 = arith.constant 0 : i32
    %c0_i32_1 = arith.constant 0 : i32
    %c0_i32_2 = arith.constant 0 : i32
    return %get3A_0, %c0_i32, %c0_i32_1 : i32, i32, i32
  }
  func.func @transform_2(%arg0: i32, %arg1: memref<40xi32, #tpu.memory_space<smem>>) -> (i32, i32) {
    %c0_i32 = arith.constant 0 : i32
    %c0_i32_0 = arith.constant 0 : i32
    return %arg0, %c0_i32 : i32, i32
  }
  func.func @transform_3(%arg0: i32, %arg1: memref<40xi32, #tpu.memory_space<smem>>) -> (i32, i32) {
    %c0_i32 = arith.constant 0 : i32
    %c0_i32_0 = arith.constant 0 : i32
    return %arg0, %c0_i32 : i32, i32
  }
}

module attributes {stable_mosaic.version = 14 : i64} {
  func.func @_shared_down_body(%arg0: i32, %arg1: memref<256x1024xbf16, #tpu.memory_space<vmem>>, %arg2: memref<1024x1024xbf16, #tpu.memory_space<vmem>>, %arg3: memref<256x1024xf32, #tpu.memory_space<vmem>>) attributes {dimension_semantics = [#tpu.dimension_semantics<arbitrary>], iteration_bounds = array<i64: 8>, scalar_prefetch = 0 : i64, scratch_operands = 0 : i64, tpu.core_type = #tpu.core_type<tc>, window_params = [{transform_indices = @transform_0, window_bounds = array<i64: 256, 1024>}, {pipeline_mode = #tpu.pipeline_mode<synchronous>, transform_indices = @transform_1, window_bounds = array<i64: 1024, 1024>}, {transform_indices = @transform_2, window_bounds = array<i64: 256, 1024>}]} {
    %get3A = arith.constant 0 : index
    %get3A_0 = arith.constant 0 : index
    %get3A_1 = vector.load %arg1[%get3A, %get3A_0] : memref<256x1024xbf16, #tpu.memory_space<vmem>>, vector<256x1024xbf16>
    %get3A_2 = arith.constant 0 : index
    %get3A_3 = arith.constant 0 : index
    %get3A_4 = vector.load %arg2[%get3A_2, %get3A_3] : memref<1024x1024xbf16, #tpu.memory_space<vmem>>, vector<1024x1024xbf16>
    %dot_general3A = arith.constant dense<0.000000e+00> : vector<256x1024xf32>
    %dot_general3A_5 = tpu.matmul %get3A_1, %get3A_4, %dot_general3A {dimension_numbers = #tpu.dot_dimension_numbers<[1], [0], [0], [1], [0, 0, 1, 1], [], []>, transpose_lhs_hint = false} : vector<256x1024xbf16>, vector<1024x1024xbf16>, vector<256x1024xf32> -> vector<256x1024xf32>
    %swap3A = arith.constant 0 : index
    %swap3A_6 = arith.constant 0 : index
    %swap3A_7 = vector.load %arg3[%swap3A, %swap3A_6] : memref<256x1024xf32, #tpu.memory_space<vmem>>, vector<256x1024xf32>
    tpu.vector_store %arg3[%swap3A, %swap3A_6], %dot_general3A_5 {strides = array<i32>} : memref<256x1024xf32, #tpu.memory_space<vmem>>, vector<256x1024xf32>,
    return
  }
  func.func @transform_0(%arg0: i32) -> (i32, i32) {
    %c0_i32 = arith.constant 0 : i32
    %c0_i32_0 = arith.constant 0 : i32
    return %arg0, %c0_i32 : i32, i32
  }
  func.func @transform_1(%arg0: i32) -> (i32, i32) {
    %c0_i32 = arith.constant 0 : i32
    %c0_i32_0 = arith.constant 0 : i32
    %c0_i32_1 = arith.constant 0 : i32
    return %c0_i32, %c0_i32_0 : i32, i32
  }
  func.func @transform_2(%arg0: i32) -> (i32, i32) {
    %c0_i32 = arith.constant 0 : i32
    %c0_i32_0 = arith.constant 0 : i32
    return %arg0, %c0_i32 : i32, i32
  }
}

module attributes {stable_mosaic.version = 14 : i64} {
  func.func @_lm_body(%arg0: i32, %arg1: i32, %arg2: memref<256x1024xbf16, #tpu.memory_space<vmem>>, %arg3: memref<1024x2048xbf16, #tpu.memory_space<vmem>>, %arg4: memref<256x2048xf32, #tpu.memory_space<vmem>>) attributes {dimension_semantics = [#tpu.dimension_semantics<arbitrary>, #tpu.dimension_semantics<arbitrary>], iteration_bounds = array<i64: 8, 8>, scalar_prefetch = 0 : i64, scratch_operands = 0 : i64, tpu.core_type = #tpu.core_type<tc>, window_params = [{transform_indices = @transform_0, window_bounds = array<i64: 256, 1024>}, {transform_indices = @transform_1, window_bounds = array<i64: 1024, 2048>}, {transform_indices = @transform_2, window_bounds = array<i64: 256, 2048>}]} {
    %get3A = arith.constant 0 : index
    %get3A_0 = arith.constant 0 : index
    %get3A_1 = vector.load %arg2[%get3A, %get3A_0] : memref<256x1024xbf16, #tpu.memory_space<vmem>>, vector<256x1024xbf16>
    %get3A_2 = arith.constant 0 : index
    %get3A_3 = arith.constant 0 : index
    %get3A_4 = vector.load %arg3[%get3A_2, %get3A_3] : memref<1024x2048xbf16, #tpu.memory_space<vmem>>, vector<1024x2048xbf16>
    %dot_general3A = arith.constant dense<0.000000e+00> : vector<256x2048xf32>
    %dot_general3A_5 = tpu.matmul %get3A_1, %get3A_4, %dot_general3A {dimension_numbers = #tpu.dot_dimension_numbers<[1], [0], [0], [1], [0, 0, 1, 1], [], []>, transpose_lhs_hint = false} : vector<256x1024xbf16>, vector<1024x2048xbf16>, vector<256x2048xf32> -> vector<256x2048xf32>
    %swap3A = arith.constant 0 : index
    %swap3A_6 = arith.constant 0 : index
    %swap3A_7 = vector.load %arg4[%swap3A, %swap3A_6] : memref<256x2048xf32, #tpu.memory_space<vmem>>, vector<256x2048xf32>
    tpu.vector_store %arg4[%swap3A, %swap3A_6], %dot_general3A_5 {strides = array<i32>} : memref<256x2048xf32, #tpu.memory_space<vmem>>, vector<256x2048xf32>,
    return
  }
  func.func @transform_0(%arg0: i32, %arg1: i32) -> (i32, i32) {
    %c0_i32 = arith.constant 0 : i32
    %c0_i32_0 = arith.constant 0 : i32
    return %arg1, %c0_i32 : i32, i32
  }
  func.func @transform_1(%arg0: i32, %arg1: i32) -> (i32, i32) {
    %c0_i32 = arith.constant 0 : i32
    %c0_i32_0 = arith.constant 0 : i32
    return %c0_i32, %arg0 : i32, i32
  }
  func.func @transform_2(%arg0: i32, %arg1: i32) -> (i32, i32) {
    %c0_i32 = arith.constant 0 : i32
    return %arg1, %arg0 : i32, i32
  }
}

</mosaic_0001>

<sc_bundles>
// kernel: gather_offload_async_start.1
scs
__scs_entry_jumppad:
0x0: {  	(pc) =	sbr.rel $0x88, $3  }
0x1: {  	(tag) =	ssettag $0x0;
	lr =	simm.s32 $0x1  }
0x2: {  	[smem:$0x3F8E] =	sst lr;
	_ =	strace $0xD0000000  }
0x3: {  	_ = 	snop  }
0x4: {  	_ = 	snop  }
0x5: {  	_ = 	snop  }
0x6: {  	_ = 	snop  }
0x7: {  	_ = 	snop  }
__scs_overlays_trampoline_lowered:
0x8: {  	[smem:$0x3F9D] =	sst s0  }
0x9: {  	[smem:$0x3F9E] =	sst s1  }
0xa: {  	[smem:$0x3F9F] =	sst s2  }
0xb: {  	[smem:$0x3FA0] =	sst s3  }
0xc: {  	[smem:$0x3FA1] =	sst s4  }
0xd: {  	[smem:$0x3FA2] =	sst s5  }
0xe: {  	[smem:$0x3FA3] =	sst s6  }
0xf: {  	[smem:$0x3FA4] =	sst s7  }
0x10: {  	[smem:$0x3FA5] =	sst s8  }
0x11: {  	[smem:$0x3FA6] =	sst s9;
	s0 =	simm.s32 @!p0 $0x0  }
0x12: {  	s1 =	sld [smem:$0x3F8C];
	s0 =	simm.s32 @p0 $0x1  }
0x13: {  	[smem:$0x3FA7] =	sst s0;
	s0 =	simm.s32 @!p1 $0x0  }
0x14: {  	s2 =	sld [smem:$0x3F8B];
	s0 =	simm.s32 @p1 $0x1  }
0x15: {  	[smem:$0x3FA8] =	sst s0;
	s0 =	simm.s32 @!p2 $0x0  }
0x16: {  	s3 =	sld [smem:$0x3FDB];
	s0 =	simm.s32 @p2 $0x1  }
0x17: {  	s4 =	simm.s32 $0x1BF5;
	[smem:$0x3FAA] =	sst s0  }
0x18: {  	s0 =	sld [smem:$0x3F8D];
	_ =	swait.ge [sflag:s4], $0x0  }
0x19: {  	s7 =	sld [smem:$0x3F8E]  }
0x1a: {  	s8 =	sadd.s32 $0xFFFFE003, lr  }
0x1b: {  	s9 =	sadd.s32 $0xFFFFFEF7, lr;
	s5 =	simm.s32 $0xFFFFFFFF;
	p2 =	slt.u32 s8, $0xFFFFF086  }
0x1c: {  	p1 =	slt.u32 s9, $0xF7A;
	s5 =	simm.s32 @!p2 $0x0  }
0x1d: {  	s5 =	simm.s32 @p1 $0x1;
	p0 =	seq.s32 s7, s2  }
0x1e: {  	s7 =	smul.u32 @!p0 $0xF7A, s2;
	p2 =	seq.s32 @!p0 s5, $0x0  }
0x1f: {  	s9 =	smul.u32 $0xF7A, s1;
	s8 =	simm.s32 @!p0 $0x1BF5;
	p2 =	por !p2, p0  }
0x20: {  	[sflag:s8] =	ssyncset.s32 @!p0 $0xFFFFF086;
	s6 =	sadd.s32 @!p0 s3, s7;
	s7 =	simm.s32 @!p0 $0x108  }
0x21: {  	s3 =	sadd.s32 s3, s9;
	s6 =	sadd.s32 @!p0 $0x88, s6;
	s7 =	simm.s32 @p2 $0x1082  }
0x22: {  	[simem:s7], [sflag:s8] =	dma.local @!p0 [hbm:s6], $0xF7A  }
0x23: {  	s9 =	sor.u32 $0xD0000000, s2;
	s6 =	simm.s32 $0x108;
	_ =	swait.ge @!p0 [sflag:s8], $0x0  }
0x24: {  	s3 =	sadd.s32 $0x88, s3;
	s6 =	simm.s32 @!p1 $0x1082;
	[sflag:s4] =	ssyncset.s32 $0xFFFFF086  }
0x25: {  	[simem:s6], [sflag:s4] =	dma.local [hbm:s3], $0xF7A  }
0x26: {  	[smem:$0x3F8E] =	sst s1;
	(tag) =	ssettag s2;
	_ =	strace s9  }
0x27: {  	s1 =	sld [smem:$0x3F9E]  }
0x28: {  	s2 =	sld [smem:$0x3F9F]  }
0x29: {  	s4 =	sld [smem:$0x3FA1]  }
0x2a: {  	p0 =	seq.s32 s5, $0x0;
	s5 =	sld [smem:$0x3FA2]  }
0x2b: {  	s6 =	sld [smem:$0x3FA3]  }
0x2c: {  	s7 =	sld [smem:$0x3FA4]  }
0x2d: {  	s3 =	simm.s32 $0x108;
	s8 =	sld [smem:$0x3FA5]  }
0x2e: {  	s3 =	simm.s32 @!p0 $0x1082;
	s9 =	sld [smem:$0x3FA6]  }
0x2f: {  	lr =	sadd.s32 s0, s3;
	s0 =	sld [smem:$0x3F9D]  }
0x30: {  	s3 =	sld [smem:$0x3FA0]  }
0x31: {  	[smem:$0x3FA9] =	sst s10  }
0x32: {  	s10 =	sld [smem:$0x3FA7];
	_ =	sdelay $0x3  }
0x33: {  	p0 =	seq.s32 s10, $0x1;
	s10 =	sld [smem:$0x3FA9];
	_ =	sdelay $0x3  }
0x34: {  	[smem:$0x3FA9] =	sst s10  }
0x35: {  	s10 =	sld [smem:$0x3FA8];
	_ =	sdelay $0x3  }
0x36: {  	p1 =	seq.s32 s10, $0x1;
	s10 =	sld [smem:$0x3FA9];
	_ =	sdelay $0x3  }
0x37: {  	[smem:$0x3FA9] =	sst s10  }
0x38: {  	s10 =	sld [smem:$0x3FAA]  }
0x39: {  	_ = 	snop;
	(pc) =	sbr.ind lr, $3  }
0x3a: {  	_ = 	snop  }
0x3b: {  	_ = 	snop  }
0x3c: {  	p2 =	seq.s32 s10, $0x1;
	s10 =	sld [smem:$0x3FA9]  }
0x3d: {  	_ =	shalt  }
0x3e: {  	_ =	shalt  }
0x3f: {  	_ =	shalt  }
0x40: {  	_ =	shalt  }
0x41: {  	_ =	shalt  }
0x42: {  	_ =	shalt  }
0x43: {  	_ =	shalt  }
0x44: {  	_ =	shalt  }
0x45: {  	_ =	shalt  }
0x46: {  	_ =	shalt  }
0x47: {  	_ =	shalt  }
0x48: {  	_ =	shalt  }
0x49: {  	_ =	shalt  }
0x4a: {  	_ =	shalt  }
0x4b: {  	_ =	shalt  }
0x4c: {  	_ =	shalt  }
0x4d: {  	_ =	shalt  }
0x4e: {  	_ =	shalt  }
0x4f: {  	_ =	shalt  }
0x50: {  	_ =	shalt  }
0x51: {  	_ =	shalt  }
0x52: {  	_ =	shalt  }
0x53: {  	_ =	shalt  }
0x54: {  	_ =	shalt  }
0x55: {  	_ =	shalt  }
0x56: {  	_ =	shalt  }
0x57: {  	_ =	shalt  }
0x58: {  	_ =	shalt  }
0x59: {  	_ =	shalt  }
0x5a: {  	_ =	shalt  }
0x5b: {  	_ =	shalt  }
0x5c: {  	_ =	shalt  }
0x5d: {  	_ =	shalt  }
0x5e: {  	_ =	shalt  }
0x5f: {  	_ =	shalt  }
0x60: {  	_ =	shalt  }
0x61: {  	_ =	shalt  }
0x62: {  	_ =	shalt  }
0x63: {  	_ =	shalt  }
0x64: {  	_ =	shalt  }
0x65: {  	_ =	shalt  }
0x66: {  	_ =	shalt  }
0x67: {  	_ =	shalt  }
0x68: {  	_ =	shalt  }
0x69: {  	_ =	shalt  }
0x6a: {  	_ =	shalt  }
0x6b: {  	_ =	shalt  }
0x6c: {  	_ =	shalt  }
0x6d: {  	_ =	shalt  }
0x6e: {  	_ =	shalt  }
0x6f: {  	_ =	shalt  }
0x70: {  	_ =	shalt  }
0x71: {  	_ =	shalt  }
0x72: {  	_ =	shalt  }
0x73: {  	_ =	shalt  }
0x74: {  	_ =	shalt  }
0x75: {  	_ =	shalt  }
0x76: {  	_ =	shalt  }
0x77: {  	_ =	shalt  }
0x78: {  	_ =	shalt  }
0x79: {  	_ =	shalt  }
0x7a: {  	_ =	shalt  }
0x7b: {  	_ =	shalt  }
0x7c: {  	_ =	shalt  }
0x7d: {  	_ =	shalt  }
0x7e: {  	_ =	shalt  }
0x7f: {  	_ =	shalt  }
0x80: {  	_ =	shalt  }
0x81: {  	_ =	shalt  }
0x82: {  	_ =	shalt  }
0x83: {  	_ =	shalt  }
0x84: {  	_ =	shalt  }
0x85: {  	_ =	shalt  }
0x86: {  	_ =	shalt  }
0x87: {  	_ =	shalt  }
.Lfunc_end0:
.L_simem_size_0:
called_computation.3_lowered:
.L_overlay_start_0:
0x88: {  	s2 =	sld [smem:$0x3FD9]  }
0x89: {  	s3 =	sld [smem:$0x3FFE];
	_ =	sdelay $0x1  }
0x8a: {  	s1 =	srdreg.scid  }
0x8b: {  	s0 =	sand.u32 $0x1, s1  }
0x8c: {  	s16 =	sshll.u32 s0, $0xA;
	s2 =	sadd.s32 s3, s2  }
0x8d: {  	s2 =	sadd.s32 s2, s16  }
0x8e: {  	[smem:$0x3FB5] =	sst s2  }
0x8f: {  	_ = 	snop  }
0x90: {  	(tm) =	ssettm $0x1  }
0x91: {  	s17 =	sld [smem:$0x3FFB];
	_ =	sdelay $0x3  }
0x92: {  	_ =	strace s17  }
0x93: {  	s2 =	sld [smem:$0x3FFC];
	_ =	sdelay $0x3  }
0x94: {  	_ =	strace s2  }
0x95: {  	s2 =	sld [smem:$0x3FFD];
	_ =	sdelay $0x3  }
0x96: {  	_ =	strace s2  }
0x97: {  	_ =	strace $0x8FFFFFFF  }
0x98: {  	s18 =	sld [smem:$0x3FDB];
	_ =	sdelay $0x1  }
0x99: {  	s19 =	simm.s32 $_scs_section_size  }
0x9a: {  	s4 =	simm.s32 $_size__tile_overlayer_lowered;
	s5 =	simm.s32 $_tile_overlayer_lowered  }
0x9b: {  	s22 =	simm.s32 $0x1BFF;
	s21 =	sshll.u32 s5, $0x1;
	s2 =	sadd.s32 s19, s18  }
0x9c: {  	s6 =	simm.s32 $0x0;
	s20 =	sshll.u32 s4, $0x1;
	s4 =	sadd.s32 s21, s2  }
0x9d: {  	[timem:s6], [sflag:s22] =	dma.local [hbm:s4], s20  }
0x9e: {  	_ =	swait.ge [sflag:s22], s20  }
0x9f: {  	s3 =	ssub.s32 $0x0, s20;
	[sflag:s22] =	ssyncset.done $0x0  }
0xa0: {  	[sflag:s22] =	ssyncadd.s32 s3;
	_ =	sdelay $0x1  }
0xa1: {  	s23 =	simm.s32 $0x1B8B  }
0xa2: {  	_ =	swait.ge [sflag:s23], $0x1  }
0xa3: {  	[sflag:s23] =	ssyncset.done $0x0  }
0xa4: {  	s25 =	simm.s32 $0x1B8E;
	s24 =	sld [smem:$0x3FFE];
	[sflag:s23] =	ssyncadd.s32 $0xFFFFFFFF  }
0xa5: {  	s26 =	simm.s32 $execute0_lowered;
	[smem:$0x3FD2] =	sst s25  }
0xa6: {  	s4 =	sshll.u32 s26, $0x1;
	_ =	strace $0x80000052;
	[dreg:$0x1] =	wrdreg $0xFFFFFFFF  }
0xa7: {  	s28 =	simm.s32 $_size_execute0_lowered;
	s2 =	sadd.s32 s2, s4;
	[dreg:$0x0] =	wrdreg $0x0  }
0xa8: {  	s4 =	sshll.u32 s28, $0x1;
	[dreg:$0x2] =	wrdreg s2  }
0xa9: {  	[dreg:$0x3] =	wrdreg s4  }
0xaa: {  	[dreg:$0x4] =	wrdreg $0xC0  }
0xab: {  	_ =	task [dreg:s6], $0x5FFFF  }
0xac: {  	[dreg:$0x1] =	wrdreg $0xFFFFFFFF  }
0xad: {  	[dreg:$0x0] =	wrdreg $0x60  }
0xae: {  	[dreg:$0x2] =	wrdreg s24  }
0xaf: {  	[dreg:$0x3] =	wrdreg $0x9  }
0xb0: {  	_ =	task.clear_ibuf [dreg:s6], $0x4FFFF;
	_ =	strace $0x90000052  }
0xb1: {  	s29 =	simm.s32 $0x9;
	_ =	strace $0x80000054  }
0xb2: {  	_ =	swait.ge [sflag:s29], $0x1  }
0xb3: {  	[sflag:s29] =	ssyncadd.s32 $0xFFFFFFFF  }
0xb4: {  	_ =	strace $0x90000054  }
0xb5: {  	_ =	sfence  }
0xb6: {  	s30 =	sld [smem:$0x0];
	_ =	sdelay $0x2  }
0xb7: {  	s31 =	sshll.u32 s1, $0xD;
	s1 =	sshrl.u32 s1, $0x2  }
0xb8: {  	s3 =	sand.u32 $0x4000, s31;
	s1 =	sadd.s32 s1, s30  }
0xb9: {  	s0 =	sor.u32 s3, s0;
	s1 =	sshll.u32 s1, $0x11  }
0xba: {  	s0 =	sor.u32 s1, s0  }
0xbb: {  	s0 =	sadd.s32 $0x8F2B, s0  }
0xbc: {  	[sflag:s0] =	ssyncadd.remote.s32 $0x1  }
0xbd: {  	_ =	sfence.sel $0xFFFF  }
0xbe: {  	[dreg:$0x0] =	wrdreg $0xFFFFFFFF;
	(pc) =	sbr.abs _section_cstart, $3  }
0xbf: {  	[dreg:$0x1] =	wrdreg $0xFFFFFFFF  }
0xc0: {  	_ =	task.clear_ibuf [dreg:s6], $0x2FFFF;
	_ =	strace $0x9FFFFFFF  }
0xc1: {  	(tm) =	ssettm $0x7FFFFFFF  }
tec
execute0_lowered:
.L_overlay_start_1:
0x0: {  	(tag) =	ssettag $0x1  }
0x1: {  	s0 =	srdreg.scid;
	s5 =	rddreg [dreg:$0x0]  }
0x2: {  	s1 =	stileid.u32;
	s6 =	simm.s32 $0x1;
	s9 =	simm.s32 $0x1  }
0x3: {  	s10 =	simm.s32 $0x3;
	s13 =	simm.s32 $0x0;
	s2 =	sshll.u32 s0, $0x6  }
0x4: {  	s12 =	simm.s32 $0x0;
	s3 =	sshll.u32 s1, $0x7;
	s2 =	sand.u32 $0x40, s2  }
0x5: {  	s0 =	rddreg [dreg:$0x1];
	_ =	strace $0x80000053;
	s2 =	sor.u32 s3, s2  }
0x6: {  	s4 =	sadd.s32 $0xBC00, s5;
	[sflag:s6] =	ssyncpa.u1 $0x0;
	s8 =	ssub.s32 $0x1000, s2  }
.Ltmp0:
0x7: {  	s3 =	sadd.s32 $0xB800, s5;
	s7 =	sand.u32 $0x7C0, s8;
	(pc) =	sbr.rel .LBB2_1-.Ltmp0, $4  }
0x8: {  	s5 =	sadd.s32 $0xB600, s5;
	s11 =	smov.u32 s2;
	p0 =	sne.s32 s7, $0x0  }
0x9: {  	s8 =	sshrl.u32 s8, $0xB;
	s7 =	simm.s32 $0x2;
	s9 =	simm.s32 @!p0 $0x0  }
0xa: {  	[sflag:s7] =	ssyncpa.u1 $0x0;
	p0 =	por $0x0, $0x0;
	s8 =	sadd.s32 s9, s8  }
0xb: {  	vm0 =	vmmov $0xffff;
	[sflag:s10] =	ssyncpa.u1 $0x0;
	s10 =	simm.s32 $0x0;
	s9 =	sadd.s32 $0x1, s8  }
.LBB2_4:
0xc: {  	v2 =	vnsel vm1, $0x0, v2  }
0xd: {  	vm1 =	vgt.s32 v0, $0x0;
	v2 =	vmin.u32 v2, $0xFFF  }
0xe: {  	v0 =	vnsel vm1, $0x0, v0  }
0xf: {  	v0 =	vmin.u32 v0, $0xFFF  }
0x10: {  	[tilespmem:s15], [sflag:$0x1] =	stream.indirect_vreg.gather [hbm4b:s3+s10], $0x1, v1, vm0, $0x4038;
	[tilespmem:$0x100] =	vst v63  }
0x11: {  	(ifvalue) =	ssetifvalue $0x7FFFFFFF  }
0x12: {  	[tilespmem:s16], [sflag:$0x1] =	stream.indirect_vreg.gather [hbm4b:s3+s10], $0x1, v2, vm0, $0x4038;
	[tilespmem:$0x100] =	vst v63  }
0x13: {  	s29 =	sadd.s32 $0x10, s16;
	(ifvalue) =	ssetifvalue $0x7FFFFFFF  }
0x14: {  	[tilespmem:s29], [sflag:$0x1] =	stream.indirect_vreg.gather [hbm4b:s3+s10], $0x1, v0, vm0, $0x4038;
	[tilespmem:$0x100] =	vst v63  }
0x15: {  	_ =	swait.ge [sflag:s6], $0x40  }
0x16: {  	s30 =	sshrl.u32 s13, $0x3;
	[sflag:s6] =	ssyncset.done $0x0  }
0x17: {  	s31 =	sand.u32 $0x7, s13;
	s15 =	sadd.s32 s5, s30;
	[sflag:s6] =	ssyncadd.s32 $0xFFFFFFC0  }
0x18: {  	[hbm4b:s15+s31] =	stream.linear.scatter [tilespmem:s14], [sflag:$0x3], $0x40, $0x38;
	[tilespmem:$0x100] =	vst v63  }
.LBB2_5:
0x19: {  	s15 =	sadd.s32 $0x800, s11  }
0x1a: {  	p2 =	sgt.s32 s15, $0xFFF  }
0x1b: {  	s15 =	smov.u32 @p2 s2;
	p2 =	sne.s32 s12, s9  }
.Ltmp1:
0x1c: {  	p1 =	slt.u32 s12, $0x2;
	(pc) =	sbr.rel @!p2 .LBB2_6-.Ltmp1, $4  }
0x1d: {  	s14 =	simm.s32 @!p1 $0x3  }
0x1e: {  	s16 =	sadd.s32 $0x1, s12;
	_ =	swait.ge @!p1 [sflag:s14], $0x40  }
0x1f: {  	s13 =	smov.u32 s11;
	p0 =	por !p0, !p0;
	[sflag:s14] =	ssyncset.done @!p1 $0x0  }
0x20: {  	s12 =	smov.u32 s16;
	s11 =	smov.u32 s15;
	[sflag:s14] =	ssyncadd.s32 @!p1 $0xFFFFFFC0  }
.LBB2_1:
0x21: {  	p1 =	sge.u32 s12, s8  }
0x22: {  	s14 =	sxor.u32 @!p1 $0xFFFFFFFF, s12  }
0x23: {  	s31 =	sadd.s32 $0xFFFFFFFF, s12;
	s15 =	sshrl.u32 @!p1 s11, $0x3;
	s14 =	sshll.u32 @!p1 s14, $0x6  }
0x24: {  	s16 =	sand.u32 @!p1 $0x7, s11;
	s15 =	sadd.s32 @!p1 s4, s15;
	s14 =	sand.u32 @!p1 $0x40, s14  }
0x25: {  	[tilespmem:s14], [sflag:$0x2] =	stream.linear.gather @!p1 [hbm4b:s15+s16], $0x40, $0x38;
	[tilespmem:$0x100] =	vst v63  }
0x26: {  	p1 =	sge.u32 s31, s8  }
.Ltmp2:
0x27: {  	_ = 	snop;
	(pc) =	sbr.rel @p1 .LBB2_5-.Ltmp2, $1  }
0x28: {  	_ =	sdelay $0x3  }
0x29: {  	s14 =	simm.s32 $0x1  }
0x2a: {  	_ =	swait.ge [sflag:s7], $0x40;
	s14 =	simm.s32 @!p0 $0x0  }
0x2b: {  	[sflag:s7] =	ssyncset.done $0x0;
	s14 =	sshll.u32 s14, $0x6  }
0x2c: {  	[sflag:s7] =	ssyncadd.s32 $0xFFFFFFC0;
	(ifvalue) =	ssetifvalue $0x7FFFFFFF;
	v0 =	vld.msk [tilespmem:s14+$0x0 ss:$0x1], $0xffff;
	_ =	sdelay $0x4  }
0x2d: {  	s15 =	sadd.s32 $0x10, s14;
	vm1 =	vgt.s32 v0, $0x0  }
0x2e: {  	v2 =	vld.msk [tilespmem:s15+$0x0 ss:$0x1], $0xffff;
	v1 =	vnsel vm1, $0x0, v0  }
0x2f: {  	v1 =	vmin.u32 v1, $0xFFF;
	_ =	sdelay $0x1  }
0x30: {  	s16 =	sshll.u32 s12, $0x6;
	s18 =	simm.s32 $0x20  }
0x31: {  	s16 =	sand.u32 $0x40, s16;
	s17 =	sadd.s32 $0x10, s15;
	s15 =	sor.u32 $0x80, s14  }
0x32: {  	s14 =	sor.u32 $0x80, s16;
	s16 =	sadd.s32 $0x10, s15;
	v0 =	vld.msk [tilespmem:s17+$0x0 ss:$0x1], $0xffff;
	vm1 =	vgt.s32 v2, $0x0;
	(ifvalue) =	ssetifvalue $0x7FFFFFFF  }
.LBB2_3:
0x33: {  	[tilespmem:s15], [sflag:$0x1] =	stream.indirect_vreg.gather [hbm4b:s3+s10], $0x1, v1, vm0, $0x4038;
	[tilespmem:$0x100] =	vst v63  }
0x34: {  	s18 =	sadd.s32 $0x10, s18  }
0x35: {  	v2 =	vnsel vm1, $0x0, v2;
	p1 =	slt.u32 s18, $0x30  }
.Ltmp3:
0x36: {  	s15 =	smov.u32 s16;
	v1 =	vmin.u32 v2, $0xFFF;
	(pc) =	sbr.rel @p1 .LBB2_3-.Ltmp3, $3  }
0x37: {  	_ =	sdelay $0x1  }
0x38: {  	s17 =	sadd.s32 $0x10, s17  }
0x39: {  	vm1 =	vgt.s32 v0, $0x0;
	s16 =	sadd.s32 $0x10, s16;
	v2 =	vmov v0;
	(ifvalue) =	ssetifvalue $0x7FFFFFFF;
	v0 =	vld.msk [tilespmem:s17+$0x0 ss:$0x1], $0xffff  }
.Ltmp4:
0x3a: {  	_ = 	snop;
	(pc) =	sbr.rel .LBB2_4-.Ltmp4, $1  }
0x3b: {  	_ =	sdelay $0x3  }
.LBB2_6:
0x3c: {  	_ =	sfence.sel $0x180000  }
0x3d: {  	s2 =	simm.s32 $0x2;
	[bflag:$0x0] =	sbarrier.arrive $0xFFFF  }
0x3e: {  	s30 =	simm.s32 $0x3;
	[sflag:s2] =	ssyncpa.u1 $0x1  }
0x3f: {  	s31 =	simm.s32 $0x1;
	[sflag:s30] =	ssyncpa.u1 $0x1  }
0x40: {  	[sflag:s31] =	ssyncpa.u1 $0x1  }
0x41: {  	p0 =	sne.s32 s1, $0x0;
	_ =	strace $0x90000053  }
0x42: {  	s0 =	sadd.s32 @!p0 $0x100000, s0;
	[bflag:$0x2] =	sbarrier.arrive $0xFFFF  }
0x43: {  	[sflag:s0] =	ssyncadd.tile.s32 @!p0 $0x1;
	_ =	shalt  }
.Lfunc_end2:
_tile_overlayer_lowered:
.L_overlay_start_2:
0x44: {  	(tag) =	ssettag $0x2  }
0x45: {  	s0 =	rddreg [dreg:$0x0];
	s2 =	stileid.u32  }
0x46: {  	s1 =	rddreg [dreg:$0x1];
	p0 =	sne.s32 s2, $0x0  }
0x47: {  	s3 =	rddreg [dreg:$0x2];
	[bflag:$0x3] =	sbarrier.arrive $0xFFFF;
	s2 =	simm.s32 @!p0 $0x1C01  }
0x48: {  	[timem:s3], [sflag:s2] =	dma.local @!p0 [hbm:s0], s1  }
0x49: {  	s0 =	simm.s32 @!p0 $0x1  }
0x4a: {  	_ =	swait.ge @!p0 [sflag:s0], s1  }
0x4b: {  	s1 =	ssub.s32 @!p0 $0x0, s1;
	[sflag:s0] =	ssyncset.done @!p0 $0x0  }
0x4c: {  	[sflag:s0] =	ssyncadd.s32 @!p0 s1  }
0x4d: {  	[bflag:$0x3] =	sbarrier.arrive $0xFFFF  }
0x4e: {  	_ =	shalt  }

// kernel: gather_offload_async_start.2
scs
__scs_entry_jumppad:
0x0: {  	(pc) =	sbr.rel $0x88, $3  }
0x1: {  	(tag) =	ssettag $0x0;
	lr =	simm.s32 $0x1  }
0x2: {  	[smem:$0x3F8E] =	sst lr;
	_ =	strace $0xD0000000  }
0x3: {  	_ = 	snop  }
0x4: {  	_ = 	snop  }
0x5: {  	_ = 	snop  }
0x6: {  	_ = 	snop  }
0x7: {  	_ = 	snop  }
__scs_overlays_trampoline_lowered:
0x8: {  	[smem:$0x3F9D] =	sst s0  }
0x9: {  	[smem:$0x3F9E] =	sst s1  }
0xa: {  	[smem:$0x3F9F] =	sst s2  }
0xb: {  	[smem:$0x3FA0] =	sst s3  }
0xc: {  	[smem:$0x3FA1] =	sst s4  }
0xd: {  	[smem:$0x3FA2] =	sst s5  }
0xe: {  	[smem:$0x3FA3] =	sst s6  }
0xf: {  	[smem:$0x3FA4] =	sst s7  }
0x10: {  	[smem:$0x3FA5] =	sst s8  }
0x11: {  	[smem:$0x3FA6] =	sst s9;
	s0 =	simm.s32 @!p0 $0x0  }
0x12: {  	s1 =	sld [smem:$0x3F8C];
	s0 =	simm.s32 @p0 $0x1  }
0x13: {  	[smem:$0x3FA7] =	sst s0;
	s0 =	simm.s32 @!p1 $0x0  }
0x14: {  	s2 =	sld [smem:$0x3F8B];
	s0 =	simm.s32 @p1 $0x1  }
0x15: {  	[smem:$0x3FA8] =	sst s0;
	s0 =	simm.s32 @!p2 $0x0  }
0x16: {  	s3 =	sld [smem:$0x3FDB];
	s0 =	simm.s32 @p2 $0x1  }
0x17: {  	s4 =	simm.s32 $0x1BF5;
	[smem:$0x3FAA] =	sst s0  }
0x18: {  	s0 =	sld [smem:$0x3F8D];
	_ =	swait.ge [sflag:s4], $0x0  }
0x19: {  	s7 =	sld [smem:$0x3F8E]  }
0x1a: {  	s8 =	sadd.s32 $0xFFFFE003, lr  }
0x1b: {  	s9 =	sadd.s32 $0xFFFFFEF7, lr;
	s5 =	simm.s32 $0xFFFFFFFF;
	p2 =	slt.u32 s8, $0xFFFFF086  }
0x1c: {  	p1 =	slt.u32 s9, $0xF7A;
	s5 =	simm.s32 @!p2 $0x0  }
0x1d: {  	s5 =	simm.s32 @p1 $0x1;
	p0 =	seq.s32 s7, s2  }
0x1e: {  	s7 =	smul.u32 @!p0 $0xF7A, s2;
	p2 =	seq.s32 @!p0 s5, $0x0  }
0x1f: {  	s9 =	smul.u32 $0xF7A, s1;
	s8 =	simm.s32 @!p0 $0x1BF5;
	p2 =	por !p2, p0  }
0x20: {  	[sflag:s8] =	ssyncset.s32 @!p0 $0xFFFFF086;
	s6 =	sadd.s32 @!p0 s3, s7;
	s7 =	simm.s32 @!p0 $0x108  }
0x21: {  	s3 =	sadd.s32 s3, s9;
	s6 =	sadd.s32 @!p0 $0x88, s6;
	s7 =	simm.s32 @p2 $0x1082  }
0x22: {  	[simem:s7], [sflag:s8] =	dma.local @!p0 [hbm:s6], $0xF7A  }
0x23: {  	s9 =	sor.u32 $0xD0000000, s2;
	s6 =	simm.s32 $0x108;
	_ =	swait.ge @!p0 [sflag:s8], $0x0  }
0x24: {  	s3 =	sadd.s32 $0x88, s3;
	s6 =	simm.s32 @!p1 $0x1082;
	[sflag:s4] =	ssyncset.s32 $0xFFFFF086  }
0x25: {  	[simem:s6], [sflag:s4] =	dma.local [hbm:s3], $0xF7A  }
0x26: {  	[smem:$0x3F8E] =	sst s1;
	(tag) =	ssettag s2;
	_ =	strace s9  }
0x27: {  	s1 =	sld [smem:$0x3F9E]  }
0x28: {  	s2 =	sld [smem:$0x3F9F]  }
0x29: {  	s4 =	sld [smem:$0x3FA1]  }
0x2a: {  	p0 =	seq.s32 s5, $0x0;
	s5 =	sld [smem:$0x3FA2]  }
0x2b: {  	s6 =	sld [smem:$0x3FA3]  }
0x2c: {  	s7 =	sld [smem:$0x3FA4]  }
0x2d: {  	s3 =	simm.s32 $0x108;
	s8 =	sld [smem:$0x3FA5]  }
0x2e: {  	s3 =	simm.s32 @!p0 $0x1082;
	s9 =	sld [smem:$0x3FA6]  }
0x2f: {  	lr =	sadd.s32 s0, s3;
	s0 =	sld [smem:$0x3F9D]  }
0x30: {  	s3 =	sld [smem:$0x3FA0]  }
0x31: {  	[smem:$0x3FA9] =	sst s10  }
0x32: {  	s10 =	sld [smem:$0x3FA7];
	_ =	sdelay $0x3  }
0x33: {  	p0 =	seq.s32 s10, $0x1;
	s10 =	sld [smem:$0x3FA9];
	_ =	sdelay $0x3  }
0x34: {  	[smem:$0x3FA9] =	sst s10  }
0x35: {  	s10 =	sld [smem:$0x3FA8];
	_ =	sdelay $0x3  }
0x36: {  	p1 =	seq.s32 s10, $0x1;
	s10 =	sld [smem:$0x3FA9];
	_ =	sdelay $0x3  }
0x37: {  	[smem:$0x3FA9] =	sst s10  }
0x38: {  	s10 =	sld [smem:$0x3FAA]  }
0x39: {  	_ = 	snop;
	(pc) =	sbr.ind lr, $3  }
0x3a: {  	_ = 	snop  }
0x3b: {  	_ = 	snop  }
0x3c: {  	p2 =	seq.s32 s10, $0x1;
	s10 =	sld [smem:$0x3FA9]  }
0x3d: {  	_ =	shalt  }
0x3e: {  	_ =	shalt  }
0x3f: {  	_ =	shalt  }
0x40: {  	_ =	shalt  }
0x41: {  	_ =	shalt  }
0x42: {  	_ =	shalt  }
0x43: {  	_ =	shalt  }
0x44: {  	_ =	shalt  }
0x45: {  	_ =	shalt  }
0x46: {  	_ =	shalt  }
0x47: {  	_ =	shalt  }
0x48: {  	_ =	shalt  }
0x49: {  	_ =	shalt  }
0x4a: {  	_ =	shalt  }
0x4b: {  	_ =	shalt  }
0x4c: {  	_ =	shalt  }
0x4d: {  	_ =	shalt  }
0x4e: {  	_ =	shalt  }
0x4f: {  	_ =	shalt  }
0x50: {  	_ =	shalt  }
0x51: {  	_ =	shalt  }
0x52: {  	_ =	shalt  }
0x53: {  	_ =	shalt  }
0x54: {  	_ =	shalt  }
0x55: {  	_ =	shalt  }
0x56: {  	_ =	shalt  }
0x57: {  	_ =	shalt  }
0x58: {  	_ =	shalt  }
0x59: {  	_ =	shalt  }
0x5a: {  	_ =	shalt  }
0x5b: {  	_ =	shalt  }
0x5c: {  	_ =	shalt  }
0x5d: {  	_ =	shalt  }
0x5e: {  	_ =	shalt  }
0x5f: {  	_ =	shalt  }
0x60: {  	_ =	shalt  }
0x61: {  	_ =	shalt  }
0x62: {  	_ =	shalt  }
0x63: {  	_ =	shalt  }
0x64: {  	_ =	shalt  }
0x65: {  	_ =	shalt  }
0x66: {  	_ =	shalt  }
0x67: {  	_ =	shalt  }
0x68: {  	_ =	shalt  }
0x69: {  	_ =	shalt  }
0x6a: {  	_ =	shalt  }
0x6b: {  	_ =	shalt  }
0x6c: {  	_ =	shalt  }
0x6d: {  	_ =	shalt  }
0x6e: {  	_ =	shalt  }
0x6f: {  	_ =	shalt  }
0x70: {  	_ =	shalt  }
0x71: {  	_ =	shalt  }
0x72: {  	_ =	shalt  }
0x73: {  	_ =	shalt  }
0x74: {  	_ =	shalt  }
0x75: {  	_ =	shalt  }
0x76: {  	_ =	shalt  }
0x77: {  	_ =	shalt  }
0x78: {  	_ =	shalt  }
0x79: {  	_ =	shalt  }
0x7a: {  	_ =	shalt  }
0x7b: {  	_ =	shalt  }
0x7c: {  	_ =	shalt  }
0x7d: {  	_ =	shalt  }
0x7e: {  	_ =	shalt  }
0x7f: {  	_ =	shalt  }
0x80: {  	_ =	shalt  }
0x81: {  	_ =	shalt  }
0x82: {  	_ =	shalt  }
0x83: {  	_ =	shalt  }
0x84: {  	_ =	shalt  }
0x85: {  	_ =	shalt  }
0x86: {  	_ =	shalt  }
0x87: {  	_ =	shalt  }
.Lfunc_end0:
.L_simem_size_0:
called_computation.4_lowered:
.L_overlay_start_0:
0x88: {  	s2 =	sld [smem:$0x3FD9]  }
0x89: {  	s3 =	sld [smem:$0x3FFE];
	_ =	sdelay $0x1  }
0x8a: {  	s1 =	srdreg.scid  }
0x8b: {  	s0 =	sand.u32 $0x1, s1  }
0x8c: {  	s17 =	sshll.u32 s0, $0xA;
	s2 =	sadd.s32 s3, s2  }
0x8d: {  	s2 =	sadd.s32 s2, s17  }
0x8e: {  	[smem:$0x3FB5] =	sst s2  }
0x8f: {  	_ = 	snop  }
0x90: {  	s2 =	sld [smem:$0x3FD0];
	(tm) =	ssettm $0x1  }
0x91: {  	s18 =	sld [smem:$0x3FFB];
	_ =	sdelay $0x3  }
0x92: {  	_ =	strace s18  }
0x93: {  	s3 =	sld [smem:$0x3FFC];
	_ =	sdelay $0x3  }
0x94: {  	_ =	strace s3  }
0x95: {  	s3 =	sld [smem:$0x3FFD];
	_ =	sdelay $0x3  }
0x96: {  	_ =	strace s3  }
0x97: {  	_ =	strace $0x8FFFFFFF  }
0x98: {  	s19 =	sld [smem:$0x3FDB];
	_ =	sdelay $0x1  }
0x99: {  	s4 =	simm.s32 $_scs_section_size  }
0x9a: {  	s5 =	simm.s32 $_size__tile_overlayer_lowered;
	s6 =	simm.s32 $_tile_overlayer_lowered  }
0x9b: {  	s22 =	simm.s32 $0x1BFF;
	s21 =	sshll.u32 s6, $0x1;
	s3 =	sadd.s32 s4, s19  }
0x9c: {  	s7 =	simm.s32 $0x0;
	s20 =	sshll.u32 s5, $0x1;
	s5 =	sadd.s32 s21, s3  }
0x9d: {  	[timem:s7], [sflag:s22] =	dma.local [hbm:s5], s20  }
0x9e: {  	_ =	swait.ge [sflag:s22], s20  }
0x9f: {  	s4 =	ssub.s32 $0x0, s20;
	[sflag:s22] =	ssyncset.done $0x0  }
0xa0: {  	[sflag:s22] =	ssyncadd.s32 s4;
	_ =	sdelay $0x1  }
0xa1: {  	s23 =	simm.s32 $0x1B8B  }
0xa2: {  	_ =	swait.ge [sflag:s23], $0x1  }
0xa3: {  	[sflag:s23] =	ssyncset.done $0x0  }
0xa4: {  	s25 =	simm.s32 $0x1B8E;
	s24 =	sld [smem:$0x3FFE];
	[sflag:s23] =	ssyncadd.s32 $0xFFFFFFFF  }
0xa5: {  	s26 =	simm.s32 $execute0_lowered;
	[smem:$0x3FD2] =	sst s25  }
0xa6: {  	s5 =	sshll.u32 s26, $0x1;
	_ =	strace $0x80000061;
	[dreg:$0x1] =	wrdreg $0xFFFFFFFF  }
0xa7: {  	s28 =	simm.s32 $_size_execute0_lowered;
	s3 =	sadd.s32 s3, s5;
	[dreg:$0x0] =	wrdreg $0x0  }
0xa8: {  	s5 =	sshll.u32 s28, $0x1;
	[dreg:$0x2] =	wrdreg s3  }
0xa9: {  	[dreg:$0x3] =	wrdreg s5  }
0xaa: {  	[dreg:$0x4] =	wrdreg $0xC0  }
0xab: {  	_ =	task [dreg:s7], $0x5FFFF  }
0xac: {  	[dreg:$0x1] =	wrdreg $0xFFFFFFFF  }
0xad: {  	[dreg:$0x0] =	wrdreg $0x60  }
0xae: {  	[dreg:$0x2] =	wrdreg s24  }
0xaf: {  	[dreg:$0x3] =	wrdreg s2  }
0xb0: {  	[dreg:$0x4] =	wrdreg $0x9  }
0xb1: {  	_ =	task.clear_ibuf [dreg:s7], $0x5FFFF;
	_ =	strace $0x90000061  }
0xb2: {  	s29 =	simm.s32 $0x9;
	_ =	strace $0x80000063  }
0xb3: {  	_ =	swait.ge [sflag:s29], $0x1  }
0xb4: {  	[sflag:s29] =	ssyncadd.s32 $0xFFFFFFFF  }
0xb5: {  	_ =	strace $0x90000063  }
0xb6: {  	_ =	sfence  }
0xb7: {  	s30 =	sld [smem:$0x0];
	_ =	sdelay $0x2  }
0xb8: {  	s31 =	sshll.u32 s1, $0xD;
	s1 =	sshrl.u32 s1, $0x2  }
0xb9: {  	s3 =	sand.u32 $0x4000, s31;
	s1 =	sadd.s32 s1, s30  }
0xba: {  	s0 =	sor.u32 s3, s0;
	s1 =	sshll.u32 s1, $0x11  }
0xbb: {  	s0 =	sor.u32 s1, s0  }
0xbc: {  	s0 =	sadd.s32 $0x8F2B, s0  }
0xbd: {  	[sflag:s0] =	ssyncadd.remote.s32 $0x1  }
0xbe: {  	_ =	sfence.sel $0xFFFF  }
0xbf: {  	[dreg:$0x0] =	wrdreg $0xFFFFFFFF;
	(pc) =	sbr.abs _section_cstart, $3  }
0xc0: {  	[dreg:$0x1] =	wrdreg $0xFFFFFFFF  }
0xc1: {  	_ =	task.clear_ibuf [dreg:s7], $0x2FFFF;
	_ =	strace $0x9FFFFFFF  }
0xc2: {  	(tm) =	ssettm $0x7FFFFFFF  }
0xc3: {  	_ =	shalt  }
tec
execute0_lowered:
.L_overlay_start_1:
0x0: {  	(tag) =	ssettag $0x1  }
0x1: {  	s1 =	srdreg.scid;
	s5 =	rddreg [dreg:$0x0]  }
0x2: {  	s0 =	stileid.u32;
	s2 =	rddreg [dreg:$0x1];
	s6 =	simm.s32 $0x1  }
0x3: {  	s9 =	simm.s32 $0x1;
	s10 =	simm.s32 $0x3;
	s1 =	sshll.u32 s1, $0x6  }
0x4: {  	s13 =	simm.s32 $0x0;
	s3 =	sshll.u32 s0, $0x7;
	s4 =	sand.u32 $0x40, s1  }
0x5: {  	s12 =	simm.s32 $0x0;
	s1 =	rddreg [dreg:$0x2];
	s3 =	sor.u32 s3, s4  }
0x6: {  	_ =	strace $0x80000062;
	s4 =	sadd.s32 $0xAE00, s5;
	s8 =	ssub.s32 $0x1000, s3  }
.Ltmp0:
0x7: {  	s5 =	sadd.s32 $0xB200, s5;
	s7 =	sand.u32 $0x7C0, s8;
	(pc) =	sbr.rel .LBB2_1-.Ltmp0, $4  }
0x8: {  	[sflag:s6] =	ssyncpa.u1 $0x0;
	s11 =	smov.u32 s3;
	p0 =	sne.s32 s7, $0x0  }
0x9: {  	s8 =	sshrl.u32 s8, $0xB;
	s7 =	simm.s32 $0x2;
	s9 =	simm.s32 @!p0 $0x0  }
0xa: {  	[sflag:s7] =	ssyncpa.u1 $0x0;
	p0 =	por $0x0, $0x0;
	s8 =	sadd.s32 s9, s8  }
0xb: {  	vm0 =	vmmov $0xffff;
	[sflag:s10] =	ssyncpa.u1 $0x0;
	s10 =	simm.s32 $0x0;
	s9 =	sadd.s32 $0x1, s8  }
.LBB2_4:
0xc: {  	v2 =	vnsel vm1, $0x0, v2  }
0xd: {  	vm1 =	vgt.s32 v0, $0x0;
	v2 =	vmin.u32 v2, $0xFFF  }
0xe: {  	v0 =	vnsel vm1, $0x0, v0  }
0xf: {  	v0 =	vmin.u32 v0, $0xFFF  }
0x10: {  	[tilespmem:s15], [sflag:$0x1] =	stream.indirect_vreg.gather [hbm4b:s4+s10], $0x1, v1, vm0, $0x4038;
	[tilespmem:$0x100] =	vst v63  }
0x11: {  	(ifvalue) =	ssetifvalue $0x7FFFFFFF  }
0x12: {  	[tilespmem:s16], [sflag:$0x1] =	stream.indirect_vreg.gather [hbm4b:s4+s10], $0x1, v2, vm0, $0x4038;
	[tilespmem:$0x100] =	vst v63  }
0x13: {  	s29 =	sadd.s32 $0x10, s16;
	(ifvalue) =	ssetifvalue $0x7FFFFFFF  }
0x14: {  	[tilespmem:s29], [sflag:$0x1] =	stream.indirect_vreg.gather [hbm4b:s4+s10], $0x1, v0, vm0, $0x4038;
	[tilespmem:$0x100] =	vst v63  }
0x15: {  	_ =	swait.ge [sflag:s6], $0x40  }
0x16: {  	s30 =	sshrl.u32 s13, $0x3;
	[sflag:s6] =	ssyncset.done $0x0  }
0x17: {  	s31 =	sand.u32 $0x7, s13;
	s15 =	sadd.s32 s2, s30;
	[sflag:s6] =	ssyncadd.s32 $0xFFFFFFC0  }
0x18: {  	[hbm4b:s15+s31] =	stream.linear.scatter [tilespmem:s14], [sflag:$0x3], $0x40, $0x38;
	[tilespmem:$0x100] =	vst v63  }
.LBB2_5:
0x19: {  	s15 =	sadd.s32 $0x800, s11  }
0x1a: {  	p2 =	sgt.s32 s15, $0xFFF  }
0x1b: {  	s15 =	smov.u32 @p2 s3;
	p2 =	sne.s32 s12, s9  }
.Ltmp1:
0x1c: {  	p1 =	slt.u32 s12, $0x2;
	(pc) =	sbr.rel @!p2 .LBB2_6-.Ltmp1, $4  }
0x1d: {  	s14 =	simm.s32 @!p1 $0x3  }
0x1e: {  	s16 =	sadd.s32 $0x1, s12;
	_ =	swait.ge @!p1 [sflag:s14], $0x40  }
0x1f: {  	s13 =	smov.u32 s11;
	p0 =	por !p0, !p0;
	[sflag:s14] =	ssyncset.done @!p1 $0x0  }
0x20: {  	s12 =	smov.u32 s16;
	s11 =	smov.u32 s15;
	[sflag:s14] =	ssyncadd.s32 @!p1 $0xFFFFFFC0  }
.LBB2_1:
0x21: {  	p1 =	sge.u32 s12, s8  }
0x22: {  	s14 =	sxor.u32 @!p1 $0xFFFFFFFF, s12  }
0x23: {  	s31 =	sadd.s32 $0xFFFFFFFF, s12;
	s15 =	sshrl.u32 @!p1 s11, $0x3;
	s14 =	sshll.u32 @!p1 s14, $0x6  }
0x24: {  	s16 =	sand.u32 @!p1 $0x7, s11;
	s15 =	sadd.s32 @!p1 s5, s15;
	s14 =	sand.u32 @!p1 $0x40, s14  }
0x25: {  	[tilespmem:s14], [sflag:$0x2] =	stream.linear.gather @!p1 [hbm4b:s15+s16], $0x40, $0x38;
	[tilespmem:$0x100] =	vst v63  }
0x26: {  	p1 =	sge.u32 s31, s8  }
.Ltmp2:
0x27: {  	_ = 	snop;
	(pc) =	sbr.rel @p1 .LBB2_5-.Ltmp2, $1  }
0x28: {  	_ =	sdelay $0x3  }
0x29: {  	s14 =	simm.s32 $0x1  }
0x2a: {  	_ =	swait.ge [sflag:s7], $0x40;
	s14 =	simm.s32 @!p0 $0x0  }
0x2b: {  	[sflag:s7] =	ssyncset.done $0x0;
	s14 =	sshll.u32 s14, $0x6  }
0x2c: {  	[sflag:s7] =	ssyncadd.s32 $0xFFFFFFC0;
	(ifvalue) =	ssetifvalue $0x7FFFFFFF;
	v0 =	vld.msk [tilespmem:s14+$0x0 ss:$0x1], $0xffff;
	_ =	sdelay $0x4  }
0x2d: {  	s15 =	sadd.s32 $0x10, s14;
	vm1 =	vgt.s32 v0, $0x0  }
0x2e: {  	v2 =	vld.msk [tilespmem:s15+$0x0 ss:$0x1], $0xffff;
	v1 =	vnsel vm1, $0x0, v0  }
0x2f: {  	v1 =	vmin.u32 v1, $0xFFF;
	_ =	sdelay $0x1  }
0x30: {  	s16 =	sshll.u32 s12, $0x6;
	s18 =	simm.s32 $0x20  }
0x31: {  	s16 =	sand.u32 $0x40, s16;
	s17 =	sadd.s32 $0x10, s15;
	s15 =	sor.u32 $0x80, s14  }
0x32: {  	s14 =	sor.u32 $0x80, s16;
	s16 =	sadd.s32 $0x10, s15;
	v0 =	vld.msk [tilespmem:s17+$0x0 ss:$0x1], $0xffff;
	vm1 =	vgt.s32 v2, $0x0;
	(ifvalue) =	ssetifvalue $0x7FFFFFFF  }
.LBB2_3:
0x33: {  	[tilespmem:s15], [sflag:$0x1] =	stream.indirect_vreg.gather [hbm4b:s4+s10], $0x1, v1, vm0, $0x4038;
	[tilespmem:$0x100] =	vst v63  }
0x34: {  	s18 =	sadd.s32 $0x10, s18  }
0x35: {  	v2 =	vnsel vm1, $0x0, v2;
	p1 =	slt.u32 s18, $0x30  }
.Ltmp3:
0x36: {  	s15 =	smov.u32 s16;
	v1 =	vmin.u32 v2, $0xFFF;
	(pc) =	sbr.rel @p1 .LBB2_3-.Ltmp3, $3  }
0x37: {  	_ =	sdelay $0x1  }
0x38: {  	s17 =	sadd.s32 $0x10, s17  }
0x39: {  	vm1 =	vgt.s32 v0, $0x0;
	s16 =	sadd.s32 $0x10, s16;
	v2 =	vmov v0;
	(ifvalue) =	ssetifvalue $0x7FFFFFFF;
	v0 =	vld.msk [tilespmem:s17+$0x0 ss:$0x1], $0xffff  }
.Ltmp4:
0x3a: {  	_ = 	snop;
	(pc) =	sbr.rel .LBB2_4-.Ltmp4, $1  }
0x3b: {  	_ =	sdelay $0x3  }
.LBB2_6:
0x3c: {  	_ =	sfence.sel $0x180000  }
0x3d: {  	s2 =	simm.s32 $0x2;
	[bflag:$0x0] =	sbarrier.arrive $0xFFFF  }
0x3e: {  	s30 =	simm.s32 $0x3;
	[sflag:s2] =	ssyncpa.u1 $0x1  }
0x3f: {  	s31 =	simm.s32 $0x1;
	[sflag:s30] =	ssyncpa.u1 $0x1  }
0x40: {  	[sflag:s31] =	ssyncpa.u1 $0x1  }
0x41: {  	p0 =	sne.s32 s0, $0x0;
	_ =	strace $0x90000062  }
0x42: {  	s0 =	sadd.s32 @!p0 $0x100000, s1;
	[bflag:$0x2] =	sbarrier.arrive $0xFFFF  }
0x43: {  	[sflag:s0] =	ssyncadd.tile.s32 @!p0 $0x1;
	_ =	shalt  }
.Lfunc_end2:
_tile_overlayer_lowered:
.L_overlay_start_2:
0x44: {  	(tag) =	ssettag $0x2  }
0x45: {  	s0 =	rddreg [dreg:$0x0];
	s2 =	stileid.u32  }
0x46: {  	s1 =	rddreg [dreg:$0x1];
	p0 =	sne.s32 s2, $0x0  }
0x47: {  	s3 =	rddreg [dreg:$0x2];
	[bflag:$0x3] =	sbarrier.arrive $0xFFFF;
	s2 =	simm.s32 @!p0 $0x1C01  }
0x48: {  	[timem:s3], [sflag:s2] =	dma.local @!p0 [hbm:s0], s1  }
0x49: {  	s0 =	simm.s32 @!p0 $0x1  }
0x4a: {  	_ =	swait.ge @!p0 [sflag:s0], s1  }
0x4b: {  	s1 =	ssub.s32 @!p0 $0x0, s1;
	[sflag:s0] =	ssyncset.done @!p0 $0x0  }
0x4c: {  	[sflag:s0] =	ssyncadd.s32 @!p0 s1  }
0x4d: {  	[bflag:$0x3] =	sbarrier.arrive $0xFFFF  }
0x4e: {  	_ =	shalt  }

// kernel: gather_offload_async_start.3
scs
__scs_entry_jumppad:
0x0: {  	(pc) =	sbr.rel $0x88, $3  }
0x1: {  	(tag) =	ssettag $0x0;
	lr =	simm.s32 $0x1  }
0x2: {  	[smem:$0x3F8E] =	sst lr;
	_ =	strace $0xD0000000  }
0x3: {  	_ = 	snop  }
0x4: {  	_ = 	snop  }
0x5: {  	_ = 	snop  }
0x6: {  	_ = 	snop  }
0x7: {  	_ = 	snop  }
__scs_overlays_trampoline_lowered:
0x8: {  	[smem:$0x3F9D] =	sst s0  }
0x9: {  	[smem:$0x3F9E] =	sst s1  }
0xa: {  	[smem:$0x3F9F] =	sst s2  }
0xb: {  	[smem:$0x3FA0] =	sst s3  }
0xc: {  	[smem:$0x3FA1] =	sst s4  }
0xd: {  	[smem:$0x3FA2] =	sst s5  }
0xe: {  	[smem:$0x3FA3] =	sst s6  }
0xf: {  	[smem:$0x3FA4] =	sst s7  }
0x10: {  	[smem:$0x3FA5] =	sst s8  }
0x11: {  	[smem:$0x3FA6] =	sst s9;
	s0 =	simm.s32 @!p0 $0x0  }
0x12: {  	s1 =	sld [smem:$0x3F8C];
	s0 =	simm.s32 @p0 $0x1  }
0x13: {  	[smem:$0x3FA7] =	sst s0;
	s0 =	simm.s32 @!p1 $0x0  }
0x14: {  	s2 =	sld [smem:$0x3F8B];
	s0 =	simm.s32 @p1 $0x1  }
0x15: {  	[smem:$0x3FA8] =	sst s0;
	s0 =	simm.s32 @!p2 $0x0  }
0x16: {  	s3 =	sld [smem:$0x3FDB];
	s0 =	simm.s32 @p2 $0x1  }
0x17: {  	s4 =	simm.s32 $0x1BF5;
	[smem:$0x3FAA] =	sst s0  }
0x18: {  	s0 =	sld [smem:$0x3F8D];
	_ =	swait.ge [sflag:s4], $0x0  }
0x19: {  	s7 =	sld [smem:$0x3F8E]  }
0x1a: {  	s8 =	sadd.s32 $0xFFFFE003, lr  }
0x1b: {  	s9 =	sadd.s32 $0xFFFFFEF7, lr;
	s5 =	simm.s32 $0xFFFFFFFF;
	p2 =	slt.u32 s8, $0xFFFFF086  }
0x1c: {  	p1 =	slt.u32 s9, $0xF7A;
	s5 =	simm.s32 @!p2 $0x0  }
0x1d: {  	s5 =	simm.s32 @p1 $0x1;
	p0 =	seq.s32 s7, s2  }
0x1e: {  	s7 =	smul.u32 @!p0 $0xF7A, s2;
	p2 =	seq.s32 @!p0 s5, $0x0  }
0x1f: {  	s9 =	smul.u32 $0xF7A, s1;
	s8 =	simm.s32 @!p0 $0x1BF5;
	p2 =	por !p2, p0  }
0x20: {  	[sflag:s8] =	ssyncset.s32 @!p0 $0xFFFFF086;
	s6 =	sadd.s32 @!p0 s3, s7;
	s7 =	simm.s32 @!p0 $0x108  }
0x21: {  	s3 =	sadd.s32 s3, s9;
	s6 =	sadd.s32 @!p0 $0x88, s6;
	s7 =	simm.s32 @p2 $0x1082  }
0x22: {  	[simem:s7], [sflag:s8] =	dma.local @!p0 [hbm:s6], $0xF7A  }
0x23: {  	s9 =	sor.u32 $0xD0000000, s2;
	s6 =	simm.s32 $0x108;
	_ =	swait.ge @!p0 [sflag:s8], $0x0  }
0x24: {  	s3 =	sadd.s32 $0x88, s3;
	s6 =	simm.s32 @!p1 $0x1082;
	[sflag:s4] =	ssyncset.s32 $0xFFFFF086  }
0x25: {  	[simem:s6], [sflag:s4] =	dma.local [hbm:s3], $0xF7A  }
0x26: {  	[smem:$0x3F8E] =	sst s1;
	(tag) =	ssettag s2;
	_ =	strace s9  }
0x27: {  	s1 =	sld [smem:$0x3F9E]  }
0x28: {  	s2 =	sld [smem:$0x3F9F]  }
0x29: {  	s4 =	sld [smem:$0x3FA1]  }
0x2a: {  	p0 =	seq.s32 s5, $0x0;
	s5 =	sld [smem:$0x3FA2]  }
0x2b: {  	s6 =	sld [smem:$0x3FA3]  }
0x2c: {  	s7 =	sld [smem:$0x3FA4]  }
0x2d: {  	s3 =	simm.s32 $0x108;
	s8 =	sld [smem:$0x3FA5]  }
0x2e: {  	s3 =	simm.s32 @!p0 $0x1082;
	s9 =	sld [smem:$0x3FA6]  }
0x2f: {  	lr =	sadd.s32 s0, s3;
	s0 =	sld [smem:$0x3F9D]  }
0x30: {  	s3 =	sld [smem:$0x3FA0]  }
0x31: {  	[smem:$0x3FA9] =	sst s10  }
0x32: {  	s10 =	sld [smem:$0x3FA7];
	_ =	sdelay $0x3  }
0x33: {  	p0 =	seq.s32 s10, $0x1;
	s10 =	sld [smem:$0x3FA9];
	_ =	sdelay $0x3  }
0x34: {  	[smem:$0x3FA9] =	sst s10  }
0x35: {  	s10 =	sld [smem:$0x3FA8];
	_ =	sdelay $0x3  }
0x36: {  	p1 =	seq.s32 s10, $0x1;
	s10 =	sld [smem:$0x3FA9];
	_ =	sdelay $0x3  }
0x37: {  	[smem:$0x3FA9] =	sst s10  }
0x38: {  	s10 =	sld [smem:$0x3FAA]  }
0x39: {  	_ = 	snop;
	(pc) =	sbr.ind lr, $3  }
0x3a: {  	_ = 	snop  }
0x3b: {  	_ = 	snop  }
0x3c: {  	p2 =	seq.s32 s10, $0x1;
	s10 =	sld [smem:$0x3FA9]  }
0x3d: {  	_ =	shalt  }
0x3e: {  	_ =	shalt  }
0x3f: {  	_ =	shalt  }
0x40: {  	_ =	shalt  }
0x41: {  	_ =	shalt  }
0x42: {  	_ =	shalt  }
0x43: {  	_ =	shalt  }
0x44: {  	_ =	shalt  }
0x45: {  	_ =	shalt  }
0x46: {  	_ =	shalt  }
0x47: {  	_ =	shalt  }
0x48: {  	_ =	shalt  }
0x49: {  	_ =	shalt  }
0x4a: {  	_ =	shalt  }
0x4b: {  	_ =	shalt  }
0x4c: {  	_ =	shalt  }
0x4d: {  	_ =	shalt  }
0x4e: {  	_ =	shalt  }
0x4f: {  	_ =	shalt  }
0x50: {  	_ =	shalt  }
0x51: {  	_ =	shalt  }
0x52: {  	_ =	shalt  }
0x53: {  	_ =	shalt  }
0x54: {  	_ =	shalt  }
0x55: {  	_ =	shalt  }
0x56: {  	_ =	shalt  }
0x57: {  	_ =	shalt  }
0x58: {  	_ =	shalt  }
0x59: {  	_ =	shalt  }
0x5a: {  	_ =	shalt  }
0x5b: {  	_ =	shalt  }
0x5c: {  	_ =	shalt  }
0x5d: {  	_ =	shalt  }
0x5e: {  	_ =	shalt  }
0x5f: {  	_ =	shalt  }
0x60: {  	_ =	shalt  }
0x61: {  	_ =	shalt  }
0x62: {  	_ =	shalt  }
0x63: {  	_ =	shalt  }
0x64: {  	_ =	shalt  }
0x65: {  	_ =	shalt  }
0x66: {  	_ =	shalt  }
0x67: {  	_ =	shalt  }
0x68: {  	_ =	shalt  }
0x69: {  	_ =	shalt  }
0x6a: {  	_ =	shalt  }
0x6b: {  	_ =	shalt  }
0x6c: {  	_ =	shalt  }
0x6d: {  	_ =	shalt  }
0x6e: {  	_ =	shalt  }
0x6f: {  	_ =	shalt  }
0x70: {  	_ =	shalt  }
0x71: {  	_ =	shalt  }
0x72: {  	_ =	shalt  }
0x73: {  	_ =	shalt  }
0x74: {  	_ =	shalt  }
0x75: {  	_ =	shalt  }
0x76: {  	_ =	shalt  }
0x77: {  	_ =	shalt  }
0x78: {  	_ =	shalt  }
0x79: {  	_ =	shalt  }
0x7a: {  	_ =	shalt  }
0x7b: {  	_ =	shalt  }
0x7c: {  	_ =	shalt  }
0x7d: {  	_ =	shalt  }
0x7e: {  	_ =	shalt  }
0x7f: {  	_ =	shalt  }
0x80: {  	_ =	shalt  }
0x81: {  	_ =	shalt  }
0x82: {  	_ =	shalt  }
0x83: {  	_ =	shalt  }
0x84: {  	_ =	shalt  }
0x85: {  	_ =	shalt  }
0x86: {  	_ =	shalt  }
0x87: {  	_ =	shalt  }
.Lfunc_end0:
.L_simem_size_0:
called_computation.5_lowered:
.L_overlay_start_0:
0x88: {  	s2 =	sld [smem:$0x3FD9]  }
0x89: {  	s3 =	sld [smem:$0x3FFE];
	_ =	sdelay $0x1  }
0x8a: {  	s1 =	srdreg.scid  }
0x8b: {  	s0 =	sand.u32 $0x1, s1  }
0x8c: {  	s16 =	sshll.u32 s0, $0xA;
	s2 =	sadd.s32 s3, s2  }
0x8d: {  	s2 =	sadd.s32 s2, s16  }
0x8e: {  	[smem:$0x3FB5] =	sst s2  }
0x8f: {  	_ = 	snop  }
0x90: {  	(tm) =	ssettm $0x1  }
0x91: {  	s17 =	sld [smem:$0x3FFB];
	_ =	sdelay $0x3  }
0x92: {  	_ =	strace s17  }
0x93: {  	s2 =	sld [smem:$0x3FFC];
	_ =	sdelay $0x3  }
0x94: {  	_ =	strace s2  }
0x95: {  	s2 =	sld [smem:$0x3FFD];
	_ =	sdelay $0x3  }
0x96: {  	_ =	strace s2  }
0x97: {  	_ =	strace $0x8FFFFFFF  }
0x98: {  	s18 =	sld [smem:$0x3FDB];
	_ =	sdelay $0x1  }
0x99: {  	s19 =	simm.s32 $_scs_section_size  }
0x9a: {  	s4 =	simm.s32 $_size__tile_overlayer_lowered;
	s5 =	simm.s32 $_tile_overlayer_lowered  }
0x9b: {  	s22 =	simm.s32 $0x1BFF;
	s21 =	sshll.u32 s5, $0x1;
	s2 =	sadd.s32 s19, s18  }
0x9c: {  	s6 =	simm.s32 $0x0;
	s20 =	sshll.u32 s4, $0x1;
	s4 =	sadd.s32 s21, s2  }
0x9d: {  	[timem:s6], [sflag:s22] =	dma.local [hbm:s4], s20  }
0x9e: {  	_ =	swait.ge [sflag:s22], s20  }
0x9f: {  	s3 =	ssub.s32 $0x0, s20;
	[sflag:s22] =	ssyncset.done $0x0  }
0xa0: {  	[sflag:s22] =	ssyncadd.s32 s3;
	_ =	sdelay $0x1  }
0xa1: {  	s23 =	simm.s32 $0x1B8B  }
0xa2: {  	_ =	swait.ge [sflag:s23], $0x1  }
0xa3: {  	[sflag:s23] =	ssyncset.done $0x0  }
0xa4: {  	s25 =	simm.s32 $0x1B8E;
	s24 =	sld [smem:$0x3FFE];
	[sflag:s23] =	ssyncadd.s32 $0xFFFFFFFF  }
0xa5: {  	s26 =	simm.s32 $execute0_lowered;
	[smem:$0x3FD2] =	sst s25  }
0xa6: {  	s4 =	sshll.u32 s26, $0x1;
	_ =	strace $0x80000064;
	[dreg:$0x1] =	wrdreg $0xFFFFFFFF  }
0xa7: {  	s28 =	simm.s32 $_size_execute0_lowered;
	s2 =	sadd.s32 s2, s4;
	[dreg:$0x0] =	wrdreg $0x0  }
0xa8: {  	s4 =	sshll.u32 s28, $0x1;
	[dreg:$0x2] =	wrdreg s2  }
0xa9: {  	[dreg:$0x3] =	wrdreg s4  }
0xaa: {  	[dreg:$0x4] =	wrdreg $0xC0  }
0xab: {  	_ =	task [dreg:s6], $0x5FFFF  }
0xac: {  	[dreg:$0x1] =	wrdreg $0xFFFFFFFF  }
0xad: {  	[dreg:$0x0] =	wrdreg $0x60  }
0xae: {  	[dreg:$0x2] =	wrdreg s24  }
0xaf: {  	[dreg:$0x3] =	wrdreg $0x9  }
0xb0: {  	_ =	task.clear_ibuf [dreg:s6], $0x4FFFF;
	_ =	strace $0x90000064  }
0xb1: {  	s29 =	simm.s32 $0x9;
	_ =	strace $0x80000066  }
0xb2: {  	_ =	swait.ge [sflag:s29], $0x1  }
0xb3: {  	[sflag:s29] =	ssyncadd.s32 $0xFFFFFFFF  }
0xb4: {  	_ =	strace $0x90000066  }
0xb5: {  	_ =	sfence  }
0xb6: {  	s30 =	sld [smem:$0x0];
	_ =	sdelay $0x2  }
0xb7: {  	s31 =	sshll.u32 s1, $0xD;
	s1 =	sshrl.u32 s1, $0x2  }
0xb8: {  	s3 =	sand.u32 $0x4000, s31;
	s1 =	sadd.s32 s1, s30  }
0xb9: {  	s0 =	sor.u32 s3, s0;
	s1 =	sshll.u32 s1, $0x11  }
0xba: {  	s0 =	sor.u32 s1, s0  }
0xbb: {  	s0 =	sadd.s32 $0x8F2B, s0  }
0xbc: {  	[sflag:s0] =	ssyncadd.remote.s32 $0x1  }
0xbd: {  	_ =	sfence.sel $0xFFFF  }
0xbe: {  	[dreg:$0x0] =	wrdreg $0xFFFFFFFF;
	(pc) =	sbr.abs _section_cstart, $3  }
0xbf: {  	[dreg:$0x1] =	wrdreg $0xFFFFFFFF  }
0xc0: {  	_ =	task.clear_ibuf [dreg:s6], $0x2FFFF;
	_ =	strace $0x9FFFFFFF  }
0xc1: {  	(tm) =	ssettm $0x7FFFFFFF  }
tec
execute0_lowered:
.L_overlay_start_1:
0x0: {  	(tag) =	ssettag $0x1  }
0x1: {  	s0 =	srdreg.scid;
	s5 =	rddreg [dreg:$0x0]  }
0x2: {  	s1 =	stileid.u32;
	s6 =	simm.s32 $0x1;
	s9 =	simm.s32 $0x1  }
0x3: {  	s10 =	simm.s32 $0x3;
	s13 =	simm.s32 $0x0;
	s2 =	sshll.u32 s0, $0x6  }
0x4: {  	s12 =	simm.s32 $0x0;
	s3 =	sshll.u32 s1, $0x7;
	s2 =	sand.u32 $0x40, s2  }
0x5: {  	s0 =	rddreg [dreg:$0x1];
	_ =	strace $0x80000065;
	s2 =	sor.u32 s3, s2  }
0x6: {  	s4 =	sadd.s32 $0xB200, s5;
	[sflag:s6] =	ssyncpa.u1 $0x0;
	s8 =	ssub.s32 $0x1000, s2  }
.Ltmp0:
0x7: {  	s3 =	sadd.s32 $0xB000, s5;
	s7 =	sand.u32 $0x7C0, s8;
	(pc) =	sbr.rel .LBB2_1-.Ltmp0, $4  }
0x8: {  	s5 =	sadd.s32 $0xB400, s5;
	s11 =	smov.u32 s2;
	p0 =	sne.s32 s7, $0x0  }
0x9: {  	s8 =	sshrl.u32 s8, $0xB;
	s7 =	simm.s32 $0x2;
	s9 =	simm.s32 @!p0 $0x0  }
0xa: {  	[sflag:s7] =	ssyncpa.u1 $0x0;
	p0 =	por $0x0, $0x0;
	s8 =	sadd.s32 s9, s8  }
0xb: {  	vm0 =	vmmov $0xffff;
	[sflag:s10] =	ssyncpa.u1 $0x0;
	s10 =	simm.s32 $0x0;
	s9 =	sadd.s32 $0x1, s8  }
.LBB2_4:
0xc: {  	v2 =	vnsel vm1, $0x0, v2  }
0xd: {  	vm1 =	vgt.s32 v0, $0x0;
	v2 =	vmin.u32 v2, $0xFFF  }
0xe: {  	v0 =	vnsel vm1, $0x0, v0  }
0xf: {  	v0 =	vmin.u32 v0, $0xFFF  }
0x10: {  	[tilespmem:s15], [sflag:$0x1] =	stream.indirect_vreg.gather [hbm4b:s3+s10], $0x1, v1, vm0, $0x4038;
	[tilespmem:$0x100] =	vst v63  }
0x11: {  	(ifvalue) =	ssetifvalue $0x7FFFFFFF  }
0x12: {  	[tilespmem:s16], [sflag:$0x1] =	stream.indirect_vreg.gather [hbm4b:s3+s10], $0x1, v2, vm0, $0x4038;
	[tilespmem:$0x100] =	vst v63  }
0x13: {  	s29 =	sadd.s32 $0x10, s16;
	(ifvalue) =	ssetifvalue $0x7FFFFFFF  }
0x14: {  	[tilespmem:s29], [sflag:$0x1] =	stream.indirect_vreg.gather [hbm4b:s3+s10], $0x1, v0, vm0, $0x4038;
	[tilespmem:$0x100] =	vst v63  }
0x15: {  	_ =	swait.ge [sflag:s6], $0x40  }
0x16: {  	s30 =	sshrl.u32 s13, $0x3;
	[sflag:s6] =	ssyncset.done $0x0  }
0x17: {  	s31 =	sand.u32 $0x7, s13;
	s15 =	sadd.s32 s5, s30;
	[sflag:s6] =	ssyncadd.s32 $0xFFFFFFC0  }
0x18: {  	[hbm4b:s15+s31] =	stream.linear.scatter [tilespmem:s14], [sflag:$0x3], $0x40, $0x38;
	[tilespmem:$0x100] =	vst v63  }
.LBB2_5:
0x19: {  	s15 =	sadd.s32 $0x800, s11  }
0x1a: {  	p2 =	sgt.s32 s15, $0xFFF  }
0x1b: {  	s15 =	smov.u32 @p2 s2;
	p2 =	sne.s32 s12, s9  }
.Ltmp1:
0x1c: {  	p1 =	slt.u32 s12, $0x2;
	(pc) =	sbr.rel @!p2 .LBB2_6-.Ltmp1, $4  }
0x1d: {  	s14 =	simm.s32 @!p1 $0x3  }
0x1e: {  	s16 =	sadd.s32 $0x1, s12;
	_ =	swait.ge @!p1 [sflag:s14], $0x40  }
0x1f: {  	s13 =	smov.u32 s11;
	p0 =	por !p0, !p0;
	[sflag:s14] =	ssyncset.done @!p1 $0x0  }
0x20: {  	s12 =	smov.u32 s16;
	s11 =	smov.u32 s15;
	[sflag:s14] =	ssyncadd.s32 @!p1 $0xFFFFFFC0  }
.LBB2_1:
0x21: {  	p1 =	sge.u32 s12, s8  }
0x22: {  	s14 =	sxor.u32 @!p1 $0xFFFFFFFF, s12  }
0x23: {  	s31 =	sadd.s32 $0xFFFFFFFF, s12;
	s15 =	sshrl.u32 @!p1 s11, $0x3;
	s14 =	sshll.u32 @!p1 s14, $0x6  }
0x24: {  	s16 =	sand.u32 @!p1 $0x7, s11;
	s15 =	sadd.s32 @!p1 s4, s15;
	s14 =	sand.u32 @!p1 $0x40, s14  }
0x25: {  	[tilespmem:s14], [sflag:$0x2] =	stream.linear.gather @!p1 [hbm4b:s15+s16], $0x40, $0x38;
	[tilespmem:$0x100] =	vst v63  }
0x26: {  	p1 =	sge.u32 s31, s8  }
.Ltmp2:
0x27: {  	_ = 	snop;
	(pc) =	sbr.rel @p1 .LBB2_5-.Ltmp2, $1  }
0x28: {  	_ =	sdelay $0x3  }
0x29: {  	s14 =	simm.s32 $0x1  }
0x2a: {  	_ =	swait.ge [sflag:s7], $0x40;
	s14 =	simm.s32 @!p0 $0x0  }
0x2b: {  	[sflag:s7] =	ssyncset.done $0x0;
	s14 =	sshll.u32 s14, $0x6  }
0x2c: {  	[sflag:s7] =	ssyncadd.s32 $0xFFFFFFC0;
	(ifvalue) =	ssetifvalue $0x7FFFFFFF;
	v0 =	vld.msk [tilespmem:s14+$0x0 ss:$0x1], $0xffff;
	_ =	sdelay $0x4  }
0x2d: {  	s15 =	sadd.s32 $0x10, s14;
	vm1 =	vgt.s32 v0, $0x0  }
0x2e: {  	v2 =	vld.msk [tilespmem:s15+$0x0 ss:$0x1], $0xffff;
	v1 =	vnsel vm1, $0x0, v0  }
0x2f: {  	v1 =	vmin.u32 v1, $0xFFF;
	_ =	sdelay $0x1  }
0x30: {  	s16 =	sshll.u32 s12, $0x6;
	s18 =	simm.s32 $0x20  }
0x31: {  	s16 =	sand.u32 $0x40, s16;
	s17 =	sadd.s32 $0x10, s15;
	s15 =	sor.u32 $0x80, s14  }
0x32: {  	s14 =	sor.u32 $0x80, s16;
	s16 =	sadd.s32 $0x10, s15;
	v0 =	vld.msk [tilespmem:s17+$0x0 ss:$0x1], $0xffff;
	vm1 =	vgt.s32 v2, $0x0;
	(ifvalue) =	ssetifvalue $0x7FFFFFFF  }
.LBB2_3:
0x33: {  	[tilespmem:s15], [sflag:$0x1] =	stream.indirect_vreg.gather [hbm4b:s3+s10], $0x1, v1, vm0, $0x4038;
	[tilespmem:$0x100] =	vst v63  }
0x34: {  	s18 =	sadd.s32 $0x10, s18  }
0x35: {  	v2 =	vnsel vm1, $0x0, v2;
	p1 =	slt.u32 s18, $0x30  }
.Ltmp3:
0x36: {  	s15 =	smov.u32 s16;
	v1 =	vmin.u32 v2, $0xFFF;
	(pc) =	sbr.rel @p1 .LBB2_3-.Ltmp3, $3  }
0x37: {  	_ =	sdelay $0x1  }
0x38: {  	s17 =	sadd.s32 $0x10, s17  }
0x39: {  	vm1 =	vgt.s32 v0, $0x0;
	s16 =	sadd.s32 $0x10, s16;
	v2 =	vmov v0;
	(ifvalue) =	ssetifvalue $0x7FFFFFFF;
	v0 =	vld.msk [tilespmem:s17+$0x0 ss:$0x1], $0xffff  }
.Ltmp4:
0x3a: {  	_ = 	snop;
	(pc) =	sbr.rel .LBB2_4-.Ltmp4, $1  }
0x3b: {  	_ =	sdelay $0x3  }
.LBB2_6:
0x3c: {  	_ =	sfence.sel $0x180000  }
0x3d: {  	s2 =	simm.s32 $0x2;
	[bflag:$0x0] =	sbarrier.arrive $0xFFFF  }
0x3e: {  	s30 =	simm.s32 $0x3;
	[sflag:s2] =	ssyncpa.u1 $0x1  }
0x3f: {  	s31 =	simm.s32 $0x1;
	[sflag:s30] =	ssyncpa.u1 $0x1  }
0x40: {  	[sflag:s31] =	ssyncpa.u1 $0x1  }
0x41: {  	p0 =	sne.s32 s1, $0x0;
	_ =	strace $0x90000065  }
0x42: {  	s0 =	sadd.s32 @!p0 $0x100000, s0;
	[bflag:$0x2] =	sbarrier.arrive $0xFFFF  }
0x43: {  	[sflag:s0] =	ssyncadd.tile.s32 @!p0 $0x1;
	_ =	shalt  }
.Lfunc_end2:
_tile_overlayer_lowered:
.L_overlay_start_2:
0x44: {  	(tag) =	ssettag $0x2  }
0x45: {  	s0 =	rddreg [dreg:$0x0];
	s2 =	stileid.u32  }
0x46: {  	s1 =	rddreg [dreg:$0x1];
	p0 =	sne.s32 s2, $0x0  }
0x47: {  	s3 =	rddreg [dreg:$0x2];
	[bflag:$0x3] =	sbarrier.arrive $0xFFFF;
	s2 =	simm.s32 @!p0 $0x1C01  }
0x48: {  	[timem:s3], [sflag:s2] =	dma.local @!p0 [hbm:s0], s1  }
0x49: {  	s0 =	simm.s32 @!p0 $0x1  }
0x4a: {  	_ =	swait.ge @!p0 [sflag:s0], s1  }
0x4b: {  	s1 =	ssub.s32 @!p0 $0x0, s1;
	[sflag:s0] =	ssyncset.done @!p0 $0x0  }
0x4c: {  	[sflag:s0] =	ssyncadd.s32 @!p0 s1  }
0x4d: {  	[bflag:$0x3] =	sbarrier.arrive $0xFFFF  }
0x4e: {  	_ =	shalt  }

// kernel: gather_offload_async_start
scs
__scs_entry_jumppad:
0x0: {  	(pc) =	sbr.rel $0x88, $3  }
0x1: {  	(tag) =	ssettag $0x0;
	lr =	simm.s32 $0x1  }
0x2: {  	[smem:$0x3F8E] =	sst lr;
	_ =	strace $0xD0000000  }
0x3: {  	_ = 	snop  }
0x4: {  	_ = 	snop  }
0x5: {  	_ = 	snop  }
0x6: {  	_ = 	snop  }
0x7: {  	_ = 	snop  }
__scs_overlays_trampoline_lowered:
0x8: {  	[smem:$0x3F9D] =	sst s0  }
0x9: {  	[smem:$0x3F9E] =	sst s1  }
0xa: {  	[smem:$0x3F9F] =	sst s2  }
0xb: {  	[smem:$0x3FA0] =	sst s3  }
0xc: {  	[smem:$0x3FA1] =	sst s4  }
0xd: {  	[smem:$0x3FA2] =	sst s5  }
0xe: {  	[smem:$0x3FA3] =	sst s6  }
0xf: {  	[smem:$0x3FA4] =	sst s7  }
0x10: {  	[smem:$0x3FA5] =	sst s8  }
0x11: {  	[smem:$0x3FA6] =	sst s9;
	s0 =	simm.s32 @!p0 $0x0  }
0x12: {  	s1 =	sld [smem:$0x3F8C];
	s0 =	simm.s32 @p0 $0x1  }
0x13: {  	[smem:$0x3FA7] =	sst s0;
	s0 =	simm.s32 @!p1 $0x0  }
0x14: {  	s2 =	sld [smem:$0x3F8B];
	s0 =	simm.s32 @p1 $0x1  }
0x15: {  	[smem:$0x3FA8] =	sst s0;
	s0 =	simm.s32 @!p2 $0x0  }
0x16: {  	s3 =	sld [smem:$0x3FDB];
	s0 =	simm.s32 @p2 $0x1  }
0x17: {  	s4 =	simm.s32 $0x1BF5;
	[smem:$0x3FAA] =	sst s0  }
0x18: {  	s0 =	sld [smem:$0x3F8D];
	_ =	swait.ge [sflag:s4], $0x0  }
0x19: {  	s7 =	sld [smem:$0x3F8E]  }
0x1a: {  	s8 =	sadd.s32 $0xFFFFE003, lr  }
0x1b: {  	s9 =	sadd.s32 $0xFFFFFEF7, lr;
	s5 =	simm.s32 $0xFFFFFFFF;
	p2 =	slt.u32 s8, $0xFFFFF086  }
0x1c: {  	p1 =	slt.u32 s9, $0xF7A;
	s5 =	simm.s32 @!p2 $0x0  }
0x1d: {  	s5 =	simm.s32 @p1 $0x1;
	p0 =	seq.s32 s7, s2  }
0x1e: {  	s7 =	smul.u32 @!p0 $0xF7A, s2;
	p2 =	seq.s32 @!p0 s5, $0x0  }
0x1f: {  	s9 =	smul.u32 $0xF7A, s1;
	s8 =	simm.s32 @!p0 $0x1BF5;
	p2 =	por !p2, p0  }
0x20: {  	[sflag:s8] =	ssyncset.s32 @!p0 $0xFFFFF086;
	s6 =	sadd.s32 @!p0 s3, s7;
	s7 =	simm.s32 @!p0 $0x108  }
0x21: {  	s3 =	sadd.s32 s3, s9;
	s6 =	sadd.s32 @!p0 $0x88, s6;
	s7 =	simm.s32 @p2 $0x1082  }
0x22: {  	[simem:s7], [sflag:s8] =	dma.local @!p0 [hbm:s6], $0xF7A  }
0x23: {  	s9 =	sor.u32 $0xD0000000, s2;
	s6 =	simm.s32 $0x108;
	_ =	swait.ge @!p0 [sflag:s8], $0x0  }
0x24: {  	s3 =	sadd.s32 $0x88, s3;
	s6 =	simm.s32 @!p1 $0x1082;
	[sflag:s4] =	ssyncset.s32 $0xFFFFF086  }
0x25: {  	[simem:s6], [sflag:s4] =	dma.local [hbm:s3], $0xF7A  }
0x26: {  	[smem:$0x3F8E] =	sst s1;
	(tag) =	ssettag s2;
	_ =	strace s9  }
0x27: {  	s1 =	sld [smem:$0x3F9E]  }
0x28: {  	s2 =	sld [smem:$0x3F9F]  }
0x29: {  	s4 =	sld [smem:$0x3FA1]  }
0x2a: {  	p0 =	seq.s32 s5, $0x0;
	s5 =	sld [smem:$0x3FA2]  }
0x2b: {  	s6 =	sld [smem:$0x3FA3]  }
0x2c: {  	s7 =	sld [smem:$0x3FA4]  }
0x2d: {  	s3 =	simm.s32 $0x108;
	s8 =	sld [smem:$0x3FA5]  }
0x2e: {  	s3 =	simm.s32 @!p0 $0x1082;
	s9 =	sld [smem:$0x3FA6]  }
0x2f: {  	lr =	sadd.s32 s0, s3;
	s0 =	sld [smem:$0x3F9D]  }
0x30: {  	s3 =	sld [smem:$0x3FA0]  }
0x31: {  	[smem:$0x3FA9] =	sst s10  }
0x32: {  	s10 =	sld [smem:$0x3FA7];
	_ =	sdelay $0x3  }
0x33: {  	p0 =	seq.s32 s10, $0x1;
	s10 =	sld [smem:$0x3FA9];
	_ =	sdelay $0x3  }
0x34: {  	[smem:$0x3FA9] =	sst s10  }
0x35: {  	s10 =	sld [smem:$0x3FA8];
	_ =	sdelay $0x3  }
0x36: {  	p1 =	seq.s32 s10, $0x1;
	s10 =	sld [smem:$0x3FA9];
	_ =	sdelay $0x3  }
0x37: {  	[smem:$0x3FA9] =	sst s10  }
0x38: {  	s10 =	sld [smem:$0x3FAA]  }
0x39: {  	_ = 	snop;
	(pc) =	sbr.ind lr, $3  }
0x3a: {  	_ = 	snop  }
0x3b: {  	_ = 	snop  }
0x3c: {  	p2 =	seq.s32 s10, $0x1;
	s10 =	sld [smem:$0x3FA9]  }
0x3d: {  	_ =	shalt  }
0x3e: {  	_ =	shalt  }
0x3f: {  	_ =	shalt  }
0x40: {  	_ =	shalt  }
0x41: {  	_ =	shalt  }
0x42: {  	_ =	shalt  }
0x43: {  	_ =	shalt  }
0x44: {  	_ =	shalt  }
0x45: {  	_ =	shalt  }
0x46: {  	_ =	shalt  }
0x47: {  	_ =	shalt  }
0x48: {  	_ =	shalt  }
0x49: {  	_ =	shalt  }
0x4a: {  	_ =	shalt  }
0x4b: {  	_ =	shalt  }
0x4c: {  	_ =	shalt  }
0x4d: {  	_ =	shalt  }
0x4e: {  	_ =	shalt  }
0x4f: {  	_ =	shalt  }
0x50: {  	_ =	shalt  }
0x51: {  	_ =	shalt  }
0x52: {  	_ =	shalt  }
0x53: {  	_ =	shalt  }
0x54: {  	_ =	shalt  }
0x55: {  	_ =	shalt  }
0x56: {  	_ =	shalt  }
0x57: {  	_ =	shalt  }
0x58: {  	_ =	shalt  }
0x59: {  	_ =	shalt  }
0x5a: {  	_ =	shalt  }
0x5b: {  	_ =	shalt  }
0x5c: {  	_ =	shalt  }
0x5d: {  	_ =	shalt  }
0x5e: {  	_ =	shalt  }
0x5f: {  	_ =	shalt  }
0x60: {  	_ =	shalt  }
0x61: {  	_ =	shalt  }
0x62: {  	_ =	shalt  }
0x63: {  	_ =	shalt  }
0x64: {  	_ =	shalt  }
0x65: {  	_ =	shalt  }
0x66: {  	_ =	shalt  }
0x67: {  	_ =	shalt  }
0x68: {  	_ =	shalt  }
0x69: {  	_ =	shalt  }
0x6a: {  	_ =	shalt  }
0x6b: {  	_ =	shalt  }
0x6c: {  	_ =	shalt  }
0x6d: {  	_ =	shalt  }
0x6e: {  	_ =	shalt  }
0x6f: {  	_ =	shalt  }
0x70: {  	_ =	shalt  }
0x71: {  	_ =	shalt  }
0x72: {  	_ =	shalt  }
0x73: {  	_ =	shalt  }
0x74: {  	_ =	shalt  }
0x75: {  	_ =	shalt  }
0x76: {  	_ =	shalt  }
0x77: {  	_ =	shalt  }
0x78: {  	_ =	shalt  }
0x79: {  	_ =	shalt  }
0x7a: {  	_ =	shalt  }
0x7b: {  	_ =	shalt  }
0x7c: {  	_ =	shalt  }
0x7d: {  	_ =	shalt  }
0x7e: {  	_ =	shalt  }
0x7f: {  	_ =	shalt  }
0x80: {  	_ =	shalt  }
0x81: {  	_ =	shalt  }
0x82: {  	_ =	shalt  }
0x83: {  	_ =	shalt  }
0x84: {  	_ =	shalt  }
0x85: {  	_ =	shalt  }
0x86: {  	_ =	shalt  }
0x87: {  	_ =	shalt  }
.Lfunc_end0:
.L_simem_size_0:
called_computation.2_lowered:
.L_overlay_start_0:
0x88: {  	s2 =	sld [smem:$0x3FD9]  }
0x89: {  	s3 =	sld [smem:$0x3FFE];
	_ =	sdelay $0x1  }
0x8a: {  	s1 =	srdreg.scid  }
0x8b: {  	s0 =	sand.u32 $0x1, s1  }
0x8c: {  	s16 =	sshll.u32 s0, $0xA;
	s2 =	sadd.s32 s3, s2  }
0x8d: {  	s2 =	sadd.s32 s2, s16  }
0x8e: {  	[smem:$0x3FB5] =	sst s2  }
0x8f: {  	_ = 	snop  }
0x90: {  	(tm) =	ssettm $0x1  }
0x91: {  	s17 =	sld [smem:$0x3FFB];
	_ =	sdelay $0x3  }
0x92: {  	_ =	strace s17  }
0x93: {  	s2 =	sld [smem:$0x3FFC];
	_ =	sdelay $0x3  }
0x94: {  	_ =	strace s2  }
0x95: {  	s2 =	sld [smem:$0x3FFD];
	_ =	sdelay $0x3  }
0x96: {  	_ =	strace s2  }
0x97: {  	_ =	strace $0x8FFFFFFF  }
0x98: {  	s18 =	sld [smem:$0x3FDB];
	_ =	sdelay $0x1  }
0x99: {  	s19 =	simm.s32 $_scs_section_size  }
0x9a: {  	s4 =	simm.s32 $_size__tile_overlayer_lowered;
	s5 =	simm.s32 $_tile_overlayer_lowered  }
0x9b: {  	s22 =	simm.s32 $0x1BFF;
	s21 =	sshll.u32 s5, $0x1;
	s2 =	sadd.s32 s19, s18  }
0x9c: {  	s6 =	simm.s32 $0x0;
	s20 =	sshll.u32 s4, $0x1;
	s4 =	sadd.s32 s21, s2  }
0x9d: {  	[timem:s6], [sflag:s22] =	dma.local [hbm:s4], s20  }
0x9e: {  	_ =	swait.ge [sflag:s22], s20  }
0x9f: {  	s3 =	ssub.s32 $0x0, s20;
	[sflag:s22] =	ssyncset.done $0x0  }
0xa0: {  	[sflag:s22] =	ssyncadd.s32 s3;
	_ =	sdelay $0x1  }
0xa1: {  	s23 =	simm.s32 $0x1B8B  }
0xa2: {  	_ =	swait.ge [sflag:s23], $0x1  }
0xa3: {  	[sflag:s23] =	ssyncset.done $0x0  }
0xa4: {  	s25 =	simm.s32 $0x1B8E;
	s24 =	sld [smem:$0x3FFE];
	[sflag:s23] =	ssyncadd.s32 $0xFFFFFFFF  }
0xa5: {  	s26 =	simm.s32 $execute0_lowered;
	[smem:$0x3FD2] =	sst s25  }
0xa6: {  	s4 =	sshll.u32 s26, $0x1;
	_ =	strace $0x80000049;
	[dreg:$0x1] =	wrdreg $0xFFFFFFFF  }
0xa7: {  	s28 =	simm.s32 $_size_execute0_lowered;
	s2 =	sadd.s32 s2, s4;
	[dreg:$0x0] =	wrdreg $0x0  }
0xa8: {  	s4 =	sshll.u32 s28, $0x1;
	[dreg:$0x2] =	wrdreg s2  }
0xa9: {  	[dreg:$0x3] =	wrdreg s4  }
0xaa: {  	[dreg:$0x4] =	wrdreg $0xC0  }
0xab: {  	_ =	task [dreg:s6], $0x5FFFF  }
0xac: {  	[dreg:$0x1] =	wrdreg $0xFFFFFFFF  }
0xad: {  	[dreg:$0x0] =	wrdreg $0x60  }
0xae: {  	[dreg:$0x2] =	wrdreg s24  }
0xaf: {  	[dreg:$0x3] =	wrdreg $0xB  }
0xb0: {  	_ =	task.clear_ibuf [dreg:s6], $0x4FFFF;
	_ =	strace $0x90000049  }
0xb1: {  	s29 =	simm.s32 $0xB;
	_ =	strace $0x8000004B  }
0xb2: {  	_ =	swait.ge [sflag:s29], $0x1  }
0xb3: {  	[sflag:s29] =	ssyncadd.s32 $0xFFFFFFFF  }
0xb4: {  	_ =	strace $0x9000004B  }
0xb5: {  	_ =	sfence  }
0xb6: {  	s30 =	sld [smem:$0x0];
	_ =	sdelay $0x2  }
0xb7: {  	s31 =	sshll.u32 s1, $0xD;
	s1 =	sshrl.u32 s1, $0x2  }
0xb8: {  	s3 =	sand.u32 $0x4000, s31;
	s1 =	sadd.s32 s1, s30  }
0xb9: {  	s0 =	sor.u32 s3, s0;
	s1 =	sshll.u32 s1, $0x11  }
0xba: {  	s0 =	sor.u32 s1, s0  }
0xbb: {  	s0 =	sadd.s32 $0x8F2B, s0  }
0xbc: {  	[sflag:s0] =	ssyncadd.remote.s32 $0x1  }
0xbd: {  	_ =	sfence.sel $0xFFFF  }
0xbe: {  	[dreg:$0x0] =	wrdreg $0xFFFFFFFF;
	(pc) =	sbr.abs _section_cstart, $3  }
0xbf: {  	[dreg:$0x1] =	wrdreg $0xFFFFFFFF  }
0xc0: {  	_ =	task.clear_ibuf [dreg:s6], $0x2FFFF;
	_ =	strace $0x9FFFFFFF  }
0xc1: {  	(tm) =	ssettm $0x7FFFFFFF  }
tec
execute0_lowered:
.L_overlay_start_1:
0x0: {  	(tag) =	ssettag $0x1  }
0x1: {  	s0 =	srdreg.scid;
	s5 =	rddreg [dreg:$0x0]  }
0x2: {  	s1 =	stileid.u32;
	s6 =	simm.s32 $0x1;
	s9 =	simm.s32 $0x1  }
0x3: {  	s10 =	simm.s32 $0x3;
	s13 =	simm.s32 $0x0;
	s2 =	sshll.u32 s0, $0x6  }
0x4: {  	s12 =	simm.s32 $0x0;
	s3 =	sshll.u32 s1, $0x7;
	s2 =	sand.u32 $0x40, s2  }
0x5: {  	s0 =	rddreg [dreg:$0x1];
	_ =	strace $0x8000004A;
	s2 =	sor.u32 s3, s2  }
0x6: {  	s4 =	sadd.s32 $0xBC00, s5;
	[sflag:s6] =	ssyncpa.u1 $0x0;
	s8 =	ssub.s32 $0x1000, s2  }
.Ltmp0:
0x7: {  	s3 =	sadd.s32 $0xB600, s5;
	s7 =	sand.u32 $0x7C0, s8;
	(pc) =	sbr.rel .LBB2_1-.Ltmp0, $4  }
0x8: {  	s5 =	sadd.s32 $0xBE00, s5;
	s11 =	smov.u32 s2;
	p0 =	sne.s32 s7, $0x0  }
0x9: {  	s8 =	sshrl.u32 s8, $0xB;
	s7 =	simm.s32 $0x2;
	s9 =	simm.s32 @!p0 $0x0  }
0xa: {  	[sflag:s7] =	ssyncpa.u1 $0x0;
	p0 =	por $0x0, $0x0;
	s8 =	sadd.s32 s9, s8  }
0xb: {  	vm0 =	vmmov $0xffff;
	[sflag:s10] =	ssyncpa.u1 $0x0;
	s10 =	simm.s32 $0x0;
	s9 =	sadd.s32 $0x1, s8  }
.LBB2_4:
0xc: {  	v2 =	vnsel vm1, $0x0, v2  }
0xd: {  	vm1 =	vgt.s32 v0, $0x0;
	v2 =	vmin.u32 v2, $0xFFF  }
0xe: {  	v0 =	vnsel vm1, $0x0, v0  }
0xf: {  	v0 =	vmin.u32 v0, $0xFFF  }
0x10: {  	[tilespmem:s15], [sflag:$0x1] =	stream.indirect_vreg.gather [hbm4b:s3+s10], $0x1, v1, vm0, $0x4038;
	[tilespmem:$0x100] =	vst v63  }
0x11: {  	(ifvalue) =	ssetifvalue $0x7FFFFFFF  }
0x12: {  	[tilespmem:s16], [sflag:$0x1] =	stream.indirect_vreg.gather [hbm4b:s3+s10], $0x1, v2, vm0, $0x4038;
	[tilespmem:$0x100] =	vst v63  }
0x13: {  	s29 =	sadd.s32 $0x10, s16;
	(ifvalue) =	ssetifvalue $0x7FFFFFFF  }
0x14: {  	[tilespmem:s29], [sflag:$0x1] =	stream.indirect_vreg.gather [hbm4b:s3+s10], $0x1, v0, vm0, $0x4038;
	[tilespmem:$0x100] =	vst v63  }
0x15: {  	_ =	swait.ge [sflag:s6], $0x40  }
0x16: {  	s30 =	sshrl.u32 s13, $0x3;
	[sflag:s6] =	ssyncset.done $0x0  }
0x17: {  	s31 =	sand.u32 $0x7, s13;
	s15 =	sadd.s32 s5, s30;
	[sflag:s6] =	ssyncadd.s32 $0xFFFFFFC0  }
0x18: {  	[hbm4b:s15+s31] =	stream.linear.scatter [tilespmem:s14], [sflag:$0x3], $0x40, $0x38;
	[tilespmem:$0x100] =	vst v63  }
.LBB2_5:
0x19: {  	s15 =	sadd.s32 $0x800, s11  }
0x1a: {  	p2 =	sgt.s32 s15, $0xFFF  }
0x1b: {  	s15 =	smov.u32 @p2 s2;
	p2 =	sne.s32 s12, s9  }
.Ltmp1:
0x1c: {  	p1 =	slt.u32 s12, $0x2;
	(pc) =	sbr.rel @!p2 .LBB2_6-.Ltmp1, $4  }
0x1d: {  	s14 =	simm.s32 @!p1 $0x3  }
0x1e: {  	s16 =	sadd.s32 $0x1, s12;
	_ =	swait.ge @!p1 [sflag:s14], $0x40  }
0x1f: {  	s13 =	smov.u32 s11;
	p0 =	por !p0, !p0;
	[sflag:s14] =	ssyncset.done @!p1 $0x0  }
0x20: {  	s12 =	smov.u32 s16;
	s11 =	smov.u32 s15;
	[sflag:s14] =	ssyncadd.s32 @!p1 $0xFFFFFFC0  }
.LBB2_1:
0x21: {  	p1 =	sge.u32 s12, s8  }
0x22: {  	s14 =	sxor.u32 @!p1 $0xFFFFFFFF, s12  }
0x23: {  	s31 =	sadd.s32 $0xFFFFFFFF, s12;
	s15 =	sshrl.u32 @!p1 s11, $0x3;
	s14 =	sshll.u32 @!p1 s14, $0x6  }
0x24: {  	s16 =	sand.u32 @!p1 $0x7, s11;
	s15 =	sadd.s32 @!p1 s4, s15;
	s14 =	sand.u32 @!p1 $0x40, s14  }
0x25: {  	[tilespmem:s14], [sflag:$0x2] =	stream.linear.gather @!p1 [hbm4b:s15+s16], $0x40, $0x38;
	[tilespmem:$0x100] =	vst v63  }
0x26: {  	p1 =	sge.u32 s31, s8  }
.Ltmp2:
0x27: {  	_ = 	snop;
	(pc) =	sbr.rel @p1 .LBB2_5-.Ltmp2, $1  }
0x28: {  	_ =	sdelay $0x3  }
0x29: {  	s14 =	simm.s32 $0x1  }
0x2a: {  	_ =	swait.ge [sflag:s7], $0x40;
	s14 =	simm.s32 @!p0 $0x0  }
0x2b: {  	[sflag:s7] =	ssyncset.done $0x0;
	s14 =	sshll.u32 s14, $0x6  }
0x2c: {  	[sflag:s7] =	ssyncadd.s32 $0xFFFFFFC0;
	(ifvalue) =	ssetifvalue $0x7FFFFFFF;
	v0 =	vld.msk [tilespmem:s14+$0x0 ss:$0x1], $0xffff;
	_ =	sdelay $0x4  }
0x2d: {  	s15 =	sadd.s32 $0x10, s14;
	vm1 =	vgt.s32 v0, $0x0  }
0x2e: {  	v2 =	vld.msk [tilespmem:s15+$0x0 ss:$0x1], $0xffff;
	v1 =	vnsel vm1, $0x0, v0  }
0x2f: {  	v1 =	vmin.u32 v1, $0xFFF;
	_ =	sdelay $0x1  }
0x30: {  	s16 =	sshll.u32 s12, $0x6;
	s18 =	simm.s32 $0x20  }
0x31: {  	s16 =	sand.u32 $0x40, s16;
	s17 =	sadd.s32 $0x10, s15;
	s15 =	sor.u32 $0x80, s14  }
0x32: {  	s14 =	sor.u32 $0x80, s16;
	s16 =	sadd.s32 $0x10, s15;
	v0 =	vld.msk [tilespmem:s17+$0x0 ss:$0x1], $0xffff;
	vm1 =	vgt.s32 v2, $0x0;
	(ifvalue) =	ssetifvalue $0x7FFFFFFF  }
.LBB2_3:
0x33: {  	[tilespmem:s15], [sflag:$0x1] =	stream.indirect_vreg.gather [hbm4b:s3+s10], $0x1, v1, vm0, $0x4038;
	[tilespmem:$0x100] =	vst v63  }
0x34: {  	s18 =	sadd.s32 $0x10, s18  }
0x35: {  	v2 =	vnsel vm1, $0x0, v2;
	p1 =	slt.u32 s18, $0x30  }
.Ltmp3:
0x36: {  	s15 =	smov.u32 s16;
	v1 =	vmin.u32 v2, $0xFFF;
	(pc) =	sbr.rel @p1 .LBB2_3-.Ltmp3, $3  }
0x37: {  	_ =	sdelay $0x1  }
0x38: {  	s17 =	sadd.s32 $0x10, s17  }
0x39: {  	vm1 =	vgt.s32 v0, $0x0;
	s16 =	sadd.s32 $0x10, s16;
	v2 =	vmov v0;
	(ifvalue) =	ssetifvalue $0x7FFFFFFF;
	v0 =	vld.msk [tilespmem:s17+$0x0 ss:$0x1], $0xffff  }
.Ltmp4:
0x3a: {  	_ = 	snop;
	(pc) =	sbr.rel .LBB2_4-.Ltmp4, $1  }
0x3b: {  	_ =	sdelay $0x3  }
.LBB2_6:
0x3c: {  	_ =	sfence.sel $0x180000  }
0x3d: {  	s2 =	simm.s32 $0x2;
	[bflag:$0x0] =	sbarrier.arrive $0xFFFF  }
0x3e: {  	s30 =	simm.s32 $0x3;
	[sflag:s2] =	ssyncpa.u1 $0x1  }
0x3f: {  	s31 =	simm.s32 $0x1;
	[sflag:s30] =	ssyncpa.u1 $0x1  }
0x40: {  	[sflag:s31] =	ssyncpa.u1 $0x1  }
0x41: {  	p0 =	sne.s32 s1, $0x0;
	_ =	strace $0x9000004A  }
0x42: {  	s0 =	sadd.s32 @!p0 $0x100000, s0;
	[bflag:$0x2] =	sbarrier.arrive $0xFFFF  }
0x43: {  	[sflag:s0] =	ssyncadd.tile.s32 @!p0 $0x1;
	_ =	shalt  }
.Lfunc_end2:
_tile_overlayer_lowered:
.L_overlay_start_2:
0x44: {  	(tag) =	ssettag $0x2  }
0x45: {  	s0 =	rddreg [dreg:$0x0];
	s2 =	stileid.u32  }
0x46: {  	s1 =	rddreg [dreg:$0x1];
	p0 =	sne.s32 s2, $0x0  }
0x47: {  	s3 =	rddreg [dreg:$0x2];
	[bflag:$0x3] =	sbarrier.arrive $0xFFFF;
	s2 =	simm.s32 @!p0 $0x1C01  }
0x48: {  	[timem:s3], [sflag:s2] =	dma.local @!p0 [hbm:s0], s1  }
0x49: {  	s0 =	simm.s32 @!p0 $0x1  }
0x4a: {  	_ =	swait.ge @!p0 [sflag:s0], s1  }
0x4b: {  	s1 =	ssub.s32 @!p0 $0x0, s1;
	[sflag:s0] =	ssyncset.done @!p0 $0x0  }
0x4c: {  	[sflag:s0] =	ssyncadd.s32 @!p0 s1  }
0x4d: {  	[bflag:$0x3] =	sbarrier.arrive $0xFFFF  }
0x4e: {  	_ =	shalt  }

// kernel: kernel.22.cloned.1.call-start
scs
__scs_entry_jumppad:
0x0: {  	(pc) =	sbr.rel $0x88, $3  }
0x1: {  	(tag) =	ssettag $0x0;
	lr =	simm.s32 $0x1  }
0x2: {  	[smem:$0x3F8E] =	sst lr;
	_ =	strace $0xD0000000  }
0x3: {  	_ = 	snop  }
0x4: {  	_ = 	snop  }
0x5: {  	_ = 	snop  }
0x6: {  	_ = 	snop  }
0x7: {  	_ = 	snop  }
__scs_overlays_trampoline_lowered:
0x8: {  	[smem:$0x3F9D] =	sst s0  }
0x9: {  	[smem:$0x3F9E] =	sst s1  }
0xa: {  	[smem:$0x3F9F] =	sst s2  }
0xb: {  	[smem:$0x3FA0] =	sst s3  }
0xc: {  	[smem:$0x3FA1] =	sst s4  }
0xd: {  	[smem:$0x3FA2] =	sst s5  }
0xe: {  	[smem:$0x3FA3] =	sst s6  }
0xf: {  	[smem:$0x3FA4] =	sst s7  }
0x10: {  	[smem:$0x3FA5] =	sst s8  }
0x11: {  	[smem:$0x3FA6] =	sst s9;
	s0 =	simm.s32 @!p0 $0x0  }
0x12: {  	s1 =	sld [smem:$0x3F8C];
	s0 =	simm.s32 @p0 $0x1  }
0x13: {  	[smem:$0x3FA7] =	sst s0;
	s0 =	simm.s32 @!p1 $0x0  }
0x14: {  	s2 =	sld [smem:$0x3F8B];
	s0 =	simm.s32 @p1 $0x1  }
0x15: {  	[smem:$0x3FA8] =	sst s0;
	s0 =	simm.s32 @!p2 $0x0  }
0x16: {  	s3 =	sld [smem:$0x3FDB];
	s0 =	simm.s32 @p2 $0x1  }
0x17: {  	s4 =	simm.s32 $0x1BF5;
	[smem:$0x3FAA] =	sst s0  }
0x18: {  	s0 =	sld [smem:$0x3F8D];
	_ =	swait.ge [sflag:s4], $0x0  }
0x19: {  	s7 =	sld [smem:$0x3F8E]  }
0x1a: {  	s8 =	sadd.s32 $0xFFFFE003, lr  }
0x1b: {  	s9 =	sadd.s32 $0xFFFFFEF7, lr;
	s5 =	simm.s32 $0xFFFFFFFF;
	p2 =	slt.u32 s8, $0xFFFFF086  }
0x1c: {  	p1 =	slt.u32 s9, $0xF7A;
	s5 =	simm.s32 @!p2 $0x0  }
0x1d: {  	s5 =	simm.s32 @p1 $0x1;
	p0 =	seq.s32 s7, s2  }
0x1e: {  	s7 =	smul.u32 @!p0 $0xF7A, s2;
	p2 =	seq.s32 @!p0 s5, $0x0  }
0x1f: {  	s9 =	smul.u32 $0xF7A, s1;
	s8 =	simm.s32 @!p0 $0x1BF5;
	p2 =	por !p2, p0  }
0x20: {  	[sflag:s8] =	ssyncset.s32 @!p0 $0xFFFFF086;
	s6 =	sadd.s32 @!p0 s3, s7;
	s7 =	simm.s32 @!p0 $0x108  }
0x21: {  	s3 =	sadd.s32 s3, s9;
	s6 =	sadd.s32 @!p0 $0x88, s6;
	s7 =	simm.s32 @p2 $0x1082  }
0x22: {  	[simem:s7], [sflag:s8] =	dma.local @!p0 [hbm:s6], $0xF7A  }
0x23: {  	s9 =	sor.u32 $0xD0000000, s2;
	s6 =	simm.s32 $0x108;
	_ =	swait.ge @!p0 [sflag:s8], $0x0  }
0x24: {  	s3 =	sadd.s32 $0x88, s3;
	s6 =	simm.s32 @!p1 $0x1082;
	[sflag:s4] =	ssyncset.s32 $0xFFFFF086  }
0x25: {  	[simem:s6], [sflag:s4] =	dma.local [hbm:s3], $0xF7A  }
0x26: {  	[smem:$0x3F8E] =	sst s1;
	(tag) =	ssettag s2;
	_ =	strace s9  }
0x27: {  	s1 =	sld [smem:$0x3F9E]  }
0x28: {  	s2 =	sld [smem:$0x3F9F]  }
0x29: {  	s4 =	sld [smem:$0x3FA1]  }
0x2a: {  	p0 =	seq.s32 s5, $0x0;
	s5 =	sld [smem:$0x3FA2]  }
0x2b: {  	s6 =	sld [smem:$0x3FA3]  }
0x2c: {  	s7 =	sld [smem:$0x3FA4]  }
0x2d: {  	s3 =	simm.s32 $0x108;
	s8 =	sld [smem:$0x3FA5]  }
0x2e: {  	s3 =	simm.s32 @!p0 $0x1082;
	s9 =	sld [smem:$0x3FA6]  }
0x2f: {  	lr =	sadd.s32 s0, s3;
	s0 =	sld [smem:$0x3F9D]  }
0x30: {  	s3 =	sld [smem:$0x3FA0]  }
0x31: {  	[smem:$0x3FA9] =	sst s10  }
0x32: {  	s10 =	sld [smem:$0x3FA7];
	_ =	sdelay $0x3  }
0x33: {  	p0 =	seq.s32 s10, $0x1;
	s10 =	sld [smem:$0x3FA9];
	_ =	sdelay $0x3  }
0x34: {  	[smem:$0x3FA9] =	sst s10  }
0x35: {  	s10 =	sld [smem:$0x3FA8];
	_ =	sdelay $0x3  }
0x36: {  	p1 =	seq.s32 s10, $0x1;
	s10 =	sld [smem:$0x3FA9];
	_ =	sdelay $0x3  }
0x37: {  	[smem:$0x3FA9] =	sst s10  }
0x38: {  	s10 =	sld [smem:$0x3FAA]  }
0x39: {  	_ = 	snop;
	(pc) =	sbr.ind lr, $3  }
0x3a: {  	_ = 	snop  }
0x3b: {  	_ = 	snop  }
0x3c: {  	p2 =	seq.s32 s10, $0x1;
	s10 =	sld [smem:$0x3FA9]  }
0x3d: {  	_ =	shalt  }
0x3e: {  	_ =	shalt  }
0x3f: {  	_ =	shalt  }
0x40: {  	_ =	shalt  }
0x41: {  	_ =	shalt  }
0x42: {  	_ =	shalt  }
0x43: {  	_ =	shalt  }
0x44: {  	_ =	shalt  }
0x45: {  	_ =	shalt  }
0x46: {  	_ =	shalt  }
0x47: {  	_ =	shalt  }
0x48: {  	_ =	shalt  }
0x49: {  	_ =	shalt  }
0x4a: {  	_ =	shalt  }
0x4b: {  	_ =	shalt  }
0x4c: {  	_ =	shalt  }
0x4d: {  	_ =	shalt  }
0x4e: {  	_ =	shalt  }
0x4f: {  	_ =	shalt  }
0x50: {  	_ =	shalt  }
0x51: {  	_ =	shalt  }
0x52: {  	_ =	shalt  }
0x53: {  	_ =	shalt  }
0x54: {  	_ =	shalt  }
0x55: {  	_ =	shalt  }
0x56: {  	_ =	shalt  }
0x57: {  	_ =	shalt  }
0x58: {  	_ =	shalt  }
0x59: {  	_ =	shalt  }
0x5a: {  	_ =	shalt  }
0x5b: {  	_ =	shalt  }
0x5c: {  	_ =	shalt  }
0x5d: {  	_ =	shalt  }
0x5e: {  	_ =	shalt  }
0x5f: {  	_ =	shalt  }
0x60: {  	_ =	shalt  }
0x61: {  	_ =	shalt  }
0x62: {  	_ =	shalt  }
0x63: {  	_ =	shalt  }
0x64: {  	_ =	shalt  }
0x65: {  	_ =	shalt  }
0x66: {  	_ =	shalt  }
0x67: {  	_ =	shalt  }
0x68: {  	_ =	shalt  }
0x69: {  	_ =	shalt  }
0x6a: {  	_ =	shalt  }
0x6b: {  	_ =	shalt  }
0x6c: {  	_ =	shalt  }
0x6d: {  	_ =	shalt  }
0x6e: {  	_ =	shalt  }
0x6f: {  	_ =	shalt  }
0x70: {  	_ =	shalt  }
0x71: {  	_ =	shalt  }
0x72: {  	_ =	shalt  }
0x73: {  	_ =	shalt  }
0x74: {  	_ =	shalt  }
0x75: {  	_ =	shalt  }
0x76: {  	_ =	shalt  }
0x77: {  	_ =	shalt  }
0x78: {  	_ =	shalt  }
0x79: {  	_ =	shalt  }
0x7a: {  	_ =	shalt  }
0x7b: {  	_ =	shalt  }
0x7c: {  	_ =	shalt  }
0x7d: {  	_ =	shalt  }
0x7e: {  	_ =	shalt  }
0x7f: {  	_ =	shalt  }
0x80: {  	_ =	shalt  }
0x81: {  	_ =	shalt  }
0x82: {  	_ =	shalt  }
0x83: {  	_ =	shalt  }
0x84: {  	_ =	shalt  }
0x85: {  	_ =	shalt  }
0x86: {  	_ =	shalt  }
0x87: {  	_ =	shalt  }
.Lfunc_end0:
.L_simem_size_0:
called_computation.6_lowered:
.L_overlay_start_0:
0x88: {  	s2 =	sld [smem:$0x3FD9]  }
0x89: {  	s3 =	sld [smem:$0x3FFE];
	_ =	sdelay $0x1  }
0x8a: {  	s1 =	srdreg.scid  }
0x8b: {  	s0 =	sand.u32 $0x1, s1  }
0x8c: {  	s18 =	sshll.u32 s0, $0xA;
	s2 =	sadd.s32 s3, s2  }
0x8d: {  	s2 =	sadd.s32 s2, s18  }
0x8e: {  	[smem:$0x3FB5] =	sst s2  }
0x8f: {  	_ = 	snop  }
0x90: {  	s2 =	sld [smem:$0x3FC9]  }
0x91: {  	s19 =	sld [smem:$0x3FC7]  }
0x92: {  	s4 =	sld [smem:$0x3FD0];
	(tm) =	ssettm $0x1  }
0x93: {  	s5 =	sld [smem:$0x3FFB];
	_ =	sdelay $0x3  }
0x94: {  	_ =	strace s5  }
0x95: {  	s5 =	sld [smem:$0x3FFC];
	_ =	sdelay $0x3  }
0x96: {  	_ =	strace s5  }
0x97: {  	s5 =	sld [smem:$0x3FFD];
	_ =	sdelay $0x3  }
0x98: {  	_ =	strace s5  }
0x99: {  	_ =	strace $0x8FFFFFFF  }
0x9a: {  	s20 =	sld [smem:$0x3FDB];
	_ =	sdelay $0x1  }
0x9b: {  	s6 =	simm.s32 $_scs_section_size  }
0x9c: {  	s7 =	simm.s32 $_size__tile_overlayer_lowered;
	s8 =	simm.s32 $_tile_overlayer_lowered  }
0x9d: {  	s23 =	simm.s32 $0x1BFF;
	s22 =	sshll.u32 s8, $0x1;
	s5 =	sadd.s32 s6, s20  }
0x9e: {  	s9 =	simm.s32 $0x0;
	s21 =	sshll.u32 s7, $0x1;
	s7 =	sadd.s32 s22, s5  }
0x9f: {  	[timem:s9], [sflag:s23] =	dma.local [hbm:s7], s21  }
0xa0: {  	_ =	swait.ge [sflag:s23], s21  }
0xa1: {  	s6 =	ssub.s32 $0x0, s21;
	[sflag:s23] =	ssyncset.done $0x0  }
0xa2: {  	[sflag:s23] =	ssyncadd.s32 s6;
	_ =	sdelay $0x1  }
0xa3: {  	s24 =	simm.s32 $0x1B8B  }
0xa4: {  	_ =	swait.ge [sflag:s24], $0x1  }
0xa5: {  	[sflag:s24] =	ssyncset.done $0x0  }
0xa6: {  	s25 =	simm.s32 $0x1B8E;
	[sflag:s24] =	ssyncadd.s32 $0xFFFFFFFF  }
0xa7: {  	s26 =	simm.s32 $execute0_lowered;
	[smem:$0x3FD2] =	sst s25  }
0xa8: {  	s6 =	sshll.u32 s26, $0x1;
	_ =	strace $0x80000046;
	[dreg:$0x1] =	wrdreg $0xFFFFFFFF  }
0xa9: {  	s28 =	simm.s32 $_size_execute0_lowered;
	s5 =	sadd.s32 s5, s6;
	[dreg:$0x0] =	wrdreg $0x0  }
0xaa: {  	s6 =	sshll.u32 s28, $0x1;
	[dreg:$0x2] =	wrdreg s5  }
0xab: {  	[dreg:$0x3] =	wrdreg s6  }
0xac: {  	[dreg:$0x4] =	wrdreg $0xC0  }
0xad: {  	_ =	task [dreg:s9], $0x5FFFF  }
0xae: {  	[dreg:$0x1] =	wrdreg $0xFFFFFFFF  }
0xaf: {  	[dreg:$0x0] =	wrdreg $0x60  }
0xb0: {  	[dreg:$0x2] =	wrdreg s19  }
0xb1: {  	[dreg:$0x3] =	wrdreg s2  }
0xb2: {  	[dreg:$0x4] =	wrdreg s4  }
0xb3: {  	[dreg:$0x5] =	wrdreg $0x9  }
0xb4: {  	_ =	task.clear_ibuf [dreg:s9], $0x6FFFF;
	_ =	strace $0x90000046  }
0xb5: {  	s29 =	simm.s32 $0x9;
	_ =	strace $0x80000048  }
0xb6: {  	_ =	swait.ge [sflag:s29], $0x1  }
0xb7: {  	[sflag:s29] =	ssyncadd.s32 $0xFFFFFFFF  }
0xb8: {  	_ =	strace $0x90000048  }
0xb9: {  	_ =	sfence  }
0xba: {  	s30 =	sld [smem:$0x0];
	_ =	sdelay $0x2  }
0xbb: {  	s31 =	sshll.u32 s1, $0xD;
	s1 =	sshrl.u32 s1, $0x2  }
0xbc: {  	s3 =	sand.u32 $0x4000, s31;
	s1 =	sadd.s32 s1, s30  }
0xbd: {  	s0 =	sor.u32 s3, s0;
	s1 =	sshll.u32 s1, $0x11  }
0xbe: {  	s0 =	sor.u32 s1, s0  }
0xbf: {  	s0 =	sadd.s32 $0x8F2B, s0  }
0xc0: {  	[sflag:s0] =	ssyncadd.remote.s32 $0x1  }
0xc1: {  	_ =	sfence.sel $0xFFFF  }
0xc2: {  	[dreg:$0x0] =	wrdreg $0xFFFFFFFF;
	(pc) =	sbr.abs _section_cstart, $3  }
0xc3: {  	[dreg:$0x1] =	wrdreg $0xFFFFFFFF  }
0xc4: {  	_ =	task.clear_ibuf [dreg:s9], $0x2FFFF;
	_ =	strace $0x9FFFFFFF  }
0xc5: {  	(tm) =	ssettm $0x7FFFFFFF  }
tec
execute0_lowered:
.L_overlay_start_1:
0x0: {  	(tag) =	ssettag $0x1  }
0x1: {  	s1 =	rddreg [dreg:$0x0]  }
0x2: {  	s2 =	srdreg.scid;
	s4 =	rddreg [dreg:$0x1]  }
0x3: {  	s0 =	stileid.u32;
	s5 =	rddreg [dreg:$0x2]  }
0x4: {  	s3 =	simm.s32 $0x0;
	s17 =	simm.s32 $0x880;
	s18 =	simm.s32 $0x1080  }
0x5: {  	s19 =	simm.s32 $0x1880;
	s21 =	simm.s32 $0x2080;
	s22 =	simm.s32 $0x2880  }
0x6: {  	s23 =	simm.s32 $0x3080;
	s24 =	simm.s32 $0x3880;
	[smem:$0x7FF] =	sst s3  }
0x7: {  	s8 =	simm.s32 $0x4080;
	_ =	strace $0x80000047;
	[dreg:$0x6] =	wrdreg s17  }
0x8: {  	s25 =	simm.s32 $0x4880;
	s26 =	simm.s32 $0x5080;
	[dreg:$0x7] =	wrdreg s18  }
0x9: {  	s9 =	simm.s32 $0x80;
	s11 =	simm.s32 $0x6080;
	[dreg:$0x8] =	wrdreg s19  }
0xa: {  	s12 =	simm.s32 $0x6880;
	s13 =	simm.s32 $0x7080;
	[dreg:$0x9] =	wrdreg s21  }
0xb: {  	s14 =	simm.s32 $0x7880;
	s15 =	simm.s32 $0x8080;
	[dreg:$0xa] =	wrdreg s22  }
0xc: {  	s28 =	simm.s32 $0xE080;
	s29 =	simm.s32 $0xE880;
	[dreg:$0xb] =	wrdreg s23  }
0xd: {  	s30 =	simm.s32 $0xF080;
	s31 =	simm.s32 $0xF880;
	[dreg:$0xc] =	wrdreg s24  }
0xe: {  	s2 =	sand.u32 $0x1, s2;
	s6 =	sshll.u32 s0, $0x7;
	[dreg:$0xd] =	wrdreg s8  }
0xf: {  	s7 =	sshll.u32 s2, $0x6;
	s2 =	ssub.s32 $0x2, s2;
	[dreg:$0xe] =	wrdreg s25  }
0x10: {  	s8 =	simm.s32 $0x2;
	[dreg:$0xf] =	wrdreg s26;
	s17 =	simm.s32 $0x9080  }
0x11: {  	s18 =	simm.s32 $0x9880;
	s19 =	simm.s32 $0xA080;
	s21 =	simm.s32 $0xB080  }
0x12: {  	s22 =	simm.s32 $0xB880;
	s23 =	simm.s32 $0xC080;
	s24 =	simm.s32 $0xC880  }
0x13: {  	s25 =	simm.s32 $0xD080;
	s26 =	simm.s32 $0xD880;
	s6 =	sor.u32 s7, s6  }
0x14: {  	s20 =	sshrl.u32 s2, $0x1;
	s7 =	sshrl.u32 s6, $0x3;
	s6 =	sshll.u32 s6, $0x7  }
0x15: {  	s2 =	ssub.s32 s2, s20;
	s20 =	simm.s32 $0xA880;
	s4 =	sadd.s32 s4, s7  }
0x16: {  	v2 =	vlaneseq.u32;
	s16 =	sadd.s32 s5, s6;
	s5 =	sadd.s32 $0x200, s1;
	s6 =	sadd.s32 $0x300, s1  }
0x17: {  	vm0 =	vmmov $0xffff;
	v1 =	vshrl.u32 v2, $0x3;
	s7 =	smax.u32 s2, $0x1;
	s2 =	simm.s32 $0x1;
	[dreg:$0x4] =	wrdreg s4  }
0x18: {  	v0 =	vand.u32 $0x7, v2;
	v2 =	vor.u32 $0x8, v2;
	v1 =	vmul.u32 $0x8, v1;
	[dreg:$0x5] =	wrdreg s16;
	s4 =	sadd.s32 $0x100, s1;
	s16 =	simm.s32 $0x8880  }
.LBB2_1:
0x19: {  	s0 =	rddreg [dreg:$0x4]  }
0x1a: {  	[tilespmem:s3], [sflag:$0x2] =	stream.linear.gather [hbm4b:s0+s3], $0x40, $0x38;
	[tilespmem:$0x10080] =	vst v63  }
0x1b: {  	_ =	swait.ge [sflag:s8], $0x40  }
0x1c: {  	[sflag:s8] =	ssyncset.done $0x0  }
0x1d: {  	[sflag:s8] =	ssyncadd.s32 $0xFFFFFFC0  }
0x1e: {  	v3 =	vld [tilespmem:$0x0];
	_ =	sdelay $0x4  }
0x1f: {  	v4 =	vshll.u32 v3, $0x3  }
0x20: {  	v3 =	vand.u32 $0x7, v3;
	v4 =	vand.u32 $0xFFFFFFC0, v4  }
0x21: {  	v3 =	vor.u32 v3, v4  }
0x22: {  	v4 =	vperm.xlane v3, v0;
	_ =	sdelay $0x1  }
0x23: {  	v4 =	vadd.s32 v1, v4;
	_ =	sdelay $0x4  }
0x24: {  	[tilespmem:s9], [sflag:$0x1] =	stream.indirect_vreg.gather [hbm4b:s1+s3], $0x80, v4, vm0, $0xb8;
	[tilespmem:$0x10080] =	vst v63  }
0x25: {  	s0 =	rddreg [dreg:$0x6];
	v3 =	vperm.xlane v3, v2  }
0x26: {  	[tilespmem:s0], [sflag:$0x1] =	stream.indirect_vreg.gather [hbm4b:s4+s3], $0x80, v4, vm0, $0xb8;
	[tilespmem:$0x10080] =	vst v63  }
0x27: {  	s10 =	rddreg [dreg:$0x7];
	v3 =	vadd.s32 v1, v3  }
0x28: {  	[tilespmem:s10], [sflag:$0x1] =	stream.indirect_vreg.gather [hbm4b:s5+s3], $0x80, v4, vm0, $0xb8;
	[tilespmem:$0x10080] =	vst v63  }
0x29: {  	s0 =	rddreg [dreg:$0x8]  }
0x2a: {  	[tilespmem:s0], [sflag:$0x1] =	stream.indirect_vreg.gather [hbm4b:s6+s3], $0x80, v4, vm0, $0xb8;
	[tilespmem:$0x10080] =	vst v63  }
0x2b: {  	s10 =	rddreg [dreg:$0x9]  }
0x2c: {  	[tilespmem:s10], [sflag:$0x1] =	stream.indirect_vreg.gather [hbm4b:s1+s3], $0x80, v3, vm0, $0xb8;
	[tilespmem:$0x10080] =	vst v63  }
0x2d: {  	s0 =	rddreg [dreg:$0xa]  }
0x2e: {  	[tilespmem:s0], [sflag:$0x1] =	stream.indirect_vreg.gather [hbm4b:s4+s3], $0x80, v3, vm0, $0xb8;
	[tilespmem:$0x10080] =	vst v63  }
0x2f: {  	s10 =	rddreg [dreg:$0xb]  }
0x30: {  	[tilespmem:s10], [sflag:$0x1] =	stream.indirect_vreg.gather [hbm4b:s5+s3], $0x80, v3, vm0, $0xb8;
	[tilespmem:$0x10080] =	vst v63  }
0x31: {  	s0 =	rddreg [dreg:$0xc]  }
0x32: {  	[tilespmem:s0], [sflag:$0x1] =	stream.indirect_vreg.gather [hbm4b:s6+s3], $0x80, v3, vm0, $0xb8;
	[tilespmem:$0x10080] =	vst v63  }
0x33: {  	v3 =	vld [tilespmem:$0x10];
	_ =	sdelay $0x4  }
0x34: {  	v61 =	vshll.u32 v3, $0x3  }
0x35: {  	v3 =	vand.u32 $0x7, v3;
	v4 =	vand.u32 $0xFFFFFFC0, v61  }
0x36: {  	v3 =	vor.u32 v3, v4  }
0x37: {  	v4 =	vperm.xlane v3, v0;
	_ =	sdelay $0x1  }
0x38: {  	v4 =	vadd.s32 v1, v4;
	_ =	sdelay $0x3  }
0x39: {  	s0 =	rddreg [dreg:$0xd]  }
0x3a: {  	[tilespmem:s0], [sflag:$0x1] =	stream.indirect_vreg.gather [hbm4b:s1+s3], $0x80, v4, vm0, $0xb8;
	[tilespmem:$0x10080] =	vst v63  }
0x3b: {  	s10 =	rddreg [dreg:$0xe];
	v3 =	vperm.xlane v3, v2  }
0x3c: {  	[tilespmem:s10], [sflag:$0x1] =	stream.indirect_vreg.gather [hbm4b:s4+s3], $0x80, v4, vm0, $0xb8;
	[tilespmem:$0x10080] =	vst v63  }
0x3d: {  	v3 =	vadd.s32 v1, v3;
	s0 =	rddreg [dreg:$0xf]  }
0x3e: {  	[tilespmem:s0], [sflag:$0x1] =	stream.indirect_vreg.gather [hbm4b:s5+s3], $0x80, v4, vm0, $0xb8;
	[tilespmem:$0x10080] =	vst v63  }
0x3f: {  	s10 =	simm.s32 $0x5880  }
0x40: {  	[tilespmem:s10], [sflag:$0x1] =	stream.indirect_vreg.gather [hbm4b:s6+s3], $0x80, v4, vm0, $0xb8;
	[tilespmem:$0x10080] =	vst v63  }
0x41: {  	_ = 	snop  }
0x42: {  	[tilespmem:s11], [sflag:$0x1] =	stream.indirect_vreg.gather [hbm4b:s1+s3], $0x80, v3, vm0, $0xb8;
	[tilespmem:$0x10080] =	vst v63  }
0x43: {  	_ = 	snop  }
0x44: {  	[tilespmem:s12], [sflag:$0x1] =	stream.indirect_vreg.gather [hbm4b:s4+s3], $0x80, v3, vm0, $0xb8;
	[tilespmem:$0x10080] =	vst v63  }
0x45: {  	_ = 	snop  }
0x46: {  	[tilespmem:s13], [sflag:$0x1] =	stream.indirect_vreg.gather [hbm4b:s5+s3], $0x80, v3, vm0, $0xb8;
	[tilespmem:$0x10080] =	vst v63  }
0x47: {  	_ = 	snop  }
0x48: {  	[tilespmem:s14], [sflag:$0x1] =	stream.indirect_vreg.gather [hbm4b:s6+s3], $0x80, v3, vm0, $0xb8;
	[tilespmem:$0x10080] =	vst v63  }
0x49: {  	v3 =	vld [tilespmem:$0x20];
	_ =	sdelay $0x4  }
0x4a: {  	v62 =	vshll.u32 v3, $0x3  }
0x4b: {  	v3 =	vand.u32 $0x7, v3;
	v4 =	vand.u32 $0xFFFFFFC0, v62  }
0x4c: {  	v3 =	vor.u32 v3, v4  }
0x4d: {  	v4 =	vperm.xlane v3, v0;
	_ =	sdelay $0x1  }
0x4e: {  	v4 =	vadd.s32 v1, v4;
	_ =	sdelay $0x4  }
0x4f: {  	[tilespmem:s15], [sflag:$0x1] =	stream.indirect_vreg.gather [hbm4b:s1+s3], $0x80, v4, vm0, $0xb8;
	[tilespmem:$0x10080] =	vst v63  }
0x50: {  	v3 =	vperm.xlane v3, v2  }
0x51: {  	[tilespmem:s16], [sflag:$0x1] =	stream.indirect_vreg.gather [hbm4b:s4+s3], $0x80, v4, vm0, $0xb8;
	[tilespmem:$0x10080] =	vst v63  }
0x52: {  	v3 =	vadd.s32 v1, v3  }
0x53: {  	[tilespmem:s17], [sflag:$0x1] =	stream.indirect_vreg.gather [hbm4b:s5+s3], $0x80, v4, vm0, $0xb8;
	[tilespmem:$0x10080] =	vst v63  }
0x54: {  	_ = 	snop  }
0x55: {  	[tilespmem:s18], [sflag:$0x1] =	stream.indirect_vreg.gather [hbm4b:s6+s3], $0x80, v4, vm0, $0xb8;
	[tilespmem:$0x10080] =	vst v63  }
0x56: {  	_ = 	snop  }
0x57: {  	[tilespmem:s19], [sflag:$0x1] =	stream.indirect_vreg.gather [hbm4b:s1+s3], $0x80, v3, vm0, $0xb8;
	[tilespmem:$0x10080] =	vst v63  }
0x58: {  	_ = 	snop  }
0x59: {  	[tilespmem:s20], [sflag:$0x1] =	stream.indirect_vreg.gather [hbm4b:s4+s3], $0x80, v3, vm0, $0xb8;
	[tilespmem:$0x10080] =	vst v63  }
0x5a: {  	_ = 	snop  }
0x5b: {  	[tilespmem:s21], [sflag:$0x1] =	stream.indirect_vreg.gather [hbm4b:s5+s3], $0x80, v3, vm0, $0xb8;
	[tilespmem:$0x10080] =	vst v63  }
0x5c: {  	_ = 	snop  }
0x5d: {  	[tilespmem:s22], [sflag:$0x1] =	stream.indirect_vreg.gather [hbm4b:s6+s3], $0x80, v3, vm0, $0xb8;
	[tilespmem:$0x10080] =	vst v63  }
0x5e: {  	v3 =	vld [tilespmem:$0x30];
	_ =	sdelay $0x4  }
0x5f: {  	v63 =	vshll.u32 v3, $0x3  }
0x60: {  	v3 =	vand.u32 $0x7, v3;
	v4 =	vand.u32 $0xFFFFFFC0, v63  }
0x61: {  	v3 =	vor.u32 v3, v4  }
0x62: {  	v4 =	vperm.xlane v3, v0;
	_ =	sdelay $0x1  }
0x63: {  	v4 =	vadd.s32 v1, v4;
	_ =	sdelay $0x4  }
0x64: {  	[tilespmem:s23], [sflag:$0x1] =	stream.indirect_vreg.gather [hbm4b:s1+s3], $0x80, v4, vm0, $0xb8;
	[tilespmem:$0x10080] =	vst v63  }
0x65: {  	v3 =	vperm.xlane v3, v2  }
0x66: {  	[tilespmem:s24], [sflag:$0x1] =	stream.indirect_vreg.gather [hbm4b:s4+s3], $0x80, v4, vm0, $0xb8;
	[tilespmem:$0x10080] =	vst v63  }
0x67: {  	v3 =	vadd.s32 v1, v3  }
0x68: {  	[tilespmem:s25], [sflag:$0x1] =	stream.indirect_vreg.gather [hbm4b:s5+s3], $0x80, v4, vm0, $0xb8;
	[tilespmem:$0x10080] =	vst v63  }
0x69: {  	_ = 	snop  }
0x6a: {  	[tilespmem:s26], [sflag:$0x1] =	stream.indirect_vreg.gather [hbm4b:s6+s3], $0x80, v4, vm0, $0xb8;
	[tilespmem:$0x10080] =	vst v63  }
0x6b: {  	_ = 	snop  }
0x6c: {  	[tilespmem:s28], [sflag:$0x1] =	stream.indirect_vreg.gather [hbm4b:s1+s3], $0x80, v3, vm0, $0xb8;
	[tilespmem:$0x10080] =	vst v63  }
0x6d: {  	_ = 	snop  }
0x6e: {  	[tilespmem:s29], [sflag:$0x1] =	stream.indirect_vreg.gather [hbm4b:s4+s3], $0x80, v3, vm0, $0xb8;
	[tilespmem:$0x10080] =	vst v63  }
0x6f: {  	_ = 	snop  }
0x70: {  	[tilespmem:s30], [sflag:$0x1] =	stream.indirect_vreg.gather [hbm4b:s5+s3], $0x80, v3, vm0, $0xb8;
	[tilespmem:$0x10080] =	vst v63  }
0x71: {  	_ = 	snop  }
0x72: {  	[tilespmem:s31], [sflag:$0x1] =	stream.indirect_vreg.gather [hbm4b:s6+s3], $0x80, v3, vm0, $0xb8;
	[tilespmem:$0x10080] =	vst v63  }
0x73: {  	_ =	swait.ge [sflag:s2], $0x10000  }
0x74: {  	p0 =	sne.s32 s7, $0x1;
	[sflag:s2] =	ssyncset.done $0x0  }
.Ltmp0:
0x75: {  	s10 =	rddreg [dreg:$0x5];
	[sflag:s2] =	ssyncadd.s32 $0xFFFF0000;
	(pc) =	sbr.rel @p0 .LBB2_1-.Ltmp0, $4  }
0x76: {  	[hbm4b:s10+s3] =	stream.linear.scatter [tilespmem:s9], [sflag:$0x2], $0x10000, $0x38;
	[tilespmem:$0x10080] =	vst v63  }
0x77: {  	_ =	swait.ge [sflag:s8], $0x10000  }
0x78: {  	[sflag:s8] =	ssyncset.done $0x0  }
0x79: {  	s7 =	sadd.s32 $0xFFFFFFFF, s7;
	[sflag:s8] =	ssyncadd.s32 $0xFFFF0000  }
0x7a: {  	_ =	sfence.sel $0x180000  }
0x7b: {  	[bflag:$0x0] =	sbarrier.arrive $0xFFFF  }
0x7c: {  	_ =	strace $0x90000047  }
0x7d: {  	s0 =	stileid.u32;
	[bflag:$0x2] =	sbarrier.arrive $0xFFFF  }
0x7e: {  	p0 =	sne.s32 s0, $0x0;
	s0 =	rddreg [dreg:$0x3]  }
0x7f: {  	s0 =	sadd.s32 @!p0 $0x100000, s0  }
0x80: {  	[sflag:s0] =	ssyncadd.tile.s32 @!p0 $0x1;
	_ =	shalt  }
.Lfunc_end2:
_tile_overlayer_lowered:
.L_overlay_start_2:
0x81: {  	(tag) =	ssettag $0x2  }
0x82: {  	s0 =	rddreg [dreg:$0x0];
	s2 =	stileid.u32  }
0x83: {  	s1 =	rddreg [dreg:$0x1];
	p0 =	sne.s32 s2, $0x0  }
0x84: {  	s3 =	rddreg [dreg:$0x2];
	[bflag:$0x3] =	sbarrier.arrive $0xFFFF;
	s2 =	simm.s32 @!p0 $0x1C02  }
0x85: {  	[timem:s3], [sflag:s2] =	dma.local @!p0 [hbm:s0], s1  }
0x86: {  	s0 =	simm.s32 @!p0 $0x2  }
0x87: {  	_ =	swait.ge @!p0 [sflag:s0], s1  }
0x88: {  	s1 =	ssub.s32 @!p0 $0x0, s1;
	[sflag:s0] =	ssyncset.done @!p0 $0x0  }
0x89: {  	[sflag:s0] =	ssyncadd.s32 @!p0 s1  }
0x8a: {  	[bflag:$0x3] =	sbarrier.arrive $0xFFFF  }
0x8b: {  	_ =	shalt  }

// kernel: kernel.25.cloned.1.call-start
scs
__scs_entry_jumppad:
0x0: {  	(pc) =	sbr.rel $0x88, $3  }
0x1: {  	(tag) =	ssettag $0x0;
	lr =	simm.s32 $0x1  }
0x2: {  	[smem:$0x3F8E] =	sst lr;
	_ =	strace $0xD0000000  }
0x3: {  	_ = 	snop  }
0x4: {  	_ = 	snop  }
0x5: {  	_ = 	snop  }
0x6: {  	_ = 	snop  }
0x7: {  	_ = 	snop  }
__scs_overlays_trampoline_lowered:
0x8: {  	[smem:$0x3F9D] =	sst s0  }
0x9: {  	[smem:$0x3F9E] =	sst s1  }
0xa: {  	[smem:$0x3F9F] =	sst s2  }
0xb: {  	[smem:$0x3FA0] =	sst s3  }
0xc: {  	[smem:$0x3FA1] =	sst s4  }
0xd: {  	[smem:$0x3FA2] =	sst s5  }
0xe: {  	[smem:$0x3FA3] =	sst s6  }
0xf: {  	[smem:$0x3FA4] =	sst s7  }
0x10: {  	[smem:$0x3FA5] =	sst s8  }
0x11: {  	[smem:$0x3FA6] =	sst s9;
	s0 =	simm.s32 @!p0 $0x0  }
0x12: {  	s1 =	sld [smem:$0x3F8C];
	s0 =	simm.s32 @p0 $0x1  }
0x13: {  	[smem:$0x3FA7] =	sst s0;
	s0 =	simm.s32 @!p1 $0x0  }
0x14: {  	s2 =	sld [smem:$0x3F8B];
	s0 =	simm.s32 @p1 $0x1  }
0x15: {  	[smem:$0x3FA8] =	sst s0;
	s0 =	simm.s32 @!p2 $0x0  }
0x16: {  	s3 =	sld [smem:$0x3FDB];
	s0 =	simm.s32 @p2 $0x1  }
0x17: {  	s4 =	simm.s32 $0x1BF5;
	[smem:$0x3FAA] =	sst s0  }
0x18: {  	s0 =	sld [smem:$0x3F8D];
	_ =	swait.ge [sflag:s4], $0x0  }
0x19: {  	s7 =	sld [smem:$0x3F8E]  }
0x1a: {  	s8 =	sadd.s32 $0xFFFFE003, lr  }
0x1b: {  	s9 =	sadd.s32 $0xFFFFFEF7, lr;
	s5 =	simm.s32 $0xFFFFFFFF;
	p2 =	slt.u32 s8, $0xFFFFF086  }
0x1c: {  	p1 =	slt.u32 s9, $0xF7A;
	s5 =	simm.s32 @!p2 $0x0  }
0x1d: {  	s5 =	simm.s32 @p1 $0x1;
	p0 =	seq.s32 s7, s2  }
0x1e: {  	s7 =	smul.u32 @!p0 $0xF7A, s2;
	p2 =	seq.s32 @!p0 s5, $0x0  }
0x1f: {  	s9 =	smul.u32 $0xF7A, s1;
	s8 =	simm.s32 @!p0 $0x1BF5;
	p2 =	por !p2, p0  }
0x20: {  	[sflag:s8] =	ssyncset.s32 @!p0 $0xFFFFF086;
	s6 =	sadd.s32 @!p0 s3, s7;
	s7 =	simm.s32 @!p0 $0x108  }
0x21: {  	s3 =	sadd.s32 s3, s9;
	s6 =	sadd.s32 @!p0 $0x88, s6;
	s7 =	simm.s32 @p2 $0x1082  }
0x22: {  	[simem:s7], [sflag:s8] =	dma.local @!p0 [hbm:s6], $0xF7A  }
0x23: {  	s9 =	sor.u32 $0xD0000000, s2;
	s6 =	simm.s32 $0x108;
	_ =	swait.ge @!p0 [sflag:s8], $0x0  }
0x24: {  	s3 =	sadd.s32 $0x88, s3;
	s6 =	simm.s32 @!p1 $0x1082;
	[sflag:s4] =	ssyncset.s32 $0xFFFFF086  }
0x25: {  	[simem:s6], [sflag:s4] =	dma.local [hbm:s3], $0xF7A  }
0x26: {  	[smem:$0x3F8E] =	sst s1;
	(tag) =	ssettag s2;
	_ =	strace s9  }
0x27: {  	s1 =	sld [smem:$0x3F9E]  }
0x28: {  	s2 =	sld [smem:$0x3F9F]  }
0x29: {  	s4 =	sld [smem:$0x3FA1]  }
0x2a: {  	p0 =	seq.s32 s5, $0x0;
	s5 =	sld [smem:$0x3FA2]  }
0x2b: {  	s6 =	sld [smem:$0x3FA3]  }
0x2c: {  	s7 =	sld [smem:$0x3FA4]  }
0x2d: {  	s3 =	simm.s32 $0x108;
	s8 =	sld [smem:$0x3FA5]  }
0x2e: {  	s3 =	simm.s32 @!p0 $0x1082;
	s9 =	sld [smem:$0x3FA6]  }
0x2f: {  	lr =	sadd.s32 s0, s3;
	s0 =	sld [smem:$0x3F9D]  }
0x30: {  	s3 =	sld [smem:$0x3FA0]  }
0x31: {  	[smem:$0x3FA9] =	sst s10  }
0x32: {  	s10 =	sld [smem:$0x3FA7];
	_ =	sdelay $0x3  }
0x33: {  	p0 =	seq.s32 s10, $0x1;
	s10 =	sld [smem:$0x3FA9];
	_ =	sdelay $0x3  }
0x34: {  	[smem:$0x3FA9] =	sst s10  }
0x35: {  	s10 =	sld [smem:$0x3FA8];
	_ =	sdelay $0x3  }
0x36: {  	p1 =	seq.s32 s10, $0x1;
	s10 =	sld [smem:$0x3FA9];
	_ =	sdelay $0x3  }
0x37: {  	[smem:$0x3FA9] =	sst s10  }
0x38: {  	s10 =	sld [smem:$0x3FAA]  }
0x39: {  	_ = 	snop;
	(pc) =	sbr.ind lr, $3  }
0x3a: {  	_ = 	snop  }
0x3b: {  	_ = 	snop  }
0x3c: {  	p2 =	seq.s32 s10, $0x1;
	s10 =	sld [smem:$0x3FA9]  }
0x3d: {  	_ =	shalt  }
0x3e: {  	_ =	shalt  }
0x3f: {  	_ =	shalt  }
0x40: {  	_ =	shalt  }
0x41: {  	_ =	shalt  }
0x42: {  	_ =	shalt  }
0x43: {  	_ =	shalt  }
0x44: {  	_ =	shalt  }
0x45: {  	_ =	shalt  }
0x46: {  	_ =	shalt  }
0x47: {  	_ =	shalt  }
0x48: {  	_ =	shalt  }
0x49: {  	_ =	shalt  }
0x4a: {  	_ =	shalt  }
0x4b: {  	_ =	shalt  }
0x4c: {  	_ =	shalt  }
0x4d: {  	_ =	shalt  }
0x4e: {  	_ =	shalt  }
0x4f: {  	_ =	shalt  }
0x50: {  	_ =	shalt  }
0x51: {  	_ =	shalt  }
0x52: {  	_ =	shalt  }
0x53: {  	_ =	shalt  }
0x54: {  	_ =	shalt  }
0x55: {  	_ =	shalt  }
0x56: {  	_ =	shalt  }
0x57: {  	_ =	shalt  }
0x58: {  	_ =	shalt  }
0x59: {  	_ =	shalt  }
0x5a: {  	_ =	shalt  }
0x5b: {  	_ =	shalt  }
0x5c: {  	_ =	shalt  }
0x5d: {  	_ =	shalt  }
0x5e: {  	_ =	shalt  }
0x5f: {  	_ =	shalt  }
0x60: {  	_ =	shalt  }
0x61: {  	_ =	shalt  }
0x62: {  	_ =	shalt  }
0x63: {  	_ =	shalt  }
0x64: {  	_ =	shalt  }
0x65: {  	_ =	shalt  }
0x66: {  	_ =	shalt  }
0x67: {  	_ =	shalt  }
0x68: {  	_ =	shalt  }
0x69: {  	_ =	shalt  }
0x6a: {  	_ =	shalt  }
0x6b: {  	_ =	shalt  }
0x6c: {  	_ =	shalt  }
0x6d: {  	_ =	shalt  }
0x6e: {  	_ =	shalt  }
0x6f: {  	_ =	shalt  }
0x70: {  	_ =	shalt  }
0x71: {  	_ =	shalt  }
0x72: {  	_ =	shalt  }
0x73: {  	_ =	shalt  }
0x74: {  	_ =	shalt  }
0x75: {  	_ =	shalt  }
0x76: {  	_ =	shalt  }
0x77: {  	_ =	shalt  }
0x78: {  	_ =	shalt  }
0x79: {  	_ =	shalt  }
0x7a: {  	_ =	shalt  }
0x7b: {  	_ =	shalt  }
0x7c: {  	_ =	shalt  }
0x7d: {  	_ =	shalt  }
0x7e: {  	_ =	shalt  }
0x7f: {  	_ =	shalt  }
0x80: {  	_ =	shalt  }
0x81: {  	_ =	shalt  }
0x82: {  	_ =	shalt  }
0x83: {  	_ =	shalt  }
0x84: {  	_ =	shalt  }
0x85: {  	_ =	shalt  }
0x86: {  	_ =	shalt  }
0x87: {  	_ =	shalt  }
.Lfunc_end0:
.L_simem_size_0:
called_computation.7_lowered:
.L_overlay_start_0:
0x88: {  	s2 =	sld [smem:$0x3FD9]  }
0x89: {  	s3 =	sld [smem:$0x3FFE];
	_ =	sdelay $0x1  }
0x8a: {  	s1 =	srdreg.scid  }
0x8b: {  	s0 =	sand.u32 $0x1, s1  }
0x8c: {  	s17 =	sshll.u32 s0, $0xA;
	s2 =	sadd.s32 s3, s2  }
0x8d: {  	s2 =	sadd.s32 s2, s17  }
0x8e: {  	[smem:$0x3FB5] =	sst s2  }
0x8f: {  	_ = 	snop  }
0x90: {  	s18 =	sld [smem:$0x3FD0];
	(tm) =	ssettm $0x1  }
0x91: {  	s19 =	sld [smem:$0x3FFB];
	_ =	sdelay $0x3  }
0x92: {  	_ =	strace s19  }
0x93: {  	s2 =	sld [smem:$0x3FFC];
	_ =	sdelay $0x3  }
0x94: {  	_ =	strace s2  }
0x95: {  	s2 =	sld [smem:$0x3FFD];
	_ =	sdelay $0x3  }
0x96: {  	_ =	strace s2  }
0x97: {  	_ =	strace $0x8FFFFFFF  }
0x98: {  	s20 =	sld [smem:$0x3FDB];
	_ =	sdelay $0x1  }
0x99: {  	s4 =	simm.s32 $_scs_section_size  }
0x9a: {  	s5 =	simm.s32 $_size__tile_overlayer_lowered;
	s6 =	simm.s32 $_tile_overlayer_lowered  }
0x9b: {  	s7 =	simm.s32 $0x1BFF;
	s21 =	sshll.u32 s6, $0x1;
	s4 =	sadd.s32 s4, s20  }
0x9c: {  	s22 =	simm.s32 $0x0;
	s5 =	sshll.u32 s5, $0x1;
	s6 =	sadd.s32 s21, s4  }
0x9d: {  	[timem:s22], [sflag:s7] =	dma.local [hbm:s6], s5  }
0x9e: {  	_ =	swait.ge [sflag:s7], s5  }
0x9f: {  	s5 =	ssub.s32 $0x0, s5;
	[sflag:s7] =	ssyncset.done $0x0  }
0xa0: {  	[sflag:s7] =	ssyncadd.s32 s5;
	_ =	sdelay $0x1  }
0xa1: {  	s23 =	simm.s32 $0x1B8B  }
0xa2: {  	_ =	swait.ge [sflag:s23], $0x1  }
0xa3: {  	[sflag:s23] =	ssyncset.done $0x0  }
0xa4: {  	[sflag:s23] =	ssyncadd.s32 $0xFFFFFFFF  }
0xa5: {  	s5 =	sld [smem:$0x0]  }
0xa6: {  	s6 =	sand.u32 $0xFFFFFFFE, s1  }
0xa7: {  	p0 =	sne.s32 s1, s6  }
0xa8: {  	s6 =	sshll.u32 @p0 s6, $0xE  }
0xa9: {  	s6 =	sadd.s32 @p0 $0x11B8D, s6;
	s7 =	sshll.u32 @p0 s5, $0x11  }
0xaa: {  	s6 =	sor.u32 @p0 s7, s6  }
0xab: {  	[sflag:s6] =	ssyncadd.remote.s32 @p0 $0x1;
	_ =	sdelay $0x1  }
0xac: {  	s6 =	simm.s32 @p0 $0x1B8D  }
0xad: {  	_ =	swait.eq @p0 [sflag:s6], $0x1  }
0xae: {  	[sflag:s6] =	ssyncadd.s32 @p0 $0xFFFFFFFF  }
0xaf: {  	s7 =	sshll.u32 @!p0 s1, $0xE  }
0xb0: {  	s7 =	sor.u32 @!p0 $0x4000, s7;
	s6 =	simm.s32 @!p0 $0x1B8D  }
0xb1: {  	s5 =	sshll.u32 @!p0 s5, $0x11;
	s7 =	sadd.s32 @!p0 $0x11B8D, s7;
	_ =	swait.eq @!p0 [sflag:s6], $0x1  }
0xb2: {  	s5 =	sor.u32 @!p0 s5, s7;
	[sflag:s6] =	ssyncadd.s32 @!p0 $0xFFFFFFFF  }
0xb3: {  	s25 =	simm.s32 $0x1B8E;
	s24 =	sld [smem:$0x3FFE];
	[sflag:s5] =	ssyncadd.remote.s32 @!p0 $0x1  }
0xb4: {  	s26 =	simm.s32 $execute0_lowered;
	[smem:$0x3FD2] =	sst s25  }
0xb5: {  	s6 =	sshll.u32 s26, $0x1;
	_ =	strace $0x80000055;
	[dreg:$0x1] =	wrdreg $0xFFFFFFFF  }
0xb6: {  	s28 =	simm.s32 $_size_execute0_lowered;
	s4 =	sadd.s32 s4, s6;
	[dreg:$0x0] =	wrdreg $0x0  }
0xb7: {  	s6 =	sshll.u32 s28, $0x1;
	[dreg:$0x2] =	wrdreg s4  }
0xb8: {  	[dreg:$0x3] =	wrdreg s6  }
0xb9: {  	[dreg:$0x4] =	wrdreg $0xC0  }
0xba: {  	_ =	task [dreg:s22], $0x5FFFF  }
0xbb: {  	[dreg:$0x1] =	wrdreg $0xFFFFFFFF  }
0xbc: {  	[dreg:$0x0] =	wrdreg $0x60  }
0xbd: {  	[dreg:$0x2] =	wrdreg s24  }
0xbe: {  	[dreg:$0x3] =	wrdreg s18  }
0xbf: {  	[dreg:$0x4] =	wrdreg $0xA  }
0xc0: {  	_ =	task.clear_ibuf [dreg:s22], $0x5FFFF;
	_ =	strace $0x90000055  }
0xc1: {  	s29 =	simm.s32 $0xA;
	_ =	strace $0x80000057  }
0xc2: {  	_ =	swait.ge [sflag:s29], $0x1  }
0xc3: {  	[sflag:s29] =	ssyncadd.s32 $0xFFFFFFFF  }
0xc4: {  	_ =	strace $0x90000057  }
0xc5: {  	_ =	sfence  }
0xc6: {  	s30 =	sld [smem:$0x0];
	_ =	sdelay $0x2  }
0xc7: {  	s31 =	sshll.u32 s1, $0xD;
	s1 =	sshrl.u32 s1, $0x2  }
0xc8: {  	s4 =	sand.u32 $0x4000, s31;
	s1 =	sadd.s32 s1, s30  }
0xc9: {  	s0 =	sor.u32 s4, s0;
	s1 =	sshll.u32 s1, $0x11  }
0xca: {  	s0 =	sor.u32 s1, s0  }
0xcb: {  	s0 =	sadd.s32 $0x8F2B, s0  }
0xcc: {  	[sflag:s0] =	ssyncadd.remote.s32 $0x1  }
0xcd: {  	_ =	sfence.sel $0xFFFF  }
0xce: {  	[dreg:$0x0] =	wrdreg $0xFFFFFFFF;
	(pc) =	sbr.abs _section_cstart, $3  }
0xcf: {  	[dreg:$0x1] =	wrdreg $0xFFFFFFFF  }
0xd0: {  	_ =	task.clear_ibuf [dreg:s22], $0x2FFFF;
	_ =	strace $0x9FFFFFFF  }
0xd1: {  	(tm) =	ssettm $0x7FFFFFFF  }
tec
execute0_lowered:
.L_overlay_start_1:
0x0: {  	(tag) =	ssettag $0x1  }
0x1: {  	s1 =	rddreg [dreg:$0x0];
	s2 =	srdreg.scid  }
0x2: {  	s0 =	stileid.u32;
	s8 =	rddreg [dreg:$0x1]  }
0x3: {  	s13 =	simm.s32 $0x1080;
	s14 =	simm.s32 $0x1880;
	s15 =	simm.s32 $0x2080  }
0x4: {  	s16 =	simm.s32 $0x2880;
	s28 =	simm.s32 $0x8080;
	s29 =	simm.s32 $0x8880  }
0x5: {  	s30 =	simm.s32 $0x9080;
	s31 =	simm.s32 $0x9880;
	s4 =	sand.u32 $0x1, s2  }
0x6: {  	s3 =	sshll.u32 s0, $0x1;
	s2 =	simm.s32 $0x0;
	s9 =	sadd.s32 $0xC200, s1  }
0x7: {  	s5 =	sor.u32 s4, s3;
	[smem:$0x7FF] =	sst s2;
	s3 =	sadd.s32 $0x10F600, s1  }
0x8: {  	s4 =	ssub.s32 $0x2, s4;
	s7 =	smul.u32 $0xA0, s5;
	_ =	strace $0x80000056  }
0x9: {  	s6 =	sshrl.u32 s4, $0x1;
	s18 =	smul.u32 $0x5000, s5;
	s5 =	sadd.s32 $0x10F800, s1  }
0xa: {  	s11 =	ssub.s32 s4, s6;
	s4 =	sadd.s32 $0x10F700, s1;
	s10 =	sshrl.u32 s7, $0x3  }
0xb: {  	s19 =	sadd.s32 $0x28, s7;
	s6 =	sadd.s32 s8, s18;
	s21 =	sadd.s32 $0x50, s7  }
0xc: {  	s24 =	sadd.s32 $0x78, s7;
	s18 =	simm.s32 $0x3880;
	s17 =	sadd.s32 s9, s10  }
0xd: {  	s12 =	sshrl.u32 s19, $0x3;
	[dreg:$0x4] =	wrdreg s6;
	s10 =	sshll.u32 s19, $0x7  }
0xe: {  	s6 =	sadd.s32 $0x10F900, s1;
	s22 =	sshrl.u32 s21, $0x3;
	s23 =	sshll.u32 s21, $0x7  }
0xf: {  	s7 =	sshrl.u32 s24, $0x3;
	s26 =	sshll.u32 s24, $0x7;
	s19 =	simm.s32 $0x4080  }
0x10: {  	s21 =	simm.s32 $0x5080;
	s24 =	simm.s32 $0x6880;
	[dreg:$0x3] =	wrdreg s17  }
0x11: {  	s20 =	sadd.s32 s9, s12;
	s10 =	sadd.s32 s8, s10;
	s1 =	sadd.s32 s9, s22  }
0x12: {  	s25 =	sadd.s32 s8, s23;
	s7 =	sadd.s32 s9, s7;
	s8 =	sadd.s32 s8, s26  }
0x13: {  	s9 =	smax.u32 s11, $0x1;
	s11 =	simm.s32 $0x80;
	[dreg:$0x5] =	wrdreg s20  }
0x14: {  	s12 =	simm.s32 $0x880;
	s17 =	simm.s32 $0x3080;
	[dreg:$0x6] =	wrdreg s10  }
0x15: {  	v2 =	vlaneseq.u32;
	s22 =	simm.s32 $0x5880;
	s23 =	simm.s32 $0x6080;
	[dreg:$0x7] =	wrdreg s1  }
0x16: {  	vm0 =	vmmov $0xffff;
	v1 =	vshrl.u32 v2, $0x3;
	s26 =	simm.s32 $0x7880;
	[dreg:$0x8] =	wrdreg s25;
	s10 =	simm.s32 $0x2  }
0x17: {  	v0 =	vand.u32 $0x7, v2;
	v2 =	vor.u32 $0x8, v2;
	v1 =	vmul.u32 $0x8, v1;
	s20 =	simm.s32 $0x4880;
	s25 =	simm.s32 $0x7080;
	s1 =	simm.s32 $0x1  }
.LBB2_1:
0x18: {  	s0 =	rddreg [dreg:$0x3]  }
0x19: {  	[tilespmem:s2], [sflag:$0x2] =	stream.linear.gather [hbm4b:s0+s2], $0x28, $0x38;
	[tilespmem:$0xA080] =	vst v63  }
0x1a: {  	_ =	swait.ge [sflag:s10], $0x28  }
0x1b: {  	[sflag:s10] =	ssyncset.done $0x0  }
0x1c: {  	[sflag:s10] =	ssyncadd.s32 $0xFFFFFFD8  }
0x1d: {  	v3 =	vld [tilespmem:$0x0];
	_ =	sdelay $0x4  }
0x1e: {  	v4 =	vshll.u32 v3, $0x3  }
0x1f: {  	v3 =	vand.u32 $0x7, v3;
	v4 =	vand.u32 $0xFFFFFFC0, v4  }
0x20: {  	v3 =	vor.u32 v3, v4  }
0x21: {  	v4 =	vperm.xlane v3, v0;
	_ =	sdelay $0x1  }
0x22: {  	v4 =	vadd.s32 v1, v4;
	_ =	sdelay $0x4  }
0x23: {  	[tilespmem:s11], [sflag:$0x1] =	stream.indirect_vreg.gather [hbm4b:s3+s2], $0x80, v4, vm0, $0xb8;
	[tilespmem:$0xA080] =	vst v63  }
0x24: {  	v3 =	vperm.xlane v3, v2  }
0x25: {  	[tilespmem:s12], [sflag:$0x1] =	stream.indirect_vreg.gather [hbm4b:s4+s2], $0x80, v4, vm0, $0xb8;
	[tilespmem:$0xA080] =	vst v63  }
0x26: {  	v3 =	vadd.s32 v1, v3  }
0x27: {  	[tilespmem:s13], [sflag:$0x1] =	stream.indirect_vreg.gather [hbm4b:s5+s2], $0x80, v4, vm0, $0xb8;
	[tilespmem:$0xA080] =	vst v63  }
0x28: {  	_ = 	snop  }
0x29: {  	[tilespmem:s14], [sflag:$0x1] =	stream.indirect_vreg.gather [hbm4b:s6+s2], $0x80, v4, vm0, $0xb8;
	[tilespmem:$0xA080] =	vst v63  }
0x2a: {  	_ = 	snop  }
0x2b: {  	[tilespmem:s15], [sflag:$0x1] =	stream.indirect_vreg.gather [hbm4b:s3+s2], $0x80, v3, vm0, $0xb8;
	[tilespmem:$0xA080] =	vst v63  }
0x2c: {  	_ = 	snop  }
0x2d: {  	[tilespmem:s16], [sflag:$0x1] =	stream.indirect_vreg.gather [hbm4b:s4+s2], $0x80, v3, vm0, $0xb8;
	[tilespmem:$0xA080] =	vst v63  }
0x2e: {  	_ = 	snop  }
0x2f: {  	[tilespmem:s17], [sflag:$0x1] =	stream.indirect_vreg.gather [hbm4b:s5+s2], $0x80, v3, vm0, $0xb8;
	[tilespmem:$0xA080] =	vst v63  }
0x30: {  	_ = 	snop  }
0x31: {  	[tilespmem:s18], [sflag:$0x1] =	stream.indirect_vreg.gather [hbm4b:s6+s2], $0x80, v3, vm0, $0xb8;
	[tilespmem:$0xA080] =	vst v63  }
0x32: {  	v3 =	vld [tilespmem:$0x10];
	_ =	sdelay $0x4  }
0x33: {  	v53 =	vshll.u32 v3, $0x3  }
0x34: {  	v3 =	vand.u32 $0x7, v3;
	v4 =	vand.u32 $0xFFFFFFC0, v53  }
0x35: {  	v3 =	vor.u32 v3, v4  }
0x36: {  	v4 =	vperm.xlane v3, v0;
	_ =	sdelay $0x1  }
0x37: {  	v4 =	vadd.s32 v1, v4;
	_ =	sdelay $0x4  }
0x38: {  	[tilespmem:s19], [sflag:$0x1] =	stream.indirect_vreg.gather [hbm4b:s3+s2], $0x80, v4, vm0, $0xb8;
	[tilespmem:$0xA080] =	vst v63  }
0x39: {  	v3 =	vperm.xlane v3, v2  }
0x3a: {  	[tilespmem:s20], [sflag:$0x1] =	stream.indirect_vreg.gather [hbm4b:s4+s2], $0x80, v4, vm0, $0xb8;
	[tilespmem:$0xA080] =	vst v63  }
0x3b: {  	v3 =	vadd.s32 v1, v3  }
0x3c: {  	[tilespmem:s21], [sflag:$0x1] =	stream.indirect_vreg.gather [hbm4b:s5+s2], $0x80, v4, vm0, $0xb8;
	[tilespmem:$0xA080] =	vst v63  }
0x3d: {  	_ = 	snop  }
0x3e: {  	[tilespmem:s22], [sflag:$0x1] =	stream.indirect_vreg.gather [hbm4b:s6+s2], $0x80, v4, vm0, $0xb8;
	[tilespmem:$0xA080] =	vst v63  }
0x3f: {  	_ = 	snop  }
0x40: {  	[tilespmem:s23], [sflag:$0x1] =	stream.indirect_vreg.gather [hbm4b:s3+s2], $0x80, v3, vm0, $0xb8;
	[tilespmem:$0xA080] =	vst v63  }
0x41: {  	_ = 	snop  }
0x42: {  	[tilespmem:s24], [sflag:$0x1] =	stream.indirect_vreg.gather [hbm4b:s4+s2], $0x80, v3, vm0, $0xb8;
	[tilespmem:$0xA080] =	vst v63  }
0x43: {  	_ = 	snop  }
0x44: {  	[tilespmem:s25], [sflag:$0x1] =	stream.indirect_vreg.gather [hbm4b:s5+s2], $0x80, v3, vm0, $0xb8;
	[tilespmem:$0xA080] =	vst v63  }
0x45: {  	_ = 	snop  }
0x46: {  	[tilespmem:s26], [sflag:$0x1] =	stream.indirect_vreg.gather [hbm4b:s6+s2], $0x80, v3, vm0, $0xb8;
	[tilespmem:$0xA080] =	vst v63  }
0x47: {  	v3 =	vld.msk [tilespmem:$0x20], $0xff;
	_ =	sdelay $0x4  }
0x48: {  	v54 =	vshll.u32 v3, $0x3  }
0x49: {  	v3 =	vand.u32 $0x7, v3;
	v4 =	vand.u32 $0xFFFFFFC0, v54  }
0x4a: {  	v3 =	vor.u32 v3, v4  }
0x4b: {  	v3 =	vperm.xlane v3, v0;
	_ =	sdelay $0x1  }
0x4c: {  	v3 =	vadd.s32 v1, v3;
	_ =	sdelay $0x4  }
0x4d: {  	[tilespmem:s28], [sflag:$0x1] =	stream.indirect_vreg.gather [hbm4b:s3+s2], $0x80, v3, vm0, $0xb8;
	[tilespmem:$0xA080] =	vst v63  }
0x4e: {  	_ = 	snop  }
0x4f: {  	[tilespmem:s29], [sflag:$0x1] =	stream.indirect_vreg.gather [hbm4b:s4+s2], $0x80, v3, vm0, $0xb8;
	[tilespmem:$0xA080] =	vst v63  }
0x50: {  	_ = 	snop  }
0x51: {  	[tilespmem:s30], [sflag:$0x1] =	stream.indirect_vreg.gather [hbm4b:s5+s2], $0x80, v3, vm0, $0xb8;
	[tilespmem:$0xA080] =	vst v63  }
0x52: {  	_ = 	snop  }
0x53: {  	[tilespmem:s31], [sflag:$0x1] =	stream.indirect_vreg.gather [hbm4b:s6+s2], $0x80, v3, vm0, $0xb8;
	[tilespmem:$0xA080] =	vst v63  }
0x54: {  	_ =	swait.ge [sflag:s1], $0xA000  }
0x55: {  	[sflag:s1] =	ssyncset.done $0x0  }
0x56: {  	s0 =	rddreg [dreg:$0x4];
	[sflag:s1] =	ssyncadd.s32 $0xFFFF6000  }
0x57: {  	[hbm4b:s0+s2] =	stream.linear.scatter [tilespmem:s11], [sflag:$0x2], $0xA000, $0x38;
	[tilespmem:$0xA080] =	vst v63  }
0x58: {  	_ =	swait.ge [sflag:s10], $0xA000  }
0x59: {  	[sflag:s10] =	ssyncset.done $0x0  }
0x5a: {  	s0 =	rddreg [dreg:$0x5];
	[sflag:s10] =	ssyncadd.s32 $0xFFFF6000  }
0x5b: {  	[tilespmem:s2], [sflag:$0x2] =	stream.linear.gather [hbm4b:s0+s2], $0x28, $0x38;
	[tilespmem:$0xA080] =	vst v63  }
0x5c: {  	_ =	swait.ge [sflag:s10], $0x28  }
0x5d: {  	[sflag:s10] =	ssyncset.done $0x0  }
0x5e: {  	[sflag:s10] =	ssyncadd.s32 $0xFFFFFFD8  }
0x5f: {  	v3 =	vld [tilespmem:$0x0];
	_ =	sdelay $0x4  }
0x60: {  	v55 =	vshll.u32 v3, $0x3  }
0x61: {  	v3 =	vand.u32 $0x7, v3;
	v4 =	vand.u32 $0xFFFFFFC0, v55  }
0x62: {  	v3 =	vor.u32 v3, v4  }
0x63: {  	v4 =	vperm.xlane v3, v0;
	_ =	sdelay $0x1  }
0x64: {  	v4 =	vadd.s32 v1, v4;
	_ =	sdelay $0x4  }
0x65: {  	[tilespmem:s11], [sflag:$0x1] =	stream.indirect_vreg.gather [hbm4b:s3+s2], $0x80, v4, vm0, $0xb8;
	[tilespmem:$0xA080] =	vst v63  }
0x66: {  	v3 =	vperm.xlane v3, v2  }
0x67: {  	[tilespmem:s12], [sflag:$0x1] =	stream.indirect_vreg.gather [hbm4b:s4+s2], $0x80, v4, vm0, $0xb8;
	[tilespmem:$0xA080] =	vst v63  }
0x68: {  	v3 =	vadd.s32 v1, v3  }
0x69: {  	[tilespmem:s13], [sflag:$0x1] =	stream.indirect_vreg.gather [hbm4b:s5+s2], $0x80, v4, vm0, $0xb8;
	[tilespmem:$0xA080] =	vst v63  }
0x6a: {  	_ = 	snop  }
0x6b: {  	[tilespmem:s14], [sflag:$0x1] =	stream.indirect_vreg.gather [hbm4b:s6+s2], $0x80, v4, vm0, $0xb8;
	[tilespmem:$0xA080] =	vst v63  }
0x6c: {  	_ = 	snop  }
0x6d: {  	[tilespmem:s15], [sflag:$0x1] =	stream.indirect_vreg.gather [hbm4b:s3+s2], $0x80, v3, vm0, $0xb8;
	[tilespmem:$0xA080] =	vst v63  }
0x6e: {  	_ = 	snop  }
0x6f: {  	[tilespmem:s16], [sflag:$0x1] =	stream.indirect_vreg.gather [hbm4b:s4+s2], $0x80, v3, vm0, $0xb8;
	[tilespmem:$0xA080] =	vst v63  }
0x70: {  	_ = 	snop  }
0x71: {  	[tilespmem:s17], [sflag:$0x1] =	stream.indirect_vreg.gather [hbm4b:s5+s2], $0x80, v3, vm0, $0xb8;
	[tilespmem:$0xA080] =	vst v63  }
0x72: {  	_ = 	snop  }
0x73: {  	[tilespmem:s18], [sflag:$0x1] =	stream.indirect_vreg.gather [hbm4b:s6+s2], $0x80, v3, vm0, $0xb8;
	[tilespmem:$0xA080] =	vst v63  }
0x74: {  	v3 =	vld [tilespmem:$0x10];
	_ =	sdelay $0x4  }
0x75: {  	v56 =	vshll.u32 v3, $0x3  }
0x76: {  	v3 =	vand.u32 $0x7, v3;
	v4 =	vand.u32 $0xFFFFFFC0, v56  }
0x77: {  	v3 =	vor.u32 v3, v4  }
0x78: {  	v4 =	vperm.xlane v3, v0;
	_ =	sdelay $0x1  }
0x79: {  	v4 =	vadd.s32 v1, v4;
	_ =	sdelay $0x4  }
0x7a: {  	[tilespmem:s19], [sflag:$0x1] =	stream.indirect_vreg.gather [hbm4b:s3+s2], $0x80, v4, vm0, $0xb8;
	[tilespmem:$0xA080] =	vst v63  }
0x7b: {  	v3 =	vperm.xlane v3, v2  }
0x7c: {  	[tilespmem:s20], [sflag:$0x1] =	stream.indirect_vreg.gather [hbm4b:s4+s2], $0x80, v4, vm0, $0xb8;
	[tilespmem:$0xA080] =	vst v63  }
0x7d: {  	v3 =	vadd.s32 v1, v3  }
0x7e: {  	[tilespmem:s21], [sflag:$0x1] =	stream.indirect_vreg.gather [hbm4b:s5+s2], $0x80, v4, vm0, $0xb8;
	[tilespmem:$0xA080] =	vst v63  }
0x7f: {  	_ = 	snop  }
0x80: {  	[tilespmem:s22], [sflag:$0x1] =	stream.indirect_vreg.gather [hbm4b:s6+s2], $0x80, v4, vm0, $0xb8;
	[tilespmem:$0xA080] =	vst v63  }
0x81: {  	_ = 	snop  }
0x82: {  	[tilespmem:s23], [sflag:$0x1] =	stream.indirect_vreg.gather [hbm4b:s3+s2], $0x80, v3, vm0, $0xb8;
	[tilespmem:$0xA080] =	vst v63  }
0x83: {  	_ = 	snop  }
0x84: {  	[tilespmem:s24], [sflag:$0x1] =	stream.indirect_vreg.gather [hbm4b:s4+s2], $0x80, v3, vm0, $0xb8;
	[tilespmem:$0xA080] =	vst v63  }
0x85: {  	_ = 	snop  }
0x86: {  	[tilespmem:s25], [sflag:$0x1] =	stream.indirect_vreg.gather [hbm4b:s5+s2], $0x80, v3, vm0, $0xb8;
	[tilespmem:$0xA080] =	vst v63  }
0x87: {  	_ = 	snop  }
0x88: {  	[tilespmem:s26], [sflag:$0x1] =	stream.indirect_vreg.gather [hbm4b:s6+s2], $0x80, v3, vm0, $0xb8;
	[tilespmem:$0xA080] =	vst v63  }
0x89: {  	v3 =	vld.msk [tilespmem:$0x20], $0xff;
	_ =	sdelay $0x4  }
0x8a: {  	v57 =	vshll.u32 v3, $0x3  }
0x8b: {  	v3 =	vand.u32 $0x7, v3;
	v4 =	vand.u32 $0xFFFFFFC0, v57  }
0x8c: {  	v3 =	vor.u32 v3, v4  }
0x8d: {  	v3 =	vperm.xlane v3, v0;
	_ =	sdelay $0x1  }
0x8e: {  	v3 =	vadd.s32 v1, v3;
	_ =	sdelay $0x4  }
0x8f: {  	[tilespmem:s28], [sflag:$0x1] =	stream.indirect_vreg.gather [hbm4b:s3+s2], $0x80, v3, vm0, $0xb8;
	[tilespmem:$0xA080] =	vst v63  }
0x90: {  	_ = 	snop  }
0x91: {  	[tilespmem:s29], [sflag:$0x1] =	stream.indirect_vreg.gather [hbm4b:s4+s2], $0x80, v3, vm0, $0xb8;
	[tilespmem:$0xA080] =	vst v63  }
0x92: {  	_ = 	snop  }
0x93: {  	[tilespmem:s30], [sflag:$0x1] =	stream.indirect_vreg.gather [hbm4b:s5+s2], $0x80, v3, vm0, $0xb8;
	[tilespmem:$0xA080] =	vst v63  }
0x94: {  	_ = 	snop  }
0x95: {  	[tilespmem:s31], [sflag:$0x1] =	stream.indirect_vreg.gather [hbm4b:s6+s2], $0x80, v3, vm0, $0xb8;
	[tilespmem:$0xA080] =	vst v63  }
0x96: {  	_ =	swait.ge [sflag:s1], $0xA000  }
0x97: {  	[sflag:s1] =	ssyncset.done $0x0  }
0x98: {  	s0 =	rddreg [dreg:$0x6];
	[sflag:s1] =	ssyncadd.s32 $0xFFFF6000  }
0x99: {  	[hbm4b:s0+s2] =	stream.linear.scatter [tilespmem:s11], [sflag:$0x2], $0xA000, $0x38;
	[tilespmem:$0xA080] =	vst v63  }
0x9a: {  	_ =	swait.ge [sflag:s10], $0xA000  }
0x9b: {  	[sflag:s10] =	ssyncset.done $0x0  }
0x9c: {  	s0 =	rddreg [dreg:$0x7];
	[sflag:s10] =	ssyncadd.s32 $0xFFFF6000  }
0x9d: {  	[tilespmem:s2], [sflag:$0x2] =	stream.linear.gather [hbm4b:s0+s2], $0x28, $0x38;
	[tilespmem:$0xA080] =	vst v63  }
0x9e: {  	_ =	swait.ge [sflag:s10], $0x28  }
0x9f: {  	[sflag:s10] =	ssyncset.done $0x0  }
0xa0: {  	[sflag:s10] =	ssyncadd.s32 $0xFFFFFFD8  }
0xa1: {  	v3 =	vld [tilespmem:$0x0];
	_ =	sdelay $0x4  }
0xa2: {  	v58 =	vshll.u32 v3, $0x3  }
0xa3: {  	v3 =	vand.u32 $0x7, v3;
	v4 =	vand.u32 $0xFFFFFFC0, v58  }
0xa4: {  	v3 =	vor.u32 v3, v4  }
0xa5: {  	v4 =	vperm.xlane v3, v0;
	_ =	sdelay $0x1  }
0xa6: {  	v4 =	vadd.s32 v1, v4;
	_ =	sdelay $0x4  }
0xa7: {  	[tilespmem:s11], [sflag:$0x1] =	stream.indirect_vreg.gather [hbm4b:s3+s2], $0x80, v4, vm0, $0xb8;
	[tilespmem:$0xA080] =	vst v63  }
0xa8: {  	v3 =	vperm.xlane v3, v2  }
0xa9: {  	[tilespmem:s12], [sflag:$0x1] =	stream.indirect_vreg.gather [hbm4b:s4+s2], $0x80, v4, vm0, $0xb8;
	[tilespmem:$0xA080] =	vst v63  }
0xaa: {  	v3 =	vadd.s32 v1, v3  }
0xab: {  	[tilespmem:s13], [sflag:$0x1] =	stream.indirect_vreg.gather [hbm4b:s5+s2], $0x80, v4, vm0, $0xb8;
	[tilespmem:$0xA080] =	vst v63  }
0xac: {  	_ = 	snop  }
0xad: {  	[tilespmem:s14], [sflag:$0x1] =	stream.indirect_vreg.gather [hbm4b:s6+s2], $0x80, v4, vm0, $0xb8;
	[tilespmem:$0xA080] =	vst v63  }
0xae: {  	_ = 	snop  }
0xaf: {  	[tilespmem:s15], [sflag:$0x1] =	stream.indirect_vreg.gather [hbm4b:s3+s2], $0x80, v3, vm0, $0xb8;
	[tilespmem:$0xA080] =	vst v63  }
0xb0: {  	_ = 	snop  }
0xb1: {  	[tilespmem:s16], [sflag:$0x1] =	stream.indirect_vreg.gather [hbm4b:s4+s2], $0x80, v3, vm0, $0xb8;
	[tilespmem:$0xA080] =	vst v63  }
0xb2: {  	_ = 	snop  }
0xb3: {  	[tilespmem:s17], [sflag:$0x1] =	stream.indirect_vreg.gather [hbm4b:s5+s2], $0x80, v3, vm0, $0xb8;
	[tilespmem:$0xA080] =	vst v63  }
0xb4: {  	_ = 	snop  }
0xb5: {  	[tilespmem:s18], [sflag:$0x1] =	stream.indirect_vreg.gather [hbm4b:s6+s2], $0x80, v3, vm0, $0xb8;
	[tilespmem:$0xA080] =	vst v63  }
0xb6: {  	v3 =	vld [tilespmem:$0x10];
	_ =	sdelay $0x4  }
0xb7: {  	v59 =	vshll.u32 v3, $0x3  }
0xb8: {  	v3 =	vand.u32 $0x7, v3;
	v4 =	vand.u32 $0xFFFFFFC0, v59  }
0xb9: {  	v3 =	vor.u32 v3, v4  }
0xba: {  	v4 =	vperm.xlane v3, v0;
	_ =	sdelay $0x1  }
0xbb: {  	v4 =	vadd.s32 v1, v4;
	_ =	sdelay $0x4  }
0xbc: {  	[tilespmem:s19], [sflag:$0x1] =	stream.indirect_vreg.gather [hbm4b:s3+s2], $0x80, v4, vm0, $0xb8;
	[tilespmem:$0xA080] =	vst v63  }
0xbd: {  	v3 =	vperm.xlane v3, v2  }
0xbe: {  	[tilespmem:s20], [sflag:$0x1] =	stream.indirect_vreg.gather [hbm4b:s4+s2], $0x80, v4, vm0, $0xb8;
	[tilespmem:$0xA080] =	vst v63  }
0xbf: {  	v3 =	vadd.s32 v1, v3  }
0xc0: {  	[tilespmem:s21], [sflag:$0x1] =	stream.indirect_vreg.gather [hbm4b:s5+s2], $0x80, v4, vm0, $0xb8;
	[tilespmem:$0xA080] =	vst v63  }
0xc1: {  	_ = 	snop  }
0xc2: {  	[tilespmem:s22], [sflag:$0x1] =	stream.indirect_vreg.gather [hbm4b:s6+s2], $0x80, v4, vm0, $0xb8;
	[tilespmem:$0xA080] =	vst v63  }
0xc3: {  	_ = 	snop  }
0xc4: {  	[tilespmem:s23], [sflag:$0x1] =	stream.indirect_vreg.gather [hbm4b:s3+s2], $0x80, v3, vm0, $0xb8;
	[tilespmem:$0xA080] =	vst v63  }
0xc5: {  	_ = 	snop  }
0xc6: {  	[tilespmem:s24], [sflag:$0x1] =	stream.indirect_vreg.gather [hbm4b:s4+s2], $0x80, v3, vm0, $0xb8;
	[tilespmem:$0xA080] =	vst v63  }
0xc7: {  	_ = 	snop  }
0xc8: {  	[tilespmem:s25], [sflag:$0x1] =	stream.indirect_vreg.gather [hbm4b:s5+s2], $0x80, v3, vm0, $0xb8;
	[tilespmem:$0xA080] =	vst v63  }
0xc9: {  	_ = 	snop  }
0xca: {  	[tilespmem:s26], [sflag:$0x1] =	stream.indirect_vreg.gather [hbm4b:s6+s2], $0x80, v3, vm0, $0xb8;
	[tilespmem:$0xA080] =	vst v63  }
0xcb: {  	v3 =	vld.msk [tilespmem:$0x20], $0xff;
	_ =	sdelay $0x4  }
0xcc: {  	v60 =	vshll.u32 v3, $0x3  }
0xcd: {  	v3 =	vand.u32 $0x7, v3;
	v4 =	vand.u32 $0xFFFFFFC0, v60  }
0xce: {  	v3 =	vor.u32 v3, v4  }
0xcf: {  	v3 =	vperm.xlane v3, v0;
	_ =	sdelay $0x1  }
0xd0: {  	v3 =	vadd.s32 v1, v3;
	_ =	sdelay $0x4  }
0xd1: {  	[tilespmem:s28], [sflag:$0x1] =	stream.indirect_vreg.gather [hbm4b:s3+s2], $0x80, v3, vm0, $0xb8;
	[tilespmem:$0xA080] =	vst v63  }
0xd2: {  	_ = 	snop  }
0xd3: {  	[tilespmem:s29], [sflag:$0x1] =	stream.indirect_vreg.gather [hbm4b:s4+s2], $0x80, v3, vm0, $0xb8;
	[tilespmem:$0xA080] =	vst v63  }
0xd4: {  	_ = 	snop  }
0xd5: {  	[tilespmem:s30], [sflag:$0x1] =	stream.indirect_vreg.gather [hbm4b:s5+s2], $0x80, v3, vm0, $0xb8;
	[tilespmem:$0xA080] =	vst v63  }
0xd6: {  	_ = 	snop  }
0xd7: {  	[tilespmem:s31], [sflag:$0x1] =	stream.indirect_vreg.gather [hbm4b:s6+s2], $0x80, v3, vm0, $0xb8;
	[tilespmem:$0xA080] =	vst v63  }
0xd8: {  	_ =	swait.ge [sflag:s1], $0xA000  }
0xd9: {  	[sflag:s1] =	ssyncset.done $0x0  }
0xda: {  	s0 =	rddreg [dreg:$0x8];
	[sflag:s1] =	ssyncadd.s32 $0xFFFF6000  }
0xdb: {  	[hbm4b:s0+s2] =	stream.linear.scatter [tilespmem:s11], [sflag:$0x2], $0xA000, $0x38;
	[tilespmem:$0xA080] =	vst v63  }
0xdc: {  	_ =	swait.ge [sflag:s10], $0xA000  }
0xdd: {  	[sflag:s10] =	ssyncset.done $0x0  }
0xde: {  	[sflag:s10] =	ssyncadd.s32 $0xFFFF6000  }
0xdf: {  	[tilespmem:s2], [sflag:$0x2] =	stream.linear.gather [hbm4b:s7+s2], $0x28, $0x38;
	[tilespmem:$0xA080] =	vst v63  }
0xe0: {  	_ =	swait.ge [sflag:s10], $0x28  }
0xe1: {  	[sflag:s10] =	ssyncset.done $0x0  }
0xe2: {  	[sflag:s10] =	ssyncadd.s32 $0xFFFFFFD8  }
0xe3: {  	v3 =	vld [tilespmem:$0x0];
	_ =	sdelay $0x4  }
0xe4: {  	v61 =	vshll.u32 v3, $0x3  }
0xe5: {  	v3 =	vand.u32 $0x7, v3;
	v4 =	vand.u32 $0xFFFFFFC0, v61  }
0xe6: {  	v3 =	vor.u32 v3, v4  }
0xe7: {  	v4 =	vperm.xlane v3, v0;
	_ =	sdelay $0x1  }
0xe8: {  	v4 =	vadd.s32 v1, v4;
	_ =	sdelay $0x4  }
0xe9: {  	[tilespmem:s11], [sflag:$0x1] =	stream.indirect_vreg.gather [hbm4b:s3+s2], $0x80, v4, vm0, $0xb8;
	[tilespmem:$0xA080] =	vst v63  }
0xea: {  	v3 =	vperm.xlane v3, v2  }
0xeb: {  	[tilespmem:s12], [sflag:$0x1] =	stream.indirect_vreg.gather [hbm4b:s4+s2], $0x80, v4, vm0, $0xb8;
	[tilespmem:$0xA080] =	vst v63  }
0xec: {  	v3 =	vadd.s32 v1, v3  }
0xed: {  	[tilespmem:s13], [sflag:$0x1] =	stream.indirect_vreg.gather [hbm4b:s5+s2], $0x80, v4, vm0, $0xb8;
	[tilespmem:$0xA080] =	vst v63  }
0xee: {  	_ = 	snop  }
0xef: {  	[tilespmem:s14], [sflag:$0x1] =	stream.indirect_vreg.gather [hbm4b:s6+s2], $0x80, v4, vm0, $0xb8;
	[tilespmem:$0xA080] =	vst v63  }
0xf0: {  	_ = 	snop  }
0xf1: {  	[tilespmem:s15], [sflag:$0x1] =	stream.indirect_vreg.gather [hbm4b:s3+s2], $0x80, v3, vm0, $0xb8;
	[tilespmem:$0xA080] =	vst v63  }
0xf2: {  	_ = 	snop  }
0xf3: {  	[tilespmem:s16], [sflag:$0x1] =	stream.indirect_vreg.gather [hbm4b:s4+s2], $0x80, v3, vm0, $0xb8;
	[tilespmem:$0xA080] =	vst v63  }
0xf4: {  	_ = 	snop  }
0xf5: {  	[tilespmem:s17], [sflag:$0x1] =	stream.indirect_vreg.gather [hbm4b:s5+s2], $0x80, v3, vm0, $0xb8;
	[tilespmem:$0xA080] =	vst v63  }
0xf6: {  	_ = 	snop  }
0xf7: {  	[tilespmem:s18], [sflag:$0x1] =	stream.indirect_vreg.gather [hbm4b:s6+s2], $0x80, v3, vm0, $0xb8;
	[tilespmem:$0xA080] =	vst v63  }
0xf8: {  	v3 =	vld [tilespmem:$0x10];
	_ =	sdelay $0x4  }
0xf9: {  	v62 =	vshll.u32 v3, $0x3  }
0xfa: {  	v3 =	vand.u32 $0x7, v3;
	v4 =	vand.u32 $0xFFFFFFC0, v62  }
0xfb: {  	v3 =	vor.u32 v3, v4  }
0xfc: {  	v4 =	vperm.xlane v3, v0;
	_ =	sdelay $0x1  }
0xfd: {  	v4 =	vadd.s32 v1, v4;
	_ =	sdelay $0x4  }
0xfe: {  	[tilespmem:s19], [sflag:$0x1] =	stream.indirect_vreg.gather [hbm4b:s3+s2], $0x80, v4, vm0, $0xb8;
	[tilespmem:$0xA080] =	vst v63  }
0xff: {  	v3 =	vperm.xlane v3, v2  }
0x100: {  	[tilespmem:s20], [sflag:$0x1] =	stream.indirect_vreg.gather [hbm4b:s4+s2], $0x80, v4, vm0, $0xb8;
	[tilespmem:$0xA080] =	vst v63  }
0x101: {  	v3 =	vadd.s32 v1, v3  }
0x102: {  	[tilespmem:s21], [sflag:$0x1] =	stream.indirect_vreg.gather [hbm4b:s5+s2], $0x80, v4, vm0, $0xb8;
	[tilespmem:$0xA080] =	vst v63  }
0x103: {  	_ = 	snop  }
0x104: {  	[tilespmem:s22], [sflag:$0x1] =	stream.indirect_vreg.gather [hbm4b:s6+s2], $0x80, v4, vm0, $0xb8;
	[tilespmem:$0xA080] =	vst v63  }
0x105: {  	_ = 	snop  }
0x106: {  	[tilespmem:s23], [sflag:$0x1] =	stream.indirect_vreg.gather [hbm4b:s3+s2], $0x80, v3, vm0, $0xb8;
	[tilespmem:$0xA080] =	vst v63  }
0x107: {  	_ = 	snop  }
0x108: {  	[tilespmem:s24], [sflag:$0x1] =	stream.indirect_vreg.gather [hbm4b:s4+s2], $0x80, v3, vm0, $0xb8;
	[tilespmem:$0xA080] =	vst v63  }
0x109: {  	_ = 	snop  }
0x10a: {  	[tilespmem:s25], [sflag:$0x1] =	stream.indirect_vreg.gather [hbm4b:s5+s2], $0x80, v3, vm0, $0xb8;
	[tilespmem:$0xA080] =	vst v63  }
0x10b: {  	_ = 	snop  }
0x10c: {  	[tilespmem:s26], [sflag:$0x1] =	stream.indirect_vreg.gather [hbm4b:s6+s2], $0x80, v3, vm0, $0xb8;
	[tilespmem:$0xA080] =	vst v63  }
0x10d: {  	v3 =	vld.msk [tilespmem:$0x20], $0xff;
	_ =	sdelay $0x4  }
0x10e: {  	v63 =	vshll.u32 v3, $0x3  }
0x10f: {  	v3 =	vand.u32 $0x7, v3;
	v4 =	vand.u32 $0xFFFFFFC0, v63  }
0x110: {  	v3 =	vor.u32 v3, v4  }
0x111: {  	v3 =	vperm.xlane v3, v0;
	_ =	sdelay $0x1  }
0x112: {  	v3 =	vadd.s32 v1, v3;
	_ =	sdelay $0x4  }
0x113: {  	[tilespmem:s28], [sflag:$0x1] =	stream.indirect_vreg.gather [hbm4b:s3+s2], $0x80, v3, vm0, $0xb8;
	[tilespmem:$0xA080] =	vst v63  }
0x114: {  	_ = 	snop  }
0x115: {  	[tilespmem:s29], [sflag:$0x1] =	stream.indirect_vreg.gather [hbm4b:s4+s2], $0x80, v3, vm0, $0xb8;
	[tilespmem:$0xA080] =	vst v63  }
0x116: {  	_ = 	snop  }
0x117: {  	[tilespmem:s30], [sflag:$0x1] =	stream.indirect_vreg.gather [hbm4b:s5+s2], $0x80, v3, vm0, $0xb8;
	[tilespmem:$0xA080] =	vst v63  }
0x118: {  	_ = 	snop  }
0x119: {  	[tilespmem:s31], [sflag:$0x1] =	stream.indirect_vreg.gather [hbm4b:s6+s2], $0x80, v3, vm0, $0xb8;
	[tilespmem:$0xA080] =	vst v63  }
0x11a: {  	_ =	swait.ge [sflag:s1], $0xA000  }
0x11b: {  	p0 =	sne.s32 s9, $0x1;
	[sflag:s1] =	ssyncset.done $0x0  }
.Ltmp0:
0x11c: {  	[sflag:s1] =	ssyncadd.s32 $0xFFFF6000;
	(pc) =	sbr.rel @p0 .LBB2_1-.Ltmp0, $4  }
0x11d: {  	[hbm4b:s8+s2] =	stream.linear.scatter [tilespmem:s11], [sflag:$0x2], $0xA000, $0x38;
	[tilespmem:$0xA080] =	vst v63  }
0x11e: {  	_ =	swait.ge [sflag:s10], $0xA000  }
0x11f: {  	[sflag:s10] =	ssyncset.done $0x0  }
0x120: {  	s9 =	sadd.s32 $0xFFFFFFFF, s9;
	[sflag:s10] =	ssyncadd.s32 $0xFFFF6000  }
0x121: {  	_ =	sfence.sel $0x180000  }
0x122: {  	[bflag:$0x0] =	sbarrier.arrive $0xFFFF  }
0x123: {  	_ =	strace $0x90000056  }
0x124: {  	s0 =	stileid.u32;
	[bflag:$0x2] =	sbarrier.arrive $0xFFFF  }
0x125: {  	p0 =	sne.s32 s0, $0x0;
	s0 =	rddreg [dreg:$0x2]  }
0x126: {  	s0 =	sadd.s32 @!p0 $0x100000, s0  }
0x127: {  	[sflag:s0] =	ssyncadd.tile.s32 @!p0 $0x1;
	_ =	shalt  }
.Lfunc_end2:
_tile_overlayer_lowered:
.L_overlay_start_2:
0x128: {  	(tag) =	ssettag $0x2  }
0x129: {  	s0 =	rddreg [dreg:$0x0];
	s2 =	stileid.u32  }
0x12a: {  	s1 =	rddreg [dreg:$0x1];
	p0 =	sne.s32 s2, $0x0  }
0x12b: {  	s3 =	rddreg [dreg:$0x2];
	[bflag:$0x3] =	sbarrier.arrive $0xFFFF;
	s2 =	simm.s32 @!p0 $0x1C02  }
0x12c: {  	[timem:s3], [sflag:s2] =	dma.local @!p0 [hbm:s0], s1  }
0x12d: {  	s0 =	simm.s32 @!p0 $0x2  }
0x12e: {  	_ =	swait.ge @!p0 [sflag:s0], s1  }
0x12f: {  	s1 =	ssub.s32 @!p0 $0x0, s1;
	[sflag:s0] =	ssyncset.done @!p0 $0x0  }
0x130: {  	[sflag:s0] =	ssyncadd.s32 @!p0 s1  }
0x131: {  	[bflag:$0x3] =	sbarrier.arrive $0xFFFF  }
0x132: {  	_ =	shalt  }

// kernel: kernel.28.cloned.1.call-start
scs
__scs_entry_jumppad:
0x0: {  	(pc) =	sbr.rel $0x88, $3  }
0x1: {  	(tag) =	ssettag $0x0;
	lr =	simm.s32 $0x1  }
0x2: {  	[smem:$0x3F8E] =	sst lr;
	_ =	strace $0xD0000000  }
0x3: {  	_ = 	snop  }
0x4: {  	_ = 	snop  }
0x5: {  	_ = 	snop  }
0x6: {  	_ = 	snop  }
0x7: {  	_ = 	snop  }
__scs_overlays_trampoline_lowered:
0x8: {  	[smem:$0x3F9D] =	sst s0  }
0x9: {  	[smem:$0x3F9E] =	sst s1  }
0xa: {  	[smem:$0x3F9F] =	sst s2  }
0xb: {  	[smem:$0x3FA0] =	sst s3  }
0xc: {  	[smem:$0x3FA1] =	sst s4  }
0xd: {  	[smem:$0x3FA2] =	sst s5  }
0xe: {  	[smem:$0x3FA3] =	sst s6  }
0xf: {  	[smem:$0x3FA4] =	sst s7  }
0x10: {  	[smem:$0x3FA5] =	sst s8  }
0x11: {  	[smem:$0x3FA6] =	sst s9;
	s0 =	simm.s32 @!p0 $0x0  }
0x12: {  	s1 =	sld [smem:$0x3F8C];
	s0 =	simm.s32 @p0 $0x1  }
0x13: {  	[smem:$0x3FA7] =	sst s0;
	s0 =	simm.s32 @!p1 $0x0  }
0x14: {  	s2 =	sld [smem:$0x3F8B];
	s0 =	simm.s32 @p1 $0x1  }
0x15: {  	[smem:$0x3FA8] =	sst s0;
	s0 =	simm.s32 @!p2 $0x0  }
0x16: {  	s3 =	sld [smem:$0x3FDB];
	s0 =	simm.s32 @p2 $0x1  }
0x17: {  	s4 =	simm.s32 $0x1BF5;
	[smem:$0x3FAA] =	sst s0  }
0x18: {  	s0 =	sld [smem:$0x3F8D];
	_ =	swait.ge [sflag:s4], $0x0  }
0x19: {  	s7 =	sld [smem:$0x3F8E]  }
0x1a: {  	s8 =	sadd.s32 $0xFFFFE003, lr  }
0x1b: {  	s9 =	sadd.s32 $0xFFFFFEF7, lr;
	s5 =	simm.s32 $0xFFFFFFFF;
	p2 =	slt.u32 s8, $0xFFFFF086  }
0x1c: {  	p1 =	slt.u32 s9, $0xF7A;
	s5 =	simm.s32 @!p2 $0x0  }
0x1d: {  	s5 =	simm.s32 @p1 $0x1;
	p0 =	seq.s32 s7, s2  }
0x1e: {  	s7 =	smul.u32 @!p0 $0xF7A, s2;
	p2 =	seq.s32 @!p0 s5, $0x0  }
0x1f: {  	s9 =	smul.u32 $0xF7A, s1;
	s8 =	simm.s32 @!p0 $0x1BF5;
	p2 =	por !p2, p0  }
0x20: {  	[sflag:s8] =	ssyncset.s32 @!p0 $0xFFFFF086;
	s6 =	sadd.s32 @!p0 s3, s7;
	s7 =	simm.s32 @!p0 $0x108  }
0x21: {  	s3 =	sadd.s32 s3, s9;
	s6 =	sadd.s32 @!p0 $0x88, s6;
	s7 =	simm.s32 @p2 $0x1082  }
0x22: {  	[simem:s7], [sflag:s8] =	dma.local @!p0 [hbm:s6], $0xF7A  }
0x23: {  	s9 =	sor.u32 $0xD0000000, s2;
	s6 =	simm.s32 $0x108;
	_ =	swait.ge @!p0 [sflag:s8], $0x0  }
0x24: {  	s3 =	sadd.s32 $0x88, s3;
	s6 =	simm.s32 @!p1 $0x1082;
	[sflag:s4] =	ssyncset.s32 $0xFFFFF086  }
0x25: {  	[simem:s6], [sflag:s4] =	dma.local [hbm:s3], $0xF7A  }
0x26: {  	[smem:$0x3F8E] =	sst s1;
	(tag) =	ssettag s2;
	_ =	strace s9  }
0x27: {  	s1 =	sld [smem:$0x3F9E]  }
0x28: {  	s2 =	sld [smem:$0x3F9F]  }
0x29: {  	s4 =	sld [smem:$0x3FA1]  }
0x2a: {  	p0 =	seq.s32 s5, $0x0;
	s5 =	sld [smem:$0x3FA2]  }
0x2b: {  	s6 =	sld [smem:$0x3FA3]  }
0x2c: {  	s7 =	sld [smem:$0x3FA4]  }
0x2d: {  	s3 =	simm.s32 $0x108;
	s8 =	sld [smem:$0x3FA5]  }
0x2e: {  	s3 =	simm.s32 @!p0 $0x1082;
	s9 =	sld [smem:$0x3FA6]  }
0x2f: {  	lr =	sadd.s32 s0, s3;
	s0 =	sld [smem:$0x3F9D]  }
0x30: {  	s3 =	sld [smem:$0x3FA0]  }
0x31: {  	[smem:$0x3FA9] =	sst s10  }
0x32: {  	s10 =	sld [smem:$0x3FA7];
	_ =	sdelay $0x3  }
0x33: {  	p0 =	seq.s32 s10, $0x1;
	s10 =	sld [smem:$0x3FA9];
	_ =	sdelay $0x3  }
0x34: {  	[smem:$0x3FA9] =	sst s10  }
0x35: {  	s10 =	sld [smem:$0x3FA8];
	_ =	sdelay $0x3  }
0x36: {  	p1 =	seq.s32 s10, $0x1;
	s10 =	sld [smem:$0x3FA9];
	_ =	sdelay $0x3  }
0x37: {  	[smem:$0x3FA9] =	sst s10  }
0x38: {  	s10 =	sld [smem:$0x3FAA]  }
0x39: {  	_ = 	snop;
	(pc) =	sbr.ind lr, $3  }
0x3a: {  	_ = 	snop  }
0x3b: {  	_ = 	snop  }
0x3c: {  	p2 =	seq.s32 s10, $0x1;
	s10 =	sld [smem:$0x3FA9]  }
0x3d: {  	_ =	shalt  }
0x3e: {  	_ =	shalt  }
0x3f: {  	_ =	shalt  }
0x40: {  	_ =	shalt  }
0x41: {  	_ =	shalt  }
0x42: {  	_ =	shalt  }
0x43: {  	_ =	shalt  }
0x44: {  	_ =	shalt  }
0x45: {  	_ =	shalt  }
0x46: {  	_ =	shalt  }
0x47: {  	_ =	shalt  }
0x48: {  	_ =	shalt  }
0x49: {  	_ =	shalt  }
0x4a: {  	_ =	shalt  }
0x4b: {  	_ =	shalt  }
0x4c: {  	_ =	shalt  }
0x4d: {  	_ =	shalt  }
0x4e: {  	_ =	shalt  }
0x4f: {  	_ =	shalt  }
0x50: {  	_ =	shalt  }
0x51: {  	_ =	shalt  }
0x52: {  	_ =	shalt  }
0x53: {  	_ =	shalt  }
0x54: {  	_ =	shalt  }
0x55: {  	_ =	shalt  }
0x56: {  	_ =	shalt  }
0x57: {  	_ =	shalt  }
0x58: {  	_ =	shalt  }
0x59: {  	_ =	shalt  }
0x5a: {  	_ =	shalt  }
0x5b: {  	_ =	shalt  }
0x5c: {  	_ =	shalt  }
0x5d: {  	_ =	shalt  }
0x5e: {  	_ =	shalt  }
0x5f: {  	_ =	shalt  }
0x60: {  	_ =	shalt  }
0x61: {  	_ =	shalt  }
0x62: {  	_ =	shalt  }
0x63: {  	_ =	shalt  }
0x64: {  	_ =	shalt  }
0x65: {  	_ =	shalt  }
0x66: {  	_ =	shalt  }
0x67: {  	_ =	shalt  }
0x68: {  	_ =	shalt  }
0x69: {  	_ =	shalt  }
0x6a: {  	_ =	shalt  }
0x6b: {  	_ =	shalt  }
0x6c: {  	_ =	shalt  }
0x6d: {  	_ =	shalt  }
0x6e: {  	_ =	shalt  }
0x6f: {  	_ =	shalt  }
0x70: {  	_ =	shalt  }
0x71: {  	_ =	shalt  }
0x72: {  	_ =	shalt  }
0x73: {  	_ =	shalt  }
0x74: {  	_ =	shalt  }
0x75: {  	_ =	shalt  }
0x76: {  	_ =	shalt  }
0x77: {  	_ =	shalt  }
0x78: {  	_ =	shalt  }
0x79: {  	_ =	shalt  }
0x7a: {  	_ =	shalt  }
0x7b: {  	_ =	shalt  }
0x7c: {  	_ =	shalt  }
0x7d: {  	_ =	shalt  }
0x7e: {  	_ =	shalt  }
0x7f: {  	_ =	shalt  }
0x80: {  	_ =	shalt  }
0x81: {  	_ =	shalt  }
0x82: {  	_ =	shalt  }
0x83: {  	_ =	shalt  }
0x84: {  	_ =	shalt  }
0x85: {  	_ =	shalt  }
0x86: {  	_ =	shalt  }
0x87: {  	_ =	shalt  }
.Lfunc_end0:
.L_simem_size_0:
called_computation.8_lowered:
.L_overlay_start_0:
0x88: {  	s2 =	sld [smem:$0x3FD9]  }
0x89: {  	s3 =	sld [smem:$0x3FFE];
	_ =	sdelay $0x1  }
0x8a: {  	s1 =	srdreg.scid  }
0x8b: {  	s0 =	sand.u32 $0x1, s1  }
0x8c: {  	s17 =	sshll.u32 s0, $0xA;
	s2 =	sadd.s32 s3, s2  }
0x8d: {  	s2 =	sadd.s32 s2, s17  }
0x8e: {  	[smem:$0x3FB5] =	sst s2  }
0x8f: {  	_ = 	snop  }
0x90: {  	s18 =	sld [smem:$0x3FD0];
	(tm) =	ssettm $0x1  }
0x91: {  	s19 =	sld [smem:$0x3FFB];
	_ =	sdelay $0x3  }
0x92: {  	_ =	strace s19  }
0x93: {  	s2 =	sld [smem:$0x3FFC];
	_ =	sdelay $0x3  }
0x94: {  	_ =	strace s2  }
0x95: {  	s2 =	sld [smem:$0x3FFD];
	_ =	sdelay $0x3  }
0x96: {  	_ =	strace s2  }
0x97: {  	_ =	strace $0x8FFFFFFF  }
0x98: {  	s20 =	sld [smem:$0x3FDB];
	_ =	sdelay $0x1  }
0x99: {  	s4 =	simm.s32 $_scs_section_size  }
0x9a: {  	s5 =	simm.s32 $_size__tile_overlayer_lowered;
	s6 =	simm.s32 $_tile_overlayer_lowered  }
0x9b: {  	s7 =	simm.s32 $0x1BFF;
	s21 =	sshll.u32 s6, $0x1;
	s4 =	sadd.s32 s4, s20  }
0x9c: {  	s22 =	simm.s32 $0x0;
	s5 =	sshll.u32 s5, $0x1;
	s6 =	sadd.s32 s21, s4  }
0x9d: {  	[timem:s22], [sflag:s7] =	dma.local [hbm:s6], s5  }
0x9e: {  	_ =	swait.ge [sflag:s7], s5  }
0x9f: {  	s5 =	ssub.s32 $0x0, s5;
	[sflag:s7] =	ssyncset.done $0x0  }
0xa0: {  	[sflag:s7] =	ssyncadd.s32 s5;
	_ =	sdelay $0x1  }
0xa1: {  	s23 =	simm.s32 $0x1B8B  }
0xa2: {  	_ =	swait.ge [sflag:s23], $0x1  }
0xa3: {  	[sflag:s23] =	ssyncset.done $0x0  }
0xa4: {  	[sflag:s23] =	ssyncadd.s32 $0xFFFFFFFF  }
0xa5: {  	s5 =	sld [smem:$0x0]  }
0xa6: {  	s6 =	sand.u32 $0xFFFFFFFE, s1  }
0xa7: {  	p0 =	sne.s32 s1, s6  }
0xa8: {  	s6 =	sshll.u32 @p0 s6, $0xE  }
0xa9: {  	s6 =	sadd.s32 @p0 $0x11B8D, s6;
	s7 =	sshll.u32 @p0 s5, $0x11  }
0xaa: {  	s6 =	sor.u32 @p0 s7, s6  }
0xab: {  	[sflag:s6] =	ssyncadd.remote.s32 @p0 $0x1;
	_ =	sdelay $0x1  }
0xac: {  	s6 =	simm.s32 @p0 $0x1B8D  }
0xad: {  	_ =	swait.eq @p0 [sflag:s6], $0x1  }
0xae: {  	[sflag:s6] =	ssyncadd.s32 @p0 $0xFFFFFFFF  }
0xaf: {  	s7 =	sshll.u32 @!p0 s1, $0xE  }
0xb0: {  	s7 =	sor.u32 @!p0 $0x4000, s7;
	s6 =	simm.s32 @!p0 $0x1B8D  }
0xb1: {  	s5 =	sshll.u32 @!p0 s5, $0x11;
	s7 =	sadd.s32 @!p0 $0x11B8D, s7;
	_ =	swait.eq @!p0 [sflag:s6], $0x1  }
0xb2: {  	s5 =	sor.u32 @!p0 s5, s7;
	[sflag:s6] =	ssyncadd.s32 @!p0 $0xFFFFFFFF  }
0xb3: {  	s25 =	simm.s32 $0x1B8E;
	s24 =	sld [smem:$0x3FFE];
	[sflag:s5] =	ssyncadd.remote.s32 @!p0 $0x1  }
0xb4: {  	s26 =	simm.s32 $execute0_lowered;
	[smem:$0x3FD2] =	sst s25  }
0xb5: {  	s6 =	sshll.u32 s26, $0x1;
	_ =	strace $0x8000005B;
	[dreg:$0x1] =	wrdreg $0xFFFFFFFF  }
0xb6: {  	s28 =	simm.s32 $_size_execute0_lowered;
	s4 =	sadd.s32 s4, s6;
	[dreg:$0x0] =	wrdreg $0x0  }
0xb7: {  	s6 =	sshll.u32 s28, $0x1;
	[dreg:$0x2] =	wrdreg s4  }
0xb8: {  	[dreg:$0x3] =	wrdreg s6  }
0xb9: {  	[dreg:$0x4] =	wrdreg $0xC0  }
0xba: {  	_ =	task [dreg:s22], $0x5FFFF  }
0xbb: {  	[dreg:$0x1] =	wrdreg $0xFFFFFFFF  }
0xbc: {  	[dreg:$0x0] =	wrdreg $0x60  }
0xbd: {  	[dreg:$0x2] =	wrdreg s18  }
0xbe: {  	[dreg:$0x3] =	wrdreg s24  }
0xbf: {  	[dreg:$0x4] =	wrdreg $0x9  }
0xc0: {  	_ =	task.clear_ibuf [dreg:s22], $0x5FFFF;
	_ =	strace $0x9000005B  }
0xc1: {  	s29 =	simm.s32 $0x9;
	_ =	strace $0x8000005D  }
0xc2: {  	_ =	swait.ge [sflag:s29], $0x1  }
0xc3: {  	[sflag:s29] =	ssyncadd.s32 $0xFFFFFFFF  }
0xc4: {  	_ =	strace $0x9000005D  }
0xc5: {  	_ =	sfence  }
0xc6: {  	s30 =	sld [smem:$0x0];
	_ =	sdelay $0x2  }
0xc7: {  	s31 =	sshll.u32 s1, $0xD;
	s1 =	sshrl.u32 s1, $0x2  }
0xc8: {  	s4 =	sand.u32 $0x4000, s31;
	s1 =	sadd.s32 s1, s30  }
0xc9: {  	s0 =	sor.u32 s4, s0;
	s1 =	sshll.u32 s1, $0x11  }
0xca: {  	s0 =	sor.u32 s1, s0  }
0xcb: {  	s0 =	sadd.s32 $0x8F2B, s0  }
0xcc: {  	[sflag:s0] =	ssyncadd.remote.s32 $0x1  }
0xcd: {  	_ =	sfence.sel $0xFFFF  }
0xce: {  	[dreg:$0x0] =	wrdreg $0xFFFFFFFF;
	(pc) =	sbr.abs _section_cstart, $3  }
0xcf: {  	[dreg:$0x1] =	wrdreg $0xFFFFFFFF  }
0xd0: {  	_ =	task.clear_ibuf [dreg:s22], $0x2FFFF;
	_ =	strace $0x9FFFFFFF  }
0xd1: {  	(tm) =	ssettm $0x7FFFFFFF  }
tec
execute0_lowered:
.L_overlay_start_1:
0x0: {  	(tag) =	ssettag $0x1  }
0x1: {  	s1 =	srdreg.scid  }
0x2: {  	s0 =	stileid.u32;
	s2 =	rddreg [dreg:$0x0]  }
0x3: {  	s5 =	rddreg [dreg:$0x1];
	s18 =	simm.s32 $0x880;
	s19 =	simm.s32 $0x1080  }
0x4: {  	s20 =	simm.s32 $0x1880;
	s22 =	simm.s32 $0x2080;
	s23 =	simm.s32 $0x2880  }
0x5: {  	s24 =	simm.s32 $0x3080;
	s7 =	simm.s32 $0x3880;
	s8 =	simm.s32 $0x4080  }
0x6: {  	s25 =	simm.s32 $0x4880;
	s26 =	simm.s32 $0x5080;
	s1 =	sand.u32 $0x1, s1  }
0x7: {  	s9 =	simm.s32 $0x80;
	s3 =	sshll.u32 s0, $0x7;
	s4 =	sshll.u32 s1, $0x6  }
0x8: {  	s11 =	simm.s32 $0x6080;
	s4 =	sor.u32 s4, s3;
	s3 =	simm.s32 $0x0  }
0x9: {  	s12 =	simm.s32 $0x6880;
	s13 =	simm.s32 $0x7080;
	[smem:$0x7FF] =	sst s3  }
0xa: {  	s14 =	simm.s32 $0x7880;
	_ =	strace $0x8000005C;
	[dreg:$0x5] =	wrdreg s18  }
0xb: {  	s15 =	simm.s32 $0x8080;
	s16 =	simm.s32 $0x8880;
	[dreg:$0x6] =	wrdreg s19  }
0xc: {  	s28 =	simm.s32 $0xE080;
	s29 =	simm.s32 $0xE880;
	[dreg:$0x7] =	wrdreg s20  }
0xd: {  	s30 =	simm.s32 $0xF080;
	s1 =	ssub.s32 $0x2, s1;
	[dreg:$0x8] =	wrdreg s22  }
0xe: {  	s31 =	simm.s32 $0xF880;
	s21 =	sshrl.u32 s1, $0x1;
	[dreg:$0x9] =	wrdreg s23  }
0xf: {  	s6 =	sshrl.u32 s4, $0x3;
	s4 =	sshll.u32 s4, $0x7;
	[dreg:$0xa] =	wrdreg s24  }
0x10: {  	s1 =	ssub.s32 s1, s21;
	s21 =	simm.s32 $0xB080;
	[dreg:$0xb] =	wrdreg s7  }
0x11: {  	s6 =	sadd.s32 s6, s5;
	s4 =	sadd.s32 s4, s5;
	[dreg:$0xc] =	wrdreg s8  }
0x12: {  	s5 =	sadd.s32 $0x200, s2;
	s7 =	smax.u32 s1, $0x1;
	[dreg:$0xd] =	wrdreg s25  }
0x13: {  	s8 =	simm.s32 $0x2;
	[dreg:$0xe] =	wrdreg s26;
	s18 =	simm.s32 $0x9880  }
0x14: {  	s19 =	simm.s32 $0xA080;
	s20 =	simm.s32 $0xA880;
	s22 =	simm.s32 $0xB880  }
0x15: {  	s23 =	simm.s32 $0xC080;
	s24 =	simm.s32 $0xC880;
	s25 =	simm.s32 $0xD080  }
0x16: {  	v2 =	vlaneseq.u32;
	s26 =	simm.s32 $0xD880;
	s1 =	simm.s32 $0x1;
	s17 =	sadd.s32 $0xB600, s6  }
0x17: {  	vm0 =	vmmov $0xffff;
	v1 =	vshrl.u32 v2, $0x3;
	s4 =	sadd.s32 $0x1CF600, s4;
	s6 =	sadd.s32 $0x300, s2;
	[dreg:$0x3] =	wrdreg s17  }
0x18: {  	v0 =	vand.u32 $0x7, v2;
	v2 =	vor.u32 $0x8, v2;
	v1 =	vmul.u32 $0x8, v1;
	[dreg:$0x4] =	wrdreg s4;
	s4 =	sadd.s32 $0x100, s2;
	s17 =	simm.s32 $0x9080  }
.LBB2_1:
0x19: {  	s0 =	rddreg [dreg:$0x3]  }
0x1a: {  	[tilespmem:s3], [sflag:$0x2] =	stream.linear.gather [hbm4b:s0+s3], $0x40, $0x38;
	[tilespmem:$0x10080] =	vst v63  }
0x1b: {  	_ =	swait.ge [sflag:s8], $0x40  }
0x1c: {  	[sflag:s8] =	ssyncset.done $0x0  }
0x1d: {  	[sflag:s8] =	ssyncadd.s32 $0xFFFFFFC0  }
0x1e: {  	v3 =	vld [tilespmem:$0x0];
	_ =	sdelay $0x4  }
0x1f: {  	v4 =	vshll.u32 v3, $0x3  }
0x20: {  	v3 =	vand.u32 $0x7, v3;
	v4 =	vand.u32 $0xFFFFFFC0, v4  }
0x21: {  	v3 =	vor.u32 v3, v4  }
0x22: {  	v4 =	vperm.xlane v3, v0;
	_ =	sdelay $0x1  }
0x23: {  	v4 =	vadd.s32 v1, v4;
	_ =	sdelay $0x4  }
0x24: {  	[tilespmem:s9], [sflag:$0x1] =	stream.indirect_vreg.gather [hbm4b:s2+s3], $0x80, v4, vm0, $0xb8;
	[tilespmem:$0x10080] =	vst v63  }
0x25: {  	s0 =	rddreg [dreg:$0x5];
	v3 =	vperm.xlane v3, v2  }
0x26: {  	[tilespmem:s0], [sflag:$0x1] =	stream.indirect_vreg.gather [hbm4b:s4+s3], $0x80, v4, vm0, $0xb8;
	[tilespmem:$0x10080] =	vst v63  }
0x27: {  	s10 =	rddreg [dreg:$0x6];
	v3 =	vadd.s32 v1, v3  }
0x28: {  	[tilespmem:s10], [sflag:$0x1] =	stream.indirect_vreg.gather [hbm4b:s5+s3], $0x80, v4, vm0, $0xb8;
	[tilespmem:$0x10080] =	vst v63  }
0x29: {  	s0 =	rddreg [dreg:$0x7]  }
0x2a: {  	[tilespmem:s0], [sflag:$0x1] =	stream.indirect_vreg.gather [hbm4b:s6+s3], $0x80, v4, vm0, $0xb8;
	[tilespmem:$0x10080] =	vst v63  }
0x2b: {  	s10 =	rddreg [dreg:$0x8]  }
0x2c: {  	[tilespmem:s10], [sflag:$0x1] =	stream.indirect_vreg.gather [hbm4b:s2+s3], $0x80, v3, vm0, $0xb8;
	[tilespmem:$0x10080] =	vst v63  }
0x2d: {  	s0 =	rddreg [dreg:$0x9]  }
0x2e: {  	[tilespmem:s0], [sflag:$0x1] =	stream.indirect_vreg.gather [hbm4b:s4+s3], $0x80, v3, vm0, $0xb8;
	[tilespmem:$0x10080] =	vst v63  }
0x2f: {  	s10 =	rddreg [dreg:$0xa]  }
0x30: {  	[tilespmem:s10], [sflag:$0x1] =	stream.indirect_vreg.gather [hbm4b:s5+s3], $0x80, v3, vm0, $0xb8;
	[tilespmem:$0x10080] =	vst v63  }
0x31: {  	s0 =	rddreg [dreg:$0xb]  }
0x32: {  	[tilespmem:s0], [sflag:$0x1] =	stream.indirect_vreg.gather [hbm4b:s6+s3], $0x80, v3, vm0, $0xb8;
	[tilespmem:$0x10080] =	vst v63  }
0x33: {  	v3 =	vld [tilespmem:$0x10];
	_ =	sdelay $0x4  }
0x34: {  	v61 =	vshll.u32 v3, $0x3  }
0x35: {  	v3 =	vand.u32 $0x7, v3;
	v4 =	vand.u32 $0xFFFFFFC0, v61  }
0x36: {  	v3 =	vor.u32 v3, v4  }
0x37: {  	v4 =	vperm.xlane v3, v0;
	_ =	sdelay $0x1  }
0x38: {  	v4 =	vadd.s32 v1, v4;
	_ =	sdelay $0x3  }
0x39: {  	s0 =	rddreg [dreg:$0xc]  }
0x3a: {  	[tilespmem:s0], [sflag:$0x1] =	stream.indirect_vreg.gather [hbm4b:s2+s3], $0x80, v4, vm0, $0xb8;
	[tilespmem:$0x10080] =	vst v63  }
0x3b: {  	s10 =	rddreg [dreg:$0xd];
	v3 =	vperm.xlane v3, v2  }
0x3c: {  	[tilespmem:s10], [sflag:$0x1] =	stream.indirect_vreg.gather [hbm4b:s4+s3], $0x80, v4, vm0, $0xb8;
	[tilespmem:$0x10080] =	vst v63  }
0x3d: {  	v3 =	vadd.s32 v1, v3;
	s0 =	rddreg [dreg:$0xe]  }
0x3e: {  	[tilespmem:s0], [sflag:$0x1] =	stream.indirect_vreg.gather [hbm4b:s5+s3], $0x80, v4, vm0, $0xb8;
	[tilespmem:$0x10080] =	vst v63  }
0x3f: {  	s10 =	simm.s32 $0x5880  }
0x40: {  	[tilespmem:s10], [sflag:$0x1] =	stream.indirect_vreg.gather [hbm4b:s6+s3], $0x80, v4, vm0, $0xb8;
	[tilespmem:$0x10080] =	vst v63  }
0x41: {  	_ = 	snop  }
0x42: {  	[tilespmem:s11], [sflag:$0x1] =	stream.indirect_vreg.gather [hbm4b:s2+s3], $0x80, v3, vm0, $0xb8;
	[tilespmem:$0x10080] =	vst v63  }
0x43: {  	_ = 	snop  }
0x44: {  	[tilespmem:s12], [sflag:$0x1] =	stream.indirect_vreg.gather [hbm4b:s4+s3], $0x80, v3, vm0, $0xb8;
	[tilespmem:$0x10080] =	vst v63  }
0x45: {  	_ = 	snop  }
0x46: {  	[tilespmem:s13], [sflag:$0x1] =	stream.indirect_vreg.gather [hbm4b:s5+s3], $0x80, v3, vm0, $0xb8;
	[tilespmem:$0x10080] =	vst v63  }
0x47: {  	_ = 	snop  }
0x48: {  	[tilespmem:s14], [sflag:$0x1] =	stream.indirect_vreg.gather [hbm4b:s6+s3], $0x80, v3, vm0, $0xb8;
	[tilespmem:$0x10080] =	vst v63  }
0x49: {  	v3 =	vld [tilespmem:$0x20];
	_ =	sdelay $0x4  }
0x4a: {  	v62 =	vshll.u32 v3, $0x3  }
0x4b: {  	v3 =	vand.u32 $0x7, v3;
	v4 =	vand.u32 $0xFFFFFFC0, v62  }
0x4c: {  	v3 =	vor.u32 v3, v4  }
0x4d: {  	v4 =	vperm.xlane v3, v0;
	_ =	sdelay $0x1  }
0x4e: {  	v4 =	vadd.s32 v1, v4;
	_ =	sdelay $0x4  }
0x4f: {  	[tilespmem:s15], [sflag:$0x1] =	stream.indirect_vreg.gather [hbm4b:s2+s3], $0x80, v4, vm0, $0xb8;
	[tilespmem:$0x10080] =	vst v63  }
0x50: {  	v3 =	vperm.xlane v3, v2  }
0x51: {  	[tilespmem:s16], [sflag:$0x1] =	stream.indirect_vreg.gather [hbm4b:s4+s3], $0x80, v4, vm0, $0xb8;
	[tilespmem:$0x10080] =	vst v63  }
0x52: {  	v3 =	vadd.s32 v1, v3  }
0x53: {  	[tilespmem:s17], [sflag:$0x1] =	stream.indirect_vreg.gather [hbm4b:s5+s3], $0x80, v4, vm0, $0xb8;
	[tilespmem:$0x10080] =	vst v63  }
0x54: {  	_ = 	snop  }
0x55: {  	[tilespmem:s18], [sflag:$0x1] =	stream.indirect_vreg.gather [hbm4b:s6+s3], $0x80, v4, vm0, $0xb8;
	[tilespmem:$0x10080] =	vst v63  }
0x56: {  	_ = 	snop  }
0x57: {  	[tilespmem:s19], [sflag:$0x1] =	stream.indirect_vreg.gather [hbm4b:s2+s3], $0x80, v3, vm0, $0xb8;
	[tilespmem:$0x10080] =	vst v63  }
0x58: {  	_ = 	snop  }
0x59: {  	[tilespmem:s20], [sflag:$0x1] =	stream.indirect_vreg.gather [hbm4b:s4+s3], $0x80, v3, vm0, $0xb8;
	[tilespmem:$0x10080] =	vst v63  }
0x5a: {  	_ = 	snop  }
0x5b: {  	[tilespmem:s21], [sflag:$0x1] =	stream.indirect_vreg.gather [hbm4b:s5+s3], $0x80, v3, vm0, $0xb8;
	[tilespmem:$0x10080] =	vst v63  }
0x5c: {  	_ = 	snop  }
0x5d: {  	[tilespmem:s22], [sflag:$0x1] =	stream.indirect_vreg.gather [hbm4b:s6+s3], $0x80, v3, vm0, $0xb8;
	[tilespmem:$0x10080] =	vst v63  }
0x5e: {  	v3 =	vld [tilespmem:$0x30];
	_ =	sdelay $0x4  }
0x5f: {  	v63 =	vshll.u32 v3, $0x3  }
0x60: {  	v3 =	vand.u32 $0x7, v3;
	v4 =	vand.u32 $0xFFFFFFC0, v63  }
0x61: {  	v3 =	vor.u32 v3, v4  }
0x62: {  	v4 =	vperm.xlane v3, v0;
	_ =	sdelay $0x1  }
0x63: {  	v4 =	vadd.s32 v1, v4;
	_ =	sdelay $0x4  }
0x64: {  	[tilespmem:s23], [sflag:$0x1] =	stream.indirect_vreg.gather [hbm4b:s2+s3], $0x80, v4, vm0, $0xb8;
	[tilespmem:$0x10080] =	vst v63  }
0x65: {  	v3 =	vperm.xlane v3, v2  }
0x66: {  	[tilespmem:s24], [sflag:$0x1] =	stream.indirect_vreg.gather [hbm4b:s4+s3], $0x80, v4, vm0, $0xb8;
	[tilespmem:$0x10080] =	vst v63  }
0x67: {  	v3 =	vadd.s32 v1, v3  }
0x68: {  	[tilespmem:s25], [sflag:$0x1] =	stream.indirect_vreg.gather [hbm4b:s5+s3], $0x80, v4, vm0, $0xb8;
	[tilespmem:$0x10080] =	vst v63  }
0x69: {  	_ = 	snop  }
0x6a: {  	[tilespmem:s26], [sflag:$0x1] =	stream.indirect_vreg.gather [hbm4b:s6+s3], $0x80, v4, vm0, $0xb8;
	[tilespmem:$0x10080] =	vst v63  }
0x6b: {  	_ = 	snop  }
0x6c: {  	[tilespmem:s28], [sflag:$0x1] =	stream.indirect_vreg.gather [hbm4b:s2+s3], $0x80, v3, vm0, $0xb8;
	[tilespmem:$0x10080] =	vst v63  }
0x6d: {  	_ = 	snop  }
0x6e: {  	[tilespmem:s29], [sflag:$0x1] =	stream.indirect_vreg.gather [hbm4b:s4+s3], $0x80, v3, vm0, $0xb8;
	[tilespmem:$0x10080] =	vst v63  }
0x6f: {  	_ = 	snop  }
0x70: {  	[tilespmem:s30], [sflag:$0x1] =	stream.indirect_vreg.gather [hbm4b:s5+s3], $0x80, v3, vm0, $0xb8;
	[tilespmem:$0x10080] =	vst v63  }
0x71: {  	_ = 	snop  }
0x72: {  	[tilespmem:s31], [sflag:$0x1] =	stream.indirect_vreg.gather [hbm4b:s6+s3], $0x80, v3, vm0, $0xb8;
	[tilespmem:$0x10080] =	vst v63  }
0x73: {  	_ =	swait.ge [sflag:s1], $0x10000  }
0x74: {  	p0 =	sne.s32 s7, $0x1;
	[sflag:s1] =	ssyncset.done $0x0  }
.Ltmp0:
0x75: {  	s10 =	rddreg [dreg:$0x4];
	[sflag:s1] =	ssyncadd.s32 $0xFFFF0000;
	(pc) =	sbr.rel @p0 .LBB2_1-.Ltmp0, $4  }
0x76: {  	[hbm4b:s10+s3] =	stream.linear.scatter [tilespmem:s9], [sflag:$0x2], $0x10000, $0x38;
	[tilespmem:$0x10080] =	vst v63  }
0x77: {  	_ =	swait.ge [sflag:s8], $0x10000  }
0x78: {  	[sflag:s8] =	ssyncset.done $0x0  }
0x79: {  	s7 =	sadd.s32 $0xFFFFFFFF, s7;
	[sflag:s8] =	ssyncadd.s32 $0xFFFF0000  }
0x7a: {  	_ =	sfence.sel $0x180000  }
0x7b: {  	[bflag:$0x0] =	sbarrier.arrive $0xFFFF  }
0x7c: {  	_ =	strace $0x9000005C  }
0x7d: {  	s0 =	stileid.u32;
	[bflag:$0x2] =	sbarrier.arrive $0xFFFF  }
0x7e: {  	p0 =	sne.s32 s0, $0x0;
	s0 =	rddreg [dreg:$0x2]  }
0x7f: {  	s0 =	sadd.s32 @!p0 $0x100000, s0  }
0x80: {  	[sflag:s0] =	ssyncadd.tile.s32 @!p0 $0x1;
	_ =	shalt  }
.Lfunc_end2:
_tile_overlayer_lowered:
.L_overlay_start_2:
0x81: {  	(tag) =	ssettag $0x2  }
0x82: {  	s0 =	rddreg [dreg:$0x0];
	s2 =	stileid.u32  }
0x83: {  	s1 =	rddreg [dreg:$0x1];
	p0 =	sne.s32 s2, $0x0  }
0x84: {  	s3 =	rddreg [dreg:$0x2];
	[bflag:$0x3] =	sbarrier.arrive $0xFFFF;
	s2 =	simm.s32 @!p0 $0x1C02  }
0x85: {  	[timem:s3], [sflag:s2] =	dma.local @!p0 [hbm:s0], s1  }
0x86: {  	s0 =	simm.s32 @!p0 $0x2  }
0x87: {  	_ =	swait.ge @!p0 [sflag:s0], s1  }
0x88: {  	s1 =	ssub.s32 @!p0 $0x0, s1;
	[sflag:s0] =	ssyncset.done @!p0 $0x0  }
0x89: {  	[sflag:s0] =	ssyncadd.s32 @!p0 s1  }
0x8a: {  	[bflag:$0x3] =	sbarrier.arrive $0xFFFF  }
0x8b: {  	_ =	shalt  }

// kernel: kernel.31.cloned.1.call-start
scs
__scs_entry_jumppad:
0x0: {  	(pc) =	sbr.rel $0x88, $3  }
0x1: {  	(tag) =	ssettag $0x0;
	lr =	simm.s32 $0x1  }
0x2: {  	[smem:$0x3F8E] =	sst lr;
	_ =	strace $0xD0000000  }
0x3: {  	_ = 	snop  }
0x4: {  	_ = 	snop  }
0x5: {  	_ = 	snop  }
0x6: {  	_ = 	snop  }
0x7: {  	_ = 	snop  }
__scs_overlays_trampoline_lowered:
0x8: {  	[smem:$0x3F9D] =	sst s0  }
0x9: {  	[smem:$0x3F9E] =	sst s1  }
0xa: {  	[smem:$0x3F9F] =	sst s2  }
0xb: {  	[smem:$0x3FA0] =	sst s3  }
0xc: {  	[smem:$0x3FA1] =	sst s4  }
0xd: {  	[smem:$0x3FA2] =	sst s5  }
0xe: {  	[smem:$0x3FA3] =	sst s6  }
0xf: {  	[smem:$0x3FA4] =	sst s7  }
0x10: {  	[smem:$0x3FA5] =	sst s8  }
0x11: {  	[smem:$0x3FA6] =	sst s9;
	s0 =	simm.s32 @!p0 $0x0  }
0x12: {  	s1 =	sld [smem:$0x3F8C];
	s0 =	simm.s32 @p0 $0x1  }
0x13: {  	[smem:$0x3FA7] =	sst s0;
	s0 =	simm.s32 @!p1 $0x0  }
0x14: {  	s2 =	sld [smem:$0x3F8B];
	s0 =	simm.s32 @p1 $0x1  }
0x15: {  	[smem:$0x3FA8] =	sst s0;
	s0 =	simm.s32 @!p2 $0x0  }
0x16: {  	s3 =	sld [smem:$0x3FDB];
	s0 =	simm.s32 @p2 $0x1  }
0x17: {  	s4 =	simm.s32 $0x1BF5;
	[smem:$0x3FAA] =	sst s0  }
0x18: {  	s0 =	sld [smem:$0x3F8D];
	_ =	swait.ge [sflag:s4], $0x0  }
0x19: {  	s7 =	sld [smem:$0x3F8E]  }
0x1a: {  	s8 =	sadd.s32 $0xFFFFE003, lr  }
0x1b: {  	s9 =	sadd.s32 $0xFFFFFEF7, lr;
	s5 =	simm.s32 $0xFFFFFFFF;
	p2 =	slt.u32 s8, $0xFFFFF086  }
0x1c: {  	p1 =	slt.u32 s9, $0xF7A;
	s5 =	simm.s32 @!p2 $0x0  }
0x1d: {  	s5 =	simm.s32 @p1 $0x1;
	p0 =	seq.s32 s7, s2  }
0x1e: {  	s7 =	smul.u32 @!p0 $0xF7A, s2;
	p2 =	seq.s32 @!p0 s5, $0x0  }
0x1f: {  	s9 =	smul.u32 $0xF7A, s1;
	s8 =	simm.s32 @!p0 $0x1BF5;
	p2 =	por !p2, p0  }
0x20: {  	[sflag:s8] =	ssyncset.s32 @!p0 $0xFFFFF086;
	s6 =	sadd.s32 @!p0 s3, s7;
	s7 =	simm.s32 @!p0 $0x108  }
0x21: {  	s3 =	sadd.s32 s3, s9;
	s6 =	sadd.s32 @!p0 $0x88, s6;
	s7 =	simm.s32 @p2 $0x1082  }
0x22: {  	[simem:s7], [sflag:s8] =	dma.local @!p0 [hbm:s6], $0xF7A  }
0x23: {  	s9 =	sor.u32 $0xD0000000, s2;
	s6 =	simm.s32 $0x108;
	_ =	swait.ge @!p0 [sflag:s8], $0x0  }
0x24: {  	s3 =	sadd.s32 $0x88, s3;
	s6 =	simm.s32 @!p1 $0x1082;
	[sflag:s4] =	ssyncset.s32 $0xFFFFF086  }
0x25: {  	[simem:s6], [sflag:s4] =	dma.local [hbm:s3], $0xF7A  }
0x26: {  	[smem:$0x3F8E] =	sst s1;
	(tag) =	ssettag s2;
	_ =	strace s9  }
0x27: {  	s1 =	sld [smem:$0x3F9E]  }
0x28: {  	s2 =	sld [smem:$0x3F9F]  }
0x29: {  	s4 =	sld [smem:$0x3FA1]  }
0x2a: {  	p0 =	seq.s32 s5, $0x0;
	s5 =	sld [smem:$0x3FA2]  }
0x2b: {  	s6 =	sld [smem:$0x3FA3]  }
0x2c: {  	s7 =	sld [smem:$0x3FA4]  }
0x2d: {  	s3 =	simm.s32 $0x108;
	s8 =	sld [smem:$0x3FA5]  }
0x2e: {  	s3 =	simm.s32 @!p0 $0x1082;
	s9 =	sld [smem:$0x3FA6]  }
0x2f: {  	lr =	sadd.s32 s0, s3;
	s0 =	sld [smem:$0x3F9D]  }
0x30: {  	s3 =	sld [smem:$0x3FA0]  }
0x31: {  	[smem:$0x3FA9] =	sst s10  }
0x32: {  	s10 =	sld [smem:$0x3FA7];
	_ =	sdelay $0x3  }
0x33: {  	p0 =	seq.s32 s10, $0x1;
	s10 =	sld [smem:$0x3FA9];
	_ =	sdelay $0x3  }
0x34: {  	[smem:$0x3FA9] =	sst s10  }
0x35: {  	s10 =	sld [smem:$0x3FA8];
	_ =	sdelay $0x3  }
0x36: {  	p1 =	seq.s32 s10, $0x1;
	s10 =	sld [smem:$0x3FA9];
	_ =	sdelay $0x3  }
0x37: {  	[smem:$0x3FA9] =	sst s10  }
0x38: {  	s10 =	sld [smem:$0x3FAA]  }
0x39: {  	_ = 	snop;
	(pc) =	sbr.ind lr, $3  }
0x3a: {  	_ = 	snop  }
0x3b: {  	_ = 	snop  }
0x3c: {  	p2 =	seq.s32 s10, $0x1;
	s10 =	sld [smem:$0x3FA9]  }
0x3d: {  	_ =	shalt  }
0x3e: {  	_ =	shalt  }
0x3f: {  	_ =	shalt  }
0x40: {  	_ =	shalt  }
0x41: {  	_ =	shalt  }
0x42: {  	_ =	shalt  }
0x43: {  	_ =	shalt  }
0x44: {  	_ =	shalt  }
0x45: {  	_ =	shalt  }
0x46: {  	_ =	shalt  }
0x47: {  	_ =	shalt  }
0x48: {  	_ =	shalt  }
0x49: {  	_ =	shalt  }
0x4a: {  	_ =	shalt  }
0x4b: {  	_ =	shalt  }
0x4c: {  	_ =	shalt  }
0x4d: {  	_ =	shalt  }
0x4e: {  	_ =	shalt  }
0x4f: {  	_ =	shalt  }
0x50: {  	_ =	shalt  }
0x51: {  	_ =	shalt  }
0x52: {  	_ =	shalt  }
0x53: {  	_ =	shalt  }
0x54: {  	_ =	shalt  }
0x55: {  	_ =	shalt  }
0x56: {  	_ =	shalt  }
0x57: {  	_ =	shalt  }
0x58: {  	_ =	shalt  }
0x59: {  	_ =	shalt  }
0x5a: {  	_ =	shalt  }
0x5b: {  	_ =	shalt  }
0x5c: {  	_ =	shalt  }
0x5d: {  	_ =	shalt  }
0x5e: {  	_ =	shalt  }
0x5f: {  	_ =	shalt  }
0x60: {  	_ =	shalt  }
0x61: {  	_ =	shalt  }
0x62: {  	_ =	shalt  }
0x63: {  	_ =	shalt  }
0x64: {  	_ =	shalt  }
0x65: {  	_ =	shalt  }
0x66: {  	_ =	shalt  }
0x67: {  	_ =	shalt  }
0x68: {  	_ =	shalt  }
0x69: {  	_ =	shalt  }
0x6a: {  	_ =	shalt  }
0x6b: {  	_ =	shalt  }
0x6c: {  	_ =	shalt  }
0x6d: {  	_ =	shalt  }
0x6e: {  	_ =	shalt  }
0x6f: {  	_ =	shalt  }
0x70: {  	_ =	shalt  }
0x71: {  	_ =	shalt  }
0x72: {  	_ =	shalt  }
0x73: {  	_ =	shalt  }
0x74: {  	_ =	shalt  }
0x75: {  	_ =	shalt  }
0x76: {  	_ =	shalt  }
0x77: {  	_ =	shalt  }
0x78: {  	_ =	shalt  }
0x79: {  	_ =	shalt  }
0x7a: {  	_ =	shalt  }
0x7b: {  	_ =	shalt  }
0x7c: {  	_ =	shalt  }
0x7d: {  	_ =	shalt  }
0x7e: {  	_ =	shalt  }
0x7f: {  	_ =	shalt  }
0x80: {  	_ =	shalt  }
0x81: {  	_ =	shalt  }
0x82: {  	_ =	shalt  }
0x83: {  	_ =	shalt  }
0x84: {  	_ =	shalt  }
0x85: {  	_ =	shalt  }
0x86: {  	_ =	shalt  }
0x87: {  	_ =	shalt  }
.Lfunc_end0:
.L_simem_size_0:
called_computation.9_lowered:
.L_overlay_start_0:
0x88: {  	s2 =	sld [smem:$0x3FD9]  }
0x89: {  	s3 =	sld [smem:$0x3FFE];
	_ =	sdelay $0x1  }
0x8a: {  	s1 =	srdreg.scid  }
0x8b: {  	s0 =	sand.u32 $0x1, s1  }
0x8c: {  	s17 =	sshll.u32 s0, $0xA;
	s2 =	sadd.s32 s3, s2  }
0x8d: {  	s2 =	sadd.s32 s2, s17  }
0x8e: {  	[smem:$0x3FB5] =	sst s2  }
0x8f: {  	_ = 	snop  }
0x90: {  	s2 =	sld [smem:$0x3FD0];
	(tm) =	ssettm $0x1  }
0x91: {  	s18 =	sld [smem:$0x3FFB];
	_ =	sdelay $0x3  }
0x92: {  	_ =	strace s18  }
0x93: {  	s3 =	sld [smem:$0x3FFC];
	_ =	sdelay $0x3  }
0x94: {  	_ =	strace s3  }
0x95: {  	s3 =	sld [smem:$0x3FFD];
	_ =	sdelay $0x3  }
0x96: {  	_ =	strace s3  }
0x97: {  	_ =	strace $0x8FFFFFFF  }
0x98: {  	s19 =	sld [smem:$0x3FDB];
	_ =	sdelay $0x1  }
0x99: {  	s4 =	simm.s32 $_scs_section_size  }
0x9a: {  	s5 =	simm.s32 $_size__tile_overlayer_lowered;
	s6 =	simm.s32 $_tile_overlayer_lowered  }
0x9b: {  	s22 =	simm.s32 $0x1BFF;
	s21 =	sshll.u32 s6, $0x1;
	s3 =	sadd.s32 s4, s19  }
0x9c: {  	s7 =	simm.s32 $0x0;
	s20 =	sshll.u32 s5, $0x1;
	s5 =	sadd.s32 s21, s3  }
0x9d: {  	[timem:s7], [sflag:s22] =	dma.local [hbm:s5], s20  }
0x9e: {  	_ =	swait.ge [sflag:s22], s20  }
0x9f: {  	s4 =	ssub.s32 $0x0, s20;
	[sflag:s22] =	ssyncset.done $0x0  }
0xa0: {  	[sflag:s22] =	ssyncadd.s32 s4;
	_ =	sdelay $0x1  }
0xa1: {  	s23 =	simm.s32 $0x1B8B  }
0xa2: {  	_ =	swait.ge [sflag:s23], $0x1  }
0xa3: {  	[sflag:s23] =	ssyncset.done $0x0  }
0xa4: {  	s25 =	simm.s32 $0x1B8E;
	s24 =	sld [smem:$0x3FFE];
	[sflag:s23] =	ssyncadd.s32 $0xFFFFFFFF  }
0xa5: {  	s26 =	simm.s32 $execute0_lowered;
	[smem:$0x3FD2] =	sst s25  }
0xa6: {  	s5 =	sshll.u32 s26, $0x1;
	_ =	strace $0x80000058;
	[dreg:$0x1] =	wrdreg $0xFFFFFFFF  }
0xa7: {  	s28 =	simm.s32 $_size_execute0_lowered;
	s3 =	sadd.s32 s3, s5;
	[dreg:$0x0] =	wrdreg $0x0  }
0xa8: {  	s5 =	sshll.u32 s28, $0x1;
	[dreg:$0x2] =	wrdreg s3  }
0xa9: {  	[dreg:$0x3] =	wrdreg s5  }
0xaa: {  	[dreg:$0x4] =	wrdreg $0xC0  }
0xab: {  	_ =	task [dreg:s7], $0x5FFFF  }
0xac: {  	[dreg:$0x1] =	wrdreg $0xFFFFFFFF  }
0xad: {  	[dreg:$0x0] =	wrdreg $0x60  }
0xae: {  	[dreg:$0x2] =	wrdreg s2  }
0xaf: {  	[dreg:$0x3] =	wrdreg s24  }
0xb0: {  	[dreg:$0x4] =	wrdreg $0xA  }
0xb1: {  	_ =	task.clear_ibuf [dreg:s7], $0x5FFFF;
	_ =	strace $0x90000058  }
0xb2: {  	s29 =	simm.s32 $0xA;
	_ =	strace $0x8000005A  }
0xb3: {  	_ =	swait.ge [sflag:s29], $0x1  }
0xb4: {  	[sflag:s29] =	ssyncadd.s32 $0xFFFFFFFF  }
0xb5: {  	_ =	strace $0x9000005A  }
0xb6: {  	_ =	sfence  }
0xb7: {  	s30 =	sld [smem:$0x0];
	_ =	sdelay $0x2  }
0xb8: {  	s31 =	sshll.u32 s1, $0xD;
	s1 =	sshrl.u32 s1, $0x2  }
0xb9: {  	s3 =	sand.u32 $0x4000, s31;
	s1 =	sadd.s32 s1, s30  }
0xba: {  	s0 =	sor.u32 s3, s0;
	s1 =	sshll.u32 s1, $0x11  }
0xbb: {  	s0 =	sor.u32 s1, s0  }
0xbc: {  	s0 =	sadd.s32 $0x8F2B, s0  }
0xbd: {  	[sflag:s0] =	ssyncadd.remote.s32 $0x1  }
0xbe: {  	_ =	sfence.sel $0xFFFF  }
0xbf: {  	[dreg:$0x0] =	wrdreg $0xFFFFFFFF;
	(pc) =	sbr.abs _section_cstart, $3  }
0xc0: {  	[dreg:$0x1] =	wrdreg $0xFFFFFFFF  }
0xc1: {  	_ =	task.clear_ibuf [dreg:s7], $0x2FFFF;
	_ =	strace $0x9FFFFFFF  }
0xc2: {  	(tm) =	ssettm $0x7FFFFFFF  }
0xc3: {  	_ =	shalt  }
tec
execute0_lowered:
.L_overlay_start_1:
0x0: {  	(tag) =	ssettag $0x1  }
0x1: {  	s1 =	srdreg.scid  }
0x2: {  	s0 =	stileid.u32;
	s2 =	rddreg [dreg:$0x0]  }
0x3: {  	s5 =	rddreg [dreg:$0x1];
	s18 =	simm.s32 $0x880;
	s19 =	simm.s32 $0x1080  }
0x4: {  	s20 =	simm.s32 $0x1880;
	s22 =	simm.s32 $0x2080;
	s23 =	simm.s32 $0x2880  }
0x5: {  	s24 =	simm.s32 $0x3080;
	s7 =	simm.s32 $0x3880;
	s8 =	simm.s32 $0x4080  }
0x6: {  	s25 =	simm.s32 $0x4880;
	s26 =	simm.s32 $0x5080;
	s1 =	sand.u32 $0x1, s1  }
0x7: {  	s9 =	simm.s32 $0x80;
	s3 =	sshll.u32 s0, $0x7;
	s4 =	sshll.u32 s1, $0x6  }
0x8: {  	s11 =	simm.s32 $0x6080;
	s4 =	sor.u32 s4, s3;
	s3 =	simm.s32 $0x0  }
0x9: {  	s12 =	simm.s32 $0x6880;
	s13 =	simm.s32 $0x7080;
	[smem:$0x7FF] =	sst s3  }
0xa: {  	s14 =	simm.s32 $0x7880;
	_ =	strace $0x80000059;
	[dreg:$0x5] =	wrdreg s18  }
0xb: {  	s15 =	simm.s32 $0x8080;
	s16 =	simm.s32 $0x8880;
	[dreg:$0x6] =	wrdreg s19  }
0xc: {  	s28 =	simm.s32 $0xE080;
	s29 =	simm.s32 $0xE880;
	[dreg:$0x7] =	wrdreg s20  }
0xd: {  	s30 =	simm.s32 $0xF080;
	s1 =	ssub.s32 $0x2, s1;
	[dreg:$0x8] =	wrdreg s22  }
0xe: {  	s31 =	simm.s32 $0xF880;
	s21 =	sshrl.u32 s1, $0x1;
	[dreg:$0x9] =	wrdreg s23  }
0xf: {  	s6 =	sshrl.u32 s4, $0x3;
	s4 =	sshll.u32 s4, $0x7;
	[dreg:$0xa] =	wrdreg s24  }
0x10: {  	s1 =	ssub.s32 s1, s21;
	s21 =	simm.s32 $0xB080;
	[dreg:$0xb] =	wrdreg s7  }
0x11: {  	s6 =	sadd.s32 s6, s5;
	s4 =	sadd.s32 s4, s5;
	[dreg:$0xc] =	wrdreg s8  }
0x12: {  	s5 =	sadd.s32 $0x200, s2;
	s7 =	smax.u32 s1, $0x1;
	[dreg:$0xd] =	wrdreg s25  }
0x13: {  	s8 =	simm.s32 $0x2;
	[dreg:$0xe] =	wrdreg s26;
	s18 =	simm.s32 $0x9880  }
0x14: {  	s19 =	simm.s32 $0xA080;
	s20 =	simm.s32 $0xA880;
	s22 =	simm.s32 $0xB880  }
0x15: {  	s23 =	simm.s32 $0xC080;
	s24 =	simm.s32 $0xC880;
	s25 =	simm.s32 $0xD080  }
0x16: {  	v2 =	vlaneseq.u32;
	s26 =	simm.s32 $0xD880;
	s1 =	simm.s32 $0x1;
	s17 =	sadd.s32 $0xBA00, s6  }
0x17: {  	vm0 =	vmmov $0xffff;
	v1 =	vshrl.u32 v2, $0x3;
	s4 =	sadd.s32 $0x10F600, s4;
	s6 =	sadd.s32 $0x300, s2;
	[dreg:$0x3] =	wrdreg s17  }
0x18: {  	v0 =	vand.u32 $0x7, v2;
	v2 =	vor.u32 $0x8, v2;
	v1 =	vmul.u32 $0x8, v1;
	[dreg:$0x4] =	wrdreg s4;
	s4 =	sadd.s32 $0x100, s2;
	s17 =	simm.s32 $0x9080  }
.LBB2_1:
0x19: {  	s0 =	rddreg [dreg:$0x3]  }
0x1a: {  	[tilespmem:s3], [sflag:$0x2] =	stream.linear.gather [hbm4b:s0+s3], $0x40, $0x38;
	[tilespmem:$0x10080] =	vst v63  }
0x1b: {  	_ =	swait.ge [sflag:s8], $0x40  }
0x1c: {  	[sflag:s8] =	ssyncset.done $0x0  }
0x1d: {  	[sflag:s8] =	ssyncadd.s32 $0xFFFFFFC0  }
0x1e: {  	v3 =	vld [tilespmem:$0x0];
	_ =	sdelay $0x4  }
0x1f: {  	v4 =	vshll.u32 v3, $0x3  }
0x20: {  	v3 =	vand.u32 $0x7, v3;
	v4 =	vand.u32 $0xFFFFFFC0, v4  }
0x21: {  	v3 =	vor.u32 v3, v4  }
0x22: {  	v4 =	vperm.xlane v3, v0;
	_ =	sdelay $0x1  }
0x23: {  	v4 =	vadd.s32 v1, v4;
	_ =	sdelay $0x4  }
0x24: {  	[tilespmem:s9], [sflag:$0x1] =	stream.indirect_vreg.gather [hbm4b:s2+s3], $0x80, v4, vm0, $0xb8;
	[tilespmem:$0x10080] =	vst v63  }
0x25: {  	s0 =	rddreg [dreg:$0x5];
	v3 =	vperm.xlane v3, v2  }
0x26: {  	[tilespmem:s0], [sflag:$0x1] =	stream.indirect_vreg.gather [hbm4b:s4+s3], $0x80, v4, vm0, $0xb8;
	[tilespmem:$0x10080] =	vst v63  }
0x27: {  	s10 =	rddreg [dreg:$0x6];
	v3 =	vadd.s32 v1, v3  }
0x28: {  	[tilespmem:s10], [sflag:$0x1] =	stream.indirect_vreg.gather [hbm4b:s5+s3], $0x80, v4, vm0, $0xb8;
	[tilespmem:$0x10080] =	vst v63  }
0x29: {  	s0 =	rddreg [dreg:$0x7]  }
0x2a: {  	[tilespmem:s0], [sflag:$0x1] =	stream.indirect_vreg.gather [hbm4b:s6+s3], $0x80, v4, vm0, $0xb8;
	[tilespmem:$0x10080] =	vst v63  }
0x2b: {  	s10 =	rddreg [dreg:$0x8]  }
0x2c: {  	[tilespmem:s10], [sflag:$0x1] =	stream.indirect_vreg.gather [hbm4b:s2+s3], $0x80, v3, vm0, $0xb8;
	[tilespmem:$0x10080] =	vst v63  }
0x2d: {  	s0 =	rddreg [dreg:$0x9]  }
0x2e: {  	[tilespmem:s0], [sflag:$0x1] =	stream.indirect_vreg.gather [hbm4b:s4+s3], $0x80, v3, vm0, $0xb8;
	[tilespmem:$0x10080] =	vst v63  }
0x2f: {  	s10 =	rddreg [dreg:$0xa]  }
0x30: {  	[tilespmem:s10], [sflag:$0x1] =	stream.indirect_vreg.gather [hbm4b:s5+s3], $0x80, v3, vm0, $0xb8;
	[tilespmem:$0x10080] =	vst v63  }
0x31: {  	s0 =	rddreg [dreg:$0xb]  }
0x32: {  	[tilespmem:s0], [sflag:$0x1] =	stream.indirect_vreg.gather [hbm4b:s6+s3], $0x80, v3, vm0, $0xb8;
	[tilespmem:$0x10080] =	vst v63  }
0x33: {  	v3 =	vld [tilespmem:$0x10];
	_ =	sdelay $0x4  }
0x34: {  	v61 =	vshll.u32 v3, $0x3  }
0x35: {  	v3 =	vand.u32 $0x7, v3;
	v4 =	vand.u32 $0xFFFFFFC0, v61  }
0x36: {  	v3 =	vor.u32 v3, v4  }
0x37: {  	v4 =	vperm.xlane v3, v0;
	_ =	sdelay $0x1  }
0x38: {  	v4 =	vadd.s32 v1, v4;
	_ =	sdelay $0x3  }
0x39: {  	s0 =	rddreg [dreg:$0xc]  }
0x3a: {  	[tilespmem:s0], [sflag:$0x1] =	stream.indirect_vreg.gather [hbm4b:s2+s3], $0x80, v4, vm0, $0xb8;
	[tilespmem:$0x10080] =	vst v63  }
0x3b: {  	s10 =	rddreg [dreg:$0xd];
	v3 =	vperm.xlane v3, v2  }
0x3c: {  	[tilespmem:s10], [sflag:$0x1] =	stream.indirect_vreg.gather [hbm4b:s4+s3], $0x80, v4, vm0, $0xb8;
	[tilespmem:$0x10080] =	vst v63  }
0x3d: {  	v3 =	vadd.s32 v1, v3;
	s0 =	rddreg [dreg:$0xe]  }
0x3e: {  	[tilespmem:s0], [sflag:$0x1] =	stream.indirect_vreg.gather [hbm4b:s5+s3], $0x80, v4, vm0, $0xb8;
	[tilespmem:$0x10080] =	vst v63  }
0x3f: {  	s10 =	simm.s32 $0x5880  }
0x40: {  	[tilespmem:s10], [sflag:$0x1] =	stream.indirect_vreg.gather [hbm4b:s6+s3], $0x80, v4, vm0, $0xb8;
	[tilespmem:$0x10080] =	vst v63  }
0x41: {  	_ = 	snop  }
0x42: {  	[tilespmem:s11], [sflag:$0x1] =	stream.indirect_vreg.gather [hbm4b:s2+s3], $0x80, v3, vm0, $0xb8;
	[tilespmem:$0x10080] =	vst v63  }
0x43: {  	_ = 	snop  }
0x44: {  	[tilespmem:s12], [sflag:$0x1] =	stream.indirect_vreg.gather [hbm4b:s4+s3], $0x80, v3, vm0, $0xb8;
	[tilespmem:$0x10080] =	vst v63  }
0x45: {  	_ = 	snop  }
0x46: {  	[tilespmem:s13], [sflag:$0x1] =	stream.indirect_vreg.gather [hbm4b:s5+s3], $0x80, v3, vm0, $0xb8;
	[tilespmem:$0x10080] =	vst v63  }
0x47: {  	_ = 	snop  }
0x48: {  	[tilespmem:s14], [sflag:$0x1] =	stream.indirect_vreg.gather [hbm4b:s6+s3], $0x80, v3, vm0, $0xb8;
	[tilespmem:$0x10080] =	vst v63  }
0x49: {  	v3 =	vld [tilespmem:$0x20];
	_ =	sdelay $0x4  }
0x4a: {  	v62 =	vshll.u32 v3, $0x3  }
0x4b: {  	v3 =	vand.u32 $0x7, v3;
	v4 =	vand.u32 $0xFFFFFFC0, v62  }
0x4c: {  	v3 =	vor.u32 v3, v4  }
0x4d: {  	v4 =	vperm.xlane v3, v0;
	_ =	sdelay $0x1  }
0x4e: {  	v4 =	vadd.s32 v1, v4;
	_ =	sdelay $0x4  }
0x4f: {  	[tilespmem:s15], [sflag:$0x1] =	stream.indirect_vreg.gather [hbm4b:s2+s3], $0x80, v4, vm0, $0xb8;
	[tilespmem:$0x10080] =	vst v63  }
0x50: {  	v3 =	vperm.xlane v3, v2  }
0x51: {  	[tilespmem:s16], [sflag:$0x1] =	stream.indirect_vreg.gather [hbm4b:s4+s3], $0x80, v4, vm0, $0xb8;
	[tilespmem:$0x10080] =	vst v63  }
0x52: {  	v3 =	vadd.s32 v1, v3  }
0x53: {  	[tilespmem:s17], [sflag:$0x1] =	stream.indirect_vreg.gather [hbm4b:s5+s3], $0x80, v4, vm0, $0xb8;
	[tilespmem:$0x10080] =	vst v63  }
0x54: {  	_ = 	snop  }
0x55: {  	[tilespmem:s18], [sflag:$0x1] =	stream.indirect_vreg.gather [hbm4b:s6+s3], $0x80, v4, vm0, $0xb8;
	[tilespmem:$0x10080] =	vst v63  }
0x56: {  	_ = 	snop  }
0x57: {  	[tilespmem:s19], [sflag:$0x1] =	stream.indirect_vreg.gather [hbm4b:s2+s3], $0x80, v3, vm0, $0xb8;
	[tilespmem:$0x10080] =	vst v63  }
0x58: {  	_ = 	snop  }
0x59: {  	[tilespmem:s20], [sflag:$0x1] =	stream.indirect_vreg.gather [hbm4b:s4+s3], $0x80, v3, vm0, $0xb8;
	[tilespmem:$0x10080] =	vst v63  }
0x5a: {  	_ = 	snop  }
0x5b: {  	[tilespmem:s21], [sflag:$0x1] =	stream.indirect_vreg.gather [hbm4b:s5+s3], $0x80, v3, vm0, $0xb8;
	[tilespmem:$0x10080] =	vst v63  }
0x5c: {  	_ = 	snop  }
0x5d: {  	[tilespmem:s22], [sflag:$0x1] =	stream.indirect_vreg.gather [hbm4b:s6+s3], $0x80, v3, vm0, $0xb8;
	[tilespmem:$0x10080] =	vst v63  }
0x5e: {  	v3 =	vld [tilespmem:$0x30];
	_ =	sdelay $0x4  }
0x5f: {  	v63 =	vshll.u32 v3, $0x3  }
0x60: {  	v3 =	vand.u32 $0x7, v3;
	v4 =	vand.u32 $0xFFFFFFC0, v63  }
0x61: {  	v3 =	vor.u32 v3, v4  }
0x62: {  	v4 =	vperm.xlane v3, v0;
	_ =	sdelay $0x1  }
0x63: {  	v4 =	vadd.s32 v1, v4;
	_ =	sdelay $0x4  }
0x64: {  	[tilespmem:s23], [sflag:$0x1] =	stream.indirect_vreg.gather [hbm4b:s2+s3], $0x80, v4, vm0, $0xb8;
	[tilespmem:$0x10080] =	vst v63  }
0x65: {  	v3 =	vperm.xlane v3, v2  }
0x66: {  	[tilespmem:s24], [sflag:$0x1] =	stream.indirect_vreg.gather [hbm4b:s4+s3], $0x80, v4, vm0, $0xb8;
	[tilespmem:$0x10080] =	vst v63  }
0x67: {  	v3 =	vadd.s32 v1, v3  }
0x68: {  	[tilespmem:s25], [sflag:$0x1] =	stream.indirect_vreg.gather [hbm4b:s5+s3], $0x80, v4, vm0, $0xb8;
	[tilespmem:$0x10080] =	vst v63  }
0x69: {  	_ = 	snop  }
0x6a: {  	[tilespmem:s26], [sflag:$0x1] =	stream.indirect_vreg.gather [hbm4b:s6+s3], $0x80, v4, vm0, $0xb8;
	[tilespmem:$0x10080] =	vst v63  }
0x6b: {  	_ = 	snop  }
0x6c: {  	[tilespmem:s28], [sflag:$0x1] =	stream.indirect_vreg.gather [hbm4b:s2+s3], $0x80, v3, vm0, $0xb8;
	[tilespmem:$0x10080] =	vst v63  }
0x6d: {  	_ = 	snop  }
0x6e: {  	[tilespmem:s29], [sflag:$0x1] =	stream.indirect_vreg.gather [hbm4b:s4+s3], $0x80, v3, vm0, $0xb8;
	[tilespmem:$0x10080] =	vst v63  }
0x6f: {  	_ = 	snop  }
0x70: {  	[tilespmem:s30], [sflag:$0x1] =	stream.indirect_vreg.gather [hbm4b:s5+s3], $0x80, v3, vm0, $0xb8;
	[tilespmem:$0x10080] =	vst v63  }
0x71: {  	_ = 	snop  }
0x72: {  	[tilespmem:s31], [sflag:$0x1] =	stream.indirect_vreg.gather [hbm4b:s6+s3], $0x80, v3, vm0, $0xb8;
	[tilespmem:$0x10080] =	vst v63  }
0x73: {  	_ =	swait.ge [sflag:s1], $0x10000  }
0x74: {  	p0 =	sne.s32 s7, $0x1;
	[sflag:s1] =	ssyncset.done $0x0  }
.Ltmp0:
0x75: {  	s10 =	rddreg [dreg:$0x4];
	[sflag:s1] =	ssyncadd.s32 $0xFFFF0000;
	(pc) =	sbr.rel @p0 .LBB2_1-.Ltmp0, $4  }
0x76: {  	[hbm4b:s10+s3] =	stream.linear.scatter [tilespmem:s9], [sflag:$0x2], $0x10000, $0x38;
	[tilespmem:$0x10080] =	vst v63  }
0x77: {  	_ =	swait.ge [sflag:s8], $0x10000  }
0x78: {  	[sflag:s8] =	ssyncset.done $0x0  }
0x79: {  	s7 =	sadd.s32 $0xFFFFFFFF, s7;
	[sflag:s8] =	ssyncadd.s32 $0xFFFF0000  }
0x7a: {  	_ =	sfence.sel $0x180000  }
0x7b: {  	[bflag:$0x0] =	sbarrier.arrive $0xFFFF  }
0x7c: {  	_ =	strace $0x90000059  }
0x7d: {  	s0 =	stileid.u32;
	[bflag:$0x2] =	sbarrier.arrive $0xFFFF  }
0x7e: {  	p0 =	sne.s32 s0, $0x0;
	s0 =	rddreg [dreg:$0x2]  }
0x7f: {  	s0 =	sadd.s32 @!p0 $0x100000, s0  }
0x80: {  	[sflag:s0] =	ssyncadd.tile.s32 @!p0 $0x1;
	_ =	shalt  }
.Lfunc_end2:
_tile_overlayer_lowered:
.L_overlay_start_2:
0x81: {  	(tag) =	ssettag $0x2  }
0x82: {  	s0 =	rddreg [dreg:$0x0];
	s2 =	stileid.u32  }
0x83: {  	s1 =	rddreg [dreg:$0x1];
	p0 =	sne.s32 s2, $0x0  }
0x84: {  	s3 =	rddreg [dreg:$0x2];
	[bflag:$0x3] =	sbarrier.arrive $0xFFFF;
	s2 =	simm.s32 @!p0 $0x1C02  }
0x85: {  	[timem:s3], [sflag:s2] =	dma.local @!p0 [hbm:s0], s1  }
0x86: {  	s0 =	simm.s32 @!p0 $0x2  }
0x87: {  	_ =	swait.ge @!p0 [sflag:s0], s1  }
0x88: {  	s1 =	ssub.s32 @!p0 $0x0, s1;
	[sflag:s0] =	ssyncset.done @!p0 $0x0  }
0x89: {  	[sflag:s0] =	ssyncadd.s32 @!p0 s1  }
0x8a: {  	[bflag:$0x3] =	sbarrier.arrive $0xFFFF  }
0x8b: {  	_ =	shalt  }

// kernel: kernel.34.cloned.1.call-start
scs
__scs_entry_jumppad:
0x0: {  	(pc) =	sbr.rel $0x88, $3  }
0x1: {  	(tag) =	ssettag $0x0;
	lr =	simm.s32 $0x1  }
0x2: {  	[smem:$0x3F8E] =	sst lr;
	_ =	strace $0xD0000000  }
0x3: {  	_ = 	snop  }
0x4: {  	_ = 	snop  }
0x5: {  	_ = 	snop  }
0x6: {  	_ = 	snop  }
0x7: {  	_ = 	snop  }
__scs_overlays_trampoline_lowered:
0x8: {  	[smem:$0x3F9D] =	sst s0  }
0x9: {  	[smem:$0x3F9E] =	sst s1  }
0xa: {  	[smem:$0x3F9F] =	sst s2  }
0xb: {  	[smem:$0x3FA0] =	sst s3  }
0xc: {  	[smem:$0x3FA1] =	sst s4  }
0xd: {  	[smem:$0x3FA2] =	sst s5  }
0xe: {  	[smem:$0x3FA3] =	sst s6  }
0xf: {  	[smem:$0x3FA4] =	sst s7  }
0x10: {  	[smem:$0x3FA5] =	sst s8  }
0x11: {  	[smem:$0x3FA6] =	sst s9;
	s0 =	simm.s32 @!p0 $0x0  }
0x12: {  	s1 =	sld [smem:$0x3F8C];
	s0 =	simm.s32 @p0 $0x1  }
0x13: {  	[smem:$0x3FA7] =	sst s0;
	s0 =	simm.s32 @!p1 $0x0  }
0x14: {  	s2 =	sld [smem:$0x3F8B];
	s0 =	simm.s32 @p1 $0x1  }
0x15: {  	[smem:$0x3FA8] =	sst s0;
	s0 =	simm.s32 @!p2 $0x0  }
0x16: {  	s3 =	sld [smem:$0x3FDB];
	s0 =	simm.s32 @p2 $0x1  }
0x17: {  	s4 =	simm.s32 $0x1BF5;
	[smem:$0x3FAA] =	sst s0  }
0x18: {  	s0 =	sld [smem:$0x3F8D];
	_ =	swait.ge [sflag:s4], $0x0  }
0x19: {  	s7 =	sld [smem:$0x3F8E]  }
0x1a: {  	s8 =	sadd.s32 $0xFFFFE003, lr  }
0x1b: {  	s9 =	sadd.s32 $0xFFFFFEF7, lr;
	s5 =	simm.s32 $0xFFFFFFFF;
	p2 =	slt.u32 s8, $0xFFFFF086  }
0x1c: {  	p1 =	slt.u32 s9, $0xF7A;
	s5 =	simm.s32 @!p2 $0x0  }
0x1d: {  	s5 =	simm.s32 @p1 $0x1;
	p0 =	seq.s32 s7, s2  }
0x1e: {  	s7 =	smul.u32 @!p0 $0xF7A, s2;
	p2 =	seq.s32 @!p0 s5, $0x0  }
0x1f: {  	s9 =	smul.u32 $0xF7A, s1;
	s8 =	simm.s32 @!p0 $0x1BF5;
	p2 =	por !p2, p0  }
0x20: {  	[sflag:s8] =	ssyncset.s32 @!p0 $0xFFFFF086;
	s6 =	sadd.s32 @!p0 s3, s7;
	s7 =	simm.s32 @!p0 $0x108  }
0x21: {  	s3 =	sadd.s32 s3, s9;
	s6 =	sadd.s32 @!p0 $0x88, s6;
	s7 =	simm.s32 @p2 $0x1082  }
0x22: {  	[simem:s7], [sflag:s8] =	dma.local @!p0 [hbm:s6], $0xF7A  }
0x23: {  	s9 =	sor.u32 $0xD0000000, s2;
	s6 =	simm.s32 $0x108;
	_ =	swait.ge @!p0 [sflag:s8], $0x0  }
0x24: {  	s3 =	sadd.s32 $0x88, s3;
	s6 =	simm.s32 @!p1 $0x1082;
	[sflag:s4] =	ssyncset.s32 $0xFFFFF086  }
0x25: {  	[simem:s6], [sflag:s4] =	dma.local [hbm:s3], $0xF7A  }
0x26: {  	[smem:$0x3F8E] =	sst s1;
	(tag) =	ssettag s2;
	_ =	strace s9  }
0x27: {  	s1 =	sld [smem:$0x3F9E]  }
0x28: {  	s2 =	sld [smem:$0x3F9F]  }
0x29: {  	s4 =	sld [smem:$0x3FA1]  }
0x2a: {  	p0 =	seq.s32 s5, $0x0;
	s5 =	sld [smem:$0x3FA2]  }
0x2b: {  	s6 =	sld [smem:$0x3FA3]  }
0x2c: {  	s7 =	sld [smem:$0x3FA4]  }
0x2d: {  	s3 =	simm.s32 $0x108;
	s8 =	sld [smem:$0x3FA5]  }
0x2e: {  	s3 =	simm.s32 @!p0 $0x1082;
	s9 =	sld [smem:$0x3FA6]  }
0x2f: {  	lr =	sadd.s32 s0, s3;
	s0 =	sld [smem:$0x3F9D]  }
0x30: {  	s3 =	sld [smem:$0x3FA0]  }
0x31: {  	[smem:$0x3FA9] =	sst s10  }
0x32: {  	s10 =	sld [smem:$0x3FA7];
	_ =	sdelay $0x3  }
0x33: {  	p0 =	seq.s32 s10, $0x1;
	s10 =	sld [smem:$0x3FA9];
	_ =	sdelay $0x3  }
0x34: {  	[smem:$0x3FA9] =	sst s10  }
0x35: {  	s10 =	sld [smem:$0x3FA8];
	_ =	sdelay $0x3  }
0x36: {  	p1 =	seq.s32 s10, $0x1;
	s10 =	sld [smem:$0x3FA9];
	_ =	sdelay $0x3  }
0x37: {  	[smem:$0x3FA9] =	sst s10  }
0x38: {  	s10 =	sld [smem:$0x3FAA]  }
0x39: {  	_ = 	snop;
	(pc) =	sbr.ind lr, $3  }
0x3a: {  	_ = 	snop  }
0x3b: {  	_ = 	snop  }
0x3c: {  	p2 =	seq.s32 s10, $0x1;
	s10 =	sld [smem:$0x3FA9]  }
0x3d: {  	_ =	shalt  }
0x3e: {  	_ =	shalt  }
0x3f: {  	_ =	shalt  }
0x40: {  	_ =	shalt  }
0x41: {  	_ =	shalt  }
0x42: {  	_ =	shalt  }
0x43: {  	_ =	shalt  }
0x44: {  	_ =	shalt  }
0x45: {  	_ =	shalt  }
0x46: {  	_ =	shalt  }
0x47: {  	_ =	shalt  }
0x48: {  	_ =	shalt  }
0x49: {  	_ =	shalt  }
0x4a: {  	_ =	shalt  }
0x4b: {  	_ =	shalt  }
0x4c: {  	_ =	shalt  }
0x4d: {  	_ =	shalt  }
0x4e: {  	_ =	shalt  }
0x4f: {  	_ =	shalt  }
0x50: {  	_ =	shalt  }
0x51: {  	_ =	shalt  }
0x52: {  	_ =	shalt  }
0x53: {  	_ =	shalt  }
0x54: {  	_ =	shalt  }
0x55: {  	_ =	shalt  }
0x56: {  	_ =	shalt  }
0x57: {  	_ =	shalt  }
0x58: {  	_ =	shalt  }
0x59: {  	_ =	shalt  }
0x5a: {  	_ =	shalt  }
0x5b: {  	_ =	shalt  }
0x5c: {  	_ =	shalt  }
0x5d: {  	_ =	shalt  }
0x5e: {  	_ =	shalt  }
0x5f: {  	_ =	shalt  }
0x60: {  	_ =	shalt  }
0x61: {  	_ =	shalt  }
0x62: {  	_ =	shalt  }
0x63: {  	_ =	shalt  }
0x64: {  	_ =	shalt  }
0x65: {  	_ =	shalt  }
0x66: {  	_ =	shalt  }
0x67: {  	_ =	shalt  }
0x68: {  	_ =	shalt  }
0x69: {  	_ =	shalt  }
0x6a: {  	_ =	shalt  }
0x6b: {  	_ =	shalt  }
0x6c: {  	_ =	shalt  }
0x6d: {  	_ =	shalt  }
0x6e: {  	_ =	shalt  }
0x6f: {  	_ =	shalt  }
0x70: {  	_ =	shalt  }
0x71: {  	_ =	shalt  }
0x72: {  	_ =	shalt  }
0x73: {  	_ =	shalt  }
0x74: {  	_ =	shalt  }
0x75: {  	_ =	shalt  }
0x76: {  	_ =	shalt  }
0x77: {  	_ =	shalt  }
0x78: {  	_ =	shalt  }
0x79: {  	_ =	shalt  }
0x7a: {  	_ =	shalt  }
0x7b: {  	_ =	shalt  }
0x7c: {  	_ =	shalt  }
0x7d: {  	_ =	shalt  }
0x7e: {  	_ =	shalt  }
0x7f: {  	_ =	shalt  }
0x80: {  	_ =	shalt  }
0x81: {  	_ =	shalt  }
0x82: {  	_ =	shalt  }
0x83: {  	_ =	shalt  }
0x84: {  	_ =	shalt  }
0x85: {  	_ =	shalt  }
0x86: {  	_ =	shalt  }
0x87: {  	_ =	shalt  }
.Lfunc_end0:
.L_simem_size_0:
called_computation.10_lowered:
.L_overlay_start_0:
0x88: {  	s2 =	sld [smem:$0x3FD9]  }
0x89: {  	s3 =	sld [smem:$0x3FFE];
	_ =	sdelay $0x1  }
0x8a: {  	s1 =	srdreg.scid  }
0x8b: {  	s0 =	sand.u32 $0x1, s1  }
0x8c: {  	s17 =	sshll.u32 s0, $0xA;
	s2 =	sadd.s32 s3, s2  }
0x8d: {  	s2 =	sadd.s32 s2, s17  }
0x8e: {  	[smem:$0x3FB5] =	sst s2  }
0x8f: {  	_ = 	snop  }
0x90: {  	s18 =	sld [smem:$0x3FD0];
	(tm) =	ssettm $0x1  }
0x91: {  	s19 =	sld [smem:$0x3FFB];
	_ =	sdelay $0x3  }
0x92: {  	_ =	strace s19  }
0x93: {  	s2 =	sld [smem:$0x3FFC];
	_ =	sdelay $0x3  }
0x94: {  	_ =	strace s2  }
0x95: {  	s2 =	sld [smem:$0x3FFD];
	_ =	sdelay $0x3  }
0x96: {  	_ =	strace s2  }
0x97: {  	_ =	strace $0x8FFFFFFF  }
0x98: {  	s20 =	sld [smem:$0x3FDB];
	_ =	sdelay $0x1  }
0x99: {  	s4 =	simm.s32 $_scs_section_size  }
0x9a: {  	s5 =	simm.s32 $_size__tile_overlayer_lowered;
	s6 =	simm.s32 $_tile_overlayer_lowered  }
0x9b: {  	s7 =	simm.s32 $0x1BFF;
	s21 =	sshll.u32 s6, $0x1;
	s4 =	sadd.s32 s4, s20  }
0x9c: {  	s22 =	simm.s32 $0x0;
	s5 =	sshll.u32 s5, $0x1;
	s6 =	sadd.s32 s21, s4  }
0x9d: {  	[timem:s22], [sflag:s7] =	dma.local [hbm:s6], s5  }
0x9e: {  	_ =	swait.ge [sflag:s7], s5  }
0x9f: {  	s5 =	ssub.s32 $0x0, s5;
	[sflag:s7] =	ssyncset.done $0x0  }
0xa0: {  	[sflag:s7] =	ssyncadd.s32 s5;
	_ =	sdelay $0x1  }
0xa1: {  	s23 =	simm.s32 $0x1B8B  }
0xa2: {  	_ =	swait.ge [sflag:s23], $0x1  }
0xa3: {  	[sflag:s23] =	ssyncset.done $0x0  }
0xa4: {  	[sflag:s23] =	ssyncadd.s32 $0xFFFFFFFF  }
0xa5: {  	s5 =	sld [smem:$0x0]  }
0xa6: {  	s6 =	sand.u32 $0xFFFFFFFE, s1  }
0xa7: {  	p0 =	sne.s32 s1, s6  }
0xa8: {  	s6 =	sshll.u32 @p0 s6, $0xE  }
0xa9: {  	s6 =	sadd.s32 @p0 $0x11B8D, s6;
	s7 =	sshll.u32 @p0 s5, $0x11  }
0xaa: {  	s6 =	sor.u32 @p0 s7, s6  }
0xab: {  	[sflag:s6] =	ssyncadd.remote.s32 @p0 $0x1;
	_ =	sdelay $0x1  }
0xac: {  	s6 =	simm.s32 @p0 $0x1B8D  }
0xad: {  	_ =	swait.eq @p0 [sflag:s6], $0x1  }
0xae: {  	[sflag:s6] =	ssyncadd.s32 @p0 $0xFFFFFFFF  }
0xaf: {  	s7 =	sshll.u32 @!p0 s1, $0xE  }
0xb0: {  	s7 =	sor.u32 @!p0 $0x4000, s7;
	s6 =	simm.s32 @!p0 $0x1B8D  }
0xb1: {  	s5 =	sshll.u32 @!p0 s5, $0x11;
	s7 =	sadd.s32 @!p0 $0x11B8D, s7;
	_ =	swait.eq @!p0 [sflag:s6], $0x1  }
0xb2: {  	s5 =	sor.u32 @!p0 s5, s7;
	[sflag:s6] =	ssyncadd.s32 @!p0 $0xFFFFFFFF  }
0xb3: {  	s25 =	simm.s32 $0x1B8E;
	s24 =	sld [smem:$0x3FFE];
	[sflag:s5] =	ssyncadd.remote.s32 @!p0 $0x1  }
0xb4: {  	s26 =	simm.s32 $execute0_lowered;
	[smem:$0x3FD2] =	sst s25  }
0xb5: {  	s6 =	sshll.u32 s26, $0x1;
	_ =	strace $0x80000067;
	[dreg:$0x1] =	wrdreg $0xFFFFFFFF  }
0xb6: {  	s28 =	simm.s32 $_size_execute0_lowered;
	s4 =	sadd.s32 s4, s6;
	[dreg:$0x0] =	wrdreg $0x0  }
0xb7: {  	s6 =	sshll.u32 s28, $0x1;
	[dreg:$0x2] =	wrdreg s4  }
0xb8: {  	[dreg:$0x3] =	wrdreg s6  }
0xb9: {  	[dreg:$0x4] =	wrdreg $0xC0  }
0xba: {  	_ =	task [dreg:s22], $0x5FFFF  }
0xbb: {  	[dreg:$0x1] =	wrdreg $0xFFFFFFFF  }
0xbc: {  	[dreg:$0x0] =	wrdreg $0x60  }
0xbd: {  	[dreg:$0x2] =	wrdreg s24  }
0xbe: {  	[dreg:$0x3] =	wrdreg s18  }
0xbf: {  	[dreg:$0x4] =	wrdreg $0xA  }
0xc0: {  	_ =	task.clear_ibuf [dreg:s22], $0x5FFFF;
	_ =	strace $0x90000067  }
0xc1: {  	s29 =	simm.s32 $0xA;
	_ =	strace $0x80000069  }
0xc2: {  	_ =	swait.ge [sflag:s29], $0x1  }
0xc3: {  	[sflag:s29] =	ssyncadd.s32 $0xFFFFFFFF  }
0xc4: {  	_ =	strace $0x90000069  }
0xc5: {  	_ =	sfence  }
0xc6: {  	s30 =	sld [smem:$0x0];
	_ =	sdelay $0x2  }
0xc7: {  	s31 =	sshll.u32 s1, $0xD;
	s1 =	sshrl.u32 s1, $0x2  }
0xc8: {  	s4 =	sand.u32 $0x4000, s31;
	s1 =	sadd.s32 s1, s30  }
0xc9: {  	s0 =	sor.u32 s4, s0;
	s1 =	sshll.u32 s1, $0x11  }
0xca: {  	s0 =	sor.u32 s1, s0  }
0xcb: {  	s0 =	sadd.s32 $0x8F2B, s0  }
0xcc: {  	[sflag:s0] =	ssyncadd.remote.s32 $0x1  }
0xcd: {  	_ =	sfence.sel $0xFFFF  }
0xce: {  	[dreg:$0x0] =	wrdreg $0xFFFFFFFF;
	(pc) =	sbr.abs _section_cstart, $3  }
0xcf: {  	[dreg:$0x1] =	wrdreg $0xFFFFFFFF  }
0xd0: {  	_ =	task.clear_ibuf [dreg:s22], $0x2FFFF;
	_ =	strace $0x9FFFFFFF  }
0xd1: {  	(tm) =	ssettm $0x7FFFFFFF  }
tec
execute0_lowered:
.L_overlay_start_1:
0x0: {  	(tag) =	ssettag $0x1  }
0x1: {  	s1 =	rddreg [dreg:$0x0];
	s2 =	srdreg.scid  }
0x2: {  	s0 =	stileid.u32;
	s8 =	rddreg [dreg:$0x1]  }
0x3: {  	s13 =	simm.s32 $0x1080;
	s14 =	simm.s32 $0x1880;
	s15 =	simm.s32 $0x2080  }
0x4: {  	s16 =	simm.s32 $0x2880;
	s28 =	simm.s32 $0x8080;
	s29 =	simm.s32 $0x8880  }
0x5: {  	s30 =	simm.s32 $0x9080;
	s31 =	simm.s32 $0x9880;
	s4 =	sand.u32 $0x1, s2  }
0x6: {  	s3 =	sshll.u32 s0, $0x1;
	s2 =	simm.s32 $0x0;
	s9 =	sadd.s32 $0xAC00, s1  }
0x7: {  	s5 =	sor.u32 s4, s3;
	[smem:$0x7FF] =	sst s2;
	s3 =	sadd.s32 $0xAF600, s1  }
0x8: {  	s4 =	ssub.s32 $0x2, s4;
	s7 =	smul.u32 $0xA0, s5;
	_ =	strace $0x80000068  }
0x9: {  	s6 =	sshrl.u32 s4, $0x1;
	s18 =	smul.u32 $0x5000, s5;
	s5 =	sadd.s32 $0xAF800, s1  }
0xa: {  	s11 =	ssub.s32 s4, s6;
	s4 =	sadd.s32 $0xAF700, s1;
	s10 =	sshrl.u32 s7, $0x3  }
0xb: {  	s19 =	sadd.s32 $0x28, s7;
	s6 =	sadd.s32 s8, s18;
	s21 =	sadd.s32 $0x50, s7  }
0xc: {  	s24 =	sadd.s32 $0x78, s7;
	s18 =	simm.s32 $0x3880;
	s17 =	sadd.s32 s9, s10  }
0xd: {  	s12 =	sshrl.u32 s19, $0x3;
	[dreg:$0x4] =	wrdreg s6;
	s10 =	sshll.u32 s19, $0x7  }
0xe: {  	s6 =	sadd.s32 $0xAF900, s1;
	s22 =	sshrl.u32 s21, $0x3;
	s23 =	sshll.u32 s21, $0x7  }
0xf: {  	s7 =	sshrl.u32 s24, $0x3;
	s26 =	sshll.u32 s24, $0x7;
	s19 =	simm.s32 $0x4080  }
0x10: {  	s21 =	simm.s32 $0x5080;
	s24 =	simm.s32 $0x6880;
	[dreg:$0x3] =	wrdreg s17  }
0x11: {  	s20 =	sadd.s32 s9, s12;
	s10 =	sadd.s32 s8, s10;
	s1 =	sadd.s32 s9, s22  }
0x12: {  	s25 =	sadd.s32 s8, s23;
	s7 =	sadd.s32 s9, s7;
	s8 =	sadd.s32 s8, s26  }
0x13: {  	s9 =	smax.u32 s11, $0x1;
	s11 =	simm.s32 $0x80;
	[dreg:$0x5] =	wrdreg s20  }
0x14: {  	s12 =	simm.s32 $0x880;
	s17 =	simm.s32 $0x3080;
	[dreg:$0x6] =	wrdreg s10  }
0x15: {  	v2 =	vlaneseq.u32;
	s22 =	simm.s32 $0x5880;
	s23 =	simm.s32 $0x6080;
	[dreg:$0x7] =	wrdreg s1  }
0x16: {  	vm0 =	vmmov $0xffff;
	v1 =	vshrl.u32 v2, $0x3;
	s26 =	simm.s32 $0x7880;
	[dreg:$0x8] =	wrdreg s25;
	s10 =	simm.s32 $0x2  }
0x17: {  	v0 =	vand.u32 $0x7, v2;
	v2 =	vor.u32 $0x8, v2;
	v1 =	vmul.u32 $0x8, v1;
	s20 =	simm.s32 $0x4880;
	s25 =	simm.s32 $0x7080;
	s1 =	simm.s32 $0x1  }
.LBB2_1:
0x18: {  	s0 =	rddreg [dreg:$0x3]  }
0x19: {  	[tilespmem:s2], [sflag:$0x2] =	stream.linear.gather [hbm4b:s0+s2], $0x28, $0x38;
	[tilespmem:$0xA080] =	vst v63  }
0x1a: {  	_ =	swait.ge [sflag:s10], $0x28  }
0x1b: {  	[sflag:s10] =	ssyncset.done $0x0  }
0x1c: {  	[sflag:s10] =	ssyncadd.s32 $0xFFFFFFD8  }
0x1d: {  	v3 =	vld [tilespmem:$0x0];
	_ =	sdelay $0x4  }
0x1e: {  	v4 =	vshll.u32 v3, $0x3  }
0x1f: {  	v3 =	vand.u32 $0x7, v3;
	v4 =	vand.u32 $0xFFFFFFC0, v4  }
0x20: {  	v3 =	vor.u32 v3, v4  }
0x21: {  	v4 =	vperm.xlane v3, v0;
	_ =	sdelay $0x1  }
0x22: {  	v4 =	vadd.s32 v1, v4;
	_ =	sdelay $0x4  }
0x23: {  	[tilespmem:s11], [sflag:$0x1] =	stream.indirect_vreg.gather [hbm4b:s3+s2], $0x80, v4, vm0, $0xb8;
	[tilespmem:$0xA080] =	vst v63  }
0x24: {  	v3 =	vperm.xlane v3, v2  }
0x25: {  	[tilespmem:s12], [sflag:$0x1] =	stream.indirect_vreg.gather [hbm4b:s4+s2], $0x80, v4, vm0, $0xb8;
	[tilespmem:$0xA080] =	vst v63  }
0x26: {  	v3 =	vadd.s32 v1, v3  }
0x27: {  	[tilespmem:s13], [sflag:$0x1] =	stream.indirect_vreg.gather [hbm4b:s5+s2], $0x80, v4, vm0, $0xb8;
	[tilespmem:$0xA080] =	vst v63  }
0x28: {  	_ = 	snop  }
0x29: {  	[tilespmem:s14], [sflag:$0x1] =	stream.indirect_vreg.gather [hbm4b:s6+s2], $0x80, v4, vm0, $0xb8;
	[tilespmem:$0xA080] =	vst v63  }
0x2a: {  	_ = 	snop  }
0x2b: {  	[tilespmem:s15], [sflag:$0x1] =	stream.indirect_vreg.gather [hbm4b:s3+s2], $0x80, v3, vm0, $0xb8;
	[tilespmem:$0xA080] =	vst v63  }
0x2c: {  	_ = 	snop  }
0x2d: {  	[tilespmem:s16], [sflag:$0x1] =	stream.indirect_vreg.gather [hbm4b:s4+s2], $0x80, v3, vm0, $0xb8;
	[tilespmem:$0xA080] =	vst v63  }
0x2e: {  	_ = 	snop  }
0x2f: {  	[tilespmem:s17], [sflag:$0x1] =	stream.indirect_vreg.gather [hbm4b:s5+s2], $0x80, v3, vm0, $0xb8;
	[tilespmem:$0xA080] =	vst v63  }
0x30: {  	_ = 	snop  }
0x31: {  	[tilespmem:s18], [sflag:$0x1] =	stream.indirect_vreg.gather [hbm4b:s6+s2], $0x80, v3, vm0, $0xb8;
	[tilespmem:$0xA080] =	vst v63  }
0x32: {  	v3 =	vld [tilespmem:$0x10];
	_ =	sdelay $0x4  }
0x33: {  	v53 =	vshll.u32 v3, $0x3  }
0x34: {  	v3 =	vand.u32 $0x7, v3;
	v4 =	vand.u32 $0xFFFFFFC0, v53  }
0x35: {  	v3 =	vor.u32 v3, v4  }
0x36: {  	v4 =	vperm.xlane v3, v0;
	_ =	sdelay $0x1  }
0x37: {  	v4 =	vadd.s32 v1, v4;
	_ =	sdelay $0x4  }
0x38: {  	[tilespmem:s19], [sflag:$0x1] =	stream.indirect_vreg.gather [hbm4b:s3+s2], $0x80, v4, vm0, $0xb8;
	[tilespmem:$0xA080] =	vst v63  }
0x39: {  	v3 =	vperm.xlane v3, v2  }
0x3a: {  	[tilespmem:s20], [sflag:$0x1] =	stream.indirect_vreg.gather [hbm4b:s4+s2], $0x80, v4, vm0, $0xb8;
	[tilespmem:$0xA080] =	vst v63  }
0x3b: {  	v3 =	vadd.s32 v1, v3  }
0x3c: {  	[tilespmem:s21], [sflag:$0x1] =	stream.indirect_vreg.gather [hbm4b:s5+s2], $0x80, v4, vm0, $0xb8;
	[tilespmem:$0xA080] =	vst v63  }
0x3d: {  	_ = 	snop  }
0x3e: {  	[tilespmem:s22], [sflag:$0x1] =	stream.indirect_vreg.gather [hbm4b:s6+s2], $0x80, v4, vm0, $0xb8;
	[tilespmem:$0xA080] =	vst v63  }
0x3f: {  	_ = 	snop  }
0x40: {  	[tilespmem:s23], [sflag:$0x1] =	stream.indirect_vreg.gather [hbm4b:s3+s2], $0x80, v3, vm0, $0xb8;
	[tilespmem:$0xA080] =	vst v63  }
0x41: {  	_ = 	snop  }
0x42: {  	[tilespmem:s24], [sflag:$0x1] =	stream.indirect_vreg.gather [hbm4b:s4+s2], $0x80, v3, vm0, $0xb8;
	[tilespmem:$0xA080] =	vst v63  }
0x43: {  	_ = 	snop  }
0x44: {  	[tilespmem:s25], [sflag:$0x1] =	stream.indirect_vreg.gather [hbm4b:s5+s2], $0x80, v3, vm0, $0xb8;
	[tilespmem:$0xA080] =	vst v63  }
0x45: {  	_ = 	snop  }
0x46: {  	[tilespmem:s26], [sflag:$0x1] =	stream.indirect_vreg.gather [hbm4b:s6+s2], $0x80, v3, vm0, $0xb8;
	[tilespmem:$0xA080] =	vst v63  }
0x47: {  	v3 =	vld.msk [tilespmem:$0x20], $0xff;
	_ =	sdelay $0x4  }
0x48: {  	v54 =	vshll.u32 v3, $0x3  }
0x49: {  	v3 =	vand.u32 $0x7, v3;
	v4 =	vand.u32 $0xFFFFFFC0, v54  }
0x4a: {  	v3 =	vor.u32 v3, v4  }
0x4b: {  	v3 =	vperm.xlane v3, v0;
	_ =	sdelay $0x1  }
0x4c: {  	v3 =	vadd.s32 v1, v3;
	_ =	sdelay $0x4  }
0x4d: {  	[tilespmem:s28], [sflag:$0x1] =	stream.indirect_vreg.gather [hbm4b:s3+s2], $0x80, v3, vm0, $0xb8;
	[tilespmem:$0xA080] =	vst v63  }
0x4e: {  	_ = 	snop  }
0x4f: {  	[tilespmem:s29], [sflag:$0x1] =	stream.indirect_vreg.gather [hbm4b:s4+s2], $0x80, v3, vm0, $0xb8;
	[tilespmem:$0xA080] =	vst v63  }
0x50: {  	_ = 	snop  }
0x51: {  	[tilespmem:s30], [sflag:$0x1] =	stream.indirect_vreg.gather [hbm4b:s5+s2], $0x80, v3, vm0, $0xb8;
	[tilespmem:$0xA080] =	vst v63  }
0x52: {  	_ = 	snop  }
0x53: {  	[tilespmem:s31], [sflag:$0x1] =	stream.indirect_vreg.gather [hbm4b:s6+s2], $0x80, v3, vm0, $0xb8;
	[tilespmem:$0xA080] =	vst v63  }
0x54: {  	_ =	swait.ge [sflag:s1], $0xA000  }
0x55: {  	[sflag:s1] =	ssyncset.done $0x0  }
0x56: {  	s0 =	rddreg [dreg:$0x4];
	[sflag:s1] =	ssyncadd.s32 $0xFFFF6000  }
0x57: {  	[hbm4b:s0+s2] =	stream.linear.scatter [tilespmem:s11], [sflag:$0x2], $0xA000, $0x38;
	[tilespmem:$0xA080] =	vst v63  }
0x58: {  	_ =	swait.ge [sflag:s10], $0xA000  }
0x59: {  	[sflag:s10] =	ssyncset.done $0x0  }
0x5a: {  	s0 =	rddreg [dreg:$0x5];
	[sflag:s10] =	ssyncadd.s32 $0xFFFF6000  }
0x5b: {  	[tilespmem:s2], [sflag:$0x2] =	stream.linear.gather [hbm4b:s0+s2], $0x28, $0x38;
	[tilespmem:$0xA080] =	vst v63  }
0x5c: {  	_ =	swait.ge [sflag:s10], $0x28  }
0x5d: {  	[sflag:s10] =	ssyncset.done $0x0  }
0x5e: {  	[sflag:s10] =	ssyncadd.s32 $0xFFFFFFD8  }
0x5f: {  	v3 =	vld [tilespmem:$0x0];
	_ =	sdelay $0x4  }
0x60: {  	v55 =	vshll.u32 v3, $0x3  }
0x61: {  	v3 =	vand.u32 $0x7, v3;
	v4 =	vand.u32 $0xFFFFFFC0, v55  }
0x62: {  	v3 =	vor.u32 v3, v4  }
0x63: {  	v4 =	vperm.xlane v3, v0;
	_ =	sdelay $0x1  }
0x64: {  	v4 =	vadd.s32 v1, v4;
	_ =	sdelay $0x4  }
0x65: {  	[tilespmem:s11], [sflag:$0x1] =	stream.indirect_vreg.gather [hbm4b:s3+s2], $0x80, v4, vm0, $0xb8;
	[tilespmem:$0xA080] =	vst v63  }
0x66: {  	v3 =	vperm.xlane v3, v2  }
0x67: {  	[tilespmem:s12], [sflag:$0x1] =	stream.indirect_vreg.gather [hbm4b:s4+s2], $0x80, v4, vm0, $0xb8;
	[tilespmem:$0xA080] =	vst v63  }
0x68: {  	v3 =	vadd.s32 v1, v3  }
0x69: {  	[tilespmem:s13], [sflag:$0x1] =	stream.indirect_vreg.gather [hbm4b:s5+s2], $0x80, v4, vm0, $0xb8;
	[tilespmem:$0xA080] =	vst v63  }
0x6a: {  	_ = 	snop  }
0x6b: {  	[tilespmem:s14], [sflag:$0x1] =	stream.indirect_vreg.gather [hbm4b:s6+s2], $0x80, v4, vm0, $0xb8;
	[tilespmem:$0xA080] =	vst v63  }
0x6c: {  	_ = 	snop  }
0x6d: {  	[tilespmem:s15], [sflag:$0x1] =	stream.indirect_vreg.gather [hbm4b:s3+s2], $0x80, v3, vm0, $0xb8;
	[tilespmem:$0xA080] =	vst v63  }
0x6e: {  	_ = 	snop  }
0x6f: {  	[tilespmem:s16], [sflag:$0x1] =	stream.indirect_vreg.gather [hbm4b:s4+s2], $0x80, v3, vm0, $0xb8;
	[tilespmem:$0xA080] =	vst v63  }
0x70: {  	_ = 	snop  }
0x71: {  	[tilespmem:s17], [sflag:$0x1] =	stream.indirect_vreg.gather [hbm4b:s5+s2], $0x80, v3, vm0, $0xb8;
	[tilespmem:$0xA080] =	vst v63  }
0x72: {  	_ = 	snop  }
0x73: {  	[tilespmem:s18], [sflag:$0x1] =	stream.indirect_vreg.gather [hbm4b:s6+s2], $0x80, v3, vm0, $0xb8;
	[tilespmem:$0xA080] =	vst v63  }
0x74: {  	v3 =	vld [tilespmem:$0x10];
	_ =	sdelay $0x4  }
0x75: {  	v56 =	vshll.u32 v3, $0x3  }
0x76: {  	v3 =	vand.u32 $0x7, v3;
	v4 =	vand.u32 $0xFFFFFFC0, v56  }
0x77: {  	v3 =	vor.u32 v3, v4  }
0x78: {  	v4 =	vperm.xlane v3, v0;
	_ =	sdelay $0x1  }
0x79: {  	v4 =	vadd.s32 v1, v4;
	_ =	sdelay $0x4  }
0x7a: {  	[tilespmem:s19], [sflag:$0x1] =	stream.indirect_vreg.gather [hbm4b:s3+s2], $0x80, v4, vm0, $0xb8;
	[tilespmem:$0xA080] =	vst v63  }
0x7b: {  	v3 =	vperm.xlane v3, v2  }
0x7c: {  	[tilespmem:s20], [sflag:$0x1] =	stream.indirect_vreg.gather [hbm4b:s4+s2], $0x80, v4, vm0, $0xb8;
	[tilespmem:$0xA080] =	vst v63  }
0x7d: {  	v3 =	vadd.s32 v1, v3  }
0x7e: {  	[tilespmem:s21], [sflag:$0x1] =	stream.indirect_vreg.gather [hbm4b:s5+s2], $0x80, v4, vm0, $0xb8;
	[tilespmem:$0xA080] =	vst v63  }
0x7f: {  	_ = 	snop  }
0x80: {  	[tilespmem:s22], [sflag:$0x1] =	stream.indirect_vreg.gather [hbm4b:s6+s2], $0x80, v4, vm0, $0xb8;
	[tilespmem:$0xA080] =	vst v63  }
0x81: {  	_ = 	snop  }
0x82: {  	[tilespmem:s23], [sflag:$0x1] =	stream.indirect_vreg.gather [hbm4b:s3+s2], $0x80, v3, vm0, $0xb8;
	[tilespmem:$0xA080] =	vst v63  }
0x83: {  	_ = 	snop  }
0x84: {  	[tilespmem:s24], [sflag:$0x1] =	stream.indirect_vreg.gather [hbm4b:s4+s2], $0x80, v3, vm0, $0xb8;
	[tilespmem:$0xA080] =	vst v63  }
0x85: {  	_ = 	snop  }
0x86: {  	[tilespmem:s25], [sflag:$0x1] =	stream.indirect_vreg.gather [hbm4b:s5+s2], $0x80, v3, vm0, $0xb8;
	[tilespmem:$0xA080] =	vst v63  }
0x87: {  	_ = 	snop  }
0x88: {  	[tilespmem:s26], [sflag:$0x1] =	stream.indirect_vreg.gather [hbm4b:s6+s2], $0x80, v3, vm0, $0xb8;
	[tilespmem:$0xA080] =	vst v63  }
0x89: {  	v3 =	vld.msk [tilespmem:$0x20], $0xff;
	_ =	sdelay $0x4  }
0x8a: {  	v57 =	vshll.u32 v3, $0x3  }
0x8b: {  	v3 =	vand.u32 $0x7, v3;
	v4 =	vand.u32 $0xFFFFFFC0, v57  }
0x8c: {  	v3 =	vor.u32 v3, v4  }
0x8d: {  	v3 =	vperm.xlane v3, v0;
	_ =	sdelay $0x1  }
0x8e: {  	v3 =	vadd.s32 v1, v3;
	_ =	sdelay $0x4  }
0x8f: {  	[tilespmem:s28], [sflag:$0x1] =	stream.indirect_vreg.gather [hbm4b:s3+s2], $0x80, v3, vm0, $0xb8;
	[tilespmem:$0xA080] =	vst v63  }
0x90: {  	_ = 	snop  }
0x91: {  	[tilespmem:s29], [sflag:$0x1] =	stream.indirect_vreg.gather [hbm4b:s4+s2], $0x80, v3, vm0, $0xb8;
	[tilespmem:$0xA080] =	vst v63  }
0x92: {  	_ = 	snop  }
0x93: {  	[tilespmem:s30], [sflag:$0x1] =	stream.indirect_vreg.gather [hbm4b:s5+s2], $0x80, v3, vm0, $0xb8;
	[tilespmem:$0xA080] =	vst v63  }
0x94: {  	_ = 	snop  }
0x95: {  	[tilespmem:s31], [sflag:$0x1] =	stream.indirect_vreg.gather [hbm4b:s6+s2], $0x80, v3, vm0, $0xb8;
	[tilespmem:$0xA080] =	vst v63  }
0x96: {  	_ =	swait.ge [sflag:s1], $0xA000  }
0x97: {  	[sflag:s1] =	ssyncset.done $0x0  }
0x98: {  	s0 =	rddreg [dreg:$0x6];
	[sflag:s1] =	ssyncadd.s32 $0xFFFF6000  }
0x99: {  	[hbm4b:s0+s2] =	stream.linear.scatter [tilespmem:s11], [sflag:$0x2], $0xA000, $0x38;
	[tilespmem:$0xA080] =	vst v63  }
0x9a: {  	_ =	swait.ge [sflag:s10], $0xA000  }
0x9b: {  	[sflag:s10] =	ssyncset.done $0x0  }
0x9c: {  	s0 =	rddreg [dreg:$0x7];
	[sflag:s10] =	ssyncadd.s32 $0xFFFF6000  }
0x9d: {  	[tilespmem:s2], [sflag:$0x2] =	stream.linear.gather [hbm4b:s0+s2], $0x28, $0x38;
	[tilespmem:$0xA080] =	vst v63  }
0x9e: {  	_ =	swait.ge [sflag:s10], $0x28  }
0x9f: {  	[sflag:s10] =	ssyncset.done $0x0  }
0xa0: {  	[sflag:s10] =	ssyncadd.s32 $0xFFFFFFD8  }
0xa1: {  	v3 =	vld [tilespmem:$0x0];
	_ =	sdelay $0x4  }
0xa2: {  	v58 =	vshll.u32 v3, $0x3  }
0xa3: {  	v3 =	vand.u32 $0x7, v3;
	v4 =	vand.u32 $0xFFFFFFC0, v58  }
0xa4: {  	v3 =	vor.u32 v3, v4  }
0xa5: {  	v4 =	vperm.xlane v3, v0;
	_ =	sdelay $0x1  }
0xa6: {  	v4 =	vadd.s32 v1, v4;
	_ =	sdelay $0x4  }
0xa7: {  	[tilespmem:s11], [sflag:$0x1] =	stream.indirect_vreg.gather [hbm4b:s3+s2], $0x80, v4, vm0, $0xb8;
	[tilespmem:$0xA080] =	vst v63  }
0xa8: {  	v3 =	vperm.xlane v3, v2  }
0xa9: {  	[tilespmem:s12], [sflag:$0x1] =	stream.indirect_vreg.gather [hbm4b:s4+s2], $0x80, v4, vm0, $0xb8;
	[tilespmem:$0xA080] =	vst v63  }
0xaa: {  	v3 =	vadd.s32 v1, v3  }
0xab: {  	[tilespmem:s13], [sflag:$0x1] =	stream.indirect_vreg.gather [hbm4b:s5+s2], $0x80, v4, vm0, $0xb8;
	[tilespmem:$0xA080] =	vst v63  }
0xac: {  	_ = 	snop  }
0xad: {  	[tilespmem:s14], [sflag:$0x1] =	stream.indirect_vreg.gather [hbm4b:s6+s2], $0x80, v4, vm0, $0xb8;
	[tilespmem:$0xA080] =	vst v63  }
0xae: {  	_ = 	snop  }
0xaf: {  	[tilespmem:s15], [sflag:$0x1] =	stream.indirect_vreg.gather [hbm4b:s3+s2], $0x80, v3, vm0, $0xb8;
	[tilespmem:$0xA080] =	vst v63  }
0xb0: {  	_ = 	snop  }
0xb1: {  	[tilespmem:s16], [sflag:$0x1] =	stream.indirect_vreg.gather [hbm4b:s4+s2], $0x80, v3, vm0, $0xb8;
	[tilespmem:$0xA080] =	vst v63  }
0xb2: {  	_ = 	snop  }
0xb3: {  	[tilespmem:s17], [sflag:$0x1] =	stream.indirect_vreg.gather [hbm4b:s5+s2], $0x80, v3, vm0, $0xb8;
	[tilespmem:$0xA080] =	vst v63  }
0xb4: {  	_ = 	snop  }
0xb5: {  	[tilespmem:s18], [sflag:$0x1] =	stream.indirect_vreg.gather [hbm4b:s6+s2], $0x80, v3, vm0, $0xb8;
	[tilespmem:$0xA080] =	vst v63  }
0xb6: {  	v3 =	vld [tilespmem:$0x10];
	_ =	sdelay $0x4  }
0xb7: {  	v59 =	vshll.u32 v3, $0x3  }
0xb8: {  	v3 =	vand.u32 $0x7, v3;
	v4 =	vand.u32 $0xFFFFFFC0, v59  }
0xb9: {  	v3 =	vor.u32 v3, v4  }
0xba: {  	v4 =	vperm.xlane v3, v0;
	_ =	sdelay $0x1  }
0xbb: {  	v4 =	vadd.s32 v1, v4;
	_ =	sdelay $0x4  }
0xbc: {  	[tilespmem:s19], [sflag:$0x1] =	stream.indirect_vreg.gather [hbm4b:s3+s2], $0x80, v4, vm0, $0xb8;
	[tilespmem:$0xA080] =	vst v63  }
0xbd: {  	v3 =	vperm.xlane v3, v2  }
0xbe: {  	[tilespmem:s20], [sflag:$0x1] =	stream.indirect_vreg.gather [hbm4b:s4+s2], $0x80, v4, vm0, $0xb8;
	[tilespmem:$0xA080] =	vst v63  }
0xbf: {  	v3 =	vadd.s32 v1, v3  }
0xc0: {  	[tilespmem:s21], [sflag:$0x1] =	stream.indirect_vreg.gather [hbm4b:s5+s2], $0x80, v4, vm0, $0xb8;
	[tilespmem:$0xA080] =	vst v63  }
0xc1: {  	_ = 	snop  }
0xc2: {  	[tilespmem:s22], [sflag:$0x1] =	stream.indirect_vreg.gather [hbm4b:s6+s2], $0x80, v4, vm0, $0xb8;
	[tilespmem:$0xA080] =	vst v63  }
0xc3: {  	_ = 	snop  }
0xc4: {  	[tilespmem:s23], [sflag:$0x1] =	stream.indirect_vreg.gather [hbm4b:s3+s2], $0x80, v3, vm0, $0xb8;
	[tilespmem:$0xA080] =	vst v63  }
0xc5: {  	_ = 	snop  }
0xc6: {  	[tilespmem:s24], [sflag:$0x1] =	stream.indirect_vreg.gather [hbm4b:s4+s2], $0x80, v3, vm0, $0xb8;
	[tilespmem:$0xA080] =	vst v63  }
0xc7: {  	_ = 	snop  }
0xc8: {  	[tilespmem:s25], [sflag:$0x1] =	stream.indirect_vreg.gather [hbm4b:s5+s2], $0x80, v3, vm0, $0xb8;
	[tilespmem:$0xA080] =	vst v63  }
0xc9: {  	_ = 	snop  }
0xca: {  	[tilespmem:s26], [sflag:$0x1] =	stream.indirect_vreg.gather [hbm4b:s6+s2], $0x80, v3, vm0, $0xb8;
	[tilespmem:$0xA080] =	vst v63  }
0xcb: {  	v3 =	vld.msk [tilespmem:$0x20], $0xff;
	_ =	sdelay $0x4  }
0xcc: {  	v60 =	vshll.u32 v3, $0x3  }
0xcd: {  	v3 =	vand.u32 $0x7, v3;
	v4 =	vand.u32 $0xFFFFFFC0, v60  }
0xce: {  	v3 =	vor.u32 v3, v4  }
0xcf: {  	v3 =	vperm.xlane v3, v0;
	_ =	sdelay $0x1  }
0xd0: {  	v3 =	vadd.s32 v1, v3;
	_ =	sdelay $0x4  }
0xd1: {  	[tilespmem:s28], [sflag:$0x1] =	stream.indirect_vreg.gather [hbm4b:s3+s2], $0x80, v3, vm0, $0xb8;
	[tilespmem:$0xA080] =	vst v63  }
0xd2: {  	_ = 	snop  }
0xd3: {  	[tilespmem:s29], [sflag:$0x1] =	stream.indirect_vreg.gather [hbm4b:s4+s2], $0x80, v3, vm0, $0xb8;
	[tilespmem:$0xA080] =	vst v63  }
0xd4: {  	_ = 	snop  }
0xd5: {  	[tilespmem:s30], [sflag:$0x1] =	stream.indirect_vreg.gather [hbm4b:s5+s2], $0x80, v3, vm0, $0xb8;
	[tilespmem:$0xA080] =	vst v63  }
0xd6: {  	_ = 	snop  }
0xd7: {  	[tilespmem:s31], [sflag:$0x1] =	stream.indirect_vreg.gather [hbm4b:s6+s2], $0x80, v3, vm0, $0xb8;
	[tilespmem:$0xA080] =	vst v63  }
0xd8: {  	_ =	swait.ge [sflag:s1], $0xA000  }
0xd9: {  	[sflag:s1] =	ssyncset.done $0x0  }
0xda: {  	s0 =	rddreg [dreg:$0x8];
	[sflag:s1] =	ssyncadd.s32 $0xFFFF6000  }
0xdb: {  	[hbm4b:s0+s2] =	stream.linear.scatter [tilespmem:s11], [sflag:$0x2], $0xA000, $0x38;
	[tilespmem:$0xA080] =	vst v63  }
0xdc: {  	_ =	swait.ge [sflag:s10], $0xA000  }
0xdd: {  	[sflag:s10] =	ssyncset.done $0x0  }
0xde: {  	[sflag:s10] =	ssyncadd.s32 $0xFFFF6000  }
0xdf: {  	[tilespmem:s2], [sflag:$0x2] =	stream.linear.gather [hbm4b:s7+s2], $0x28, $0x38;
	[tilespmem:$0xA080] =	vst v63  }
0xe0: {  	_ =	swait.ge [sflag:s10], $0x28  }
0xe1: {  	[sflag:s10] =	ssyncset.done $0x0  }
0xe2: {  	[sflag:s10] =	ssyncadd.s32 $0xFFFFFFD8  }
0xe3: {  	v3 =	vld [tilespmem:$0x0];
	_ =	sdelay $0x4  }
0xe4: {  	v61 =	vshll.u32 v3, $0x3  }
0xe5: {  	v3 =	vand.u32 $0x7, v3;
	v4 =	vand.u32 $0xFFFFFFC0, v61  }
0xe6: {  	v3 =	vor.u32 v3, v4  }
0xe7: {  	v4 =	vperm.xlane v3, v0;
	_ =	sdelay $0x1  }
0xe8: {  	v4 =	vadd.s32 v1, v4;
	_ =	sdelay $0x4  }
0xe9: {  	[tilespmem:s11], [sflag:$0x1] =	stream.indirect_vreg.gather [hbm4b:s3+s2], $0x80, v4, vm0, $0xb8;
	[tilespmem:$0xA080] =	vst v63  }
0xea: {  	v3 =	vperm.xlane v3, v2  }
0xeb: {  	[tilespmem:s12], [sflag:$0x1] =	stream.indirect_vreg.gather [hbm4b:s4+s2], $0x80, v4, vm0, $0xb8;
	[tilespmem:$0xA080] =	vst v63  }
0xec: {  	v3 =	vadd.s32 v1, v3  }
0xed: {  	[tilespmem:s13], [sflag:$0x1] =	stream.indirect_vreg.gather [hbm4b:s5+s2], $0x80, v4, vm0, $0xb8;
	[tilespmem:$0xA080] =	vst v63  }
0xee: {  	_ = 	snop  }
0xef: {  	[tilespmem:s14], [sflag:$0x1] =	stream.indirect_vreg.gather [hbm4b:s6+s2], $0x80, v4, vm0, $0xb8;
	[tilespmem:$0xA080] =	vst v63  }
0xf0: {  	_ = 	snop  }
0xf1: {  	[tilespmem:s15], [sflag:$0x1] =	stream.indirect_vreg.gather [hbm4b:s3+s2], $0x80, v3, vm0, $0xb8;
	[tilespmem:$0xA080] =	vst v63  }
0xf2: {  	_ = 	snop  }
0xf3: {  	[tilespmem:s16], [sflag:$0x1] =	stream.indirect_vreg.gather [hbm4b:s4+s2], $0x80, v3, vm0, $0xb8;
	[tilespmem:$0xA080] =	vst v63  }
0xf4: {  	_ = 	snop  }
0xf5: {  	[tilespmem:s17], [sflag:$0x1] =	stream.indirect_vreg.gather [hbm4b:s5+s2], $0x80, v3, vm0, $0xb8;
	[tilespmem:$0xA080] =	vst v63  }
0xf6: {  	_ = 	snop  }
0xf7: {  	[tilespmem:s18], [sflag:$0x1] =	stream.indirect_vreg.gather [hbm4b:s6+s2], $0x80, v3, vm0, $0xb8;
	[tilespmem:$0xA080] =	vst v63  }
0xf8: {  	v3 =	vld [tilespmem:$0x10];
	_ =	sdelay $0x4  }
0xf9: {  	v62 =	vshll.u32 v3, $0x3  }
0xfa: {  	v3 =	vand.u32 $0x7, v3;
	v4 =	vand.u32 $0xFFFFFFC0, v62  }
0xfb: {  	v3 =	vor.u32 v3, v4  }
0xfc: {  	v4 =	vperm.xlane v3, v0;
	_ =	sdelay $0x1  }
0xfd: {  	v4 =	vadd.s32 v1, v4;
	_ =	sdelay $0x4  }
0xfe: {  	[tilespmem:s19], [sflag:$0x1] =	stream.indirect_vreg.gather [hbm4b:s3+s2], $0x80, v4, vm0, $0xb8;
	[tilespmem:$0xA080] =	vst v63  }
0xff: {  	v3 =	vperm.xlane v3, v2  }
0x100: {  	[tilespmem:s20], [sflag:$0x1] =	stream.indirect_vreg.gather [hbm4b:s4+s2], $0x80, v4, vm0, $0xb8;
	[tilespmem:$0xA080] =	vst v63  }
0x101: {  	v3 =	vadd.s32 v1, v3  }
0x102: {  	[tilespmem:s21], [sflag:$0x1] =	stream.indirect_vreg.gather [hbm4b:s5+s2], $0x80, v4, vm0, $0xb8;
	[tilespmem:$0xA080] =	vst v63  }
0x103: {  	_ = 	snop  }
0x104: {  	[tilespmem:s22], [sflag:$0x1] =	stream.indirect_vreg.gather [hbm4b:s6+s2], $0x80, v4, vm0, $0xb8;
	[tilespmem:$0xA080] =	vst v63  }
0x105: {  	_ = 	snop  }
0x106: {  	[tilespmem:s23], [sflag:$0x1] =	stream.indirect_vreg.gather [hbm4b:s3+s2], $0x80, v3, vm0, $0xb8;
	[tilespmem:$0xA080] =	vst v63  }
0x107: {  	_ = 	snop  }
0x108: {  	[tilespmem:s24], [sflag:$0x1] =	stream.indirect_vreg.gather [hbm4b:s4+s2], $0x80, v3, vm0, $0xb8;
	[tilespmem:$0xA080] =	vst v63  }
0x109: {  	_ = 	snop  }
0x10a: {  	[tilespmem:s25], [sflag:$0x1] =	stream.indirect_vreg.gather [hbm4b:s5+s2], $0x80, v3, vm0, $0xb8;
	[tilespmem:$0xA080] =	vst v63  }
0x10b: {  	_ = 	snop  }
0x10c: {  	[tilespmem:s26], [sflag:$0x1] =	stream.indirect_vreg.gather [hbm4b:s6+s2], $0x80, v3, vm0, $0xb8;
	[tilespmem:$0xA080] =	vst v63  }
0x10d: {  	v3 =	vld.msk [tilespmem:$0x20], $0xff;
	_ =	sdelay $0x4  }
0x10e: {  	v63 =	vshll.u32 v3, $0x3  }
0x10f: {  	v3 =	vand.u32 $0x7, v3;
	v4 =	vand.u32 $0xFFFFFFC0, v63  }
0x110: {  	v3 =	vor.u32 v3, v4  }
0x111: {  	v3 =	vperm.xlane v3, v0;
	_ =	sdelay $0x1  }
0x112: {  	v3 =	vadd.s32 v1, v3;
	_ =	sdelay $0x4  }
0x113: {  	[tilespmem:s28], [sflag:$0x1] =	stream.indirect_vreg.gather [hbm4b:s3+s2], $0x80, v3, vm0, $0xb8;
	[tilespmem:$0xA080] =	vst v63  }
0x114: {  	_ = 	snop  }
0x115: {  	[tilespmem:s29], [sflag:$0x1] =	stream.indirect_vreg.gather [hbm4b:s4+s2], $0x80, v3, vm0, $0xb8;
	[tilespmem:$0xA080] =	vst v63  }
0x116: {  	_ = 	snop  }
0x117: {  	[tilespmem:s30], [sflag:$0x1] =	stream.indirect_vreg.gather [hbm4b:s5+s2], $0x80, v3, vm0, $0xb8;
	[tilespmem:$0xA080] =	vst v63  }
0x118: {  	_ = 	snop  }
0x119: {  	[tilespmem:s31], [sflag:$0x1] =	stream.indirect_vreg.gather [hbm4b:s6+s2], $0x80, v3, vm0, $0xb8;
	[tilespmem:$0xA080] =	vst v63  }
0x11a: {  	_ =	swait.ge [sflag:s1], $0xA000  }
0x11b: {  	p0 =	sne.s32 s9, $0x1;
	[sflag:s1] =	ssyncset.done $0x0  }
.Ltmp0:
0x11c: {  	[sflag:s1] =	ssyncadd.s32 $0xFFFF6000;
	(pc) =	sbr.rel @p0 .LBB2_1-.Ltmp0, $4  }
0x11d: {  	[hbm4b:s8+s2] =	stream.linear.scatter [tilespmem:s11], [sflag:$0x2], $0xA000, $0x38;
	[tilespmem:$0xA080] =	vst v63  }
0x11e: {  	_ =	swait.ge [sflag:s10], $0xA000  }
0x11f: {  	[sflag:s10] =	ssyncset.done $0x0  }
0x120: {  	s9 =	sadd.s32 $0xFFFFFFFF, s9;
	[sflag:s10] =	ssyncadd.s32 $0xFFFF6000  }
0x121: {  	_ =	sfence.sel $0x180000  }
0x122: {  	[bflag:$0x0] =	sbarrier.arrive $0xFFFF  }
0x123: {  	_ =	strace $0x90000068  }
0x124: {  	s0 =	stileid.u32;
	[bflag:$0x2] =	sbarrier.arrive $0xFFFF  }
0x125: {  	p0 =	sne.s32 s0, $0x0;
	s0 =	rddreg [dreg:$0x2]  }
0x126: {  	s0 =	sadd.s32 @!p0 $0x100000, s0  }
0x127: {  	[sflag:s0] =	ssyncadd.tile.s32 @!p0 $0x1;
	_ =	shalt  }
.Lfunc_end2:
_tile_overlayer_lowered:
.L_overlay_start_2:
0x128: {  	(tag) =	ssettag $0x2  }
0x129: {  	s0 =	rddreg [dreg:$0x0];
	s2 =	stileid.u32  }
0x12a: {  	s1 =	rddreg [dreg:$0x1];
	p0 =	sne.s32 s2, $0x0  }
0x12b: {  	s3 =	rddreg [dreg:$0x2];
	[bflag:$0x3] =	sbarrier.arrive $0xFFFF;
	s2 =	simm.s32 @!p0 $0x1C02  }
0x12c: {  	[timem:s3], [sflag:s2] =	dma.local @!p0 [hbm:s0], s1  }
0x12d: {  	s0 =	simm.s32 @!p0 $0x2  }
0x12e: {  	_ =	swait.ge @!p0 [sflag:s0], s1  }
0x12f: {  	s1 =	ssub.s32 @!p0 $0x0, s1;
	[sflag:s0] =	ssyncset.done @!p0 $0x0  }
0x130: {  	[sflag:s0] =	ssyncadd.s32 @!p0 s1  }
0x131: {  	[bflag:$0x3] =	sbarrier.arrive $0xFFFF  }
0x132: {  	_ =	shalt  }

// kernel: kernel.37.cloned.1.call-start
scs
__scs_entry_jumppad:
0x0: {  	(pc) =	sbr.rel $0x88, $3  }
0x1: {  	(tag) =	ssettag $0x0;
	lr =	simm.s32 $0x1  }
0x2: {  	[smem:$0x3F8E] =	sst lr;
	_ =	strace $0xD0000000  }
0x3: {  	_ = 	snop  }
0x4: {  	_ = 	snop  }
0x5: {  	_ = 	snop  }
0x6: {  	_ = 	snop  }
0x7: {  	_ = 	snop  }
__scs_overlays_trampoline_lowered:
0x8: {  	[smem:$0x3F9D] =	sst s0  }
0x9: {  	[smem:$0x3F9E] =	sst s1  }
0xa: {  	[smem:$0x3F9F] =	sst s2  }
0xb: {  	[smem:$0x3FA0] =	sst s3  }
0xc: {  	[smem:$0x3FA1] =	sst s4  }
0xd: {  	[smem:$0x3FA2] =	sst s5  }
0xe: {  	[smem:$0x3FA3] =	sst s6  }
0xf: {  	[smem:$0x3FA4] =	sst s7  }
0x10: {  	[smem:$0x3FA5] =	sst s8  }
0x11: {  	[smem:$0x3FA6] =	sst s9;
	s0 =	simm.s32 @!p0 $0x0  }
0x12: {  	s1 =	sld [smem:$0x3F8C];
	s0 =	simm.s32 @p0 $0x1  }
0x13: {  	[smem:$0x3FA7] =	sst s0;
	s0 =	simm.s32 @!p1 $0x0  }
0x14: {  	s2 =	sld [smem:$0x3F8B];
	s0 =	simm.s32 @p1 $0x1  }
0x15: {  	[smem:$0x3FA8] =	sst s0;
	s0 =	simm.s32 @!p2 $0x0  }
0x16: {  	s3 =	sld [smem:$0x3FDB];
	s0 =	simm.s32 @p2 $0x1  }
0x17: {  	s4 =	simm.s32 $0x1BF5;
	[smem:$0x3FAA] =	sst s0  }
0x18: {  	s0 =	sld [smem:$0x3F8D];
	_ =	swait.ge [sflag:s4], $0x0  }
0x19: {  	s7 =	sld [smem:$0x3F8E]  }
0x1a: {  	s8 =	sadd.s32 $0xFFFFE003, lr  }
0x1b: {  	s9 =	sadd.s32 $0xFFFFFEF7, lr;
	s5 =	simm.s32 $0xFFFFFFFF;
	p2 =	slt.u32 s8, $0xFFFFF086  }
0x1c: {  	p1 =	slt.u32 s9, $0xF7A;
	s5 =	simm.s32 @!p2 $0x0  }
0x1d: {  	s5 =	simm.s32 @p1 $0x1;
	p0 =	seq.s32 s7, s2  }
0x1e: {  	s7 =	smul.u32 @!p0 $0xF7A, s2;
	p2 =	seq.s32 @!p0 s5, $0x0  }
0x1f: {  	s9 =	smul.u32 $0xF7A, s1;
	s8 =	simm.s32 @!p0 $0x1BF5;
	p2 =	por !p2, p0  }
0x20: {  	[sflag:s8] =	ssyncset.s32 @!p0 $0xFFFFF086;
	s6 =	sadd.s32 @!p0 s3, s7;
	s7 =	simm.s32 @!p0 $0x108  }
0x21: {  	s3 =	sadd.s32 s3, s9;
	s6 =	sadd.s32 @!p0 $0x88, s6;
	s7 =	simm.s32 @p2 $0x1082  }
0x22: {  	[simem:s7], [sflag:s8] =	dma.local @!p0 [hbm:s6], $0xF7A  }
0x23: {  	s9 =	sor.u32 $0xD0000000, s2;
	s6 =	simm.s32 $0x108;
	_ =	swait.ge @!p0 [sflag:s8], $0x0  }
0x24: {  	s3 =	sadd.s32 $0x88, s3;
	s6 =	simm.s32 @!p1 $0x1082;
	[sflag:s4] =	ssyncset.s32 $0xFFFFF086  }
0x25: {  	[simem:s6], [sflag:s4] =	dma.local [hbm:s3], $0xF7A  }
0x26: {  	[smem:$0x3F8E] =	sst s1;
	(tag) =	ssettag s2;
	_ =	strace s9  }
0x27: {  	s1 =	sld [smem:$0x3F9E]  }
0x28: {  	s2 =	sld [smem:$0x3F9F]  }
0x29: {  	s4 =	sld [smem:$0x3FA1]  }
0x2a: {  	p0 =	seq.s32 s5, $0x0;
	s5 =	sld [smem:$0x3FA2]  }
0x2b: {  	s6 =	sld [smem:$0x3FA3]  }
0x2c: {  	s7 =	sld [smem:$0x3FA4]  }
0x2d: {  	s3 =	simm.s32 $0x108;
	s8 =	sld [smem:$0x3FA5]  }
0x2e: {  	s3 =	simm.s32 @!p0 $0x1082;
	s9 =	sld [smem:$0x3FA6]  }
0x2f: {  	lr =	sadd.s32 s0, s3;
	s0 =	sld [smem:$0x3F9D]  }
0x30: {  	s3 =	sld [smem:$0x3FA0]  }
0x31: {  	[smem:$0x3FA9] =	sst s10  }
0x32: {  	s10 =	sld [smem:$0x3FA7];
	_ =	sdelay $0x3  }
0x33: {  	p0 =	seq.s32 s10, $0x1;
	s10 =	sld [smem:$0x3FA9];
	_ =	sdelay $0x3  }
0x34: {  	[smem:$0x3FA9] =	sst s10  }
0x35: {  	s10 =	sld [smem:$0x3FA8];
	_ =	sdelay $0x3  }
0x36: {  	p1 =	seq.s32 s10, $0x1;
	s10 =	sld [smem:$0x3FA9];
	_ =	sdelay $0x3  }
0x37: {  	[smem:$0x3FA9] =	sst s10  }
0x38: {  	s10 =	sld [smem:$0x3FAA]  }
0x39: {  	_ = 	snop;
	(pc) =	sbr.ind lr, $3  }
0x3a: {  	_ = 	snop  }
0x3b: {  	_ = 	snop  }
0x3c: {  	p2 =	seq.s32 s10, $0x1;
	s10 =	sld [smem:$0x3FA9]  }
0x3d: {  	_ =	shalt  }
0x3e: {  	_ =	shalt  }
0x3f: {  	_ =	shalt  }
0x40: {  	_ =	shalt  }
0x41: {  	_ =	shalt  }
0x42: {  	_ =	shalt  }
0x43: {  	_ =	shalt  }
0x44: {  	_ =	shalt  }
0x45: {  	_ =	shalt  }
0x46: {  	_ =	shalt  }
0x47: {  	_ =	shalt  }
0x48: {  	_ =	shalt  }
0x49: {  	_ =	shalt  }
0x4a: {  	_ =	shalt  }
0x4b: {  	_ =	shalt  }
0x4c: {  	_ =	shalt  }
0x4d: {  	_ =	shalt  }
0x4e: {  	_ =	shalt  }
0x4f: {  	_ =	shalt  }
0x50: {  	_ =	shalt  }
0x51: {  	_ =	shalt  }
0x52: {  	_ =	shalt  }
0x53: {  	_ =	shalt  }
0x54: {  	_ =	shalt  }
0x55: {  	_ =	shalt  }
0x56: {  	_ =	shalt  }
0x57: {  	_ =	shalt  }
0x58: {  	_ =	shalt  }
0x59: {  	_ =	shalt  }
0x5a: {  	_ =	shalt  }
0x5b: {  	_ =	shalt  }
0x5c: {  	_ =	shalt  }
0x5d: {  	_ =	shalt  }
0x5e: {  	_ =	shalt  }
0x5f: {  	_ =	shalt  }
0x60: {  	_ =	shalt  }
0x61: {  	_ =	shalt  }
0x62: {  	_ =	shalt  }
0x63: {  	_ =	shalt  }
0x64: {  	_ =	shalt  }
0x65: {  	_ =	shalt  }
0x66: {  	_ =	shalt  }
0x67: {  	_ =	shalt  }
0x68: {  	_ =	shalt  }
0x69: {  	_ =	shalt  }
0x6a: {  	_ =	shalt  }
0x6b: {  	_ =	shalt  }
0x6c: {  	_ =	shalt  }
0x6d: {  	_ =	shalt  }
0x6e: {  	_ =	shalt  }
0x6f: {  	_ =	shalt  }
0x70: {  	_ =	shalt  }
0x71: {  	_ =	shalt  }
0x72: {  	_ =	shalt  }
0x73: {  	_ =	shalt  }
0x74: {  	_ =	shalt  }
0x75: {  	_ =	shalt  }
0x76: {  	_ =	shalt  }
0x77: {  	_ =	shalt  }
0x78: {  	_ =	shalt  }
0x79: {  	_ =	shalt  }
0x7a: {  	_ =	shalt  }
0x7b: {  	_ =	shalt  }
0x7c: {  	_ =	shalt  }
0x7d: {  	_ =	shalt  }
0x7e: {  	_ =	shalt  }
0x7f: {  	_ =	shalt  }
0x80: {  	_ =	shalt  }
0x81: {  	_ =	shalt  }
0x82: {  	_ =	shalt  }
0x83: {  	_ =	shalt  }
0x84: {  	_ =	shalt  }
0x85: {  	_ =	shalt  }
0x86: {  	_ =	shalt  }
0x87: {  	_ =	shalt  }
.Lfunc_end0:
.L_simem_size_0:
called_computation.11_lowered:
.L_overlay_start_0:
0x88: {  	s2 =	sld [smem:$0x3FD9]  }
0x89: {  	s3 =	sld [smem:$0x3FFE];
	_ =	sdelay $0x1  }
0x8a: {  	s1 =	srdreg.scid  }
0x8b: {  	s0 =	sand.u32 $0x1, s1  }
0x8c: {  	s17 =	sshll.u32 s0, $0xA;
	s2 =	sadd.s32 s3, s2  }
0x8d: {  	s2 =	sadd.s32 s2, s17  }
0x8e: {  	[smem:$0x3FB5] =	sst s2  }
0x8f: {  	_ = 	snop  }
0x90: {  	s18 =	sld [smem:$0x3FD0];
	(tm) =	ssettm $0x1  }
0x91: {  	s19 =	sld [smem:$0x3FFB];
	_ =	sdelay $0x3  }
0x92: {  	_ =	strace s19  }
0x93: {  	s2 =	sld [smem:$0x3FFC];
	_ =	sdelay $0x3  }
0x94: {  	_ =	strace s2  }
0x95: {  	s2 =	sld [smem:$0x3FFD];
	_ =	sdelay $0x3  }
0x96: {  	_ =	strace s2  }
0x97: {  	_ =	strace $0x8FFFFFFF  }
0x98: {  	s20 =	sld [smem:$0x3FDB];
	_ =	sdelay $0x1  }
0x99: {  	s4 =	simm.s32 $_scs_section_size  }
0x9a: {  	s5 =	simm.s32 $_size__tile_overlayer_lowered;
	s6 =	simm.s32 $_tile_overlayer_lowered  }
0x9b: {  	s7 =	simm.s32 $0x1BFF;
	s21 =	sshll.u32 s6, $0x1;
	s4 =	sadd.s32 s4, s20  }
0x9c: {  	s22 =	simm.s32 $0x0;
	s5 =	sshll.u32 s5, $0x1;
	s6 =	sadd.s32 s21, s4  }
0x9d: {  	[timem:s22], [sflag:s7] =	dma.local [hbm:s6], s5  }
0x9e: {  	_ =	swait.ge [sflag:s7], s5  }
0x9f: {  	s5 =	ssub.s32 $0x0, s5;
	[sflag:s7] =	ssyncset.done $0x0  }
0xa0: {  	[sflag:s7] =	ssyncadd.s32 s5;
	_ =	sdelay $0x1  }
0xa1: {  	s23 =	simm.s32 $0x1B8B  }
0xa2: {  	_ =	swait.ge [sflag:s23], $0x1  }
0xa3: {  	[sflag:s23] =	ssyncset.done $0x0  }
0xa4: {  	[sflag:s23] =	ssyncadd.s32 $0xFFFFFFFF  }
0xa5: {  	s5 =	sld [smem:$0x0]  }
0xa6: {  	s6 =	sand.u32 $0xFFFFFFFE, s1  }
0xa7: {  	p0 =	sne.s32 s1, s6  }
0xa8: {  	s6 =	sshll.u32 @p0 s6, $0xE  }
0xa9: {  	s6 =	sadd.s32 @p0 $0x11B8D, s6;
	s7 =	sshll.u32 @p0 s5, $0x11  }
0xaa: {  	s6 =	sor.u32 @p0 s7, s6  }
0xab: {  	[sflag:s6] =	ssyncadd.remote.s32 @p0 $0x1;
	_ =	sdelay $0x1  }
0xac: {  	s6 =	simm.s32 @p0 $0x1B8D  }
0xad: {  	_ =	swait.eq @p0 [sflag:s6], $0x1  }
0xae: {  	[sflag:s6] =	ssyncadd.s32 @p0 $0xFFFFFFFF  }
0xaf: {  	s7 =	sshll.u32 @!p0 s1, $0xE  }
0xb0: {  	s7 =	sor.u32 @!p0 $0x4000, s7;
	s6 =	simm.s32 @!p0 $0x1B8D  }
0xb1: {  	s5 =	sshll.u32 @!p0 s5, $0x11;
	s7 =	sadd.s32 @!p0 $0x11B8D, s7;
	_ =	swait.eq @!p0 [sflag:s6], $0x1  }
0xb2: {  	s5 =	sor.u32 @!p0 s5, s7;
	[sflag:s6] =	ssyncadd.s32 @!p0 $0xFFFFFFFF  }
0xb3: {  	s25 =	simm.s32 $0x1B8E;
	s24 =	sld [smem:$0x3FFE];
	[sflag:s5] =	ssyncadd.remote.s32 @!p0 $0x1  }
0xb4: {  	s26 =	simm.s32 $execute0_lowered;
	[smem:$0x3FD2] =	sst s25  }
0xb5: {  	s6 =	sshll.u32 s26, $0x1;
	_ =	strace $0x8000006D;
	[dreg:$0x1] =	wrdreg $0xFFFFFFFF  }
0xb6: {  	s28 =	simm.s32 $_size_execute0_lowered;
	s4 =	sadd.s32 s4, s6;
	[dreg:$0x0] =	wrdreg $0x0  }
0xb7: {  	s6 =	sshll.u32 s28, $0x1;
	[dreg:$0x2] =	wrdreg s4  }
0xb8: {  	[dreg:$0x3] =	wrdreg s6  }
0xb9: {  	[dreg:$0x4] =	wrdreg $0xC0  }
0xba: {  	_ =	task [dreg:s22], $0x5FFFF  }
0xbb: {  	[dreg:$0x1] =	wrdreg $0xFFFFFFFF  }
0xbc: {  	[dreg:$0x0] =	wrdreg $0x60  }
0xbd: {  	[dreg:$0x2] =	wrdreg s18  }
0xbe: {  	[dreg:$0x3] =	wrdreg s24  }
0xbf: {  	[dreg:$0x4] =	wrdreg $0x9  }
0xc0: {  	_ =	task.clear_ibuf [dreg:s22], $0x5FFFF;
	_ =	strace $0x9000006D  }
0xc1: {  	s29 =	simm.s32 $0x9;
	_ =	strace $0x8000006F  }
0xc2: {  	_ =	swait.ge [sflag:s29], $0x1  }
0xc3: {  	[sflag:s29] =	ssyncadd.s32 $0xFFFFFFFF  }
0xc4: {  	_ =	strace $0x9000006F  }
0xc5: {  	_ =	sfence  }
0xc6: {  	s30 =	sld [smem:$0x0];
	_ =	sdelay $0x2  }
0xc7: {  	s31 =	sshll.u32 s1, $0xD;
	s1 =	sshrl.u32 s1, $0x2  }
0xc8: {  	s4 =	sand.u32 $0x4000, s31;
	s1 =	sadd.s32 s1, s30  }
0xc9: {  	s0 =	sor.u32 s4, s0;
	s1 =	sshll.u32 s1, $0x11  }
0xca: {  	s0 =	sor.u32 s1, s0  }
0xcb: {  	s0 =	sadd.s32 $0x8F2B, s0  }
0xcc: {  	[sflag:s0] =	ssyncadd.remote.s32 $0x1  }
0xcd: {  	_ =	sfence.sel $0xFFFF  }
0xce: {  	[dreg:$0x0] =	wrdreg $0xFFFFFFFF;
	(pc) =	sbr.abs _section_cstart, $3  }
0xcf: {  	[dreg:$0x1] =	wrdreg $0xFFFFFFFF  }
0xd0: {  	_ =	task.clear_ibuf [dreg:s22], $0x2FFFF;
	_ =	strace $0x9FFFFFFF  }
0xd1: {  	(tm) =	ssettm $0x7FFFFFFF  }
tec
execute0_lowered:
.L_overlay_start_1:
0x0: {  	(tag) =	ssettag $0x1  }
0x1: {  	s1 =	srdreg.scid  }
0x2: {  	s0 =	stileid.u32;
	s2 =	rddreg [dreg:$0x0]  }
0x3: {  	s5 =	rddreg [dreg:$0x1];
	s18 =	simm.s32 $0x880;
	s19 =	simm.s32 $0x1080  }
0x4: {  	s20 =	simm.s32 $0x1880;
	s22 =	simm.s32 $0x2080;
	s23 =	simm.s32 $0x2880  }
0x5: {  	s24 =	simm.s32 $0x3080;
	s7 =	simm.s32 $0x3880;
	s8 =	simm.s32 $0x4080  }
0x6: {  	s25 =	simm.s32 $0x4880;
	s26 =	simm.s32 $0x5080;
	s1 =	sand.u32 $0x1, s1  }
0x7: {  	s9 =	simm.s32 $0x80;
	s3 =	sshll.u32 s0, $0x7;
	s4 =	sshll.u32 s1, $0x6  }
0x8: {  	s11 =	simm.s32 $0x6080;
	s4 =	sor.u32 s4, s3;
	s3 =	simm.s32 $0x0  }
0x9: {  	s12 =	simm.s32 $0x6880;
	s13 =	simm.s32 $0x7080;
	[smem:$0x7FF] =	sst s3  }
0xa: {  	s14 =	simm.s32 $0x7880;
	_ =	strace $0x8000006E;
	[dreg:$0x5] =	wrdreg s18  }
0xb: {  	s15 =	simm.s32 $0x8080;
	s16 =	simm.s32 $0x8880;
	[dreg:$0x6] =	wrdreg s19  }
0xc: {  	s28 =	simm.s32 $0xE080;
	s29 =	simm.s32 $0xE880;
	[dreg:$0x7] =	wrdreg s20  }
0xd: {  	s30 =	simm.s32 $0xF080;
	s1 =	ssub.s32 $0x2, s1;
	[dreg:$0x8] =	wrdreg s22  }
0xe: {  	s31 =	simm.s32 $0xF880;
	s21 =	sshrl.u32 s1, $0x1;
	[dreg:$0x9] =	wrdreg s23  }
0xf: {  	s6 =	sshrl.u32 s4, $0x3;
	s4 =	sshll.u32 s4, $0x7;
	[dreg:$0xa] =	wrdreg s24  }
0x10: {  	s1 =	ssub.s32 s1, s21;
	s21 =	simm.s32 $0xB080;
	[dreg:$0xb] =	wrdreg s7  }
0x11: {  	s6 =	sadd.s32 s6, s5;
	s4 =	sadd.s32 s4, s5;
	[dreg:$0xc] =	wrdreg s8  }
0x12: {  	s5 =	sadd.s32 $0x200, s2;
	s7 =	smax.u32 s1, $0x1;
	[dreg:$0xd] =	wrdreg s25  }
0x13: {  	s8 =	simm.s32 $0x2;
	[dreg:$0xe] =	wrdreg s26;
	s18 =	simm.s32 $0x9880  }
0x14: {  	s19 =	simm.s32 $0xA080;
	s20 =	simm.s32 $0xA880;
	s22 =	simm.s32 $0xB880  }
0x15: {  	s23 =	simm.s32 $0xC080;
	s24 =	simm.s32 $0xC880;
	s25 =	simm.s32 $0xD080  }
0x16: {  	v2 =	vlaneseq.u32;
	s26 =	simm.s32 $0xD880;
	s1 =	simm.s32 $0x1;
	s17 =	sadd.s32 $0xAC00, s6  }
0x17: {  	vm0 =	vmmov $0xffff;
	v1 =	vshrl.u32 v2, $0x3;
	s4 =	sadd.s32 $0x12F600, s4;
	s6 =	sadd.s32 $0x300, s2;
	[dreg:$0x3] =	wrdreg s17  }
0x18: {  	v0 =	vand.u32 $0x7, v2;
	v2 =	vor.u32 $0x8, v2;
	v1 =	vmul.u32 $0x8, v1;
	[dreg:$0x4] =	wrdreg s4;
	s4 =	sadd.s32 $0x100, s2;
	s17 =	simm.s32 $0x9080  }
.LBB2_1:
0x19: {  	s0 =	rddreg [dreg:$0x3]  }
0x1a: {  	[tilespmem:s3], [sflag:$0x2] =	stream.linear.gather [hbm4b:s0+s3], $0x40, $0x38;
	[tilespmem:$0x10080] =	vst v63  }
0x1b: {  	_ =	swait.ge [sflag:s8], $0x40  }
0x1c: {  	[sflag:s8] =	ssyncset.done $0x0  }
0x1d: {  	[sflag:s8] =	ssyncadd.s32 $0xFFFFFFC0  }
0x1e: {  	v3 =	vld [tilespmem:$0x0];
	_ =	sdelay $0x4  }
0x1f: {  	v4 =	vshll.u32 v3, $0x3  }
0x20: {  	v3 =	vand.u32 $0x7, v3;
	v4 =	vand.u32 $0xFFFFFFC0, v4  }
0x21: {  	v3 =	vor.u32 v3, v4  }
0x22: {  	v4 =	vperm.xlane v3, v0;
	_ =	sdelay $0x1  }
0x23: {  	v4 =	vadd.s32 v1, v4;
	_ =	sdelay $0x4  }
0x24: {  	[tilespmem:s9], [sflag:$0x1] =	stream.indirect_vreg.gather [hbm4b:s2+s3], $0x80, v4, vm0, $0xb8;
	[tilespmem:$0x10080] =	vst v63  }
0x25: {  	s0 =	rddreg [dreg:$0x5];
	v3 =	vperm.xlane v3, v2  }
0x26: {  	[tilespmem:s0], [sflag:$0x1] =	stream.indirect_vreg.gather [hbm4b:s4+s3], $0x80, v4, vm0, $0xb8;
	[tilespmem:$0x10080] =	vst v63  }
0x27: {  	s10 =	rddreg [dreg:$0x6];
	v3 =	vadd.s32 v1, v3  }
0x28: {  	[tilespmem:s10], [sflag:$0x1] =	stream.indirect_vreg.gather [hbm4b:s5+s3], $0x80, v4, vm0, $0xb8;
	[tilespmem:$0x10080] =	vst v63  }
0x29: {  	s0 =	rddreg [dreg:$0x7]  }
0x2a: {  	[tilespmem:s0], [sflag:$0x1] =	stream.indirect_vreg.gather [hbm4b:s6+s3], $0x80, v4, vm0, $0xb8;
	[tilespmem:$0x10080] =	vst v63  }
0x2b: {  	s10 =	rddreg [dreg:$0x8]  }
0x2c: {  	[tilespmem:s10], [sflag:$0x1] =	stream.indirect_vreg.gather [hbm4b:s2+s3], $0x80, v3, vm0, $0xb8;
	[tilespmem:$0x10080] =	vst v63  }
0x2d: {  	s0 =	rddreg [dreg:$0x9]  }
0x2e: {  	[tilespmem:s0], [sflag:$0x1] =	stream.indirect_vreg.gather [hbm4b:s4+s3], $0x80, v3, vm0, $0xb8;
	[tilespmem:$0x10080] =	vst v63  }
0x2f: {  	s10 =	rddreg [dreg:$0xa]  }
0x30: {  	[tilespmem:s10], [sflag:$0x1] =	stream.indirect_vreg.gather [hbm4b:s5+s3], $0x80, v3, vm0, $0xb8;
	[tilespmem:$0x10080] =	vst v63  }
0x31: {  	s0 =	rddreg [dreg:$0xb]  }
0x32: {  	[tilespmem:s0], [sflag:$0x1] =	stream.indirect_vreg.gather [hbm4b:s6+s3], $0x80, v3, vm0, $0xb8;
	[tilespmem:$0x10080] =	vst v63  }
0x33: {  	v3 =	vld [tilespmem:$0x10];
	_ =	sdelay $0x4  }
0x34: {  	v61 =	vshll.u32 v3, $0x3  }
0x35: {  	v3 =	vand.u32 $0x7, v3;
	v4 =	vand.u32 $0xFFFFFFC0, v61  }
0x36: {  	v3 =	vor.u32 v3, v4  }
0x37: {  	v4 =	vperm.xlane v3, v0;
	_ =	sdelay $0x1  }
0x38: {  	v4 =	vadd.s32 v1, v4;
	_ =	sdelay $0x3  }
0x39: {  	s0 =	rddreg [dreg:$0xc]  }
0x3a: {  	[tilespmem:s0], [sflag:$0x1] =	stream.indirect_vreg.gather [hbm4b:s2+s3], $0x80, v4, vm0, $0xb8;
	[tilespmem:$0x10080] =	vst v63  }
0x3b: {  	s10 =	rddreg [dreg:$0xd];
	v3 =	vperm.xlane v3, v2  }
0x3c: {  	[tilespmem:s10], [sflag:$0x1] =	stream.indirect_vreg.gather [hbm4b:s4+s3], $0x80, v4, vm0, $0xb8;
	[tilespmem:$0x10080] =	vst v63  }
0x3d: {  	v3 =	vadd.s32 v1, v3;
	s0 =	rddreg [dreg:$0xe]  }
0x3e: {  	[tilespmem:s0], [sflag:$0x1] =	stream.indirect_vreg.gather [hbm4b:s5+s3], $0x80, v4, vm0, $0xb8;
	[tilespmem:$0x10080] =	vst v63  }
0x3f: {  	s10 =	simm.s32 $0x5880  }
0x40: {  	[tilespmem:s10], [sflag:$0x1] =	stream.indirect_vreg.gather [hbm4b:s6+s3], $0x80, v4, vm0, $0xb8;
	[tilespmem:$0x10080] =	vst v63  }
0x41: {  	_ = 	snop  }
0x42: {  	[tilespmem:s11], [sflag:$0x1] =	stream.indirect_vreg.gather [hbm4b:s2+s3], $0x80, v3, vm0, $0xb8;
	[tilespmem:$0x10080] =	vst v63  }
0x43: {  	_ = 	snop  }
0x44: {  	[tilespmem:s12], [sflag:$0x1] =	stream.indirect_vreg.gather [hbm4b:s4+s3], $0x80, v3, vm0, $0xb8;
	[tilespmem:$0x10080] =	vst v63  }
0x45: {  	_ = 	snop  }
0x46: {  	[tilespmem:s13], [sflag:$0x1] =	stream.indirect_vreg.gather [hbm4b:s5+s3], $0x80, v3, vm0, $0xb8;
	[tilespmem:$0x10080] =	vst v63  }
0x47: {  	_ = 	snop  }
0x48: {  	[tilespmem:s14], [sflag:$0x1] =	stream.indirect_vreg.gather [hbm4b:s6+s3], $0x80, v3, vm0, $0xb8;
	[tilespmem:$0x10080] =	vst v63  }
0x49: {  	v3 =	vld [tilespmem:$0x20];
	_ =	sdelay $0x4  }
0x4a: {  	v62 =	vshll.u32 v3, $0x3  }
0x4b: {  	v3 =	vand.u32 $0x7, v3;
	v4 =	vand.u32 $0xFFFFFFC0, v62  }
0x4c: {  	v3 =	vor.u32 v3, v4  }
0x4d: {  	v4 =	vperm.xlane v3, v0;
	_ =	sdelay $0x1  }
0x4e: {  	v4 =	vadd.s32 v1, v4;
	_ =	sdelay $0x4  }
0x4f: {  	[tilespmem:s15], [sflag:$0x1] =	stream.indirect_vreg.gather [hbm4b:s2+s3], $0x80, v4, vm0, $0xb8;
	[tilespmem:$0x10080] =	vst v63  }
0x50: {  	v3 =	vperm.xlane v3, v2  }
0x51: {  	[tilespmem:s16], [sflag:$0x1] =	stream.indirect_vreg.gather [hbm4b:s4+s3], $0x80, v4, vm0, $0xb8;
	[tilespmem:$0x10080] =	vst v63  }
0x52: {  	v3 =	vadd.s32 v1, v3  }
0x53: {  	[tilespmem:s17], [sflag:$0x1] =	stream.indirect_vreg.gather [hbm4b:s5+s3], $0x80, v4, vm0, $0xb8;
	[tilespmem:$0x10080] =	vst v63  }
0x54: {  	_ = 	snop  }
0x55: {  	[tilespmem:s18], [sflag:$0x1] =	stream.indirect_vreg.gather [hbm4b:s6+s3], $0x80, v4, vm0, $0xb8;
	[tilespmem:$0x10080] =	vst v63  }
0x56: {  	_ = 	snop  }
0x57: {  	[tilespmem:s19], [sflag:$0x1] =	stream.indirect_vreg.gather [hbm4b:s2+s3], $0x80, v3, vm0, $0xb8;
	[tilespmem:$0x10080] =	vst v63  }
0x58: {  	_ = 	snop  }
0x59: {  	[tilespmem:s20], [sflag:$0x1] =	stream.indirect_vreg.gather [hbm4b:s4+s3], $0x80, v3, vm0, $0xb8;
	[tilespmem:$0x10080] =	vst v63  }
0x5a: {  	_ = 	snop  }
0x5b: {  	[tilespmem:s21], [sflag:$0x1] =	stream.indirect_vreg.gather [hbm4b:s5+s3], $0x80, v3, vm0, $0xb8;
	[tilespmem:$0x10080] =	vst v63  }
0x5c: {  	_ = 	snop  }
0x5d: {  	[tilespmem:s22], [sflag:$0x1] =	stream.indirect_vreg.gather [hbm4b:s6+s3], $0x80, v3, vm0, $0xb8;
	[tilespmem:$0x10080] =	vst v63  }
0x5e: {  	v3 =	vld [tilespmem:$0x30];
	_ =	sdelay $0x4  }
0x5f: {  	v63 =	vshll.u32 v3, $0x3  }
0x60: {  	v3 =	vand.u32 $0x7, v3;
	v4 =	vand.u32 $0xFFFFFFC0, v63  }
0x61: {  	v3 =	vor.u32 v3, v4  }
0x62: {  	v4 =	vperm.xlane v3, v0;
	_ =	sdelay $0x1  }
0x63: {  	v4 =	vadd.s32 v1, v4;
	_ =	sdelay $0x4  }
0x64: {  	[tilespmem:s23], [sflag:$0x1] =	stream.indirect_vreg.gather [hbm4b:s2+s3], $0x80, v4, vm0, $0xb8;
	[tilespmem:$0x10080] =	vst v63  }
0x65: {  	v3 =	vperm.xlane v3, v2  }
0x66: {  	[tilespmem:s24], [sflag:$0x1] =	stream.indirect_vreg.gather [hbm4b:s4+s3], $0x80, v4, vm0, $0xb8;
	[tilespmem:$0x10080] =	vst v63  }
0x67: {  	v3 =	vadd.s32 v1, v3  }
0x68: {  	[tilespmem:s25], [sflag:$0x1] =	stream.indirect_vreg.gather [hbm4b:s5+s3], $0x80, v4, vm0, $0xb8;
	[tilespmem:$0x10080] =	vst v63  }
0x69: {  	_ = 	snop  }
0x6a: {  	[tilespmem:s26], [sflag:$0x1] =	stream.indirect_vreg.gather [hbm4b:s6+s3], $0x80, v4, vm0, $0xb8;
	[tilespmem:$0x10080] =	vst v63  }
0x6b: {  	_ = 	snop  }
0x6c: {  	[tilespmem:s28], [sflag:$0x1] =	stream.indirect_vreg.gather [hbm4b:s2+s3], $0x80, v3, vm0, $0xb8;
	[tilespmem:$0x10080] =	vst v63  }
0x6d: {  	_ = 	snop  }
0x6e: {  	[tilespmem:s29], [sflag:$0x1] =	stream.indirect_vreg.gather [hbm4b:s4+s3], $0x80, v3, vm0, $0xb8;
	[tilespmem:$0x10080] =	vst v63  }
0x6f: {  	_ = 	snop  }
0x70: {  	[tilespmem:s30], [sflag:$0x1] =	stream.indirect_vreg.gather [hbm4b:s5+s3], $0x80, v3, vm0, $0xb8;
	[tilespmem:$0x10080] =	vst v63  }
0x71: {  	_ = 	snop  }
0x72: {  	[tilespmem:s31], [sflag:$0x1] =	stream.indirect_vreg.gather [hbm4b:s6+s3], $0x80, v3, vm0, $0xb8;
	[tilespmem:$0x10080] =	vst v63  }
0x73: {  	_ =	swait.ge [sflag:s1], $0x10000  }
0x74: {  	p0 =	sne.s32 s7, $0x1;
	[sflag:s1] =	ssyncset.done $0x0  }
.Ltmp0:
0x75: {  	s10 =	rddreg [dreg:$0x4];
	[sflag:s1] =	ssyncadd.s32 $0xFFFF0000;
	(pc) =	sbr.rel @p0 .LBB2_1-.Ltmp0, $4  }
0x76: {  	[hbm4b:s10+s3] =	stream.linear.scatter [tilespmem:s9], [sflag:$0x2], $0x10000, $0x38;
	[tilespmem:$0x10080] =	vst v63  }
0x77: {  	_ =	swait.ge [sflag:s8], $0x10000  }
0x78: {  	[sflag:s8] =	ssyncset.done $0x0  }
0x79: {  	s7 =	sadd.s32 $0xFFFFFFFF, s7;
	[sflag:s8] =	ssyncadd.s32 $0xFFFF0000  }
0x7a: {  	_ =	sfence.sel $0x180000  }
0x7b: {  	[bflag:$0x0] =	sbarrier.arrive $0xFFFF  }
0x7c: {  	_ =	strace $0x9000006E  }
0x7d: {  	s0 =	stileid.u32;
	[bflag:$0x2] =	sbarrier.arrive $0xFFFF  }
0x7e: {  	p0 =	sne.s32 s0, $0x0;
	s0 =	rddreg [dreg:$0x2]  }
0x7f: {  	s0 =	sadd.s32 @!p0 $0x100000, s0  }
0x80: {  	[sflag:s0] =	ssyncadd.tile.s32 @!p0 $0x1;
	_ =	shalt  }
.Lfunc_end2:
_tile_overlayer_lowered:
.L_overlay_start_2:
0x81: {  	(tag) =	ssettag $0x2  }
0x82: {  	s0 =	rddreg [dreg:$0x0];
	s2 =	stileid.u32  }
0x83: {  	s1 =	rddreg [dreg:$0x1];
	p0 =	sne.s32 s2, $0x0  }
0x84: {  	s3 =	rddreg [dreg:$0x2];
	[bflag:$0x3] =	sbarrier.arrive $0xFFFF;
	s2 =	simm.s32 @!p0 $0x1C02  }
0x85: {  	[timem:s3], [sflag:s2] =	dma.local @!p0 [hbm:s0], s1  }
0x86: {  	s0 =	simm.s32 @!p0 $0x2  }
0x87: {  	_ =	swait.ge @!p0 [sflag:s0], s1  }
0x88: {  	s1 =	ssub.s32 @!p0 $0x0, s1;
	[sflag:s0] =	ssyncset.done @!p0 $0x0  }
0x89: {  	[sflag:s0] =	ssyncadd.s32 @!p0 s1  }
0x8a: {  	[bflag:$0x3] =	sbarrier.arrive $0xFFFF  }
0x8b: {  	_ =	shalt  }

// kernel: kernel.40.cloned.1.call-start
scs
__scs_entry_jumppad:
0x0: {  	(pc) =	sbr.rel $0x88, $3  }
0x1: {  	(tag) =	ssettag $0x0;
	lr =	simm.s32 $0x1  }
0x2: {  	[smem:$0x3F8E] =	sst lr;
	_ =	strace $0xD0000000  }
0x3: {  	_ = 	snop  }
0x4: {  	_ = 	snop  }
0x5: {  	_ = 	snop  }
0x6: {  	_ = 	snop  }
0x7: {  	_ = 	snop  }
__scs_overlays_trampoline_lowered:
0x8: {  	[smem:$0x3F9D] =	sst s0  }
0x9: {  	[smem:$0x3F9E] =	sst s1  }
0xa: {  	[smem:$0x3F9F] =	sst s2  }
0xb: {  	[smem:$0x3FA0] =	sst s3  }
0xc: {  	[smem:$0x3FA1] =	sst s4  }
0xd: {  	[smem:$0x3FA2] =	sst s5  }
0xe: {  	[smem:$0x3FA3] =	sst s6  }
0xf: {  	[smem:$0x3FA4] =	sst s7  }
0x10: {  	[smem:$0x3FA5] =	sst s8  }
0x11: {  	[smem:$0x3FA6] =	sst s9;
	s0 =	simm.s32 @!p0 $0x0  }
0x12: {  	s1 =	sld [smem:$0x3F8C];
	s0 =	simm.s32 @p0 $0x1  }
0x13: {  	[smem:$0x3FA7] =	sst s0;
	s0 =	simm.s32 @!p1 $0x0  }
0x14: {  	s2 =	sld [smem:$0x3F8B];
	s0 =	simm.s32 @p1 $0x1  }
0x15: {  	[smem:$0x3FA8] =	sst s0;
	s0 =	simm.s32 @!p2 $0x0  }
0x16: {  	s3 =	sld [smem:$0x3FDB];
	s0 =	simm.s32 @p2 $0x1  }
0x17: {  	s4 =	simm.s32 $0x1BF5;
	[smem:$0x3FAA] =	sst s0  }
0x18: {  	s0 =	sld [smem:$0x3F8D];
	_ =	swait.ge [sflag:s4], $0x0  }
0x19: {  	s7 =	sld [smem:$0x3F8E]  }
0x1a: {  	s8 =	sadd.s32 $0xFFFFE003, lr  }
0x1b: {  	s9 =	sadd.s32 $0xFFFFFEF7, lr;
	s5 =	simm.s32 $0xFFFFFFFF;
	p2 =	slt.u32 s8, $0xFFFFF086  }
0x1c: {  	p1 =	slt.u32 s9, $0xF7A;
	s5 =	simm.s32 @!p2 $0x0  }
0x1d: {  	s5 =	simm.s32 @p1 $0x1;
	p0 =	seq.s32 s7, s2  }
0x1e: {  	s7 =	smul.u32 @!p0 $0xF7A, s2;
	p2 =	seq.s32 @!p0 s5, $0x0  }
0x1f: {  	s9 =	smul.u32 $0xF7A, s1;
	s8 =	simm.s32 @!p0 $0x1BF5;
	p2 =	por !p2, p0  }
0x20: {  	[sflag:s8] =	ssyncset.s32 @!p0 $0xFFFFF086;
	s6 =	sadd.s32 @!p0 s3, s7;
	s7 =	simm.s32 @!p0 $0x108  }
0x21: {  	s3 =	sadd.s32 s3, s9;
	s6 =	sadd.s32 @!p0 $0x88, s6;
	s7 =	simm.s32 @p2 $0x1082  }
0x22: {  	[simem:s7], [sflag:s8] =	dma.local @!p0 [hbm:s6], $0xF7A  }
0x23: {  	s9 =	sor.u32 $0xD0000000, s2;
	s6 =	simm.s32 $0x108;
	_ =	swait.ge @!p0 [sflag:s8], $0x0  }
0x24: {  	s3 =	sadd.s32 $0x88, s3;
	s6 =	simm.s32 @!p1 $0x1082;
	[sflag:s4] =	ssyncset.s32 $0xFFFFF086  }
0x25: {  	[simem:s6], [sflag:s4] =	dma.local [hbm:s3], $0xF7A  }
0x26: {  	[smem:$0x3F8E] =	sst s1;
	(tag) =	ssettag s2;
	_ =	strace s9  }
0x27: {  	s1 =	sld [smem:$0x3F9E]  }
0x28: {  	s2 =	sld [smem:$0x3F9F]  }
0x29: {  	s4 =	sld [smem:$0x3FA1]  }
0x2a: {  	p0 =	seq.s32 s5, $0x0;
	s5 =	sld [smem:$0x3FA2]  }
0x2b: {  	s6 =	sld [smem:$0x3FA3]  }
0x2c: {  	s7 =	sld [smem:$0x3FA4]  }
0x2d: {  	s3 =	simm.s32 $0x108;
	s8 =	sld [smem:$0x3FA5]  }
0x2e: {  	s3 =	simm.s32 @!p0 $0x1082;
	s9 =	sld [smem:$0x3FA6]  }
0x2f: {  	lr =	sadd.s32 s0, s3;
	s0 =	sld [smem:$0x3F9D]  }
0x30: {  	s3 =	sld [smem:$0x3FA0]  }
0x31: {  	[smem:$0x3FA9] =	sst s10  }
0x32: {  	s10 =	sld [smem:$0x3FA7];
	_ =	sdelay $0x3  }
0x33: {  	p0 =	seq.s32 s10, $0x1;
	s10 =	sld [smem:$0x3FA9];
	_ =	sdelay $0x3  }
0x34: {  	[smem:$0x3FA9] =	sst s10  }
0x35: {  	s10 =	sld [smem:$0x3FA8];
	_ =	sdelay $0x3  }
0x36: {  	p1 =	seq.s32 s10, $0x1;
	s10 =	sld [smem:$0x3FA9];
	_ =	sdelay $0x3  }
0x37: {  	[smem:$0x3FA9] =	sst s10  }
0x38: {  	s10 =	sld [smem:$0x3FAA]  }
0x39: {  	_ = 	snop;
	(pc) =	sbr.ind lr, $3  }
0x3a: {  	_ = 	snop  }
0x3b: {  	_ = 	snop  }
0x3c: {  	p2 =	seq.s32 s10, $0x1;
	s10 =	sld [smem:$0x3FA9]  }
0x3d: {  	_ =	shalt  }
0x3e: {  	_ =	shalt  }
0x3f: {  	_ =	shalt  }
0x40: {  	_ =	shalt  }
0x41: {  	_ =	shalt  }
0x42: {  	_ =	shalt  }
0x43: {  	_ =	shalt  }
0x44: {  	_ =	shalt  }
0x45: {  	_ =	shalt  }
0x46: {  	_ =	shalt  }
0x47: {  	_ =	shalt  }
0x48: {  	_ =	shalt  }
0x49: {  	_ =	shalt  }
0x4a: {  	_ =	shalt  }
0x4b: {  	_ =	shalt  }
0x4c: {  	_ =	shalt  }
0x4d: {  	_ =	shalt  }
0x4e: {  	_ =	shalt  }
0x4f: {  	_ =	shalt  }
0x50: {  	_ =	shalt  }
0x51: {  	_ =	shalt  }
0x52: {  	_ =	shalt  }
0x53: {  	_ =	shalt  }
0x54: {  	_ =	shalt  }
0x55: {  	_ =	shalt  }
0x56: {  	_ =	shalt  }
0x57: {  	_ =	shalt  }
0x58: {  	_ =	shalt  }
0x59: {  	_ =	shalt  }
0x5a: {  	_ =	shalt  }
0x5b: {  	_ =	shalt  }
0x5c: {  	_ =	shalt  }
0x5d: {  	_ =	shalt  }
0x5e: {  	_ =	shalt  }
0x5f: {  	_ =	shalt  }
0x60: {  	_ =	shalt  }
0x61: {  	_ =	shalt  }
0x62: {  	_ =	shalt  }
0x63: {  	_ =	shalt  }
0x64: {  	_ =	shalt  }
0x65: {  	_ =	shalt  }
0x66: {  	_ =	shalt  }
0x67: {  	_ =	shalt  }
0x68: {  	_ =	shalt  }
0x69: {  	_ =	shalt  }
0x6a: {  	_ =	shalt  }
0x6b: {  	_ =	shalt  }
0x6c: {  	_ =	shalt  }
0x6d: {  	_ =	shalt  }
0x6e: {  	_ =	shalt  }
0x6f: {  	_ =	shalt  }
0x70: {  	_ =	shalt  }
0x71: {  	_ =	shalt  }
0x72: {  	_ =	shalt  }
0x73: {  	_ =	shalt  }
0x74: {  	_ =	shalt  }
0x75: {  	_ =	shalt  }
0x76: {  	_ =	shalt  }
0x77: {  	_ =	shalt  }
0x78: {  	_ =	shalt  }
0x79: {  	_ =	shalt  }
0x7a: {  	_ =	shalt  }
0x7b: {  	_ =	shalt  }
0x7c: {  	_ =	shalt  }
0x7d: {  	_ =	shalt  }
0x7e: {  	_ =	shalt  }
0x7f: {  	_ =	shalt  }
0x80: {  	_ =	shalt  }
0x81: {  	_ =	shalt  }
0x82: {  	_ =	shalt  }
0x83: {  	_ =	shalt  }
0x84: {  	_ =	shalt  }
0x85: {  	_ =	shalt  }
0x86: {  	_ =	shalt  }
0x87: {  	_ =	shalt  }
.Lfunc_end0:
.L_simem_size_0:
called_computation.12_lowered:
.L_overlay_start_0:
0x88: {  	s2 =	sld [smem:$0x3FD9]  }
0x89: {  	s3 =	sld [smem:$0x3FFE];
	_ =	sdelay $0x1  }
0x8a: {  	s1 =	srdreg.scid  }
0x8b: {  	s0 =	sand.u32 $0x1, s1  }
0x8c: {  	s17 =	sshll.u32 s0, $0xA;
	s2 =	sadd.s32 s3, s2  }
0x8d: {  	s2 =	sadd.s32 s2, s17  }
0x8e: {  	[smem:$0x3FB5] =	sst s2  }
0x8f: {  	_ = 	snop  }
0x90: {  	s2 =	sld [smem:$0x3FD0];
	(tm) =	ssettm $0x1  }
0x91: {  	s18 =	sld [smem:$0x3FFB];
	_ =	sdelay $0x3  }
0x92: {  	_ =	strace s18  }
0x93: {  	s3 =	sld [smem:$0x3FFC];
	_ =	sdelay $0x3  }
0x94: {  	_ =	strace s3  }
0x95: {  	s3 =	sld [smem:$0x3FFD];
	_ =	sdelay $0x3  }
0x96: {  	_ =	strace s3  }
0x97: {  	_ =	strace $0x8FFFFFFF  }
0x98: {  	s19 =	sld [smem:$0x3FDB];
	_ =	sdelay $0x1  }
0x99: {  	s4 =	simm.s32 $_scs_section_size  }
0x9a: {  	s5 =	simm.s32 $_size__tile_overlayer_lowered;
	s6 =	simm.s32 $_tile_overlayer_lowered  }
0x9b: {  	s22 =	simm.s32 $0x1BFF;
	s21 =	sshll.u32 s6, $0x1;
	s3 =	sadd.s32 s4, s19  }
0x9c: {  	s7 =	simm.s32 $0x0;
	s20 =	sshll.u32 s5, $0x1;
	s5 =	sadd.s32 s21, s3  }
0x9d: {  	[timem:s7], [sflag:s22] =	dma.local [hbm:s5], s20  }
0x9e: {  	_ =	swait.ge [sflag:s22], s20  }
0x9f: {  	s4 =	ssub.s32 $0x0, s20;
	[sflag:s22] =	ssyncset.done $0x0  }
0xa0: {  	[sflag:s22] =	ssyncadd.s32 s4;
	_ =	sdelay $0x1  }
0xa1: {  	s23 =	simm.s32 $0x1B8B  }
0xa2: {  	_ =	swait.ge [sflag:s23], $0x1  }
0xa3: {  	[sflag:s23] =	ssyncset.done $0x0  }
0xa4: {  	s25 =	simm.s32 $0x1B8E;
	s24 =	sld [smem:$0x3FFE];
	[sflag:s23] =	ssyncadd.s32 $0xFFFFFFFF  }
0xa5: {  	s26 =	simm.s32 $execute0_lowered;
	[smem:$0x3FD2] =	sst s25  }
0xa6: {  	s5 =	sshll.u32 s26, $0x1;
	_ =	strace $0x8000006A;
	[dreg:$0x1] =	wrdreg $0xFFFFFFFF  }
0xa7: {  	s28 =	simm.s32 $_size_execute0_lowered;
	s3 =	sadd.s32 s3, s5;
	[dreg:$0x0] =	wrdreg $0x0  }
0xa8: {  	s5 =	sshll.u32 s28, $0x1;
	[dreg:$0x2] =	wrdreg s3  }
0xa9: {  	[dreg:$0x3] =	wrdreg s5  }
0xaa: {  	[dreg:$0x4] =	wrdreg $0xC0  }
0xab: {  	_ =	task [dreg:s7], $0x5FFFF  }
0xac: {  	[dreg:$0x1] =	wrdreg $0xFFFFFFFF  }
0xad: {  	[dreg:$0x0] =	wrdreg $0x60  }
0xae: {  	[dreg:$0x2] =	wrdreg s2  }
0xaf: {  	[dreg:$0x3] =	wrdreg s24  }
0xb0: {  	[dreg:$0x4] =	wrdreg $0xA  }
0xb1: {  	_ =	task.clear_ibuf [dreg:s7], $0x5FFFF;
	_ =	strace $0x9000006A  }
0xb2: {  	s29 =	simm.s32 $0xA;
	_ =	strace $0x8000006C  }
0xb3: {  	_ =	swait.ge [sflag:s29], $0x1  }
0xb4: {  	[sflag:s29] =	ssyncadd.s32 $0xFFFFFFFF  }
0xb5: {  	_ =	strace $0x9000006C  }
0xb6: {  	_ =	sfence  }
0xb7: {  	s30 =	sld [smem:$0x0];
	_ =	sdelay $0x2  }
0xb8: {  	s31 =	sshll.u32 s1, $0xD;
	s1 =	sshrl.u32 s1, $0x2  }
0xb9: {  	s3 =	sand.u32 $0x4000, s31;
	s1 =	sadd.s32 s1, s30  }
0xba: {  	s0 =	sor.u32 s3, s0;
	s1 =	sshll.u32 s1, $0x11  }
0xbb: {  	s0 =	sor.u32 s1, s0  }
0xbc: {  	s0 =	sadd.s32 $0x8F2B, s0  }
0xbd: {  	[sflag:s0] =	ssyncadd.remote.s32 $0x1  }
0xbe: {  	_ =	sfence.sel $0xFFFF  }
0xbf: {  	[dreg:$0x0] =	wrdreg $0xFFFFFFFF;
	(pc) =	sbr.abs _section_cstart, $3  }
0xc0: {  	[dreg:$0x1] =	wrdreg $0xFFFFFFFF  }
0xc1: {  	_ =	task.clear_ibuf [dreg:s7], $0x2FFFF;
	_ =	strace $0x9FFFFFFF  }
0xc2: {  	(tm) =	ssettm $0x7FFFFFFF  }
0xc3: {  	_ =	shalt  }
tec
execute0_lowered:
.L_overlay_start_1:
0x0: {  	(tag) =	ssettag $0x1  }
0x1: {  	s1 =	srdreg.scid  }
0x2: {  	s0 =	stileid.u32;
	s2 =	rddreg [dreg:$0x0]  }
0x3: {  	s5 =	rddreg [dreg:$0x1];
	s18 =	simm.s32 $0x880;
	s19 =	simm.s32 $0x1080  }
0x4: {  	s20 =	simm.s32 $0x1880;
	s22 =	simm.s32 $0x2080;
	s23 =	simm.s32 $0x2880  }
0x5: {  	s24 =	simm.s32 $0x3080;
	s7 =	simm.s32 $0x3880;
	s8 =	simm.s32 $0x4080  }
0x6: {  	s25 =	simm.s32 $0x4880;
	s26 =	simm.s32 $0x5080;
	s1 =	sand.u32 $0x1, s1  }
0x7: {  	s9 =	simm.s32 $0x80;
	s3 =	sshll.u32 s0, $0x7;
	s4 =	sshll.u32 s1, $0x6  }
0x8: {  	s11 =	simm.s32 $0x6080;
	s4 =	sor.u32 s4, s3;
	s3 =	simm.s32 $0x0  }
0x9: {  	s12 =	simm.s32 $0x6880;
	s13 =	simm.s32 $0x7080;
	[smem:$0x7FF] =	sst s3  }
0xa: {  	s14 =	simm.s32 $0x7880;
	_ =	strace $0x8000006B;
	[dreg:$0x5] =	wrdreg s18  }
0xb: {  	s15 =	simm.s32 $0x8080;
	s16 =	simm.s32 $0x8880;
	[dreg:$0x6] =	wrdreg s19  }
0xc: {  	s28 =	simm.s32 $0xE080;
	s29 =	simm.s32 $0xE880;
	[dreg:$0x7] =	wrdreg s20  }
0xd: {  	s30 =	simm.s32 $0xF080;
	s1 =	ssub.s32 $0x2, s1;
	[dreg:$0x8] =	wrdreg s22  }
0xe: {  	s31 =	simm.s32 $0xF880;
	s21 =	sshrl.u32 s1, $0x1;
	[dreg:$0x9] =	wrdreg s23  }
0xf: {  	s6 =	sshrl.u32 s4, $0x3;
	s4 =	sshll.u32 s4, $0x7;
	[dreg:$0xa] =	wrdreg s24  }
0x10: {  	s1 =	ssub.s32 s1, s21;
	s21 =	simm.s32 $0xB080;
	[dreg:$0xb] =	wrdreg s7  }
0x11: {  	s6 =	sadd.s32 s6, s5;
	s4 =	sadd.s32 s4, s5;
	[dreg:$0xc] =	wrdreg s8  }
0x12: {  	s5 =	sadd.s32 $0x200, s2;
	s7 =	smax.u32 s1, $0x1;
	[dreg:$0xd] =	wrdreg s25  }
0x13: {  	s8 =	simm.s32 $0x2;
	[dreg:$0xe] =	wrdreg s26;
	s18 =	simm.s32 $0x9880  }
0x14: {  	s19 =	simm.s32 $0xA080;
	s20 =	simm.s32 $0xA880;
	s22 =	simm.s32 $0xB880  }
0x15: {  	s23 =	simm.s32 $0xC080;
	s24 =	simm.s32 $0xC880;
	s25 =	simm.s32 $0xD080  }
0x16: {  	v2 =	vlaneseq.u32;
	s26 =	simm.s32 $0xD880;
	s1 =	simm.s32 $0x1;
	s17 =	sadd.s32 $0xB800, s6  }
0x17: {  	vm0 =	vmmov $0xffff;
	v1 =	vshrl.u32 v2, $0x3;
	s4 =	sadd.s32 $0xAF600, s4;
	s6 =	sadd.s32 $0x300, s2;
	[dreg:$0x3] =	wrdreg s17  }
0x18: {  	v0 =	vand.u32 $0x7, v2;
	v2 =	vor.u32 $0x8, v2;
	v1 =	vmul.u32 $0x8, v1;
	[dreg:$0x4] =	wrdreg s4;
	s4 =	sadd.s32 $0x100, s2;
	s17 =	simm.s32 $0x9080  }
.LBB2_1:
0x19: {  	s0 =	rddreg [dreg:$0x3]  }
0x1a: {  	[tilespmem:s3], [sflag:$0x2] =	stream.linear.gather [hbm4b:s0+s3], $0x40, $0x38;
	[tilespmem:$0x10080] =	vst v63  }
0x1b: {  	_ =	swait.ge [sflag:s8], $0x40  }
0x1c: {  	[sflag:s8] =	ssyncset.done $0x0  }
0x1d: {  	[sflag:s8] =	ssyncadd.s32 $0xFFFFFFC0  }
0x1e: {  	v3 =	vld [tilespmem:$0x0];
	_ =	sdelay $0x4  }
0x1f: {  	v4 =	vshll.u32 v3, $0x3  }
0x20: {  	v3 =	vand.u32 $0x7, v3;
	v4 =	vand.u32 $0xFFFFFFC0, v4  }
0x21: {  	v3 =	vor.u32 v3, v4  }
0x22: {  	v4 =	vperm.xlane v3, v0;
	_ =	sdelay $0x1  }
0x23: {  	v4 =	vadd.s32 v1, v4;
	_ =	sdelay $0x4  }
0x24: {  	[tilespmem:s9], [sflag:$0x1] =	stream.indirect_vreg.gather [hbm4b:s2+s3], $0x80, v4, vm0, $0xb8;
	[tilespmem:$0x10080] =	vst v63  }
0x25: {  	s0 =	rddreg [dreg:$0x5];
	v3 =	vperm.xlane v3, v2  }
0x26: {  	[tilespmem:s0], [sflag:$0x1] =	stream.indirect_vreg.gather [hbm4b:s4+s3], $0x80, v4, vm0, $0xb8;
	[tilespmem:$0x10080] =	vst v63  }
0x27: {  	s10 =	rddreg [dreg:$0x6];
	v3 =	vadd.s32 v1, v3  }
0x28: {  	[tilespmem:s10], [sflag:$0x1] =	stream.indirect_vreg.gather [hbm4b:s5+s3], $0x80, v4, vm0, $0xb8;
	[tilespmem:$0x10080] =	vst v63  }
0x29: {  	s0 =	rddreg [dreg:$0x7]  }
0x2a: {  	[tilespmem:s0], [sflag:$0x1] =	stream.indirect_vreg.gather [hbm4b:s6+s3], $0x80, v4, vm0, $0xb8;
	[tilespmem:$0x10080] =	vst v63  }
0x2b: {  	s10 =	rddreg [dreg:$0x8]  }
0x2c: {  	[tilespmem:s10], [sflag:$0x1] =	stream.indirect_vreg.gather [hbm4b:s2+s3], $0x80, v3, vm0, $0xb8;
	[tilespmem:$0x10080] =	vst v63  }
0x2d: {  	s0 =	rddreg [dreg:$0x9]  }
0x2e: {  	[tilespmem:s0], [sflag:$0x1] =	stream.indirect_vreg.gather [hbm4b:s4+s3], $0x80, v3, vm0, $0xb8;
	[tilespmem:$0x10080] =	vst v63  }
0x2f: {  	s10 =	rddreg [dreg:$0xa]  }
0x30: {  	[tilespmem:s10], [sflag:$0x1] =	stream.indirect_vreg.gather [hbm4b:s5+s3], $0x80, v3, vm0, $0xb8;
	[tilespmem:$0x10080] =	vst v63  }
0x31: {  	s0 =	rddreg [dreg:$0xb]  }
0x32: {  	[tilespmem:s0], [sflag:$0x1] =	stream.indirect_vreg.gather [hbm4b:s6+s3], $0x80, v3, vm0, $0xb8;
	[tilespmem:$0x10080] =	vst v63  }
0x33: {  	v3 =	vld [tilespmem:$0x10];
	_ =	sdelay $0x4  }
0x34: {  	v61 =	vshll.u32 v3, $0x3  }
0x35: {  	v3 =	vand.u32 $0x7, v3;
	v4 =	vand.u32 $0xFFFFFFC0, v61  }
0x36: {  	v3 =	vor.u32 v3, v4  }
0x37: {  	v4 =	vperm.xlane v3, v0;
	_ =	sdelay $0x1  }
0x38: {  	v4 =	vadd.s32 v1, v4;
	_ =	sdelay $0x3  }
0x39: {  	s0 =	rddreg [dreg:$0xc]  }
0x3a: {  	[tilespmem:s0], [sflag:$0x1] =	stream.indirect_vreg.gather [hbm4b:s2+s3], $0x80, v4, vm0, $0xb8;
	[tilespmem:$0x10080] =	vst v63  }
0x3b: {  	s10 =	rddreg [dreg:$0xd];
	v3 =	vperm.xlane v3, v2  }
0x3c: {  	[tilespmem:s10], [sflag:$0x1] =	stream.indirect_vreg.gather [hbm4b:s4+s3], $0x80, v4, vm0, $0xb8;
	[tilespmem:$0x10080] =	vst v63  }
0x3d: {  	v3 =	vadd.s32 v1, v3;
	s0 =	rddreg [dreg:$0xe]  }
0x3e: {  	[tilespmem:s0], [sflag:$0x1] =	stream.indirect_vreg.gather [hbm4b:s5+s3], $0x80, v4, vm0, $0xb8;
	[tilespmem:$0x10080] =	vst v63  }
0x3f: {  	s10 =	simm.s32 $0x5880  }
0x40: {  	[tilespmem:s10], [sflag:$0x1] =	stream.indirect_vreg.gather [hbm4b:s6+s3], $0x80, v4, vm0, $0xb8;
	[tilespmem:$0x10080] =	vst v63  }
0x41: {  	_ = 	snop  }
0x42: {  	[tilespmem:s11], [sflag:$0x1] =	stream.indirect_vreg.gather [hbm4b:s2+s3], $0x80, v3, vm0, $0xb8;
	[tilespmem:$0x10080] =	vst v63  }
0x43: {  	_ = 	snop  }
0x44: {  	[tilespmem:s12], [sflag:$0x1] =	stream.indirect_vreg.gather [hbm4b:s4+s3], $0x80, v3, vm0, $0xb8;
	[tilespmem:$0x10080] =	vst v63  }
0x45: {  	_ = 	snop  }
0x46: {  	[tilespmem:s13], [sflag:$0x1] =	stream.indirect_vreg.gather [hbm4b:s5+s3], $0x80, v3, vm0, $0xb8;
	[tilespmem:$0x10080] =	vst v63  }
0x47: {  	_ = 	snop  }
0x48: {  	[tilespmem:s14], [sflag:$0x1] =	stream.indirect_vreg.gather [hbm4b:s6+s3], $0x80, v3, vm0, $0xb8;
	[tilespmem:$0x10080] =	vst v63  }
0x49: {  	v3 =	vld [tilespmem:$0x20];
	_ =	sdelay $0x4  }
0x4a: {  	v62 =	vshll.u32 v3, $0x3  }
0x4b: {  	v3 =	vand.u32 $0x7, v3;
	v4 =	vand.u32 $0xFFFFFFC0, v62  }
0x4c: {  	v3 =	vor.u32 v3, v4  }
0x4d: {  	v4 =	vperm.xlane v3, v0;
	_ =	sdelay $0x1  }
0x4e: {  	v4 =	vadd.s32 v1, v4;
	_ =	sdelay $0x4  }
0x4f: {  	[tilespmem:s15], [sflag:$0x1] =	stream.indirect_vreg.gather [hbm4b:s2+s3], $0x80, v4, vm0, $0xb8;
	[tilespmem:$0x10080] =	vst v63  }
0x50: {  	v3 =	vperm.xlane v3, v2  }
0x51: {  	[tilespmem:s16], [sflag:$0x1] =	stream.indirect_vreg.gather [hbm4b:s4+s3], $0x80, v4, vm0, $0xb8;
	[tilespmem:$0x10080] =	vst v63  }
0x52: {  	v3 =	vadd.s32 v1, v3  }
0x53: {  	[tilespmem:s17], [sflag:$0x1] =	stream.indirect_vreg.gather [hbm4b:s5+s3], $0x80, v4, vm0, $0xb8;
	[tilespmem:$0x10080] =	vst v63  }
0x54: {  	_ = 	snop  }
0x55: {  	[tilespmem:s18], [sflag:$0x1] =	stream.indirect_vreg.gather [hbm4b:s6+s3], $0x80, v4, vm0, $0xb8;
	[tilespmem:$0x10080] =	vst v63  }
0x56: {  	_ = 	snop  }
0x57: {  	[tilespmem:s19], [sflag:$0x1] =	stream.indirect_vreg.gather [hbm4b:s2+s3], $0x80, v3, vm0, $0xb8;
	[tilespmem:$0x10080] =	vst v63  }
0x58: {  	_ = 	snop  }
0x59: {  	[tilespmem:s20], [sflag:$0x1] =	stream.indirect_vreg.gather [hbm4b:s4+s3], $0x80, v3, vm0, $0xb8;
	[tilespmem:$0x10080] =	vst v63  }
0x5a: {  	_ = 	snop  }
0x5b: {  	[tilespmem:s21], [sflag:$0x1] =	stream.indirect_vreg.gather [hbm4b:s5+s3], $0x80, v3, vm0, $0xb8;
	[tilespmem:$0x10080] =	vst v63  }
0x5c: {  	_ = 	snop  }
0x5d: {  	[tilespmem:s22], [sflag:$0x1] =	stream.indirect_vreg.gather [hbm4b:s6+s3], $0x80, v3, vm0, $0xb8;
	[tilespmem:$0x10080] =	vst v63  }
0x5e: {  	v3 =	vld [tilespmem:$0x30];
	_ =	sdelay $0x4  }
0x5f: {  	v63 =	vshll.u32 v3, $0x3  }
0x60: {  	v3 =	vand.u32 $0x7, v3;
	v4 =	vand.u32 $0xFFFFFFC0, v63  }
0x61: {  	v3 =	vor.u32 v3, v4  }
0x62: {  	v4 =	vperm.xlane v3, v0;
	_ =	sdelay $0x1  }
0x63: {  	v4 =	vadd.s32 v1, v4;
	_ =	sdelay $0x4  }
0x64: {  	[tilespmem:s23], [sflag:$0x1] =	stream.indirect_vreg.gather [hbm4b:s2+s3], $0x80, v4, vm0, $0xb8;
	[tilespmem:$0x10080] =	vst v63  }
0x65: {  	v3 =	vperm.xlane v3, v2  }
0x66: {  	[tilespmem:s24], [sflag:$0x1] =	stream.indirect_vreg.gather [hbm4b:s4+s3], $0x80, v4, vm0, $0xb8;
	[tilespmem:$0x10080] =	vst v63  }
0x67: {  	v3 =	vadd.s32 v1, v3  }
0x68: {  	[tilespmem:s25], [sflag:$0x1] =	stream.indirect_vreg.gather [hbm4b:s5+s3], $0x80, v4, vm0, $0xb8;
	[tilespmem:$0x10080] =	vst v63  }
0x69: {  	_ = 	snop  }
0x6a: {  	[tilespmem:s26], [sflag:$0x1] =	stream.indirect_vreg.gather [hbm4b:s6+s3], $0x80, v4, vm0, $0xb8;
	[tilespmem:$0x10080] =	vst v63  }
0x6b: {  	_ = 	snop  }
0x6c: {  	[tilespmem:s28], [sflag:$0x1] =	stream.indirect_vreg.gather [hbm4b:s2+s3], $0x80, v3, vm0, $0xb8;
	[tilespmem:$0x10080] =	vst v63  }
0x6d: {  	_ = 	snop  }
0x6e: {  	[tilespmem:s29], [sflag:$0x1] =	stream.indirect_vreg.gather [hbm4b:s4+s3], $0x80, v3, vm0, $0xb8;
	[tilespmem:$0x10080] =	vst v63  }
0x6f: {  	_ = 	snop  }
0x70: {  	[tilespmem:s30], [sflag:$0x1] =	stream.indirect_vreg.gather [hbm4b:s5+s3], $0x80, v3, vm0, $0xb8;
	[tilespmem:$0x10080] =	vst v63  }
0x71: {  	_ = 	snop  }
0x72: {  	[tilespmem:s31], [sflag:$0x1] =	stream.indirect_vreg.gather [hbm4b:s6+s3], $0x80, v3, vm0, $0xb8;
	[tilespmem:$0x10080] =	vst v63  }
0x73: {  	_ =	swait.ge [sflag:s1], $0x10000  }
0x74: {  	p0 =	sne.s32 s7, $0x1;
	[sflag:s1] =	ssyncset.done $0x0  }
.Ltmp0:
0x75: {  	s10 =	rddreg [dreg:$0x4];
	[sflag:s1] =	ssyncadd.s32 $0xFFFF0000;
	(pc) =	sbr.rel @p0 .LBB2_1-.Ltmp0, $4  }
0x76: {  	[hbm4b:s10+s3] =	stream.linear.scatter [tilespmem:s9], [sflag:$0x2], $0x10000, $0x38;
	[tilespmem:$0x10080] =	vst v63  }
0x77: {  	_ =	swait.ge [sflag:s8], $0x10000  }
0x78: {  	[sflag:s8] =	ssyncset.done $0x0  }
0x79: {  	s7 =	sadd.s32 $0xFFFFFFFF, s7;
	[sflag:s8] =	ssyncadd.s32 $0xFFFF0000  }
0x7a: {  	_ =	sfence.sel $0x180000  }
0x7b: {  	[bflag:$0x0] =	sbarrier.arrive $0xFFFF  }
0x7c: {  	_ =	strace $0x9000006B  }
0x7d: {  	s0 =	stileid.u32;
	[bflag:$0x2] =	sbarrier.arrive $0xFFFF  }
0x7e: {  	p0 =	sne.s32 s0, $0x0;
	s0 =	rddreg [dreg:$0x2]  }
0x7f: {  	s0 =	sadd.s32 @!p0 $0x100000, s0  }
0x80: {  	[sflag:s0] =	ssyncadd.tile.s32 @!p0 $0x1;
	_ =	shalt  }
.Lfunc_end2:
_tile_overlayer_lowered:
.L_overlay_start_2:
0x81: {  	(tag) =	ssettag $0x2  }
0x82: {  	s0 =	rddreg [dreg:$0x0];
	s2 =	stileid.u32  }
0x83: {  	s1 =	rddreg [dreg:$0x1];
	p0 =	sne.s32 s2, $0x0  }
0x84: {  	s3 =	rddreg [dreg:$0x2];
	[bflag:$0x3] =	sbarrier.arrive $0xFFFF;
	s2 =	simm.s32 @!p0 $0x1C02  }
0x85: {  	[timem:s3], [sflag:s2] =	dma.local @!p0 [hbm:s0], s1  }
0x86: {  	s0 =	simm.s32 @!p0 $0x2  }
0x87: {  	_ =	swait.ge @!p0 [sflag:s0], s1  }
0x88: {  	s1 =	ssub.s32 @!p0 $0x0, s1;
	[sflag:s0] =	ssyncset.done @!p0 $0x0  }
0x89: {  	[sflag:s0] =	ssyncadd.s32 @!p0 s1  }
0x8a: {  	[bflag:$0x3] =	sbarrier.arrive $0xFFFF  }
0x8b: {  	_ =	shalt  }

// kernel: scatter_offload_async_start.1
scs
__scs_entry_jumppad:
0x0: {  	(pc) =	sbr.rel $0x88, $3  }
0x1: {  	(tag) =	ssettag $0x0;
	lr =	simm.s32 $0x1  }
0x2: {  	[smem:$0x3F8E] =	sst lr;
	_ =	strace $0xD0000000  }
0x3: {  	_ = 	snop  }
0x4: {  	_ = 	snop  }
0x5: {  	_ = 	snop  }
0x6: {  	_ = 	snop  }
0x7: {  	_ = 	snop  }
__scs_overlays_trampoline_lowered:
0x8: {  	[smem:$0x3F9D] =	sst s0  }
0x9: {  	[smem:$0x3F9E] =	sst s1  }
0xa: {  	[smem:$0x3F9F] =	sst s2  }
0xb: {  	[smem:$0x3FA0] =	sst s3  }
0xc: {  	[smem:$0x3FA1] =	sst s4  }
0xd: {  	[smem:$0x3FA2] =	sst s5  }
0xe: {  	[smem:$0x3FA3] =	sst s6  }
0xf: {  	[smem:$0x3FA4] =	sst s7  }
0x10: {  	[smem:$0x3FA5] =	sst s8  }
0x11: {  	[smem:$0x3FA6] =	sst s9;
	s0 =	simm.s32 @!p0 $0x0  }
0x12: {  	s1 =	sld [smem:$0x3F8C];
	s0 =	simm.s32 @p0 $0x1  }
0x13: {  	[smem:$0x3FA7] =	sst s0;
	s0 =	simm.s32 @!p1 $0x0  }
0x14: {  	s2 =	sld [smem:$0x3F8B];
	s0 =	simm.s32 @p1 $0x1  }
0x15: {  	[smem:$0x3FA8] =	sst s0;
	s0 =	simm.s32 @!p2 $0x0  }
0x16: {  	s3 =	sld [smem:$0x3FDB];
	s0 =	simm.s32 @p2 $0x1  }
0x17: {  	s4 =	simm.s32 $0x1BF5;
	[smem:$0x3FAA] =	sst s0  }
0x18: {  	s0 =	sld [smem:$0x3F8D];
	_ =	swait.ge [sflag:s4], $0x0  }
0x19: {  	s7 =	sld [smem:$0x3F8E]  }
0x1a: {  	s8 =	sadd.s32 $0xFFFFE003, lr  }
0x1b: {  	s9 =	sadd.s32 $0xFFFFFEF7, lr;
	s5 =	simm.s32 $0xFFFFFFFF;
	p2 =	slt.u32 s8, $0xFFFFF086  }
0x1c: {  	p1 =	slt.u32 s9, $0xF7A;
	s5 =	simm.s32 @!p2 $0x0  }
0x1d: {  	s5 =	simm.s32 @p1 $0x1;
	p0 =	seq.s32 s7, s2  }
0x1e: {  	s7 =	smul.u32 @!p0 $0xF7A, s2;
	p2 =	seq.s32 @!p0 s5, $0x0  }
0x1f: {  	s9 =	smul.u32 $0xF7A, s1;
	s8 =	simm.s32 @!p0 $0x1BF5;
	p2 =	por !p2, p0  }
0x20: {  	[sflag:s8] =	ssyncset.s32 @!p0 $0xFFFFF086;
	s6 =	sadd.s32 @!p0 s3, s7;
	s7 =	simm.s32 @!p0 $0x108  }
0x21: {  	s3 =	sadd.s32 s3, s9;
	s6 =	sadd.s32 @!p0 $0x88, s6;
	s7 =	simm.s32 @p2 $0x1082  }
0x22: {  	[simem:s7], [sflag:s8] =	dma.local @!p0 [hbm:s6], $0xF7A  }
0x23: {  	s9 =	sor.u32 $0xD0000000, s2;
	s6 =	simm.s32 $0x108;
	_ =	swait.ge @!p0 [sflag:s8], $0x0  }
0x24: {  	s3 =	sadd.s32 $0x88, s3;
	s6 =	simm.s32 @!p1 $0x1082;
	[sflag:s4] =	ssyncset.s32 $0xFFFFF086  }
0x25: {  	[simem:s6], [sflag:s4] =	dma.local [hbm:s3], $0xF7A  }
0x26: {  	[smem:$0x3F8E] =	sst s1;
	(tag) =	ssettag s2;
	_ =	strace s9  }
0x27: {  	s1 =	sld [smem:$0x3F9E]  }
0x28: {  	s2 =	sld [smem:$0x3F9F]  }
0x29: {  	s4 =	sld [smem:$0x3FA1]  }
0x2a: {  	p0 =	seq.s32 s5, $0x0;
	s5 =	sld [smem:$0x3FA2]  }
0x2b: {  	s6 =	sld [smem:$0x3FA3]  }
0x2c: {  	s7 =	sld [smem:$0x3FA4]  }
0x2d: {  	s3 =	simm.s32 $0x108;
	s8 =	sld [smem:$0x3FA5]  }
0x2e: {  	s3 =	simm.s32 @!p0 $0x1082;
	s9 =	sld [smem:$0x3FA6]  }
0x2f: {  	lr =	sadd.s32 s0, s3;
	s0 =	sld [smem:$0x3F9D]  }
0x30: {  	s3 =	sld [smem:$0x3FA0]  }
0x31: {  	[smem:$0x3FA9] =	sst s10  }
0x32: {  	s10 =	sld [smem:$0x3FA7];
	_ =	sdelay $0x3  }
0x33: {  	p0 =	seq.s32 s10, $0x1;
	s10 =	sld [smem:$0x3FA9];
	_ =	sdelay $0x3  }
0x34: {  	[smem:$0x3FA9] =	sst s10  }
0x35: {  	s10 =	sld [smem:$0x3FA8];
	_ =	sdelay $0x3  }
0x36: {  	p1 =	seq.s32 s10, $0x1;
	s10 =	sld [smem:$0x3FA9];
	_ =	sdelay $0x3  }
0x37: {  	[smem:$0x3FA9] =	sst s10  }
0x38: {  	s10 =	sld [smem:$0x3FAA]  }
0x39: {  	_ = 	snop;
	(pc) =	sbr.ind lr, $3  }
0x3a: {  	_ = 	snop  }
0x3b: {  	_ = 	snop  }
0x3c: {  	p2 =	seq.s32 s10, $0x1;
	s10 =	sld [smem:$0x3FA9]  }
0x3d: {  	_ =	shalt  }
0x3e: {  	_ =	shalt  }
0x3f: {  	_ =	shalt  }
0x40: {  	_ =	shalt  }
0x41: {  	_ =	shalt  }
0x42: {  	_ =	shalt  }
0x43: {  	_ =	shalt  }
0x44: {  	_ =	shalt  }
0x45: {  	_ =	shalt  }
0x46: {  	_ =	shalt  }
0x47: {  	_ =	shalt  }
0x48: {  	_ =	shalt  }
0x49: {  	_ =	shalt  }
0x4a: {  	_ =	shalt  }
0x4b: {  	_ =	shalt  }
0x4c: {  	_ =	shalt  }
0x4d: {  	_ =	shalt  }
0x4e: {  	_ =	shalt  }
0x4f: {  	_ =	shalt  }
0x50: {  	_ =	shalt  }
0x51: {  	_ =	shalt  }
0x52: {  	_ =	shalt  }
0x53: {  	_ =	shalt  }
0x54: {  	_ =	shalt  }
0x55: {  	_ =	shalt  }
0x56: {  	_ =	shalt  }
0x57: {  	_ =	shalt  }
0x58: {  	_ =	shalt  }
0x59: {  	_ =	shalt  }
0x5a: {  	_ =	shalt  }
0x5b: {  	_ =	shalt  }
0x5c: {  	_ =	shalt  }
0x5d: {  	_ =	shalt  }
0x5e: {  	_ =	shalt  }
0x5f: {  	_ =	shalt  }
0x60: {  	_ =	shalt  }
0x61: {  	_ =	shalt  }
0x62: {  	_ =	shalt  }
0x63: {  	_ =	shalt  }
0x64: {  	_ =	shalt  }
0x65: {  	_ =	shalt  }
0x66: {  	_ =	shalt  }
0x67: {  	_ =	shalt  }
0x68: {  	_ =	shalt  }
0x69: {  	_ =	shalt  }
0x6a: {  	_ =	shalt  }
0x6b: {  	_ =	shalt  }
0x6c: {  	_ =	shalt  }
0x6d: {  	_ =	shalt  }
0x6e: {  	_ =	shalt  }
0x6f: {  	_ =	shalt  }
0x70: {  	_ =	shalt  }
0x71: {  	_ =	shalt  }
0x72: {  	_ =	shalt  }
0x73: {  	_ =	shalt  }
0x74: {  	_ =	shalt  }
0x75: {  	_ =	shalt  }
0x76: {  	_ =	shalt  }
0x77: {  	_ =	shalt  }
0x78: {  	_ =	shalt  }
0x79: {  	_ =	shalt  }
0x7a: {  	_ =	shalt  }
0x7b: {  	_ =	shalt  }
0x7c: {  	_ =	shalt  }
0x7d: {  	_ =	shalt  }
0x7e: {  	_ =	shalt  }
0x7f: {  	_ =	shalt  }
0x80: {  	_ =	shalt  }
0x81: {  	_ =	shalt  }
0x82: {  	_ =	shalt  }
0x83: {  	_ =	shalt  }
0x84: {  	_ =	shalt  }
0x85: {  	_ =	shalt  }
0x86: {  	_ =	shalt  }
0x87: {  	_ =	shalt  }
.Lfunc_end0:
.L_simem_size_0:
called_computation.1_lowered:
.L_overlay_start_0:
0x88: {  	s0 =	sld [smem:$0x3FD9]  }
0x89: {  	s1 =	sld [smem:$0x3FFE];
	_ =	sdelay $0x3  }
0x8a: {  	s0 =	sadd.s32 s1, s0  }
0x8b: {  	[smem:$0x3FB5] =	sst s0  }
0x8c: {  	_ = 	snop  }
0x8d: {  	s0 =	sld [smem:$0x3FD0];
	(tm) =	ssettm $0x1  }
0x8e: {  	s16 =	sld [smem:$0x3FFB];
	_ =	sdelay $0x3  }
0x8f: {  	_ =	strace s16  }
0x90: {  	s1 =	sld [smem:$0x3FFC];
	_ =	sdelay $0x3  }
0x91: {  	_ =	strace s1  }
0x92: {  	s1 =	sld [smem:$0x3FFD];
	_ =	sdelay $0x3  }
0x93: {  	_ =	strace s1  }
0x94: {  	_ =	strace $0x8FFFFFFF  }
0x95: {  	s17 =	sld [smem:$0x3FDB];
	_ =	sdelay $0x1  }
0x96: {  	s2 =	simm.s32 $_scs_section_size  }
0x97: {  	s3 =	simm.s32 $_size__tile_overlayer_lowered;
	s4 =	simm.s32 $_tile_overlayer_lowered  }
0x98: {  	s20 =	simm.s32 $0x1BFF;
	s19 =	sshll.u32 s4, $0x1;
	s1 =	sadd.s32 s2, s17  }
0x99: {  	s5 =	simm.s32 $0x0;
	s18 =	sshll.u32 s3, $0x1;
	s3 =	sadd.s32 s19, s1  }
0x9a: {  	[timem:s5], [sflag:s20] =	dma.local [hbm:s3], s18  }
0x9b: {  	_ =	swait.ge [sflag:s20], s18  }
0x9c: {  	s2 =	ssub.s32 $0x0, s18;
	[sflag:s20] =	ssyncset.done $0x0  }
0x9d: {  	[sflag:s20] =	ssyncadd.s32 s2;
	_ =	sdelay $0x1  }
0x9e: {  	s21 =	simm.s32 $0x1B8B  }
0x9f: {  	_ =	swait.ge [sflag:s21], $0x1  }
0xa0: {  	[sflag:s21] =	ssyncset.done $0x0  }
0xa1: {  	s23 =	simm.s32 $0x1B8E;
	s22 =	sld [smem:$0x3FFE];
	[sflag:s21] =	ssyncadd.s32 $0xFFFFFFFF  }
0xa2: {  	s24 =	simm.s32 $execute0_lowered;
	[smem:$0x3FD2] =	sst s23  }
0xa3: {  	s3 =	sshll.u32 s24, $0x1;
	_ =	strace $0x8000005E;
	[dreg:$0x1] =	wrdreg $0xFFFFFFFF  }
0xa4: {  	s25 =	simm.s32 $_size_execute0_lowered;
	s1 =	sadd.s32 s1, s3;
	[dreg:$0x0] =	wrdreg $0x0  }
0xa5: {  	s3 =	sshll.u32 s25, $0x1;
	[dreg:$0x2] =	wrdreg s1  }
0xa6: {  	[dreg:$0x3] =	wrdreg s3  }
0xa7: {  	[dreg:$0x4] =	wrdreg $0xC0  }
0xa8: {  	_ =	task [dreg:s5], $0x5FFFF  }
0xa9: {  	[dreg:$0x1] =	wrdreg $0xFFFFFFFF  }
0xaa: {  	[dreg:$0x0] =	wrdreg $0x60  }
0xab: {  	[dreg:$0x2] =	wrdreg s22  }
0xac: {  	[dreg:$0x3] =	wrdreg s0  }
0xad: {  	[dreg:$0x4] =	wrdreg $0x9  }
0xae: {  	_ =	task.clear_ibuf [dreg:s5], $0x5FFFF;
	_ =	strace $0x9000005E  }
0xaf: {  	s26 =	simm.s32 $0x9;
	_ =	strace $0x80000060  }
0xb0: {  	_ =	swait.ge [sflag:s26], $0x1  }
0xb1: {  	[sflag:s26] =	ssyncadd.s32 $0xFFFFFFFF  }
0xb2: {  	_ =	strace $0x90000060  }
0xb3: {  	_ =	sfence  }
0xb4: {  	s28 =	sld [smem:$0x0];
	_ =	sdelay $0x1  }
0xb5: {  	s29 =	srdreg.scid  }
0xb6: {  	s30 =	sshll.u32 s29, $0xD;
	s31 =	sshrl.u32 s29, $0x2  }
0xb7: {  	s2 =	sand.u32 $0x4000, s30;
	s1 =	sand.u32 $0x1, s29;
	s0 =	sadd.s32 s31, s28  }
0xb8: {  	s1 =	sor.u32 s2, s1;
	s0 =	sshll.u32 s0, $0x11  }
0xb9: {  	s0 =	sor.u32 s0, s1  }
0xba: {  	s0 =	sadd.s32 $0x8F2B, s0  }
0xbb: {  	[sflag:s0] =	ssyncadd.remote.s32 $0x1  }
0xbc: {  	_ =	sfence.sel $0xFFFF  }
0xbd: {  	[dreg:$0x0] =	wrdreg $0xFFFFFFFF;
	(pc) =	sbr.abs _section_cstart, $3  }
0xbe: {  	[dreg:$0x1] =	wrdreg $0xFFFFFFFF  }
0xbf: {  	_ =	task.clear_ibuf [dreg:s5], $0x2FFFF;
	_ =	strace $0x9FFFFFFF  }
0xc0: {  	(tm) =	ssettm $0x7FFFFFFF  }
0xc1: {  	_ =	shalt  }
tec
execute0_lowered:
.L_overlay_start_1:
0x0: {  	(tag) =	ssettag $0x1  }
0x1: {  	s5 =	rddreg [dreg:$0x0]  }
0x2: {  	s6 =	rddreg [dreg:$0x1]  }
0x3: {  	s0 =	rddreg [dreg:$0x2];
	_ =	strace $0x8000005F;
	s7 =	stileid.u32  }
0x4: {  	s3 =	simm.s32 $0x3E;
	s1 =	sadd.s32 $0xAC00, s5;
	p0 =	sne.s32 s7, $0x0  }
0x5: {  	[sflag:s3] =	ssyncpa.u1 $0x0;
	s4 =	simm.s32 @!p0 $0x1C3E;
	s2 =	simm.s32 @!p0 $0x0  }
0x6: {  	[spmem:s2], [sflag:s4] =	dma.local @!p0 [hbm:s1], $0x10  }
0x7: {  	s4 =	simm.s32 @!p0 $0x3E  }
0x8: {  	_ =	swait.ge @!p0 [sflag:s4], $0x10  }
0x9: {  	[sflag:s4] =	ssyncset.done @!p0 $0x0  }
0xa: {  	[sflag:s4] =	ssyncadd.s32 @!p0 $0xFFFFFFF0  }
0xb: {  	s9 =	simm.s32 $0x108;
	s8 =	sadd.s32 $0xC000, s5;
	[bflag:$0x0] =	sbarrier.arrive $0xFFFF  }
0xc: {  	s7 =	sshll.u32 s7, $0x5;
	[sflag:s3] =	ssyncpa.u1 $0x1;
	s3 =	simm.s32 $0x1  }
0xd: {  	s5 =	simm.s32 $0x0;
	s4 =	simm.s32 $0x2;
	[sflag:s3] =	ssyncpa.u1 $0x0  }
0xe: {  	s6 =	sadd.s32 s6, s7;
	(ifvalue) =	ssetifvalue $0x80;
	[sflag:s4] =	ssyncpa.u1 $0x0  }
0xf: {  	[tilespmem:s9], [sflag:$0x2] =	stream.linear.gather [hbm4b:s6+s5], $0x100, $0x38;
	[tilespmem:$0x408] =	vst v63  }
0x10: {  	s23 =	simm.s32 $0x308;
	s22 =	sadd.s32 s8, s7  }
0x11: {  	[tilespmem:s23], [sflag:$0x2] =	stream.linear.gather [hbm4b:s22+s5], $0x100, $0x38;
	[tilespmem:$0x408] =	vst v63  }
0x12: {  	_ =	swait.ge [sflag:s4], $0x200  }
0x13: {  	[sflag:s4] =	ssyncset.done $0x0  }
0x14: {  	[sflag:s4] =	ssyncadd.s32 $0xFFFFFE00  }
0x15: {  	v0 =	vld.msk [tilespmem:s9+$0x0 ss:$0x1], $0xffff;
	_ =	sdelay $0x4  }
0x16: {  	v0 =	vmin.u32 v0, $0x80;
	_ =	sdelay $0x3  }
0x17: {  	vm0 =	vmmov $0xffff;
	s24 =	simm.s32 $0x118  }
0x18: {  	[spmem:s5] =	stream.indirect_vreg.scatter.add.s32 [tilespmem:s23], [sflag:$0x1], $0x1, v0, vm0, $0x4038;
	[tilespmem:$0x408] =	vst v63  }
0x19: {  	v0 =	vld.msk [tilespmem:s24+$0x0 ss:$0x1], $0xffff;
	_ =	sdelay $0x4  }
0x1a: {  	v0 =	vmin.u32 v0, $0x80;
	_ =	sdelay $0x3  }
0x1b: {  	s25 =	simm.s32 $0x318;
	s26 =	simm.s32 $0x128  }
0x1c: {  	[spmem:s5] =	stream.indirect_vreg.scatter.add.s32 [tilespmem:s25], [sflag:$0x1], $0x1, v0, vm0, $0x4038;
	[tilespmem:$0x408] =	vst v63  }
0x1d: {  	v0 =	vld.msk [tilespmem:s26+$0x0 ss:$0x1], $0xffff;
	_ =	sdelay $0x4  }
0x1e: {  	v0 =	vmin.u32 v0, $0x80;
	_ =	sdelay $0x3  }
0x1f: {  	s28 =	simm.s32 $0x328;
	s29 =	simm.s32 $0x138  }
0x20: {  	[spmem:s5] =	stream.indirect_vreg.scatter.add.s32 [tilespmem:s28], [sflag:$0x1], $0x1, v0, vm0, $0x4038;
	[tilespmem:$0x408] =	vst v63  }
0x21: {  	v0 =	vld.msk [tilespmem:s29+$0x0 ss:$0x1], $0xffff;
	_ =	sdelay $0x4  }
0x22: {  	v0 =	vmin.u32 v0, $0x80;
	_ =	sdelay $0x3  }
0x23: {  	s30 =	simm.s32 $0x338;
	s31 =	simm.s32 $0x148  }
0x24: {  	[spmem:s5] =	stream.indirect_vreg.scatter.add.s32 [tilespmem:s30], [sflag:$0x1], $0x1, v0, vm0, $0x4038;
	[tilespmem:$0x408] =	vst v63  }
0x25: {  	v0 =	vld.msk [tilespmem:s31+$0x0 ss:$0x1], $0xffff;
	_ =	sdelay $0x4  }
0x26: {  	v0 =	vmin.u32 v0, $0x80;
	_ =	sdelay $0x3  }
0x27: {  	s7 =	simm.s32 $0x348;
	s8 =	simm.s32 $0x158  }
0x28: {  	[spmem:s5] =	stream.indirect_vreg.scatter.add.s32 [tilespmem:s7], [sflag:$0x1], $0x1, v0, vm0, $0x4038;
	[tilespmem:$0x408] =	vst v63  }
0x29: {  	v0 =	vld.msk [tilespmem:s8+$0x0 ss:$0x1], $0xffff;
	_ =	sdelay $0x4  }
0x2a: {  	v0 =	vmin.u32 v0, $0x80;
	_ =	sdelay $0x3  }
0x2b: {  	s10 =	simm.s32 $0x168;
	s9 =	simm.s32 $0x358  }
0x2c: {  	[spmem:s5] =	stream.indirect_vreg.scatter.add.s32 [tilespmem:s9], [sflag:$0x1], $0x1, v0, vm0, $0x4038;
	[tilespmem:$0x408] =	vst v63  }
0x2d: {  	v0 =	vld.msk [tilespmem:s10+$0x0 ss:$0x1], $0xffff;
	_ =	sdelay $0x4  }
0x2e: {  	v0 =	vmin.u32 v0, $0x80;
	_ =	sdelay $0x3  }
0x2f: {  	s11 =	simm.s32 $0x368;
	s12 =	simm.s32 $0x178  }
0x30: {  	[spmem:s5] =	stream.indirect_vreg.scatter.add.s32 [tilespmem:s11], [sflag:$0x1], $0x1, v0, vm0, $0x4038;
	[tilespmem:$0x408] =	vst v63  }
0x31: {  	v0 =	vld.msk [tilespmem:s12+$0x0 ss:$0x1], $0xffff;
	_ =	sdelay $0x4  }
0x32: {  	v0 =	vmin.u32 v0, $0x80;
	_ =	sdelay $0x3  }
0x33: {  	s13 =	simm.s32 $0x378;
	s14 =	simm.s32 $0x188  }
0x34: {  	[spmem:s5] =	stream.indirect_vreg.scatter.add.s32 [tilespmem:s13], [sflag:$0x1], $0x1, v0, vm0, $0x4038;
	[tilespmem:$0x408] =	vst v63  }
0x35: {  	v0 =	vld.msk [tilespmem:s14+$0x0 ss:$0x1], $0xffff;
	_ =	sdelay $0x4  }
0x36: {  	v0 =	vmin.u32 v0, $0x80;
	_ =	sdelay $0x3  }
0x37: {  	s15 =	simm.s32 $0x388;
	s16 =	simm.s32 $0x198  }
0x38: {  	[spmem:s5] =	stream.indirect_vreg.scatter.add.s32 [tilespmem:s15], [sflag:$0x1], $0x1, v0, vm0, $0x4038;
	[tilespmem:$0x408] =	vst v63  }
0x39: {  	v0 =	vld.msk [tilespmem:s16+$0x0 ss:$0x1], $0xffff;
	_ =	sdelay $0x4  }
0x3a: {  	v0 =	vmin.u32 v0, $0x80;
	_ =	sdelay $0x3  }
0x3b: {  	s17 =	simm.s32 $0x398;
	s18 =	simm.s32 $0x1A8  }
0x3c: {  	[spmem:s5] =	stream.indirect_vreg.scatter.add.s32 [tilespmem:s17], [sflag:$0x1], $0x1, v0, vm0, $0x4038;
	[tilespmem:$0x408] =	vst v63  }
0x3d: {  	v0 =	vld.msk [tilespmem:s18+$0x0 ss:$0x1], $0xffff;
	_ =	sdelay $0x4  }
0x3e: {  	v0 =	vmin.u32 v0, $0x80;
	_ =	sdelay $0x3  }
0x3f: {  	s19 =	simm.s32 $0x3A8;
	s20 =	simm.s32 $0x1B8  }
0x40: {  	[spmem:s5] =	stream.indirect_vreg.scatter.add.s32 [tilespmem:s19], [sflag:$0x1], $0x1, v0, vm0, $0x4038;
	[tilespmem:$0x408] =	vst v63  }
0x41: {  	v0 =	vld.msk [tilespmem:s20+$0x0 ss:$0x1], $0xffff;
	_ =	sdelay $0x4  }
0x42: {  	v0 =	vmin.u32 v0, $0x80;
	_ =	sdelay $0x3  }
0x43: {  	s21 =	simm.s32 $0x3B8;
	s22 =	simm.s32 $0x1C8  }
0x44: {  	[spmem:s5] =	stream.indirect_vreg.scatter.add.s32 [tilespmem:s21], [sflag:$0x1], $0x1, v0, vm0, $0x4038;
	[tilespmem:$0x408] =	vst v63  }
0x45: {  	v0 =	vld.msk [tilespmem:s22+$0x0 ss:$0x1], $0xffff;
	_ =	sdelay $0x4  }
0x46: {  	v0 =	vmin.u32 v0, $0x80;
	_ =	sdelay $0x3  }
0x47: {  	s23 =	simm.s32 $0x3C8;
	s24 =	simm.s32 $0x1D8  }
0x48: {  	[spmem:s5] =	stream.indirect_vreg.scatter.add.s32 [tilespmem:s23], [sflag:$0x1], $0x1, v0, vm0, $0x4038;
	[tilespmem:$0x408] =	vst v63  }
0x49: {  	v0 =	vld.msk [tilespmem:s24+$0x0 ss:$0x1], $0xffff;
	_ =	sdelay $0x4  }
0x4a: {  	v0 =	vmin.u32 v0, $0x80;
	_ =	sdelay $0x3  }
0x4b: {  	s25 =	simm.s32 $0x3D8;
	s26 =	simm.s32 $0x1E8  }
0x4c: {  	[spmem:s5] =	stream.indirect_vreg.scatter.add.s32 [tilespmem:s25], [sflag:$0x1], $0x1, v0, vm0, $0x4038;
	[tilespmem:$0x408] =	vst v63  }
0x4d: {  	v0 =	vld.msk [tilespmem:s26+$0x0 ss:$0x1], $0xffff;
	_ =	sdelay $0x4  }
0x4e: {  	v0 =	vmin.u32 v0, $0x80;
	_ =	sdelay $0x3  }
0x4f: {  	s28 =	simm.s32 $0x3E8;
	s29 =	simm.s32 $0x1F8  }
0x50: {  	[spmem:s5] =	stream.indirect_vreg.scatter.add.s32 [tilespmem:s28], [sflag:$0x1], $0x1, v0, vm0, $0x4038;
	[tilespmem:$0x408] =	vst v63  }
0x51: {  	v0 =	vld.msk [tilespmem:s29+$0x0 ss:$0x1], $0xffff;
	_ =	sdelay $0x4  }
0x52: {  	v0 =	vmin.u32 v0, $0x80;
	_ =	sdelay $0x3  }
0x53: {  	s30 =	simm.s32 $0x3F8  }
0x54: {  	[spmem:s5] =	stream.indirect_vreg.scatter.add.s32 [tilespmem:s30], [sflag:$0x1], $0x1, v0, vm0, $0x4038;
	[tilespmem:$0x408] =	vst v63  }
0x55: {  	_ =	swait.ge [sflag:s3], $0x100  }
0x56: {  	[sflag:s3] =	ssyncset.done $0x0  }
0x57: {  	[sflag:s3] =	ssyncadd.s32 $0xFFFFFF00  }
0x58: {  	_ =	sfence.sel $0x180000  }
0x59: {  	[bflag:$0x0] =	sbarrier.arrive $0xFFFF  }
0x5a: {  	[sflag:s4] =	ssyncpa.u1 $0x1  }
0x5b: {  	[sflag:s3] =	ssyncpa.u1 $0x1  }
0x5c: {  	_ =	sfence.stream.spmem  }
0x5d: {  	s31 =	simm.s32 $0x3D;
	[bflag:$0x0] =	sbarrier.arrive $0xFFFF  }
0x5e: {  	s3 =	simm.s32 @p0 $0x3D;
	[sflag:s31] =	ssyncpa.u1 $0x0  }
0x5f: {  	[sflag:s3] =	ssyncpa.u1 @p0 $0x1  }
0x60: {  	[bflag:$0x0] =	sbarrier.arrive @p0 $0xFFFF  }
0x61: {  	_ =	strace @p0 $0x9000005F  }
0x62: {  	s3 =	simm.s32 @!p0 $0x1C3D;
	[bflag:$0x2] =	sbarrier.arrive @p0 $0xFFFF  }
0x63: {  	[hbm:s1], [sflag:s3] =	dma.local @!p0 [spmem:s2], $0x10  }
0x64: {  	s1 =	simm.s32 @!p0 $0x3D  }
0x65: {  	_ =	swait.ge @!p0 [sflag:s1], $0x10  }
0x66: {  	[sflag:s1] =	ssyncset.done @!p0 $0x0  }
0x67: {  	[sflag:s1] =	ssyncadd.s32 @!p0 $0xFFFFFFF0  }
0x68: {  	[sflag:s1] =	ssyncpa.u1 @!p0 $0x1  }
0x69: {  	[bflag:$0x0] =	sbarrier.arrive @!p0 $0xFFFF  }
0x6a: {  	_ =	strace @!p0 $0x9000005F  }
0x6b: {  	s0 =	sadd.s32 @!p0 $0x100000, s0;
	[bflag:$0x2] =	sbarrier.arrive @!p0 $0xFFFF  }
0x6c: {  	[sflag:s0] =	ssyncadd.tile.s32 @!p0 $0x1;
	_ =	shalt  }
.Lfunc_end2:
_tile_overlayer_lowered:
.L_overlay_start_2:
0x6d: {  	(tag) =	ssettag $0x2  }
0x6e: {  	s0 =	rddreg [dreg:$0x0];
	s2 =	stileid.u32  }
0x6f: {  	s1 =	rddreg [dreg:$0x1];
	p0 =	sne.s32 s2, $0x0  }
0x70: {  	s3 =	rddreg [dreg:$0x2];
	[bflag:$0x3] =	sbarrier.arrive $0xFFFF;
	s2 =	simm.s32 @!p0 $0x1C01  }
0x71: {  	[timem:s3], [sflag:s2] =	dma.local @!p0 [hbm:s0], s1  }
0x72: {  	s0 =	simm.s32 @!p0 $0x1  }
0x73: {  	_ =	swait.ge @!p0 [sflag:s0], s1  }
0x74: {  	s1 =	ssub.s32 @!p0 $0x0, s1;
	[sflag:s0] =	ssyncset.done @!p0 $0x0  }
0x75: {  	[sflag:s0] =	ssyncadd.s32 @!p0 s1  }
0x76: {  	[bflag:$0x3] =	sbarrier.arrive $0xFFFF  }
0x77: {  	_ =	shalt  }

// kernel: scatter_offload_async_start
scs
__scs_entry_jumppad:
0x0: {  	(pc) =	sbr.rel $0x88, $3  }
0x1: {  	(tag) =	ssettag $0x0;
	lr =	simm.s32 $0x1  }
0x2: {  	[smem:$0x3F8E] =	sst lr;
	_ =	strace $0xD0000000  }
0x3: {  	_ = 	snop  }
0x4: {  	_ = 	snop  }
0x5: {  	_ = 	snop  }
0x6: {  	_ = 	snop  }
0x7: {  	_ = 	snop  }
__scs_overlays_trampoline_lowered:
0x8: {  	[smem:$0x3F9D] =	sst s0  }
0x9: {  	[smem:$0x3F9E] =	sst s1  }
0xa: {  	[smem:$0x3F9F] =	sst s2  }
0xb: {  	[smem:$0x3FA0] =	sst s3  }
0xc: {  	[smem:$0x3FA1] =	sst s4  }
0xd: {  	[smem:$0x3FA2] =	sst s5  }
0xe: {  	[smem:$0x3FA3] =	sst s6  }
0xf: {  	[smem:$0x3FA4] =	sst s7  }
0x10: {  	[smem:$0x3FA5] =	sst s8  }
0x11: {  	[smem:$0x3FA6] =	sst s9;
	s0 =	simm.s32 @!p0 $0x0  }
0x12: {  	s1 =	sld [smem:$0x3F8C];
	s0 =	simm.s32 @p0 $0x1  }
0x13: {  	[smem:$0x3FA7] =	sst s0;
	s0 =	simm.s32 @!p1 $0x0  }
0x14: {  	s2 =	sld [smem:$0x3F8B];
	s0 =	simm.s32 @p1 $0x1  }
0x15: {  	[smem:$0x3FA8] =	sst s0;
	s0 =	simm.s32 @!p2 $0x0  }
0x16: {  	s3 =	sld [smem:$0x3FDB];
	s0 =	simm.s32 @p2 $0x1  }
0x17: {  	s4 =	simm.s32 $0x1BF5;
	[smem:$0x3FAA] =	sst s0  }
0x18: {  	s0 =	sld [smem:$0x3F8D];
	_ =	swait.ge [sflag:s4], $0x0  }
0x19: {  	s7 =	sld [smem:$0x3F8E]  }
0x1a: {  	s8 =	sadd.s32 $0xFFFFE003, lr  }
0x1b: {  	s9 =	sadd.s32 $0xFFFFFEF7, lr;
	s5 =	simm.s32 $0xFFFFFFFF;
	p2 =	slt.u32 s8, $0xFFFFF086  }
0x1c: {  	p1 =	slt.u32 s9, $0xF7A;
	s5 =	simm.s32 @!p2 $0x0  }
0x1d: {  	s5 =	simm.s32 @p1 $0x1;
	p0 =	seq.s32 s7, s2  }
0x1e: {  	s7 =	smul.u32 @!p0 $0xF7A, s2;
	p2 =	seq.s32 @!p0 s5, $0x0  }
0x1f: {  	s9 =	smul.u32 $0xF7A, s1;
	s8 =	simm.s32 @!p0 $0x1BF5;
	p2 =	por !p2, p0  }
0x20: {  	[sflag:s8] =	ssyncset.s32 @!p0 $0xFFFFF086;
	s6 =	sadd.s32 @!p0 s3, s7;
	s7 =	simm.s32 @!p0 $0x108  }
0x21: {  	s3 =	sadd.s32 s3, s9;
	s6 =	sadd.s32 @!p0 $0x88, s6;
	s7 =	simm.s32 @p2 $0x1082  }
0x22: {  	[simem:s7], [sflag:s8] =	dma.local @!p0 [hbm:s6], $0xF7A  }
0x23: {  	s9 =	sor.u32 $0xD0000000, s2;
	s6 =	simm.s32 $0x108;
	_ =	swait.ge @!p0 [sflag:s8], $0x0  }
0x24: {  	s3 =	sadd.s32 $0x88, s3;
	s6 =	simm.s32 @!p1 $0x1082;
	[sflag:s4] =	ssyncset.s32 $0xFFFFF086  }
0x25: {  	[simem:s6], [sflag:s4] =	dma.local [hbm:s3], $0xF7A  }
0x26: {  	[smem:$0x3F8E] =	sst s1;
	(tag) =	ssettag s2;
	_ =	strace s9  }
0x27: {  	s1 =	sld [smem:$0x3F9E]  }
0x28: {  	s2 =	sld [smem:$0x3F9F]  }
0x29: {  	s4 =	sld [smem:$0x3FA1]  }
0x2a: {  	p0 =	seq.s32 s5, $0x0;
	s5 =	sld [smem:$0x3FA2]  }
0x2b: {  	s6 =	sld [smem:$0x3FA3]  }
0x2c: {  	s7 =	sld [smem:$0x3FA4]  }
0x2d: {  	s3 =	simm.s32 $0x108;
	s8 =	sld [smem:$0x3FA5]  }
0x2e: {  	s3 =	simm.s32 @!p0 $0x1082;
	s9 =	sld [smem:$0x3FA6]  }
0x2f: {  	lr =	sadd.s32 s0, s3;
	s0 =	sld [smem:$0x3F9D]  }
0x30: {  	s3 =	sld [smem:$0x3FA0]  }
0x31: {  	[smem:$0x3FA9] =	sst s10  }
0x32: {  	s10 =	sld [smem:$0x3FA7];
	_ =	sdelay $0x3  }
0x33: {  	p0 =	seq.s32 s10, $0x1;
	s10 =	sld [smem:$0x3FA9];
	_ =	sdelay $0x3  }
0x34: {  	[smem:$0x3FA9] =	sst s10  }
0x35: {  	s10 =	sld [smem:$0x3FA8];
	_ =	sdelay $0x3  }
0x36: {  	p1 =	seq.s32 s10, $0x1;
	s10 =	sld [smem:$0x3FA9];
	_ =	sdelay $0x3  }
0x37: {  	[smem:$0x3FA9] =	sst s10  }
0x38: {  	s10 =	sld [smem:$0x3FAA]  }
0x39: {  	_ = 	snop;
	(pc) =	sbr.ind lr, $3  }
0x3a: {  	_ = 	snop  }
0x3b: {  	_ = 	snop  }
0x3c: {  	p2 =	seq.s32 s10, $0x1;
	s10 =	sld [smem:$0x3FA9]  }
0x3d: {  	_ =	shalt  }
0x3e: {  	_ =	shalt  }
0x3f: {  	_ =	shalt  }
0x40: {  	_ =	shalt  }
0x41: {  	_ =	shalt  }
0x42: {  	_ =	shalt  }
0x43: {  	_ =	shalt  }
0x44: {  	_ =	shalt  }
0x45: {  	_ =	shalt  }
0x46: {  	_ =	shalt  }
0x47: {  	_ =	shalt  }
0x48: {  	_ =	shalt  }
0x49: {  	_ =	shalt  }
0x4a: {  	_ =	shalt  }
0x4b: {  	_ =	shalt  }
0x4c: {  	_ =	shalt  }
0x4d: {  	_ =	shalt  }
0x4e: {  	_ =	shalt  }
0x4f: {  	_ =	shalt  }
0x50: {  	_ =	shalt  }
0x51: {  	_ =	shalt  }
0x52: {  	_ =	shalt  }
0x53: {  	_ =	shalt  }
0x54: {  	_ =	shalt  }
0x55: {  	_ =	shalt  }
0x56: {  	_ =	shalt  }
0x57: {  	_ =	shalt  }
0x58: {  	_ =	shalt  }
0x59: {  	_ =	shalt  }
0x5a: {  	_ =	shalt  }
0x5b: {  	_ =	shalt  }
0x5c: {  	_ =	shalt  }
0x5d: {  	_ =	shalt  }
0x5e: {  	_ =	shalt  }
0x5f: {  	_ =	shalt  }
0x60: {  	_ =	shalt  }
0x61: {  	_ =	shalt  }
0x62: {  	_ =	shalt  }
0x63: {  	_ =	shalt  }
0x64: {  	_ =	shalt  }
0x65: {  	_ =	shalt  }
0x66: {  	_ =	shalt  }
0x67: {  	_ =	shalt  }
0x68: {  	_ =	shalt  }
0x69: {  	_ =	shalt  }
0x6a: {  	_ =	shalt  }
0x6b: {  	_ =	shalt  }
0x6c: {  	_ =	shalt  }
0x6d: {  	_ =	shalt  }
0x6e: {  	_ =	shalt  }
0x6f: {  	_ =	shalt  }
0x70: {  	_ =	shalt  }
0x71: {  	_ =	shalt  }
0x72: {  	_ =	shalt  }
0x73: {  	_ =	shalt  }
0x74: {  	_ =	shalt  }
0x75: {  	_ =	shalt  }
0x76: {  	_ =	shalt  }
0x77: {  	_ =	shalt  }
0x78: {  	_ =	shalt  }
0x79: {  	_ =	shalt  }
0x7a: {  	_ =	shalt  }
0x7b: {  	_ =	shalt  }
0x7c: {  	_ =	shalt  }
0x7d: {  	_ =	shalt  }
0x7e: {  	_ =	shalt  }
0x7f: {  	_ =	shalt  }
0x80: {  	_ =	shalt  }
0x81: {  	_ =	shalt  }
0x82: {  	_ =	shalt  }
0x83: {  	_ =	shalt  }
0x84: {  	_ =	shalt  }
0x85: {  	_ =	shalt  }
0x86: {  	_ =	shalt  }
0x87: {  	_ =	shalt  }
.Lfunc_end0:
.L_simem_size_0:
called_computation_lowered:
.L_overlay_start_0:
0x88: {  	s0 =	sld [smem:$0x3FD9]  }
0x89: {  	s1 =	sld [smem:$0x3FFE];
	_ =	sdelay $0x3  }
0x8a: {  	s0 =	sadd.s32 s1, s0  }
0x8b: {  	[smem:$0x3FB5] =	sst s0  }
0x8c: {  	_ = 	snop  }
0x8d: {  	s14 =	sld [smem:$0x3FD0];
	(tm) =	ssettm $0x1  }
0x8e: {  	s15 =	sld [smem:$0x3FFB];
	_ =	sdelay $0x3  }
0x8f: {  	_ =	strace s15  }
0x90: {  	s0 =	sld [smem:$0x3FFC];
	_ =	sdelay $0x3  }
0x91: {  	_ =	strace s0  }
0x92: {  	s0 =	sld [smem:$0x3FFD];
	_ =	sdelay $0x3  }
0x93: {  	_ =	strace s0  }
0x94: {  	_ =	strace $0x8FFFFFFF  }
0x95: {  	s16 =	sld [smem:$0x3FDB];
	_ =	sdelay $0x1  }
0x96: {  	s2 =	simm.s32 $_scs_section_size  }
0x97: {  	s3 =	simm.s32 $_size__tile_overlayer_lowered;
	s4 =	simm.s32 $_tile_overlayer_lowered  }
0x98: {  	s5 =	simm.s32 $0x1BFF;
	s17 =	sshll.u32 s4, $0x1;
	s2 =	sadd.s32 s2, s16  }
0x99: {  	s18 =	simm.s32 $0x0;
	s3 =	sshll.u32 s3, $0x1;
	s4 =	sadd.s32 s17, s2  }
0x9a: {  	[timem:s18], [sflag:s5] =	dma.local [hbm:s4], s3  }
0x9b: {  	_ =	swait.ge [sflag:s5], s3  }
0x9c: {  	s3 =	ssub.s32 $0x0, s3;
	[sflag:s5] =	ssyncset.done $0x0  }
0x9d: {  	[sflag:s5] =	ssyncadd.s32 s3;
	_ =	sdelay $0x1  }
0x9e: {  	s19 =	simm.s32 $0x1B8B  }
0x9f: {  	_ =	swait.ge [sflag:s19], $0x1  }
0xa0: {  	[sflag:s19] =	ssyncset.done $0x0  }
0xa1: {  	s21 =	simm.s32 $0x1B8E;
	s20 =	sld [smem:$0x3FFE];
	[sflag:s19] =	ssyncadd.s32 $0xFFFFFFFF  }
0xa2: {  	s22 =	simm.s32 $execute0_lowered;
	[smem:$0x3FD2] =	sst s21  }
0xa3: {  	s4 =	sshll.u32 s22, $0x1;
	_ =	strace $0x8000004C;
	[dreg:$0x1] =	wrdreg $0xFFFFFFFF  }
0xa4: {  	s23 =	simm.s32 $_size_execute0_lowered;
	s4 =	sadd.s32 s2, s4;
	[dreg:$0x0] =	wrdreg $0x0  }
0xa5: {  	s5 =	sshll.u32 s23, $0x1;
	[dreg:$0x2] =	wrdreg s4  }
0xa6: {  	[dreg:$0x3] =	wrdreg s5  }
0xa7: {  	[dreg:$0x4] =	wrdreg $0xC0  }
0xa8: {  	s24 =	simm.s32 $execute1_lowered;
	_ =	task [dreg:s18], $0x5FFFF  }
0xa9: {  	s4 =	sshll.u32 s24, $0x1;
	[dreg:$0x1] =	wrdreg $0xFFFFFFFF  }
0xaa: {  	s2 =	sadd.s32 s2, s4;
	[dreg:$0x0] =	wrdreg $0x60  }
0xab: {  	[dreg:$0x2] =	wrdreg s2  }
0xac: {  	[dreg:$0x3] =	wrdreg s20  }
0xad: {  	[dreg:$0x4] =	wrdreg $0x9  }
0xae: {  	_ =	task.clear_ibuf [dreg:s18], $0x5FFFF;
	_ =	strace $0x9000004C  }
0xaf: {  	s25 =	simm.s32 $0x9;
	_ =	strace $0x8000004E  }
0xb0: {  	_ =	swait.ge [sflag:s25], $0x1  }
0xb1: {  	[sflag:s25] =	ssyncadd.s32 $0xFFFFFFFF  }
0xb2: {  	_ =	strace $0x9000004E  }
0xb3: {  	_ =	strace $0x8000004F;
	[dreg:$0x1] =	wrdreg $0xFFFFFFFF  }
0xb4: {  	[dreg:$0x0] =	wrdreg $0x2030  }
0xb5: {  	[dreg:$0x2] =	wrdreg s20  }
0xb6: {  	[dreg:$0x3] =	wrdreg s14  }
0xb7: {  	[dreg:$0x4] =	wrdreg $0xA  }
0xb8: {  	_ =	task.clear_ibuf [dreg:s18], $0x5FFFF;
	_ =	strace $0x9000004F  }
0xb9: {  	s26 =	simm.s32 $0xA;
	_ =	strace $0x80000051  }
0xba: {  	_ =	swait.ge [sflag:s26], $0x1  }
0xbb: {  	[sflag:s26] =	ssyncadd.s32 $0xFFFFFFFF  }
0xbc: {  	_ =	strace $0x90000051  }
0xbd: {  	_ =	sfence  }
0xbe: {  	s28 =	sld [smem:$0x0];
	_ =	sdelay $0x1  }
0xbf: {  	s29 =	srdreg.scid  }
0xc0: {  	s30 =	sshll.u32 s29, $0xD;
	s31 =	sshrl.u32 s29, $0x2  }
0xc1: {  	s3 =	sand.u32 $0x4000, s30;
	s2 =	sand.u32 $0x1, s29;
	s1 =	sadd.s32 s31, s28  }
0xc2: {  	s2 =	sor.u32 s3, s2;
	s1 =	sshll.u32 s1, $0x11  }
0xc3: {  	s1 =	sor.u32 s1, s2  }
0xc4: {  	s1 =	sadd.s32 $0x8F2B, s1  }
0xc5: {  	[sflag:s1] =	ssyncadd.remote.s32 $0x1  }
0xc6: {  	_ =	sfence.sel $0xFFFF  }
0xc7: {  	[dreg:$0x0] =	wrdreg $0xFFFFFFFF;
	(pc) =	sbr.abs _section_cstart, $3  }
0xc8: {  	[dreg:$0x1] =	wrdreg $0xFFFFFFFF  }
0xc9: {  	_ =	task.clear_ibuf [dreg:s18], $0x2FFFF;
	_ =	strace $0x9FFFFFFF  }
0xca: {  	(tm) =	ssettm $0x7FFFFFFF  }
0xcb: {  	_ =	shalt  }
tec
execute0_lowered:
.L_overlay_start_1:
0x0: {  	(tag) =	ssettag $0x1  }
0x1: {  	s3 =	rddreg [dreg:$0x0]  }
0x2: {  	s5 =	rddreg [dreg:$0x1]  }
0x3: {  	s0 =	rddreg [dreg:$0x2];
	s2 =	stileid.u32;
	s1 =	simm.s32 $_size_execute1_lowered  }
0x4: {  	[bflag:$0x3] =	sbarrier.arrive $0xFFFF;
	p0 =	sne.s32 s2, $0x0;
	s1 =	sshll.u32 s1, $0x1  }
0x5: {  	s31 =	sshll.u32 s2, $0x3;
	s4 =	simm.s32 @!p0 $0x1C3F;
	s6 =	simm.s32 @!p0 $0x4060  }
0x6: {  	[timem:s6], [sflag:s4] =	dma.local @!p0 [hbm:s3], s1  }
0x7: {  	s6 =	ssub.s32 $0x8, s31  }
0x8: {  	p1 =	sgt.s32 s6, $0x0  }
0x9: {  	s6 =	simm.s32 @!p1 $0x0  }
0xa: {  	s6 =	sand.u32 $0x78, s6  }
0xb: {  	s10 =	simm.s32 $0x3;
	p1 =	sne.s32 s6, $0x0  }
0xc: {  	s10 =	simm.s32 @!p1 $0x2  }
0xd: {  	s7 =	simm.s32 $0x1;
	p3 =	sne.s32 s10, $0x1  }
.Ltmp0:
0xe: {  	s9 =	simm.s32 $0x0;
	s13 =	simm.s32 $0xFFFFFFFF;
	(pc) =	sbr.rel @!p3 .LBB2_1-.Ltmp0, $4  }
0xf: {  	s8 =	sadd.s32 s2, s5;
	s3 =	simm.s32 $0x1;
	_ =	strace $0x8000004D  }
0x10: {  	s5 =	sadd.s32 $0xB200, s5;
	s4 =	simm.s32 $0x2;
	[sflag:s3] =	ssyncpa.u1 $0x0  }
0x11: {  	[sflag:s4] =	ssyncpa.u1 $0x0;
	s6 =	sadd.s32 $0xAC00, s8;
	s7 =	simm.s32 @!p1 $0x0  }
0x12: {  	s8 =	simm.s32 $0x1;
	p1 =	por $0x0, $0x0;
	p2 =	sle.u32 s7, $0x0  }
0x13: {  	p1 =	sle.u32 s7, $0xFFFFFFFF  }
0x14: {  	s11 =	simm.s32 @!p2 $0x8;
	s12 =	simm.s32 @!p2 $0x0;
	s13 =	simm.s32 @!p1 $0x1  }
0x15: {  	[tilespmem:s11], [sflag:$0x1] =	stream.linear.gather @!p2 [hbm4b:s6+s12], $0x8, $0x38;
	[tilespmem:$0x20] =	vst v63  }
0x16: {  	_ =	swait.ge @!p1 [sflag:s13], $0x8  }
0x17: {  	[sflag:s13] =	ssyncset.done @!p1 $0x0  }
0x18: {  	s9 =	sand.u32 @!p1 $0x8, s9;
	[sflag:s13] =	ssyncadd.s32 @!p1 $0xFFFFFFF8  }
0x19: {  	v0 =	vld.msk @!p1 [tilespmem:s9+$0x0], $0xff;
	_ =	sdelay $0x2  }
0x1a: {  	p4 =	sne.s32 s10, $0x2  }
.Ltmp1:
0x1b: {  	p3 =	por $0x1, $0x1;
	s9 =	sor.u32 @!p1 $0x10, s9;
	(pc) =	sbr.rel @!p4 .LBB2_4-.Ltmp1, $4  }
0x1c: {  	s11 =	simm.s32 $0x2;
	s12 =	sadd.s32 @!p1 s5, s2;
	s13 =	simm.s32 @!p1 $0x0;
	[tilespmem:s9+$0x0] =	vst.msk @!p1 $0xff, v0  }
0x1d: {  	[hbm4b:s12+s13] =	stream.linear.scatter @!p1 [tilespmem:s9], [sflag:$0x2], $0x8, $0x38;
	[tilespmem:$0x20] =	vst v63  }
0x1e: {  	p2 =	sle.u32 s7, $0x1;
	s12 =	simm.s32 @!p3 $0x2;
	s9 =	simm.s32 $0x8  }
0x1f: {  	s13 =	simm.s32 $0x0;
	p1 =	por $0x1, $0x1;
	_ =	swait.ge @!p3 [sflag:s12], $0x8  }
.LBB2_3:
0x20: {  	s14 =	simm.s32 @!p2 $0x8;
	p4 =	sge.u32 s13, s7;
	[sflag:s12] =	ssyncset.done @!p3 $0x0  }
0x21: {  	s13 =	simm.s32 @!p2 $0x0;
	s15 =	simm.s32 @!p4 $0x1;
	[sflag:s12] =	ssyncadd.s32 @!p3 $0xFFFFFFF8  }
0x22: {  	[tilespmem:s14], [sflag:$0x1] =	stream.linear.gather @!p2 [hbm4b:s6+s13], $0x8, $0x38;
	[tilespmem:$0x20] =	vst v63  }
0x23: {  	s13 =	smov.u32 s11;
	s11 =	sadd.s32 $0x1, s11;
	_ =	swait.ge @!p4 [sflag:s15], $0x8  }
0x24: {  	s12 =	sand.u32 @!p4 $0x8, s9;
	p5 =	sne.s32 s11, s10;
	[sflag:s15] =	ssyncset.done @!p4 $0x0  }
0x25: {  	[sflag:s15] =	ssyncadd.s32 @!p4 $0xFFFFFFF8  }
0x26: {  	v0 =	vld.msk @!p4 [tilespmem:s12+$0x0], $0xff;
	_ =	sdelay $0x2  }
.Ltmp2:
0x27: {  	s14 =	sor.u32 @!p4 $0x10, s12;
	(pc) =	sbr.rel @p5 .LBB2_3-.Ltmp2, $4  }
0x28: {  	s16 =	simm.s32 @!p4 $0x0;
	p3 =	slt.u32 s8, $0x2;
	s15 =	sadd.s32 @!p4 s5, s2  }
0x29: {  	s9 =	sadd.s32 $0x8, s9;
	s8 =	smov.u32 s13;
	s12 =	simm.s32 @!p3 $0x2;
	[tilespmem:s14+$0x0] =	vst.msk @!p4 $0xff, v0  }
0x2a: {  	[hbm4b:s15+s16] =	stream.linear.scatter @!p4 [tilespmem:s14], [sflag:$0x2], $0x8, $0x38;
	[tilespmem:$0x20] =	vst v63  }
0x2b: {  	p2 =	sge.u32 s8, s7;
	s13 =	sadd.s32 $0xFFFFFFFF, s8;
	_ =	swait.ge @!p3 [sflag:s12], $0x8  }
.LBB2_4:
0x2c: {  	p3 =	por p3, !p1  }
0x2d: {  	s10 =	simm.s32 @!p2 $0x8;
	p1 =	sge.u32 s13, s7;
	[sflag:s12] =	ssyncset.done @!p3 $0x0  }
0x2e: {  	s7 =	simm.s32 @!p2 $0x0;
	s11 =	simm.s32 @!p1 $0x1;
	[sflag:s12] =	ssyncadd.s32 @!p3 $0xFFFFFFF8  }
0x2f: {  	[tilespmem:s10], [sflag:$0x1] =	stream.linear.gather @!p2 [hbm4b:s6+s7], $0x8, $0x38;
	[tilespmem:$0x20] =	vst v63  }
0x30: {  	_ =	swait.ge @!p1 [sflag:s11], $0x8  }
0x31: {  	[sflag:s11] =	ssyncset.done @!p1 $0x0  }
0x32: {  	s6 =	sand.u32 @!p1 $0x8, s9;
	[sflag:s11] =	ssyncadd.s32 @!p1 $0xFFFFFFF8  }
0x33: {  	v0 =	vld.msk @!p1 [tilespmem:s6+$0x0], $0xff;
	_ =	sdelay $0x3  }
0x34: {  	p2 =	slt.u32 s8, $0x2;
	s6 =	sor.u32 @!p1 $0x10, s6  }
0x35: {  	s2 =	sadd.s32 @!p1 s5, s2;
	s5 =	simm.s32 @!p1 $0x0;
	s7 =	simm.s32 @!p2 $0x2;
	[tilespmem:s6+$0x0] =	vst.msk @!p1 $0xff, v0  }
0x36: {  	[hbm4b:s2+s5] =	stream.linear.scatter @!p1 [tilespmem:s6], [sflag:$0x2], $0x8, $0x38;
	[tilespmem:$0x20] =	vst v63  }
0x37: {  	_ =	swait.ge @!p2 [sflag:s7], $0x8  }
0x38: {  	[sflag:s7] =	ssyncset.done @!p2 $0x0  }
0x39: {  	[sflag:s7] =	ssyncadd.s32 @!p2 $0xFFFFFFF8  }
0x3a: {  	_ =	sfence.sel $0x180000  }
0x3b: {  	[bflag:$0x0] =	sbarrier.arrive $0xFFFF  }
0x3c: {  	[sflag:s3] =	ssyncpa.u1 $0x1  }
0x3d: {  	[sflag:s4] =	ssyncpa.u1 $0x1  }
0x3e: {  	_ =	strace $0x9000004D  }
0x3f: {  	s0 =	sadd.s32 @!p0 $0x100000, s0;
	[bflag:$0x2] =	sbarrier.arrive $0xFFFF  }
0x40: {  	[sflag:s0] =	ssyncadd.tile.s32 @!p0 $0x1;
	s0 =	simm.s32 @!p0 $0x3F  }
0x41: {  	_ =	swait.ge @!p0 [sflag:s0], s1  }
0x42: {  	s1 =	ssub.s32 @!p0 $0x0, s1;
	[sflag:s0] =	ssyncset.done @!p0 $0x0  }
0x43: {  	[sflag:s0] =	ssyncadd.s32 @!p0 s1  }
0x44: {  	[bflag:$0x3] =	sbarrier.arrive $0xFFFF  }
0x45: {  	_ =	shalt  }
.LBB2_1:
.Ltmp3:
0x46: {  	(pc) =	sbr.rel .LBB2_4-.Ltmp3, $2  }
0x47: {  	_ =	sdelay $0x2  }
0x48: {  	s8 =	simm.s32 $0x0  }
.Lfunc_end2:
execute1_lowered:
.L_overlay_start_2:
0x49: {  	(tag) =	ssettag $0x2  }
0x4a: {  	s5 =	rddreg [dreg:$0x0]  }
0x4b: {  	s6 =	rddreg [dreg:$0x1]  }
0x4c: {  	s0 =	rddreg [dreg:$0x2];
	_ =	strace $0x80000050;
	s7 =	stileid.u32  }
0x4d: {  	s3 =	simm.s32 $0x3E;
	s1 =	sadd.s32 $0xB200, s5;
	p0 =	sne.s32 s7, $0x0  }
0x4e: {  	[sflag:s3] =	ssyncpa.u1 $0x0;
	s4 =	simm.s32 @!p0 $0x1C3E;
	s2 =	simm.s32 @!p0 $0x0  }
0x4f: {  	[spmem:s2], [sflag:s4] =	dma.local @!p0 [hbm:s1], $0x10  }
0x50: {  	s4 =	simm.s32 @!p0 $0x3E  }
0x51: {  	_ =	swait.ge @!p0 [sflag:s4], $0x10  }
0x52: {  	[sflag:s4] =	ssyncset.done @!p0 $0x0  }
0x53: {  	[sflag:s4] =	ssyncadd.s32 @!p0 $0xFFFFFFF0  }
0x54: {  	s9 =	simm.s32 $0x108;
	s8 =	sadd.s32 $0xC000, s5;
	[bflag:$0x0] =	sbarrier.arrive $0xFFFF  }
0x55: {  	s7 =	sshll.u32 s7, $0x5;
	[sflag:s3] =	ssyncpa.u1 $0x1;
	s3 =	simm.s32 $0x1  }
0x56: {  	s5 =	simm.s32 $0x0;
	s4 =	simm.s32 $0x2;
	[sflag:s3] =	ssyncpa.u1 $0x0  }
0x57: {  	s6 =	sadd.s32 s6, s7;
	(ifvalue) =	ssetifvalue $0x80;
	[sflag:s4] =	ssyncpa.u1 $0x0  }
0x58: {  	[tilespmem:s9], [sflag:$0x2] =	stream.linear.gather [hbm4b:s6+s5], $0x100, $0x38;
	[tilespmem:$0x408] =	vst v63  }
0x59: {  	s23 =	simm.s32 $0x308;
	s22 =	sadd.s32 s8, s7  }
0x5a: {  	[tilespmem:s23], [sflag:$0x2] =	stream.linear.gather [hbm4b:s22+s5], $0x100, $0x38;
	[tilespmem:$0x408] =	vst v63  }
0x5b: {  	_ =	swait.ge [sflag:s4], $0x200  }
0x5c: {  	[sflag:s4] =	ssyncset.done $0x0  }
0x5d: {  	[sflag:s4] =	ssyncadd.s32 $0xFFFFFE00  }
0x5e: {  	v0 =	vld.msk [tilespmem:s9+$0x0 ss:$0x1], $0xffff;
	_ =	sdelay $0x4  }
0x5f: {  	v0 =	vmin.u32 v0, $0x80;
	_ =	sdelay $0x3  }
0x60: {  	vm0 =	vmmov $0xffff;
	s24 =	simm.s32 $0x118  }
0x61: {  	[spmem:s5] =	stream.indirect_vreg.scatter.add.s32 [tilespmem:s23], [sflag:$0x1], $0x1, v0, vm0, $0x4038;
	[tilespmem:$0x408] =	vst v63  }
0x62: {  	v0 =	vld.msk [tilespmem:s24+$0x0 ss:$0x1], $0xffff;
	_ =	sdelay $0x4  }
0x63: {  	v0 =	vmin.u32 v0, $0x80;
	_ =	sdelay $0x3  }
0x64: {  	s25 =	simm.s32 $0x318;
	s26 =	simm.s32 $0x128  }
0x65: {  	[spmem:s5] =	stream.indirect_vreg.scatter.add.s32 [tilespmem:s25], [sflag:$0x1], $0x1, v0, vm0, $0x4038;
	[tilespmem:$0x408] =	vst v63  }
0x66: {  	v0 =	vld.msk [tilespmem:s26+$0x0 ss:$0x1], $0xffff;
	_ =	sdelay $0x4  }
0x67: {  	v0 =	vmin.u32 v0, $0x80;
	_ =	sdelay $0x3  }
0x68: {  	s28 =	simm.s32 $0x328;
	s29 =	simm.s32 $0x138  }
0x69: {  	[spmem:s5] =	stream.indirect_vreg.scatter.add.s32 [tilespmem:s28], [sflag:$0x1], $0x1, v0, vm0, $0x4038;
	[tilespmem:$0x408] =	vst v63  }
0x6a: {  	v0 =	vld.msk [tilespmem:s29+$0x0 ss:$0x1], $0xffff;
	_ =	sdelay $0x4  }
0x6b: {  	v0 =	vmin.u32 v0, $0x80;
	_ =	sdelay $0x3  }
0x6c: {  	s30 =	simm.s32 $0x338;
	s31 =	simm.s32 $0x148  }
0x6d: {  	[spmem:s5] =	stream.indirect_vreg.scatter.add.s32 [tilespmem:s30], [sflag:$0x1], $0x1, v0, vm0, $0x4038;
	[tilespmem:$0x408] =	vst v63  }
0x6e: {  	v0 =	vld.msk [tilespmem:s31+$0x0 ss:$0x1], $0xffff;
	_ =	sdelay $0x4  }
0x6f: {  	v0 =	vmin.u32 v0, $0x80;
	_ =	sdelay $0x3  }
0x70: {  	s7 =	simm.s32 $0x348;
	s8 =	simm.s32 $0x158  }
0x71: {  	[spmem:s5] =	stream.indirect_vreg.scatter.add.s32 [tilespmem:s7], [sflag:$0x1], $0x1, v0, vm0, $0x4038;
	[tilespmem:$0x408] =	vst v63  }
0x72: {  	v0 =	vld.msk [tilespmem:s8+$0x0 ss:$0x1], $0xffff;
	_ =	sdelay $0x4  }
0x73: {  	v0 =	vmin.u32 v0, $0x80;
	_ =	sdelay $0x3  }
0x74: {  	s10 =	simm.s32 $0x168;
	s9 =	simm.s32 $0x358  }
0x75: {  	[spmem:s5] =	stream.indirect_vreg.scatter.add.s32 [tilespmem:s9], [sflag:$0x1], $0x1, v0, vm0, $0x4038;
	[tilespmem:$0x408] =	vst v63  }
0x76: {  	v0 =	vld.msk [tilespmem:s10+$0x0 ss:$0x1], $0xffff;
	_ =	sdelay $0x4  }
0x77: {  	v0 =	vmin.u32 v0, $0x80;
	_ =	sdelay $0x3  }
0x78: {  	s11 =	simm.s32 $0x368;
	s12 =	simm.s32 $0x178  }
0x79: {  	[spmem:s5] =	stream.indirect_vreg.scatter.add.s32 [tilespmem:s11], [sflag:$0x1], $0x1, v0, vm0, $0x4038;
	[tilespmem:$0x408] =	vst v63  }
0x7a: {  	v0 =	vld.msk [tilespmem:s12+$0x0 ss:$0x1], $0xffff;
	_ =	sdelay $0x4  }
0x7b: {  	v0 =	vmin.u32 v0, $0x80;
	_ =	sdelay $0x3  }
0x7c: {  	s13 =	simm.s32 $0x378;
	s14 =	simm.s32 $0x188  }
0x7d: {  	[spmem:s5] =	stream.indirect_vreg.scatter.add.s32 [tilespmem:s13], [sflag:$0x1], $0x1, v0, vm0, $0x4038;
	[tilespmem:$0x408] =	vst v63  }
0x7e: {  	v0 =	vld.msk [tilespmem:s14+$0x0 ss:$0x1], $0xffff;
	_ =	sdelay $0x4  }
0x7f: {  	v0 =	vmin.u32 v0, $0x80;
	_ =	sdelay $0x3  }
0x80: {  	s15 =	simm.s32 $0x388;
	s16 =	simm.s32 $0x198  }
0x81: {  	[spmem:s5] =	stream.indirect_vreg.scatter.add.s32 [tilespmem:s15], [sflag:$0x1], $0x1, v0, vm0, $0x4038;
	[tilespmem:$0x408] =	vst v63  }
0x82: {  	v0 =	vld.msk [tilespmem:s16+$0x0 ss:$0x1], $0xffff;
	_ =	sdelay $0x4  }
0x83: {  	v0 =	vmin.u32 v0, $0x80;
	_ =	sdelay $0x3  }
0x84: {  	s17 =	simm.s32 $0x398;
	s18 =	simm.s32 $0x1A8  }
0x85: {  	[spmem:s5] =	stream.indirect_vreg.scatter.add.s32 [tilespmem:s17], [sflag:$0x1], $0x1, v0, vm0, $0x4038;
	[tilespmem:$0x408] =	vst v63  }
0x86: {  	v0 =	vld.msk [tilespmem:s18+$0x0 ss:$0x1], $0xffff;
	_ =	sdelay $0x4  }
0x87: {  	v0 =	vmin.u32 v0, $0x80;
	_ =	sdelay $0x3  }
0x88: {  	s19 =	simm.s32 $0x3A8;
	s20 =	simm.s32 $0x1B8  }
0x89: {  	[spmem:s5] =	stream.indirect_vreg.scatter.add.s32 [tilespmem:s19], [sflag:$0x1], $0x1, v0, vm0, $0x4038;
	[tilespmem:$0x408] =	vst v63  }
0x8a: {  	v0 =	vld.msk [tilespmem:s20+$0x0 ss:$0x1], $0xffff;
	_ =	sdelay $0x4  }
0x8b: {  	v0 =	vmin.u32 v0, $0x80;
	_ =	sdelay $0x3  }
0x8c: {  	s21 =	simm.s32 $0x3B8;
	s22 =	simm.s32 $0x1C8  }
0x8d: {  	[spmem:s5] =	stream.indirect_vreg.scatter.add.s32 [tilespmem:s21], [sflag:$0x1], $0x1, v0, vm0, $0x4038;
	[tilespmem:$0x408] =	vst v63  }
0x8e: {  	v0 =	vld.msk [tilespmem:s22+$0x0 ss:$0x1], $0xffff;
	_ =	sdelay $0x4  }
0x8f: {  	v0 =	vmin.u32 v0, $0x80;
	_ =	sdelay $0x3  }
0x90: {  	s23 =	simm.s32 $0x3C8;
	s24 =	simm.s32 $0x1D8  }
0x91: {  	[spmem:s5] =	stream.indirect_vreg.scatter.add.s32 [tilespmem:s23], [sflag:$0x1], $0x1, v0, vm0, $0x4038;
	[tilespmem:$0x408] =	vst v63  }
0x92: {  	v0 =	vld.msk [tilespmem:s24+$0x0 ss:$0x1], $0xffff;
	_ =	sdelay $0x4  }
0x93: {  	v0 =	vmin.u32 v0, $0x80;
	_ =	sdelay $0x3  }
0x94: {  	s25 =	simm.s32 $0x3D8;
	s26 =	simm.s32 $0x1E8  }
0x95: {  	[spmem:s5] =	stream.indirect_vreg.scatter.add.s32 [tilespmem:s25], [sflag:$0x1], $0x1, v0, vm0, $0x4038;
	[tilespmem:$0x408] =	vst v63  }
0x96: {  	v0 =	vld.msk [tilespmem:s26+$0x0 ss:$0x1], $0xffff;
	_ =	sdelay $0x4  }
0x97: {  	v0 =	vmin.u32 v0, $0x80;
	_ =	sdelay $0x3  }
0x98: {  	s28 =	simm.s32 $0x3E8;
	s29 =	simm.s32 $0x1F8  }
0x99: {  	[spmem:s5] =	stream.indirect_vreg.scatter.add.s32 [tilespmem:s28], [sflag:$0x1], $0x1, v0, vm0, $0x4038;
	[tilespmem:$0x408] =	vst v63  }
0x9a: {  	v0 =	vld.msk [tilespmem:s29+$0x0 ss:$0x1], $0xffff;
	_ =	sdelay $0x4  }
0x9b: {  	v0 =	vmin.u32 v0, $0x80;
	_ =	sdelay $0x3  }
0x9c: {  	s30 =	simm.s32 $0x3F8  }
0x9d: {  	[spmem:s5] =	stream.indirect_vreg.scatter.add.s32 [tilespmem:s30], [sflag:$0x1], $0x1, v0, vm0, $0x4038;
	[tilespmem:$0x408] =	vst v63  }
0x9e: {  	_ =	swait.ge [sflag:s3], $0x100  }
0x9f: {  	[sflag:s3] =	ssyncset.done $0x0  }
0xa0: {  	[sflag:s3] =	ssyncadd.s32 $0xFFFFFF00  }
0xa1: {  	_ =	sfence.sel $0x180000  }
0xa2: {  	[bflag:$0x0] =	sbarrier.arrive $0xFFFF  }
0xa3: {  	[sflag:s4] =	ssyncpa.u1 $0x1  }
0xa4: {  	[sflag:s3] =	ssyncpa.u1 $0x1  }
0xa5: {  	_ =	sfence.stream.spmem  }
0xa6: {  	s31 =	simm.s32 $0x3D;
	[bflag:$0x0] =	sbarrier.arrive $0xFFFF  }
0xa7: {  	s3 =	simm.s32 @p0 $0x3D;
	[sflag:s31] =	ssyncpa.u1 $0x0  }
0xa8: {  	[sflag:s3] =	ssyncpa.u1 @p0 $0x1  }
0xa9: {  	[bflag:$0x0] =	sbarrier.arrive @p0 $0xFFFF  }
0xaa: {  	_ =	strace @p0 $0x90000050  }
0xab: {  	s3 =	simm.s32 @!p0 $0x1C3D;
	[bflag:$0x2] =	sbarrier.arrive @p0 $0xFFFF  }
0xac: {  	[hbm:s1], [sflag:s3] =	dma.local @!p0 [spmem:s2], $0x10  }
0xad: {  	s1 =	simm.s32 @!p0 $0x3D  }
0xae: {  	_ =	swait.ge @!p0 [sflag:s1], $0x10  }
0xaf: {  	[sflag:s1] =	ssyncset.done @!p0 $0x0  }
0xb0: {  	[sflag:s1] =	ssyncadd.s32 @!p0 $0xFFFFFFF0  }
0xb1: {  	[sflag:s1] =	ssyncpa.u1 @!p0 $0x1  }
0xb2: {  	[bflag:$0x0] =	sbarrier.arrive @!p0 $0xFFFF  }
0xb3: {  	_ =	strace @!p0 $0x90000050  }
0xb4: {  	s0 =	sadd.s32 @!p0 $0x100000, s0;
	[bflag:$0x2] =	sbarrier.arrive @!p0 $0xFFFF  }
0xb5: {  	[sflag:s0] =	ssyncadd.tile.s32 @!p0 $0x1;
	_ =	shalt  }
.Lfunc_end3:
_tile_overlayer_lowered:
.L_overlay_start_3:
0xb6: {  	(tag) =	ssettag $0x3  }
0xb7: {  	s0 =	rddreg [dreg:$0x0];
	s2 =	stileid.u32  }
0xb8: {  	s1 =	rddreg [dreg:$0x1];
	p0 =	sne.s32 s2, $0x0  }
0xb9: {  	s3 =	rddreg [dreg:$0x2];
	[bflag:$0x3] =	sbarrier.arrive $0xFFFF;
	s2 =	simm.s32 @!p0 $0x1C01  }
0xba: {  	[timem:s3], [sflag:s2] =	dma.local @!p0 [hbm:s0], s1  }
0xbb: {  	s0 =	simm.s32 @!p0 $0x1  }
0xbc: {  	_ =	swait.ge @!p0 [sflag:s0], s1  }
0xbd: {  	s1 =	ssub.s32 @!p0 $0x0, s1;
	[sflag:s0] =	ssyncset.done @!p0 $0x0  }
0xbe: {  	[sflag:s0] =	ssyncadd.s32 @!p0 s1  }
0xbf: {  	[bflag:$0x3] =	sbarrier.arrive $0xFFFF  }
0xc0: {  	_ =	shalt  }

</sc_bundles>
